<compile_context>
chip_gen: v7x
topology: tpu7x:2x2x1
jax: 0.10.2.dev20260603
libtpu: 0.0.44.dev20260713+nightly
codegen_flags: <defaults>
</compile_context>

<pallas_src>
import jax
import jax.numpy as jnp
from jax import lax
from jax.experimental import pallas as pl
from jax.experimental.pallas import tpu as pltpu
from jax.experimental.pallas import tpu_sc as plsc

N = 10000
NPAD = 10240
E = 320000
D_IN = 128
D_H = 128
D_OUT = 64
DHF = D_H // 2

NC = 2
NS = 16
NW = NC * NS
EPW = E // NW
C = 80
K = EPW // C
RPT = NPAD // NS

_sc_mesh = plsc.VectorSubcoreMesh(core_axis_name="c", subcore_axis_name="s")


def _deg_body(dst_hbm, out_hbm, dst_v, ones_v, zbuf, acc):
    cid = lax.axis_index("c")
    sid = lax.axis_index("s")
    wid = sid * NC + cid

    one16 = jnp.ones((16,), jnp.float32)
    zero16 = jnp.zeros((16,), jnp.float32)

    @pl.loop(0, C)
    def _(i):
        ones_v[i, :] = one16

    @pl.loop(0, RPT)
    def _(i):
        zbuf[i, :] = zero16

    pltpu.sync_copy(dst_hbm.at[wid], dst_v)
    pltpu.sync_copy(zbuf, acc.at[pl.ds(sid * RPT, RPT)])
    plsc.subcore_barrier()

    @pl.loop(0, K)
    def _(j):
        pltpu.sync_copy(ones_v, acc.at[dst_v.at[j]], add=True)

    plsc.subcore_barrier()
    pltpu.sync_copy(acc.at[pl.ds(sid * RPT, RPT)],
                    out_hbm.at[cid, pl.ds(sid * RPT, RPT)])


_deg_call = pl.kernel(
    _deg_body,
    out_type=jax.ShapeDtypeStruct((NC, NPAD, 16), jnp.float32),
    mesh=_sc_mesh,
    scratch_types=[
        pltpu.VMEM((K, C), jnp.int32),
        pltpu.VMEM((C, 16), jnp.float32),
        pltpu.VMEM((RPT, 16), jnp.float32),
        pltpu.VMEM_SHARED((NPAD, 16), jnp.float32),
    ],
    compiler_params=pltpu.CompilerParams(use_tc_tiling_on_sc=False),
)


NBUF = 5


def _agg_body(y_hbm, src_hbm, dst_hbm, out_hbm, src_v, dst_v,
              rows0, rows1, rows2, rows3, rows4, zbuf, acc,
              sem0, sem1, sem2, sem3, sem4):
    cid = lax.axis_index("c")
    sid = lax.axis_index("s")
    wid = sid * NC + cid
    rows = (rows0, rows1, rows2, rows3, rows4)
    sems = (sem0, sem1, sem2, sem3, sem4)

    zero16 = jnp.zeros((16,), jnp.float32)

    @pl.loop(0, RPT)
    def _(i):
        @pl.loop(0, DHF, step=16)
        def _(c0):
            zbuf[i, pl.ds(c0, 16)] = zero16

    pltpu.sync_copy(src_hbm.at[wid], src_v)
    pltpu.sync_copy(dst_hbm.at[wid], dst_v)

    one16i = jnp.ones((16,), jnp.int32)

    for half in range(2):
        if half == 1:
            @pl.loop(0, K)
            def _(k):
                @pl.loop(0, C, step=16)
                def _(c0):
                    src_v[k, pl.ds(c0, 16)] = src_v[k, pl.ds(c0, 16)] + one16i

        pltpu.sync_copy(zbuf, acc.at[pl.ds(sid * RPT, RPT)])
        plsc.subcore_barrier()

        y_half = y_hbm

        for b in range(NBUF):
            pltpu.async_copy(y_half.at[src_v.at[b]], rows[b], sems[b])

        @pl.loop(0, (K - NBUF) // NBUF)
        def _(i):
            j = NBUF * i
            for b in range(NBUF):
                pltpu.make_async_copy(
                    y_half.at[src_v.at[j + b]], rows[b], sems[b]).wait()
                pltpu.sync_copy(rows[b], acc.at[dst_v.at[j + b]], add=True)
                pltpu.async_copy(
                    y_half.at[src_v.at[j + b + NBUF]], rows[b], sems[b])

        base = ((K - NBUF) // NBUF) * NBUF
        for b in range(NBUF):
            pltpu.make_async_copy(
                y_half.at[src_v.at[base + b]], rows[b], sems[b]).wait()
            pltpu.sync_copy(rows[b], acc.at[dst_v.at[base + b]], add=True)

        plsc.subcore_barrier()
        pltpu.sync_copy(acc.at[pl.ds(sid * RPT, RPT)],
                        out_hbm.at[cid, pl.ds(sid * RPT, RPT),
                                   pl.ds(half * DHF, DHF)])


_agg_call = pl.kernel(
    _agg_body,
    out_type=jax.ShapeDtypeStruct((NC, NPAD, D_H), jnp.float32),
    mesh=_sc_mesh,
    scratch_types=[
        pltpu.VMEM((K, C), jnp.int32),
        pltpu.VMEM((K, C), jnp.int32),
        pltpu.VMEM((C, DHF), jnp.float32),
        pltpu.VMEM((C, DHF), jnp.float32),
        pltpu.VMEM((C, DHF), jnp.float32),
        pltpu.VMEM((C, DHF), jnp.float32),
        pltpu.VMEM((C, DHF), jnp.float32),
        pltpu.VMEM((RPT, DHF), jnp.float32),
        pltpu.VMEM_SHARED((NPAD, DHF), jnp.float32),
        pltpu.SemaphoreType.DMA,
        pltpu.SemaphoreType.DMA,
        pltpu.SemaphoreType.DMA,
        pltpu.SemaphoreType.DMA,
        pltpu.SemaphoreType.DMA,
    ],
    compiler_params=pltpu.CompilerParams(use_tc_tiling_on_sc=False),
)


BR = 2000


def _mm_body(x_ref, w_ref, o_ref):
    o_ref[...] = jnp.dot(x_ref[...], w_ref[...],
                         preferred_element_type=jnp.float32)


def _mm(x, w):
    n, d = x.shape
    return pl.pallas_call(
        _mm_body,
        grid=(n // BR,),
        in_specs=[
            pl.BlockSpec((BR, d), lambda i: (i, 0)),
            pl.BlockSpec((d, w.shape[1]), lambda i: (0, 0)),
        ],
        out_specs=pl.BlockSpec((BR, w.shape[1]), lambda i: (i, 0)),
        out_shape=jax.ShapeDtypeStruct((n, w.shape[1]), jnp.float32),
    )(x, w)


def _norm_body(dp_ref, xw_ref, y_ref, dinv_ref):
    deg = 1.0 + dp_ref[0, :, 0:1] + dp_ref[1, :, 0:1]
    dinv = lax.rsqrt(deg)
    dinv_ref[...] = dinv
    y_ref[...] = dinv * xw_ref[...]


def _norm(dp, xw):
    return pl.pallas_call(
        _norm_body,
        grid=(N // BR,),
        in_specs=[
            pl.BlockSpec((NC, BR, 16), lambda i: (0, i, 0)),
            pl.BlockSpec((BR, D_H), lambda i: (i, 0)),
        ],
        out_specs=[
            pl.BlockSpec((BR, D_H), lambda i: (i, 0)),
            pl.BlockSpec((BR, 1), lambda i: (i, 0)),
        ],
        out_shape=[
            jax.ShapeDtypeStruct((N, D_H), jnp.float32),
            jax.ShapeDtypeStruct((N, 1), jnp.float32),
        ],
    )(dp, xw)


def _layer1_body(p_ref, xw_ref, dinv_ref, b_ref, h_ref, y2_ref):
    dinv = dinv_ref[...]
    agg = p_ref[0] + p_ref[1]
    pre = dinv * agg + (dinv * dinv) * xw_ref[...]
    h = jnp.maximum(pre + b_ref[...], 0.0)
    h_ref[...] = h
    y2_ref[...] = dinv * h


def _layer1(p, xw, dinv, b1):
    return pl.pallas_call(
        _layer1_body,
        grid=(N // BR,),
        in_specs=[
            pl.BlockSpec((NC, BR, D_H), lambda i: (0, i, 0)),
            pl.BlockSpec((BR, D_H), lambda i: (i, 0)),
            pl.BlockSpec((BR, 1), lambda i: (i, 0)),
            pl.BlockSpec((1, D_H), lambda i: (0, 0)),
        ],
        out_specs=[
            pl.BlockSpec((BR, D_H), lambda i: (i, 0)),
            pl.BlockSpec((BR, D_H), lambda i: (i, 0)),
        ],
        out_shape=[
            jax.ShapeDtypeStruct((N, D_H), jnp.float32),
            jax.ShapeDtypeStruct((N, D_H), jnp.float32),
        ],
    )(p, xw, dinv, b1)


def _heads_body(q_ref, h_ref, dinv_ref, wmu_ref, bmu_ref, wls_ref, bls_ref,
                mu_ref, ls_ref):
    dinv = dinv_ref[...]
    ah = dinv * (q_ref[0] + q_ref[1]) + (dinv * dinv) * h_ref[...]
    mu_ref[...] = jnp.dot(ah, wmu_ref[...],
                          preferred_element_type=jnp.float32) + bmu_ref[...]
    ls_ref[...] = jnp.dot(ah, wls_ref[...],
                          preferred_element_type=jnp.float32) + bls_ref[...]


def _heads(q, h, dinv, Wmu, bmu, Wls, bls):
    return pl.pallas_call(
        _heads_body,
        grid=(N // BR,),
        in_specs=[
            pl.BlockSpec((NC, BR, D_H), lambda i: (0, i, 0)),
            pl.BlockSpec((BR, D_H), lambda i: (i, 0)),
            pl.BlockSpec((BR, 1), lambda i: (i, 0)),
            pl.BlockSpec((D_H, D_OUT), lambda i: (0, 0)),
            pl.BlockSpec((1, D_OUT), lambda i: (0, 0)),
            pl.BlockSpec((D_H, D_OUT), lambda i: (0, 0)),
            pl.BlockSpec((1, D_OUT), lambda i: (0, 0)),
        ],
        out_specs=[
            pl.BlockSpec((BR, D_OUT), lambda i: (i, 0)),
            pl.BlockSpec((BR, D_OUT), lambda i: (i, 0)),
        ],
        out_shape=[
            jax.ShapeDtypeStruct((N, D_OUT), jnp.float32),
            jax.ShapeDtypeStruct((N, D_OUT), jnp.float32),
        ],
    )(q, h, dinv, Wmu, bmu, Wls, bls)


def kernel(x, edge_index, W1, b1, Wmu, bmu, Wls, bls):
    src = (2 * edge_index[0]).reshape(NW, K, C)
    dst = edge_index[1].reshape(NW, K, C)

    deg_parts = _deg_call(dst)
    xw = _mm(x, W1)

    y1, dinv = _norm(deg_parts, xw)

    p = _agg_call(y1.reshape(2 * N, DHF), src, dst)
    h, y2 = _layer1(p, xw, dinv, b1.reshape(1, D_H))

    q = _agg_call(y2.reshape(2 * N, DHF), src, dst)
    mu, ls = _heads(q, h, dinv, Wmu, bmu.reshape(1, D_OUT),
                    Wls, bls.reshape(1, D_OUT))
    return (mu, ls)

# --- scband reference (transcript-rebuilt; emitter-appended) ---
"""Pipeline reference for scband-variational-gcnencoder-41644002902163 (READ-ONLY COPY).

The authoritative reference and input builder live on the scoring server;
editing this copy changes nothing except your own understanding.
"""

import jax, jax.numpy as jnp
import numpy as np

N = 10000
E = 320000
D_IN = 128
D_H = 128
D_OUT = 64


def gcn_conv(x, edge_index, W, b):
    # Faithful GCNConv (PyG semantics, add_self_loops=True, normalize=True):
    # 1) linear transform, 2) add self loops, 3) sym-normalize by deg^-1/2,
    # 4) scatter-add messages from src to dst, 5) add bias.
    n = x.shape[0]
    xw = x @ W
    loop = jnp.arange(n, dtype=edge_index.dtype)
    src = jnp.concatenate([edge_index[0], loop])
    dst = jnp.concatenate([edge_index[1], loop])
    deg = jnp.zeros((n,), dtype=xw.dtype).at[dst].add(1.0)
    dinv = jnp.where(deg > 0, deg ** -0.5, 0.0)
    norm = dinv[src] * dinv[dst]
    msg = xw[src] * norm[:, None]
    out = jnp.zeros((n, W.shape[1]), dtype=xw.dtype).at[dst].add(msg)
    return out + b


def setup_inputs(seed: int = 0) -> dict:
    key = jax.random.key(seed)
    ks = jax.random.split(key, 8)
    x = jax.random.normal(ks[0], (N, D_IN), dtype=jnp.float32)
    edge_index = jax.random.randint(ks[1], (2, E), 0, N, dtype=jnp.int32)
    W1 = jax.random.normal(ks[2], (D_IN, D_H), dtype=jnp.float32) * (1.0 / np.sqrt(D_IN))
    b1 = jnp.zeros((D_H,), dtype=jnp.float32)
    Wmu = jax.random.normal(ks[3], (D_H, D_OUT), dtype=jnp.float32) * (1.0 / np.sqrt(D_H))
    bmu = jnp.zeros((D_OUT,), dtype=jnp.float32)
    Wls = jax.random.normal(ks[4], (D_H, D_OUT), dtype=jnp.float32) * (1.0 / np.sqrt(D_H))
    bls = jnp.zeros((D_OUT,), dtype=jnp.float32)
    return {"x": x, "edge_index": edge_index, "W1": W1, "b1": b1,
            "Wmu": Wmu, "bmu": bmu, "Wls": Wls, "bls": bls}


def reference(x, edge_index, W1, b1, Wmu, bmu, Wls, bls):
    h = jax.nn.relu(gcn_conv(x, edge_index, W1, b1))
    # dropout is identity in eval mode
    mu = gcn_conv(h, edge_index, Wmu, bmu)
    logstd = gcn_conv(h, edge_index, Wls, bls)
    return (mu, logstd)

if __name__ == "__main__":
    import jax
    _d = setup_inputs()
    print(jax.jit(kernel)(*tuple(_d.values())))

</pallas_src>

<mosaic_0001>
#map = affine_map<(d0, d1) -> (0, 0)>
#map1 = affine_map<(d0, d1) -> (0, 0, 0)>
module attributes {stable_mosaic.version = 14 : i64} {
  func.func @_agg_body(%arg0: i32, %arg1: i32, %arg2: memref<20000x64xf32, #tpu.memory_space<hbm>>, %arg3: memref<32x125x80xi32, #tpu.memory_space<hbm>>, %arg4: memref<32x125x80xi32, #tpu.memory_space<hbm>>, %arg5: memref<2x10240x128xf32, #tpu.memory_space<hbm>>, %arg6: memref<125x80xi32, #tpu.memory_space<vmem>>, %arg7: memref<125x80xi32, #tpu.memory_space<vmem>>, %arg8: memref<80x64xf32, #tpu.memory_space<vmem>>, %arg9: memref<80x64xf32, #tpu.memory_space<vmem>>, %arg10: memref<80x64xf32, #tpu.memory_space<vmem>>, %arg11: memref<80x64xf32, #tpu.memory_space<vmem>>, %arg12: memref<80x64xf32, #tpu.memory_space<vmem>>, %arg13: memref<640x64xf32, #tpu.memory_space<vmem>>, %arg14: memref<10240x64xf32, #tpu.memory_space<vmem_shared>>, %arg15: memref<!tpu.dma_semaphore, #tpu.memory_space<semaphore_mem>>, %arg16: memref<!tpu.dma_semaphore, #tpu.memory_space<semaphore_mem>>, %arg17: memref<!tpu.dma_semaphore, #tpu.memory_space<semaphore_mem>>, %arg18: memref<!tpu.dma_semaphore, #tpu.memory_space<semaphore_mem>>, %arg19: memref<!tpu.dma_semaphore, #tpu.memory_space<semaphore_mem>>) attributes {dimension_semantics = [#tpu.dimension_semantics<core_parallel>, #tpu.dimension_semantics<subcore_parallel>], iteration_bounds = array<i64: 2, 16>, scalar_prefetch = 0 : i64, scratch_operands = 14 : i64, tpu.core_type = #tpu.core_type<sc_vector_subcore>, window_params = [{transform_indices = #map}, {transform_indices = #map1}, {transform_indices = #map1}, {transform_indices = #map1}]} {
    %mul3A = arith.constant 2 : i32
    %mul3A_0 = arith.muli %arg1, %mul3A : i32
    %add3A = arith.addi %mul3A_0, %arg0 : i32
    %broadcast_in_dim3A = arith.constant 0.000000e+00 : f32
    %broadcast_in_dim3A_1 = vector.broadcast %broadcast_in_dim3A : f32 to vector<16xf32>
    %scan3A = arith.constant 0 : i32
    %scan3A_2 = arith.constant 640 : i32
    %scan3A_3 = arith.addi %scan3A, %scan3A_2 : i32
    %scan3A_4 = arith.constant 1 : i32
    scf.for %scan3A_185 = %scan3A to %scan3A_3 step %scan3A_4  : i32 {
      %mul3A_186 = arith.constant 1 : i32
      %mul3A_187 = arith.muli %scan3A_185, %mul3A_186 : i32
      %add3A_188 = arith.constant 0 : i32
      %add3A_189 = arith.addi %add3A_188, %mul3A_187 : i32
      %scan3A_190 = arith.constant 0 : i32
      %scan3A_191 = arith.constant 4 : i32
      %scan3A_192 = arith.addi %scan3A_190, %scan3A_191 : i32
      %scan3A_193 = arith.constant 1 : i32
      scf.for %scan3A_195 = %scan3A_190 to %scan3A_192 step %scan3A_193  : i32 {
        %mul3A_196 = arith.constant 16 : i32
        %mul3A_197 = arith.muli %scan3A_195, %mul3A_196 : i32
        %add3A_198 = arith.constant 0 : i32
        %add3A_199 = arith.addi %add3A_198, %mul3A_197 : i32
        %swap3A = arith.index_cast %add3A_189 : i32 to index
        %swap3A_200 = arith.index_cast %add3A_199 : i32 to index
        %swap3A_201 = tpu.vector_load %arg13[%swap3A, %swap3A_200] {strides = array<i32>} : memref<640x64xf32, #tpu.memory_space<vmem>>, vector<1x16xf32>,
        %swap3A_202 = vector.shape_cast %swap3A_201 : vector<1x16xf32> to vector<16xf32>
        %swap3A_203 = vector.shape_cast %broadcast_in_dim3A_1 : vector<16xf32> to vector<1x16xf32>
        tpu.vector_store %arg13[%swap3A, %swap3A_200], %swap3A_203 {strides = array<i32>} : memref<640x64xf32, #tpu.memory_space<vmem>>, vector<1x16xf32>,
      }
      %scan3A_194 = arith.constant 4 : i32
    }
    %scan3A_5 = arith.constant 640 : i32
    "tpu.region"() ({
      %run_scoped3A_185 = tpu.sem_alloc : memref<!tpu.dma_semaphore, #tpu.memory_space<semaphore_mem>>
      %dma_start3A_186 = arith.constant 0 : i32
      %dma_start3A_187 = arith.constant 0 : i32
      %dma_start3A_188 = tpu.memref_slice %arg3[%add3A, %dma_start3A_186, %dma_start3A_187] : memref<32x125x80xi32, #tpu.memory_space<hbm>> -> memref<1x125x80xi32, #tpu.memory_space<hbm>>
      %dma_start3A_189 = tpu.memref_squeeze %dma_start3A_188 : memref<1x125x80xi32, #tpu.memory_space<hbm>> -> memref<125x80xi32, #tpu.memory_space<hbm>>
      %dma_start3A_190 = arith.constant 0 : i32
      %dma_start3A_191 = arith.constant 0 : i32
      %dma_start3A_192 = tpu.memref_slice %arg3[%add3A, %dma_start3A_190, %dma_start3A_191] : memref<32x125x80xi32, #tpu.memory_space<hbm>> -> memref<1x125x80xi32, #tpu.memory_space<hbm>>
      %dma_start3A_193 = tpu.memref_squeeze %dma_start3A_192 : memref<1x125x80xi32, #tpu.memory_space<hbm>> -> memref<125x80xi32, #tpu.memory_space<hbm>>
      tpu.enqueue_dma source(%dma_start3A_193 : memref<125x80xi32, #tpu.memory_space<hbm>>) target(%arg6 : memref<125x80xi32, #tpu.memory_space<vmem>>) target_semaphore(%run_scoped3A_185 : memref<!tpu.dma_semaphore, #tpu.memory_space<semaphore_mem>>)
      %dma_wait3A_194 = arith.constant 0 : i32
      %dma_wait3A_195 = arith.constant 0 : i32
      %dma_wait3A_196 = tpu.memref_slice %arg3[%add3A, %dma_wait3A_194, %dma_wait3A_195] : memref<32x125x80xi32, #tpu.memory_space<hbm>> -> memref<1x125x80xi32, #tpu.memory_space<hbm>>
      %dma_wait3A_197 = tpu.memref_squeeze %dma_wait3A_196 : memref<1x125x80xi32, #tpu.memory_space<hbm>> -> memref<125x80xi32, #tpu.memory_space<hbm>>
      %dma_wait3A_198 = arith.constant 0 : i32
      %dma_wait3A_199 = arith.constant 0 : i32
      %dma_wait3A_200 = tpu.memref_slice %arg3[%add3A, %dma_wait3A_198, %dma_wait3A_199] : memref<32x125x80xi32, #tpu.memory_space<hbm>> -> memref<1x125x80xi32, #tpu.memory_space<hbm>>
      %dma_wait3A_201 = tpu.memref_squeeze %dma_wait3A_200 : memref<1x125x80xi32, #tpu.memory_space<hbm>> -> memref<125x80xi32, #tpu.memory_space<hbm>>
      tpu.wait_dma2 semaphore(%run_scoped3A_185 : memref<!tpu.dma_semaphore, #tpu.memory_space<semaphore_mem>>) src(%dma_wait3A_201 : memref<125x80xi32, #tpu.memory_space<hbm>>) dst(%arg6 : memref<125x80xi32, #tpu.memory_space<vmem>>)
      tpu.yield
    }) : () -> ()
    "tpu.region"() ({
      %run_scoped3A_185 = tpu.sem_alloc : memref<!tpu.dma_semaphore, #tpu.memory_space<semaphore_mem>>
      %dma_start3A_186 = arith.constant 0 : i32
      %dma_start3A_187 = arith.constant 0 : i32
      %dma_start3A_188 = tpu.memref_slice %arg4[%add3A, %dma_start3A_186, %dma_start3A_187] : memref<32x125x80xi32, #tpu.memory_space<hbm>> -> memref<1x125x80xi32, #tpu.memory_space<hbm>>
      %dma_start3A_189 = tpu.memref_squeeze %dma_start3A_188 : memref<1x125x80xi32, #tpu.memory_space<hbm>> -> memref<125x80xi32, #tpu.memory_space<hbm>>
      %dma_start3A_190 = arith.constant 0 : i32
      %dma_start3A_191 = arith.constant 0 : i32
      %dma_start3A_192 = tpu.memref_slice %arg4[%add3A, %dma_start3A_190, %dma_start3A_191] : memref<32x125x80xi32, #tpu.memory_space<hbm>> -> memref<1x125x80xi32, #tpu.memory_space<hbm>>
      %dma_start3A_193 = tpu.memref_squeeze %dma_start3A_192 : memref<1x125x80xi32, #tpu.memory_space<hbm>> -> memref<125x80xi32, #tpu.memory_space<hbm>>
      tpu.enqueue_dma source(%dma_start3A_193 : memref<125x80xi32, #tpu.memory_space<hbm>>) target(%arg7 : memref<125x80xi32, #tpu.memory_space<vmem>>) target_semaphore(%run_scoped3A_185 : memref<!tpu.dma_semaphore, #tpu.memory_space<semaphore_mem>>)
      %dma_wait3A_194 = arith.constant 0 : i32
      %dma_wait3A_195 = arith.constant 0 : i32
      %dma_wait3A_196 = tpu.memref_slice %arg4[%add3A, %dma_wait3A_194, %dma_wait3A_195] : memref<32x125x80xi32, #tpu.memory_space<hbm>> -> memref<1x125x80xi32, #tpu.memory_space<hbm>>
      %dma_wait3A_197 = tpu.memref_squeeze %dma_wait3A_196 : memref<1x125x80xi32, #tpu.memory_space<hbm>> -> memref<125x80xi32, #tpu.memory_space<hbm>>
      %dma_wait3A_198 = arith.constant 0 : i32
      %dma_wait3A_199 = arith.constant 0 : i32
      %dma_wait3A_200 = tpu.memref_slice %arg4[%add3A, %dma_wait3A_198, %dma_wait3A_199] : memref<32x125x80xi32, #tpu.memory_space<hbm>> -> memref<1x125x80xi32, #tpu.memory_space<hbm>>
      %dma_wait3A_201 = tpu.memref_squeeze %dma_wait3A_200 : memref<1x125x80xi32, #tpu.memory_space<hbm>> -> memref<125x80xi32, #tpu.memory_space<hbm>>
      tpu.wait_dma2 semaphore(%run_scoped3A_185 : memref<!tpu.dma_semaphore, #tpu.memory_space<semaphore_mem>>) src(%dma_wait3A_201 : memref<125x80xi32, #tpu.memory_space<hbm>>) dst(%arg7 : memref<125x80xi32, #tpu.memory_space<vmem>>)
      tpu.yield
    }) : () -> ()
    %broadcast_in_dim3A_6 = arith.constant 1 : i32
    %broadcast_in_dim3A_7 = vector.broadcast %broadcast_in_dim3A_6 : i32 to vector<16xi32>
    %mul3A_8 = arith.constant 640 : i32
    %mul3A_9 = arith.muli %arg1, %mul3A_8 : i32
    "tpu.region"() ({
      %run_scoped3A_185 = tpu.sem_alloc : memref<!tpu.dma_semaphore, #tpu.memory_space<semaphore_mem>>
      %dma_start3A_186 = arith.constant 0 : i32
      %dma_start3A_187 = tpu.memref_slice %arg14[%mul3A_9, %dma_start3A_186] : memref<10240x64xf32, #tpu.memory_space<vmem_shared>> -> memref<640x64xf32, #tpu.memory_space<vmem_shared>>
      %dma_start3A_188 = arith.constant 0 : i32
      %dma_start3A_189 = tpu.memref_slice %arg14[%mul3A_9, %dma_start3A_188] : memref<10240x64xf32, #tpu.memory_space<vmem_shared>> -> memref<640x64xf32, #tpu.memory_space<vmem_shared>>
      tpu.enqueue_dma source(%arg13 : memref<640x64xf32, #tpu.memory_space<vmem>>) target(%dma_start3A_189 : memref<640x64xf32, #tpu.memory_space<vmem_shared>>) target_semaphore(%run_scoped3A_185 : memref<!tpu.dma_semaphore, #tpu.memory_space<semaphore_mem>>)
      %dma_wait3A_190 = arith.constant 0 : i32
      %dma_wait3A_191 = tpu.memref_slice %arg14[%mul3A_9, %dma_wait3A_190] : memref<10240x64xf32, #tpu.memory_space<vmem_shared>> -> memref<640x64xf32, #tpu.memory_space<vmem_shared>>
      %dma_wait3A_192 = arith.constant 0 : i32
      %dma_wait3A_193 = tpu.memref_slice %arg14[%mul3A_9, %dma_wait3A_192] : memref<10240x64xf32, #tpu.memory_space<vmem_shared>> -> memref<640x64xf32, #tpu.memory_space<vmem_shared>>
      tpu.wait_dma2 semaphore(%run_scoped3A_185 : memref<!tpu.dma_semaphore, #tpu.memory_space<semaphore_mem>>) src(%arg13 : memref<640x64xf32, #tpu.memory_space<vmem>>) dst(%dma_wait3A_193 : memref<640x64xf32, #tpu.memory_space<vmem_shared>>)
      tpu.yield
    }) : () -> ()
    %barrier3A = arith.constant 0 : index
    tpu.barrier barrier_id(%barrier3A)
    %dma_start3A = arith.constant 0 : i32
    %dma_start3A_10 = arith.constant 0 : i32
    %dma_start3A_11 = tpu.memref_slice %arg6[%dma_start3A, %dma_start3A_10] : memref<125x80xi32, #tpu.memory_space<vmem>> -> memref<1x80xi32, #tpu.memory_space<vmem>>
    %dma_start3A_12 = tpu.memref_squeeze %dma_start3A_11 : memref<1x80xi32, #tpu.memory_space<vmem>> -> memref<80xi32, #tpu.memory_space<vmem>>
    %dma_start3A_13 = arith.constant 0 : i32
    %dma_start3A_14 = arith.constant 0 : i32
    %dma_start3A_15 = tpu.memref_slice %arg2[%dma_start3A_13, %dma_start3A_14] : memref<20000x64xf32, #tpu.memory_space<hbm>> -> memref<20000x64xf32, #tpu.memory_space<hbm>>
    tpu.enqueue_indirect_dma source(%dma_start3A_15 : memref<20000x64xf32, #tpu.memory_space<hbm>>) target(%arg8 : memref<80x64xf32, #tpu.memory_space<vmem>>) offsets(%dma_start3A_12 : memref<80xi32, #tpu.memory_space<vmem>>) semaphore(%arg15 : memref<!tpu.dma_semaphore, #tpu.memory_space<semaphore_mem>>)
    %dma_start3A_16 = arith.constant 1 : i32
    %dma_start3A_17 = arith.constant 0 : i32
    %dma_start3A_18 = tpu.memref_slice %arg6[%dma_start3A_16, %dma_start3A_17] : memref<125x80xi32, #tpu.memory_space<vmem>> -> memref<1x80xi32, #tpu.memory_space<vmem>>
    %dma_start3A_19 = tpu.memref_squeeze %dma_start3A_18 : memref<1x80xi32, #tpu.memory_space<vmem>> -> memref<80xi32, #tpu.memory_space<vmem>>
    %dma_start3A_20 = arith.constant 0 : i32
    %dma_start3A_21 = arith.constant 0 : i32
    %dma_start3A_22 = tpu.memref_slice %arg2[%dma_start3A_20, %dma_start3A_21] : memref<20000x64xf32, #tpu.memory_space<hbm>> -> memref<20000x64xf32, #tpu.memory_space<hbm>>
    tpu.enqueue_indirect_dma source(%dma_start3A_22 : memref<20000x64xf32, #tpu.memory_space<hbm>>) target(%arg9 : memref<80x64xf32, #tpu.memory_space<vmem>>) offsets(%dma_start3A_19 : memref<80xi32, #tpu.memory_space<vmem>>) semaphore(%arg16 : memref<!tpu.dma_semaphore, #tpu.memory_space<semaphore_mem>>)
    %dma_start3A_23 = arith.constant 2 : i32
    %dma_start3A_24 = arith.constant 0 : i32
    %dma_start3A_25 = tpu.memref_slice %arg6[%dma_start3A_23, %dma_start3A_24] : memref<125x80xi32, #tpu.memory_space<vmem>> -> memref<1x80xi32, #tpu.memory_space<vmem>>
    %dma_start3A_26 = tpu.memref_squeeze %dma_start3A_25 : memref<1x80xi32, #tpu.memory_space<vmem>> -> memref<80xi32, #tpu.memory_space<vmem>>
    %dma_start3A_27 = arith.constant 0 : i32
    %dma_start3A_28 = arith.constant 0 : i32
    %dma_start3A_29 = tpu.memref_slice %arg2[%dma_start3A_27, %dma_start3A_28] : memref<20000x64xf32, #tpu.memory_space<hbm>> -> memref<20000x64xf32, #tpu.memory_space<hbm>>
    tpu.enqueue_indirect_dma source(%dma_start3A_29 : memref<20000x64xf32, #tpu.memory_space<hbm>>) target(%arg10 : memref<80x64xf32, #tpu.memory_space<vmem>>) offsets(%dma_start3A_26 : memref<80xi32, #tpu.memory_space<vmem>>) semaphore(%arg17 : memref<!tpu.dma_semaphore, #tpu.memory_space<semaphore_mem>>)
    %dma_start3A_30 = arith.constant 3 : i32
    %dma_start3A_31 = arith.constant 0 : i32
    %dma_start3A_32 = tpu.memref_slice %arg6[%dma_start3A_30, %dma_start3A_31] : memref<125x80xi32, #tpu.memory_space<vmem>> -> memref<1x80xi32, #tpu.memory_space<vmem>>
    %dma_start3A_33 = tpu.memref_squeeze %dma_start3A_32 : memref<1x80xi32, #tpu.memory_space<vmem>> -> memref<80xi32, #tpu.memory_space<vmem>>
    %dma_start3A_34 = arith.constant 0 : i32
    %dma_start3A_35 = arith.constant 0 : i32
    %dma_start3A_36 = tpu.memref_slice %arg2[%dma_start3A_34, %dma_start3A_35] : memref<20000x64xf32, #tpu.memory_space<hbm>> -> memref<20000x64xf32, #tpu.memory_space<hbm>>
    tpu.enqueue_indirect_dma source(%dma_start3A_36 : memref<20000x64xf32, #tpu.memory_space<hbm>>) target(%arg11 : memref<80x64xf32, #tpu.memory_space<vmem>>) offsets(%dma_start3A_33 : memref<80xi32, #tpu.memory_space<vmem>>) semaphore(%arg18 : memref<!tpu.dma_semaphore, #tpu.memory_space<semaphore_mem>>)
    %dma_start3A_37 = arith.constant 4 : i32
    %dma_start3A_38 = arith.constant 0 : i32
    %dma_start3A_39 = tpu.memref_slice %arg6[%dma_start3A_37, %dma_start3A_38] : memref<125x80xi32, #tpu.memory_space<vmem>> -> memref<1x80xi32, #tpu.memory_space<vmem>>
    %dma_start3A_40 = tpu.memref_squeeze %dma_start3A_39 : memref<1x80xi32, #tpu.memory_space<vmem>> -> memref<80xi32, #tpu.memory_space<vmem>>
    %dma_start3A_41 = arith.constant 0 : i32
    %dma_start3A_42 = arith.constant 0 : i32
    %dma_start3A_43 = tpu.memref_slice %arg2[%dma_start3A_41, %dma_start3A_42] : memref<20000x64xf32, #tpu.memory_space<hbm>> -> memref<20000x64xf32, #tpu.memory_space<hbm>>
    tpu.enqueue_indirect_dma source(%dma_start3A_43 : memref<20000x64xf32, #tpu.memory_space<hbm>>) target(%arg12 : memref<80x64xf32, #tpu.memory_space<vmem>>) offsets(%dma_start3A_40 : memref<80xi32, #tpu.memory_space<vmem>>) semaphore(%arg19 : memref<!tpu.dma_semaphore, #tpu.memory_space<semaphore_mem>>)
    %scan3A_44 = arith.constant 0 : i32
    %scan3A_45 = arith.constant 24 : i32
    %scan3A_46 = arith.addi %scan3A_44, %scan3A_45 : i32
    %scan3A_47 = arith.constant 1 : i32
    scf.for %scan3A_185 = %scan3A_44 to %scan3A_46 step %scan3A_47  : i32 {
      %mul3A_186 = arith.constant 1 : i32
      %mul3A_187 = arith.muli %scan3A_185, %mul3A_186 : i32
      %add3A_188 = arith.constant 0 : i32
      %add3A_189 = arith.addi %add3A_188, %mul3A_187 : i32
      %mul3A_190 = arith.constant 5 : i32
      %mul3A_191 = arith.muli %mul3A_190, %add3A_189 : i32
      %add3A_192 = arith.constant 0 : i32
      %add3A_193 = arith.addi %mul3A_191, %add3A_192 : i32
      %dma_wait3A_194 = arith.constant 0 : i32
      %dma_wait3A_195 = tpu.memref_slice %arg6[%add3A_193, %dma_wait3A_194] : memref<125x80xi32, #tpu.memory_space<vmem>> -> memref<1x80xi32, #tpu.memory_space<vmem>>
      %dma_wait3A_196 = tpu.memref_squeeze %dma_wait3A_195 : memref<1x80xi32, #tpu.memory_space<vmem>> -> memref<80xi32, #tpu.memory_space<vmem>>
      %dma_wait3A_197 = arith.constant 0 : i32
      %dma_wait3A_198 = arith.constant 0 : i32
      %dma_wait3A_199 = tpu.memref_slice %arg2[%dma_wait3A_197, %dma_wait3A_198] : memref<20000x64xf32, #tpu.memory_space<hbm>> -> memref<20000x64xf32, #tpu.memory_space<hbm>>
      tpu.wait_indirect_dma semaphore(%arg15 : memref<!tpu.dma_semaphore, #tpu.memory_space<semaphore_mem>>) src(%dma_wait3A_199 : memref<20000x64xf32, #tpu.memory_space<hbm>>) dst(%arg8 : memref<80x64xf32, #tpu.memory_space<vmem>>)
      %add3A_200 = arith.constant 0 : i32
      %add3A_201 = arith.addi %mul3A_191, %add3A_200 : i32
      "tpu.region"() ({
        %run_scoped3A_292 = tpu.sem_alloc : memref<!tpu.dma_semaphore, #tpu.memory_space<semaphore_mem>>
        %dma_start3A_293 = arith.constant 0 : i32
        %dma_start3A_294 = tpu.memref_slice %arg7[%add3A_201, %dma_start3A_293] : memref<125x80xi32, #tpu.memory_space<vmem>> -> memref<1x80xi32, #tpu.memory_space<vmem>>
        %dma_start3A_295 = tpu.memref_squeeze %dma_start3A_294 : memref<1x80xi32, #tpu.memory_space<vmem>> -> memref<80xi32, #tpu.memory_space<vmem>>
        %dma_start3A_296 = arith.constant 0 : i32
        %dma_start3A_297 = arith.constant 0 : i32
        %dma_start3A_298 = tpu.memref_slice %arg14[%dma_start3A_296, %dma_start3A_297] : memref<10240x64xf32, #tpu.memory_space<vmem_shared>> -> memref<10240x64xf32, #tpu.memory_space<vmem_shared>>
        tpu.enqueue_indirect_dma source(%arg8 : memref<80x64xf32, #tpu.memory_space<vmem>>) target(%dma_start3A_298 : memref<10240x64xf32, #tpu.memory_space<vmem_shared>>) offsets(%dma_start3A_295 : memref<80xi32, #tpu.memory_space<vmem>>) semaphore(%run_scoped3A_292 : memref<!tpu.dma_semaphore, #tpu.memory_space<semaphore_mem>>) {add = true}
        %dma_wait3A_299 = arith.constant 0 : i32
        %dma_wait3A_300 = tpu.memref_slice %arg7[%add3A_201, %dma_wait3A_299] : memref<125x80xi32, #tpu.memory_space<vmem>> -> memref<1x80xi32, #tpu.memory_space<vmem>>
        %dma_wait3A_301 = tpu.memref_squeeze %dma_wait3A_300 : memref<1x80xi32, #tpu.memory_space<vmem>> -> memref<80xi32, #tpu.memory_space<vmem>>
        %dma_wait3A_302 = arith.constant 0 : i32
        %dma_wait3A_303 = arith.constant 0 : i32
        %dma_wait3A_304 = tpu.memref_slice %arg14[%dma_wait3A_302, %dma_wait3A_303] : memref<10240x64xf32, #tpu.memory_space<vmem_shared>> -> memref<10240x64xf32, #tpu.memory_space<vmem_shared>>
        tpu.wait_indirect_dma semaphore(%run_scoped3A_292 : memref<!tpu.dma_semaphore, #tpu.memory_space<semaphore_mem>>) src(%arg8 : memref<80x64xf32, #tpu.memory_space<vmem>>) dst(%dma_wait3A_304 : memref<10240x64xf32, #tpu.memory_space<vmem_shared>>)
        tpu.yield
      }) : () -> ()
      %add3A_202 = arith.constant 0 : i32
      %add3A_203 = arith.addi %mul3A_191, %add3A_202 : i32
      %add3A_204 = arith.constant 5 : i32
      %add3A_205 = arith.addi %add3A_203, %add3A_204 : i32
      %dma_start3A_206 = arith.constant 0 : i32
      %dma_start3A_207 = tpu.memref_slice %arg6[%add3A_205, %dma_start3A_206] : memref<125x80xi32, #tpu.memory_space<vmem>> -> memref<1x80xi32, #tpu.memory_space<vmem>>
      %dma_start3A_208 = tpu.memref_squeeze %dma_start3A_207 : memref<1x80xi32, #tpu.memory_space<vmem>> -> memref<80xi32, #tpu.memory_space<vmem>>
      %dma_start3A_209 = arith.constant 0 : i32
      %dma_start3A_210 = arith.constant 0 : i32
      %dma_start3A_211 = tpu.memref_slice %arg2[%dma_start3A_209, %dma_start3A_210] : memref<20000x64xf32, #tpu.memory_space<hbm>> -> memref<20000x64xf32, #tpu.memory_space<hbm>>
      tpu.enqueue_indirect_dma source(%dma_start3A_211 : memref<20000x64xf32, #tpu.memory_space<hbm>>) target(%arg8 : memref<80x64xf32, #tpu.memory_space<vmem>>) offsets(%dma_start3A_208 : memref<80xi32, #tpu.memory_space<vmem>>) semaphore(%arg15 : memref<!tpu.dma_semaphore, #tpu.memory_space<semaphore_mem>>)
      %add3A_212 = arith.constant 1 : i32
      %add3A_213 = arith.addi %mul3A_191, %add3A_212 : i32
      %dma_wait3A_214 = arith.constant 0 : i32
      %dma_wait3A_215 = tpu.memref_slice %arg6[%add3A_213, %dma_wait3A_214] : memref<125x80xi32, #tpu.memory_space<vmem>> -> memref<1x80xi32, #tpu.memory_space<vmem>>
      %dma_wait3A_216 = tpu.memref_squeeze %dma_wait3A_215 : memref<1x80xi32, #tpu.memory_space<vmem>> -> memref<80xi32, #tpu.memory_space<vmem>>
      %dma_wait3A_217 = arith.constant 0 : i32
      %dma_wait3A_218 = arith.constant 0 : i32
      %dma_wait3A_219 = tpu.memref_slice %arg2[%dma_wait3A_217, %dma_wait3A_218] : memref<20000x64xf32, #tpu.memory_space<hbm>> -> memref<20000x64xf32, #tpu.memory_space<hbm>>
      tpu.wait_indirect_dma semaphore(%arg16 : memref<!tpu.dma_semaphore, #tpu.memory_space<semaphore_mem>>) src(%dma_wait3A_219 : memref<20000x64xf32, #tpu.memory_space<hbm>>) dst(%arg9 : memref<80x64xf32, #tpu.memory_space<vmem>>)
      %add3A_220 = arith.constant 1 : i32
      %add3A_221 = arith.addi %mul3A_191, %add3A_220 : i32
      "tpu.region"() ({
        %run_scoped3A_292 = tpu.sem_alloc : memref<!tpu.dma_semaphore, #tpu.memory_space<semaphore_mem>>
        %dma_start3A_293 = arith.constant 0 : i32
        %dma_start3A_294 = tpu.memref_slice %arg7[%add3A_221, %dma_start3A_293] : memref<125x80xi32, #tpu.memory_space<vmem>> -> memref<1x80xi32, #tpu.memory_space<vmem>>
        %dma_start3A_295 = tpu.memref_squeeze %dma_start3A_294 : memref<1x80xi32, #tpu.memory_space<vmem>> -> memref<80xi32, #tpu.memory_space<vmem>>
        %dma_start3A_296 = arith.constant 0 : i32
        %dma_start3A_297 = arith.constant 0 : i32
        %dma_start3A_298 = tpu.memref_slice %arg14[%dma_start3A_296, %dma_start3A_297] : memref<10240x64xf32, #tpu.memory_space<vmem_shared>> -> memref<10240x64xf32, #tpu.memory_space<vmem_shared>>
        tpu.enqueue_indirect_dma source(%arg9 : memref<80x64xf32, #tpu.memory_space<vmem>>) target(%dma_start3A_298 : memref<10240x64xf32, #tpu.memory_space<vmem_shared>>) offsets(%dma_start3A_295 : memref<80xi32, #tpu.memory_space<vmem>>) semaphore(%run_scoped3A_292 : memref<!tpu.dma_semaphore, #tpu.memory_space<semaphore_mem>>) {add = true}
        %dma_wait3A_299 = arith.constant 0 : i32
        %dma_wait3A_300 = tpu.memref_slice %arg7[%add3A_221, %dma_wait3A_299] : memref<125x80xi32, #tpu.memory_space<vmem>> -> memref<1x80xi32, #tpu.memory_space<vmem>>
        %dma_wait3A_301 = tpu.memref_squeeze %dma_wait3A_300 : memref<1x80xi32, #tpu.memory_space<vmem>> -> memref<80xi32, #tpu.memory_space<vmem>>
        %dma_wait3A_302 = arith.constant 0 : i32
        %dma_wait3A_303 = arith.constant 0 : i32
        %dma_wait3A_304 = tpu.memref_slice %arg14[%dma_wait3A_302, %dma_wait3A_303] : memref<10240x64xf32, #tpu.memory_space<vmem_shared>> -> memref<10240x64xf32, #tpu.memory_space<vmem_shared>>
        tpu.wait_indirect_dma semaphore(%run_scoped3A_292 : memref<!tpu.dma_semaphore, #tpu.memory_space<semaphore_mem>>) src(%arg9 : memref<80x64xf32, #tpu.memory_space<vmem>>) dst(%dma_wait3A_304 : memref<10240x64xf32, #tpu.memory_space<vmem_shared>>)
        tpu.yield
      }) : () -> ()
      %add3A_222 = arith.constant 1 : i32
      %add3A_223 = arith.addi %mul3A_191, %add3A_222 : i32
      %add3A_224 = arith.constant 5 : i32
      %add3A_225 = arith.addi %add3A_223, %add3A_224 : i32
      %dma_start3A_226 = arith.constant 0 : i32
      %dma_start3A_227 = tpu.memref_slice %arg6[%add3A_225, %dma_start3A_226] : memref<125x80xi32, #tpu.memory_space<vmem>> -> memref<1x80xi32, #tpu.memory_space<vmem>>
      %dma_start3A_228 = tpu.memref_squeeze %dma_start3A_227 : memref<1x80xi32, #tpu.memory_space<vmem>> -> memref<80xi32, #tpu.memory_space<vmem>>
      %dma_start3A_229 = arith.constant 0 : i32
      %dma_start3A_230 = arith.constant 0 : i32
      %dma_start3A_231 = tpu.memref_slice %arg2[%dma_start3A_229, %dma_start3A_230] : memref<20000x64xf32, #tpu.memory_space<hbm>> -> memref<20000x64xf32, #tpu.memory_space<hbm>>
      tpu.enqueue_indirect_dma source(%dma_start3A_231 : memref<20000x64xf32, #tpu.memory_space<hbm>>) target(%arg9 : memref<80x64xf32, #tpu.memory_space<vmem>>) offsets(%dma_start3A_228 : memref<80xi32, #tpu.memory_space<vmem>>) semaphore(%arg16 : memref<!tpu.dma_semaphore, #tpu.memory_space<semaphore_mem>>)
      %add3A_232 = arith.constant 2 : i32
      %add3A_233 = arith.addi %mul3A_191, %add3A_232 : i32
      %dma_wait3A_234 = arith.constant 0 : i32
      %dma_wait3A_235 = tpu.memref_slice %arg6[%add3A_233, %dma_wait3A_234] : memref<125x80xi32, #tpu.memory_space<vmem>> -> memref<1x80xi32, #tpu.memory_space<vmem>>
      %dma_wait3A_236 = tpu.memref_squeeze %dma_wait3A_235 : memref<1x80xi32, #tpu.memory_space<vmem>> -> memref<80xi32, #tpu.memory_space<vmem>>
      %dma_wait3A_237 = arith.constant 0 : i32
      %dma_wait3A_238 = arith.constant 0 : i32
      %dma_wait3A_239 = tpu.memref_slice %arg2[%dma_wait3A_237, %dma_wait3A_238] : memref<20000x64xf32, #tpu.memory_space<hbm>> -> memref<20000x64xf32, #tpu.memory_space<hbm>>
      tpu.wait_indirect_dma semaphore(%arg17 : memref<!tpu.dma_semaphore, #tpu.memory_space<semaphore_mem>>) src(%dma_wait3A_239 : memref<20000x64xf32, #tpu.memory_space<hbm>>) dst(%arg10 : memref<80x64xf32, #tpu.memory_space<vmem>>)
      %add3A_240 = arith.constant 2 : i32
      %add3A_241 = arith.addi %mul3A_191, %add3A_240 : i32
      "tpu.region"() ({
        %run_scoped3A_292 = tpu.sem_alloc : memref<!tpu.dma_semaphore, #tpu.memory_space<semaphore_mem>>
        %dma_start3A_293 = arith.constant 0 : i32
        %dma_start3A_294 = tpu.memref_slice %arg7[%add3A_241, %dma_start3A_293] : memref<125x80xi32, #tpu.memory_space<vmem>> -> memref<1x80xi32, #tpu.memory_space<vmem>>
        %dma_start3A_295 = tpu.memref_squeeze %dma_start3A_294 : memref<1x80xi32, #tpu.memory_space<vmem>> -> memref<80xi32, #tpu.memory_space<vmem>>
        %dma_start3A_296 = arith.constant 0 : i32
        %dma_start3A_297 = arith.constant 0 : i32
        %dma_start3A_298 = tpu.memref_slice %arg14[%dma_start3A_296, %dma_start3A_297] : memref<10240x64xf32, #tpu.memory_space<vmem_shared>> -> memref<10240x64xf32, #tpu.memory_space<vmem_shared>>
        tpu.enqueue_indirect_dma source(%arg10 : memref<80x64xf32, #tpu.memory_space<vmem>>) target(%dma_start3A_298 : memref<10240x64xf32, #tpu.memory_space<vmem_shared>>) offsets(%dma_start3A_295 : memref<80xi32, #tpu.memory_space<vmem>>) semaphore(%run_scoped3A_292 : memref<!tpu.dma_semaphore, #tpu.memory_space<semaphore_mem>>) {add = true}
        %dma_wait3A_299 = arith.constant 0 : i32
        %dma_wait3A_300 = tpu.memref_slice %arg7[%add3A_241, %dma_wait3A_299] : memref<125x80xi32, #tpu.memory_space<vmem>> -> memref<1x80xi32, #tpu.memory_space<vmem>>
        %dma_wait3A_301 = tpu.memref_squeeze %dma_wait3A_300 : memref<1x80xi32, #tpu.memory_space<vmem>> -> memref<80xi32, #tpu.memory_space<vmem>>
        %dma_wait3A_302 = arith.constant 0 : i32
        %dma_wait3A_303 = arith.constant 0 : i32
        %dma_wait3A_304 = tpu.memref_slice %arg14[%dma_wait3A_302, %dma_wait3A_303] : memref<10240x64xf32, #tpu.memory_space<vmem_shared>> -> memref<10240x64xf32, #tpu.memory_space<vmem_shared>>
        tpu.wait_indirect_dma semaphore(%run_scoped3A_292 : memref<!tpu.dma_semaphore, #tpu.memory_space<semaphore_mem>>) src(%arg10 : memref<80x64xf32, #tpu.memory_space<vmem>>) dst(%dma_wait3A_304 : memref<10240x64xf32, #tpu.memory_space<vmem_shared>>)
        tpu.yield
      }) : () -> ()
      %add3A_242 = arith.constant 2 : i32
      %add3A_243 = arith.addi %mul3A_191, %add3A_242 : i32
      %add3A_244 = arith.constant 5 : i32
      %add3A_245 = arith.addi %add3A_243, %add3A_244 : i32
      %dma_start3A_246 = arith.constant 0 : i32
      %dma_start3A_247 = tpu.memref_slice %arg6[%add3A_245, %dma_start3A_246] : memref<125x80xi32, #tpu.memory_space<vmem>> -> memref<1x80xi32, #tpu.memory_space<vmem>>
      %dma_start3A_248 = tpu.memref_squeeze %dma_start3A_247 : memref<1x80xi32, #tpu.memory_space<vmem>> -> memref<80xi32, #tpu.memory_space<vmem>>
      %dma_start3A_249 = arith.constant 0 : i32
      %dma_start3A_250 = arith.constant 0 : i32
      %dma_start3A_251 = tpu.memref_slice %arg2[%dma_start3A_249, %dma_start3A_250] : memref<20000x64xf32, #tpu.memory_space<hbm>> -> memref<20000x64xf32, #tpu.memory_space<hbm>>
      tpu.enqueue_indirect_dma source(%dma_start3A_251 : memref<20000x64xf32, #tpu.memory_space<hbm>>) target(%arg10 : memref<80x64xf32, #tpu.memory_space<vmem>>) offsets(%dma_start3A_248 : memref<80xi32, #tpu.memory_space<vmem>>) semaphore(%arg17 : memref<!tpu.dma_semaphore, #tpu.memory_space<semaphore_mem>>)
      %add3A_252 = arith.constant 3 : i32
      %add3A_253 = arith.addi %mul3A_191, %add3A_252 : i32
      %dma_wait3A_254 = arith.constant 0 : i32
      %dma_wait3A_255 = tpu.memref_slice %arg6[%add3A_253, %dma_wait3A_254] : memref<125x80xi32, #tpu.memory_space<vmem>> -> memref<1x80xi32, #tpu.memory_space<vmem>>
      %dma_wait3A_256 = tpu.memref_squeeze %dma_wait3A_255 : memref<1x80xi32, #tpu.memory_space<vmem>> -> memref<80xi32, #tpu.memory_space<vmem>>
      %dma_wait3A_257 = arith.constant 0 : i32
      %dma_wait3A_258 = arith.constant 0 : i32
      %dma_wait3A_259 = tpu.memref_slice %arg2[%dma_wait3A_257, %dma_wait3A_258] : memref<20000x64xf32, #tpu.memory_space<hbm>> -> memref<20000x64xf32, #tpu.memory_space<hbm>>
      tpu.wait_indirect_dma semaphore(%arg18 : memref<!tpu.dma_semaphore, #tpu.memory_space<semaphore_mem>>) src(%dma_wait3A_259 : memref<20000x64xf32, #tpu.memory_space<hbm>>) dst(%arg11 : memref<80x64xf32, #tpu.memory_space<vmem>>)
      %add3A_260 = arith.constant 3 : i32
      %add3A_261 = arith.addi %mul3A_191, %add3A_260 : i32
      "tpu.region"() ({
        %run_scoped3A_292 = tpu.sem_alloc : memref<!tpu.dma_semaphore, #tpu.memory_space<semaphore_mem>>
        %dma_start3A_293 = arith.constant 0 : i32
        %dma_start3A_294 = tpu.memref_slice %arg7[%add3A_261, %dma_start3A_293] : memref<125x80xi32, #tpu.memory_space<vmem>> -> memref<1x80xi32, #tpu.memory_space<vmem>>
        %dma_start3A_295 = tpu.memref_squeeze %dma_start3A_294 : memref<1x80xi32, #tpu.memory_space<vmem>> -> memref<80xi32, #tpu.memory_space<vmem>>
        %dma_start3A_296 = arith.constant 0 : i32
        %dma_start3A_297 = arith.constant 0 : i32
        %dma_start3A_298 = tpu.memref_slice %arg14[%dma_start3A_296, %dma_start3A_297] : memref<10240x64xf32, #tpu.memory_space<vmem_shared>> -> memref<10240x64xf32, #tpu.memory_space<vmem_shared>>
        tpu.enqueue_indirect_dma source(%arg11 : memref<80x64xf32, #tpu.memory_space<vmem>>) target(%dma_start3A_298 : memref<10240x64xf32, #tpu.memory_space<vmem_shared>>) offsets(%dma_start3A_295 : memref<80xi32, #tpu.memory_space<vmem>>) semaphore(%run_scoped3A_292 : memref<!tpu.dma_semaphore, #tpu.memory_space<semaphore_mem>>) {add = true}
        %dma_wait3A_299 = arith.constant 0 : i32
        %dma_wait3A_300 = tpu.memref_slice %arg7[%add3A_261, %dma_wait3A_299] : memref<125x80xi32, #tpu.memory_space<vmem>> -> memref<1x80xi32, #tpu.memory_space<vmem>>
        %dma_wait3A_301 = tpu.memref_squeeze %dma_wait3A_300 : memref<1x80xi32, #tpu.memory_space<vmem>> -> memref<80xi32, #tpu.memory_space<vmem>>
        %dma_wait3A_302 = arith.constant 0 : i32
        %dma_wait3A_303 = arith.constant 0 : i32
        %dma_wait3A_304 = tpu.memref_slice %arg14[%dma_wait3A_302, %dma_wait3A_303] : memref<10240x64xf32, #tpu.memory_space<vmem_shared>> -> memref<10240x64xf32, #tpu.memory_space<vmem_shared>>
        tpu.wait_indirect_dma semaphore(%run_scoped3A_292 : memref<!tpu.dma_semaphore, #tpu.memory_space<semaphore_mem>>) src(%arg11 : memref<80x64xf32, #tpu.memory_space<vmem>>) dst(%dma_wait3A_304 : memref<10240x64xf32, #tpu.memory_space<vmem_shared>>)
        tpu.yield
      }) : () -> ()
      %add3A_262 = arith.constant 3 : i32
      %add3A_263 = arith.addi %mul3A_191, %add3A_262 : i32
      %add3A_264 = arith.constant 5 : i32
      %add3A_265 = arith.addi %add3A_263, %add3A_264 : i32
      %dma_start3A_266 = arith.constant 0 : i32
      %dma_start3A_267 = tpu.memref_slice %arg6[%add3A_265, %dma_start3A_266] : memref<125x80xi32, #tpu.memory_space<vmem>> -> memref<1x80xi32, #tpu.memory_space<vmem>>
      %dma_start3A_268 = tpu.memref_squeeze %dma_start3A_267 : memref<1x80xi32, #tpu.memory_space<vmem>> -> memref<80xi32, #tpu.memory_space<vmem>>
      %dma_start3A_269 = arith.constant 0 : i32
      %dma_start3A_270 = arith.constant 0 : i32
      %dma_start3A_271 = tpu.memref_slice %arg2[%dma_start3A_269, %dma_start3A_270] : memref<20000x64xf32, #tpu.memory_space<hbm>> -> memref<20000x64xf32, #tpu.memory_space<hbm>>
      tpu.enqueue_indirect_dma source(%dma_start3A_271 : memref<20000x64xf32, #tpu.memory_space<hbm>>) target(%arg11 : memref<80x64xf32, #tpu.memory_space<vmem>>) offsets(%dma_start3A_268 : memref<80xi32, #tpu.memory_space<vmem>>) semaphore(%arg18 : memref<!tpu.dma_semaphore, #tpu.memory_space<semaphore_mem>>)
      %add3A_272 = arith.constant 4 : i32
      %add3A_273 = arith.addi %mul3A_191, %add3A_272 : i32
      %dma_wait3A_274 = arith.constant 0 : i32
      %dma_wait3A_275 = tpu.memref_slice %arg6[%add3A_273, %dma_wait3A_274] : memref<125x80xi32, #tpu.memory_space<vmem>> -> memref<1x80xi32, #tpu.memory_space<vmem>>
      %dma_wait3A_276 = tpu.memref_squeeze %dma_wait3A_275 : memref<1x80xi32, #tpu.memory_space<vmem>> -> memref<80xi32, #tpu.memory_space<vmem>>
      %dma_wait3A_277 = arith.constant 0 : i32
      %dma_wait3A_278 = arith.constant 0 : i32
      %dma_wait3A_279 = tpu.memref_slice %arg2[%dma_wait3A_277, %dma_wait3A_278] : memref<20000x64xf32, #tpu.memory_space<hbm>> -> memref<20000x64xf32, #tpu.memory_space<hbm>>
      tpu.wait_indirect_dma semaphore(%arg19 : memref<!tpu.dma_semaphore, #tpu.memory_space<semaphore_mem>>) src(%dma_wait3A_279 : memref<20000x64xf32, #tpu.memory_space<hbm>>) dst(%arg12 : memref<80x64xf32, #tpu.memory_space<vmem>>)
      %add3A_280 = arith.constant 4 : i32
      %add3A_281 = arith.addi %mul3A_191, %add3A_280 : i32
      "tpu.region"() ({
        %run_scoped3A_292 = tpu.sem_alloc : memref<!tpu.dma_semaphore, #tpu.memory_space<semaphore_mem>>
        %dma_start3A_293 = arith.constant 0 : i32
        %dma_start3A_294 = tpu.memref_slice %arg7[%add3A_281, %dma_start3A_293] : memref<125x80xi32, #tpu.memory_space<vmem>> -> memref<1x80xi32, #tpu.memory_space<vmem>>
        %dma_start3A_295 = tpu.memref_squeeze %dma_start3A_294 : memref<1x80xi32, #tpu.memory_space<vmem>> -> memref<80xi32, #tpu.memory_space<vmem>>
        %dma_start3A_296 = arith.constant 0 : i32
        %dma_start3A_297 = arith.constant 0 : i32
        %dma_start3A_298 = tpu.memref_slice %arg14[%dma_start3A_296, %dma_start3A_297] : memref<10240x64xf32, #tpu.memory_space<vmem_shared>> -> memref<10240x64xf32, #tpu.memory_space<vmem_shared>>
        tpu.enqueue_indirect_dma source(%arg12 : memref<80x64xf32, #tpu.memory_space<vmem>>) target(%dma_start3A_298 : memref<10240x64xf32, #tpu.memory_space<vmem_shared>>) offsets(%dma_start3A_295 : memref<80xi32, #tpu.memory_space<vmem>>) semaphore(%run_scoped3A_292 : memref<!tpu.dma_semaphore, #tpu.memory_space<semaphore_mem>>) {add = true}
        %dma_wait3A_299 = arith.constant 0 : i32
        %dma_wait3A_300 = tpu.memref_slice %arg7[%add3A_281, %dma_wait3A_299] : memref<125x80xi32, #tpu.memory_space<vmem>> -> memref<1x80xi32, #tpu.memory_space<vmem>>
        %dma_wait3A_301 = tpu.memref_squeeze %dma_wait3A_300 : memref<1x80xi32, #tpu.memory_space<vmem>> -> memref<80xi32, #tpu.memory_space<vmem>>
        %dma_wait3A_302 = arith.constant 0 : i32
        %dma_wait3A_303 = arith.constant 0 : i32
        %dma_wait3A_304 = tpu.memref_slice %arg14[%dma_wait3A_302, %dma_wait3A_303] : memref<10240x64xf32, #tpu.memory_space<vmem_shared>> -> memref<10240x64xf32, #tpu.memory_space<vmem_shared>>
        tpu.wait_indirect_dma semaphore(%run_scoped3A_292 : memref<!tpu.dma_semaphore, #tpu.memory_space<semaphore_mem>>) src(%arg12 : memref<80x64xf32, #tpu.memory_space<vmem>>) dst(%dma_wait3A_304 : memref<10240x64xf32, #tpu.memory_space<vmem_shared>>)
        tpu.yield
      }) : () -> ()
      %add3A_282 = arith.constant 4 : i32
      %add3A_283 = arith.addi %mul3A_191, %add3A_282 : i32
      %add3A_284 = arith.constant 5 : i32
      %add3A_285 = arith.addi %add3A_283, %add3A_284 : i32
      %dma_start3A_286 = arith.constant 0 : i32
      %dma_start3A_287 = tpu.memref_slice %arg6[%add3A_285, %dma_start3A_286] : memref<125x80xi32, #tpu.memory_space<vmem>> -> memref<1x80xi32, #tpu.memory_space<vmem>>
      %dma_start3A_288 = tpu.memref_squeeze %dma_start3A_287 : memref<1x80xi32, #tpu.memory_space<vmem>> -> memref<80xi32, #tpu.memory_space<vmem>>
      %dma_start3A_289 = arith.constant 0 : i32
      %dma_start3A_290 = arith.constant 0 : i32
      %dma_start3A_291 = tpu.memref_slice %arg2[%dma_start3A_289, %dma_start3A_290] : memref<20000x64xf32, #tpu.memory_space<hbm>> -> memref<20000x64xf32, #tpu.memory_space<hbm>>
      tpu.enqueue_indirect_dma source(%dma_start3A_291 : memref<20000x64xf32, #tpu.memory_space<hbm>>) target(%arg12 : memref<80x64xf32, #tpu.memory_space<vmem>>) offsets(%dma_start3A_288 : memref<80xi32, #tpu.memory_space<vmem>>) semaphore(%arg19 : memref<!tpu.dma_semaphore, #tpu.memory_space<semaphore_mem>>)
    }
    %scan3A_48 = arith.constant 24 : i32
    %dma_wait3A = arith.constant 120 : i32
    %dma_wait3A_49 = arith.constant 0 : i32
    %dma_wait3A_50 = tpu.memref_slice %arg6[%dma_wait3A, %dma_wait3A_49] : memref<125x80xi32, #tpu.memory_space<vmem>> -> memref<1x80xi32, #tpu.memory_space<vmem>>
    %dma_wait3A_51 = tpu.memref_squeeze %dma_wait3A_50 : memref<1x80xi32, #tpu.memory_space<vmem>> -> memref<80xi32, #tpu.memory_space<vmem>>
    %dma_wait3A_52 = arith.constant 0 : i32
    %dma_wait3A_53 = arith.constant 0 : i32
    %dma_wait3A_54 = tpu.memref_slice %arg2[%dma_wait3A_52, %dma_wait3A_53] : memref<20000x64xf32, #tpu.memory_space<hbm>> -> memref<20000x64xf32, #tpu.memory_space<hbm>>
    tpu.wait_indirect_dma semaphore(%arg15 : memref<!tpu.dma_semaphore, #tpu.memory_space<semaphore_mem>>) src(%dma_wait3A_54 : memref<20000x64xf32, #tpu.memory_space<hbm>>) dst(%arg8 : memref<80x64xf32, #tpu.memory_space<vmem>>)
    %run_scoped3A = arith.constant 120 : i32
    "tpu.region"() ({
      %run_scoped3A_185 = tpu.sem_alloc : memref<!tpu.dma_semaphore, #tpu.memory_space<semaphore_mem>>
      %dma_start3A_186 = arith.constant 0 : i32
      %dma_start3A_187 = tpu.memref_slice %arg7[%run_scoped3A, %dma_start3A_186] : memref<125x80xi32, #tpu.memory_space<vmem>> -> memref<1x80xi32, #tpu.memory_space<vmem>>
      %dma_start3A_188 = tpu.memref_squeeze %dma_start3A_187 : memref<1x80xi32, #tpu.memory_space<vmem>> -> memref<80xi32, #tpu.memory_space<vmem>>
      %dma_start3A_189 = arith.constant 0 : i32
      %dma_start3A_190 = arith.constant 0 : i32
      %dma_start3A_191 = tpu.memref_slice %arg14[%dma_start3A_189, %dma_start3A_190] : memref<10240x64xf32, #tpu.memory_space<vmem_shared>> -> memref<10240x64xf32, #tpu.memory_space<vmem_shared>>
      tpu.enqueue_indirect_dma source(%arg8 : memref<80x64xf32, #tpu.memory_space<vmem>>) target(%dma_start3A_191 : memref<10240x64xf32, #tpu.memory_space<vmem_shared>>) offsets(%dma_start3A_188 : memref<80xi32, #tpu.memory_space<vmem>>) semaphore(%run_scoped3A_185 : memref<!tpu.dma_semaphore, #tpu.memory_space<semaphore_mem>>) {add = true}
      %dma_wait3A_192 = arith.constant 0 : i32
      %dma_wait3A_193 = tpu.memref_slice %arg7[%run_scoped3A, %dma_wait3A_192] : memref<125x80xi32, #tpu.memory_space<vmem>> -> memref<1x80xi32, #tpu.memory_space<vmem>>
      %dma_wait3A_194 = tpu.memref_squeeze %dma_wait3A_193 : memref<1x80xi32, #tpu.memory_space<vmem>> -> memref<80xi32, #tpu.memory_space<vmem>>
      %dma_wait3A_195 = arith.constant 0 : i32
      %dma_wait3A_196 = arith.constant 0 : i32
      %dma_wait3A_197 = tpu.memref_slice %arg14[%dma_wait3A_195, %dma_wait3A_196] : memref<10240x64xf32, #tpu.memory_space<vmem_shared>> -> memref<10240x64xf32, #tpu.memory_space<vmem_shared>>
      tpu.wait_indirect_dma semaphore(%run_scoped3A_185 : memref<!tpu.dma_semaphore, #tpu.memory_space<semaphore_mem>>) src(%arg8 : memref<80x64xf32, #tpu.memory_space<vmem>>) dst(%dma_wait3A_197 : memref<10240x64xf32, #tpu.memory_space<vmem_shared>>)
      tpu.yield
    }) : () -> ()
    %dma_wait3A_55 = arith.constant 121 : i32
    %dma_wait3A_56 = arith.constant 0 : i32
    %dma_wait3A_57 = tpu.memref_slice %arg6[%dma_wait3A_55, %dma_wait3A_56] : memref<125x80xi32, #tpu.memory_space<vmem>> -> memref<1x80xi32, #tpu.memory_space<vmem>>
    %dma_wait3A_58 = tpu.memref_squeeze %dma_wait3A_57 : memref<1x80xi32, #tpu.memory_space<vmem>> -> memref<80xi32, #tpu.memory_space<vmem>>
    %dma_wait3A_59 = arith.constant 0 : i32
    %dma_wait3A_60 = arith.constant 0 : i32
    %dma_wait3A_61 = tpu.memref_slice %arg2[%dma_wait3A_59, %dma_wait3A_60] : memref<20000x64xf32, #tpu.memory_space<hbm>> -> memref<20000x64xf32, #tpu.memory_space<hbm>>
    tpu.wait_indirect_dma semaphore(%arg16 : memref<!tpu.dma_semaphore, #tpu.memory_space<semaphore_mem>>) src(%dma_wait3A_61 : memref<20000x64xf32, #tpu.memory_space<hbm>>) dst(%arg9 : memref<80x64xf32, #tpu.memory_space<vmem>>)
    %run_scoped3A_62 = arith.constant 121 : i32
    "tpu.region"() ({
      %run_scoped3A_185 = tpu.sem_alloc : memref<!tpu.dma_semaphore, #tpu.memory_space<semaphore_mem>>
      %dma_start3A_186 = arith.constant 0 : i32
      %dma_start3A_187 = tpu.memref_slice %arg7[%run_scoped3A_62, %dma_start3A_186] : memref<125x80xi32, #tpu.memory_space<vmem>> -> memref<1x80xi32, #tpu.memory_space<vmem>>
      %dma_start3A_188 = tpu.memref_squeeze %dma_start3A_187 : memref<1x80xi32, #tpu.memory_space<vmem>> -> memref<80xi32, #tpu.memory_space<vmem>>
      %dma_start3A_189 = arith.constant 0 : i32
      %dma_start3A_190 = arith.constant 0 : i32
      %dma_start3A_191 = tpu.memref_slice %arg14[%dma_start3A_189, %dma_start3A_190] : memref<10240x64xf32, #tpu.memory_space<vmem_shared>> -> memref<10240x64xf32, #tpu.memory_space<vmem_shared>>
      tpu.enqueue_indirect_dma source(%arg9 : memref<80x64xf32, #tpu.memory_space<vmem>>) target(%dma_start3A_191 : memref<10240x64xf32, #tpu.memory_space<vmem_shared>>) offsets(%dma_start3A_188 : memref<80xi32, #tpu.memory_space<vmem>>) semaphore(%run_scoped3A_185 : memref<!tpu.dma_semaphore, #tpu.memory_space<semaphore_mem>>) {add = true}
      %dma_wait3A_192 = arith.constant 0 : i32
      %dma_wait3A_193 = tpu.memref_slice %arg7[%run_scoped3A_62, %dma_wait3A_192] : memref<125x80xi32, #tpu.memory_space<vmem>> -> memref<1x80xi32, #tpu.memory_space<vmem>>
      %dma_wait3A_194 = tpu.memref_squeeze %dma_wait3A_193 : memref<1x80xi32, #tpu.memory_space<vmem>> -> memref<80xi32, #tpu.memory_space<vmem>>
      %dma_wait3A_195 = arith.constant 0 : i32
      %dma_wait3A_196 = arith.constant 0 : i32
      %dma_wait3A_197 = tpu.memref_slice %arg14[%dma_wait3A_195, %dma_wait3A_196] : memref<10240x64xf32, #tpu.memory_space<vmem_shared>> -> memref<10240x64xf32, #tpu.memory_space<vmem_shared>>
      tpu.wait_indirect_dma semaphore(%run_scoped3A_185 : memref<!tpu.dma_semaphore, #tpu.memory_space<semaphore_mem>>) src(%arg9 : memref<80x64xf32, #tpu.memory_space<vmem>>) dst(%dma_wait3A_197 : memref<10240x64xf32, #tpu.memory_space<vmem_shared>>)
      tpu.yield
    }) : () -> ()
    %dma_wait3A_63 = arith.constant 122 : i32
    %dma_wait3A_64 = arith.constant 0 : i32
    %dma_wait3A_65 = tpu.memref_slice %arg6[%dma_wait3A_63, %dma_wait3A_64] : memref<125x80xi32, #tpu.memory_space<vmem>> -> memref<1x80xi32, #tpu.memory_space<vmem>>
    %dma_wait3A_66 = tpu.memref_squeeze %dma_wait3A_65 : memref<1x80xi32, #tpu.memory_space<vmem>> -> memref<80xi32, #tpu.memory_space<vmem>>
    %dma_wait3A_67 = arith.constant 0 : i32
    %dma_wait3A_68 = arith.constant 0 : i32
    %dma_wait3A_69 = tpu.memref_slice %arg2[%dma_wait3A_67, %dma_wait3A_68] : memref<20000x64xf32, #tpu.memory_space<hbm>> -> memref<20000x64xf32, #tpu.memory_space<hbm>>
    tpu.wait_indirect_dma semaphore(%arg17 : memref<!tpu.dma_semaphore, #tpu.memory_space<semaphore_mem>>) src(%dma_wait3A_69 : memref<20000x64xf32, #tpu.memory_space<hbm>>) dst(%arg10 : memref<80x64xf32, #tpu.memory_space<vmem>>)
    %run_scoped3A_70 = arith.constant 122 : i32
    "tpu.region"() ({
      %run_scoped3A_185 = tpu.sem_alloc : memref<!tpu.dma_semaphore, #tpu.memory_space<semaphore_mem>>
      %dma_start3A_186 = arith.constant 0 : i32
      %dma_start3A_187 = tpu.memref_slice %arg7[%run_scoped3A_70, %dma_start3A_186] : memref<125x80xi32, #tpu.memory_space<vmem>> -> memref<1x80xi32, #tpu.memory_space<vmem>>
      %dma_start3A_188 = tpu.memref_squeeze %dma_start3A_187 : memref<1x80xi32, #tpu.memory_space<vmem>> -> memref<80xi32, #tpu.memory_space<vmem>>
      %dma_start3A_189 = arith.constant 0 : i32
      %dma_start3A_190 = arith.constant 0 : i32
      %dma_start3A_191 = tpu.memref_slice %arg14[%dma_start3A_189, %dma_start3A_190] : memref<10240x64xf32, #tpu.memory_space<vmem_shared>> -> memref<10240x64xf32, #tpu.memory_space<vmem_shared>>
      tpu.enqueue_indirect_dma source(%arg10 : memref<80x64xf32, #tpu.memory_space<vmem>>) target(%dma_start3A_191 : memref<10240x64xf32, #tpu.memory_space<vmem_shared>>) offsets(%dma_start3A_188 : memref<80xi32, #tpu.memory_space<vmem>>) semaphore(%run_scoped3A_185 : memref<!tpu.dma_semaphore, #tpu.memory_space<semaphore_mem>>) {add = true}
      %dma_wait3A_192 = arith.constant 0 : i32
      %dma_wait3A_193 = tpu.memref_slice %arg7[%run_scoped3A_70, %dma_wait3A_192] : memref<125x80xi32, #tpu.memory_space<vmem>> -> memref<1x80xi32, #tpu.memory_space<vmem>>
      %dma_wait3A_194 = tpu.memref_squeeze %dma_wait3A_193 : memref<1x80xi32, #tpu.memory_space<vmem>> -> memref<80xi32, #tpu.memory_space<vmem>>
      %dma_wait3A_195 = arith.constant 0 : i32
      %dma_wait3A_196 = arith.constant 0 : i32
      %dma_wait3A_197 = tpu.memref_slice %arg14[%dma_wait3A_195, %dma_wait3A_196] : memref<10240x64xf32, #tpu.memory_space<vmem_shared>> -> memref<10240x64xf32, #tpu.memory_space<vmem_shared>>
      tpu.wait_indirect_dma semaphore(%run_scoped3A_185 : memref<!tpu.dma_semaphore, #tpu.memory_space<semaphore_mem>>) src(%arg10 : memref<80x64xf32, #tpu.memory_space<vmem>>) dst(%dma_wait3A_197 : memref<10240x64xf32, #tpu.memory_space<vmem_shared>>)
      tpu.yield
    }) : () -> ()
    %dma_wait3A_71 = arith.constant 123 : i32
    %dma_wait3A_72 = arith.constant 0 : i32
    %dma_wait3A_73 = tpu.memref_slice %arg6[%dma_wait3A_71, %dma_wait3A_72] : memref<125x80xi32, #tpu.memory_space<vmem>> -> memref<1x80xi32, #tpu.memory_space<vmem>>
    %dma_wait3A_74 = tpu.memref_squeeze %dma_wait3A_73 : memref<1x80xi32, #tpu.memory_space<vmem>> -> memref<80xi32, #tpu.memory_space<vmem>>
    %dma_wait3A_75 = arith.constant 0 : i32
    %dma_wait3A_76 = arith.constant 0 : i32
    %dma_wait3A_77 = tpu.memref_slice %arg2[%dma_wait3A_75, %dma_wait3A_76] : memref<20000x64xf32, #tpu.memory_space<hbm>> -> memref<20000x64xf32, #tpu.memory_space<hbm>>
    tpu.wait_indirect_dma semaphore(%arg18 : memref<!tpu.dma_semaphore, #tpu.memory_space<semaphore_mem>>) src(%dma_wait3A_77 : memref<20000x64xf32, #tpu.memory_space<hbm>>) dst(%arg11 : memref<80x64xf32, #tpu.memory_space<vmem>>)
    %run_scoped3A_78 = arith.constant 123 : i32
    "tpu.region"() ({
      %run_scoped3A_185 = tpu.sem_alloc : memref<!tpu.dma_semaphore, #tpu.memory_space<semaphore_mem>>
      %dma_start3A_186 = arith.constant 0 : i32
      %dma_start3A_187 = tpu.memref_slice %arg7[%run_scoped3A_78, %dma_start3A_186] : memref<125x80xi32, #tpu.memory_space<vmem>> -> memref<1x80xi32, #tpu.memory_space<vmem>>
      %dma_start3A_188 = tpu.memref_squeeze %dma_start3A_187 : memref<1x80xi32, #tpu.memory_space<vmem>> -> memref<80xi32, #tpu.memory_space<vmem>>
      %dma_start3A_189 = arith.constant 0 : i32
      %dma_start3A_190 = arith.constant 0 : i32
      %dma_start3A_191 = tpu.memref_slice %arg14[%dma_start3A_189, %dma_start3A_190] : memref<10240x64xf32, #tpu.memory_space<vmem_shared>> -> memref<10240x64xf32, #tpu.memory_space<vmem_shared>>
      tpu.enqueue_indirect_dma source(%arg11 : memref<80x64xf32, #tpu.memory_space<vmem>>) target(%dma_start3A_191 : memref<10240x64xf32, #tpu.memory_space<vmem_shared>>) offsets(%dma_start3A_188 : memref<80xi32, #tpu.memory_space<vmem>>) semaphore(%run_scoped3A_185 : memref<!tpu.dma_semaphore, #tpu.memory_space<semaphore_mem>>) {add = true}
      %dma_wait3A_192 = arith.constant 0 : i32
      %dma_wait3A_193 = tpu.memref_slice %arg7[%run_scoped3A_78, %dma_wait3A_192] : memref<125x80xi32, #tpu.memory_space<vmem>> -> memref<1x80xi32, #tpu.memory_space<vmem>>
      %dma_wait3A_194 = tpu.memref_squeeze %dma_wait3A_193 : memref<1x80xi32, #tpu.memory_space<vmem>> -> memref<80xi32, #tpu.memory_space<vmem>>
      %dma_wait3A_195 = arith.constant 0 : i32
      %dma_wait3A_196 = arith.constant 0 : i32
      %dma_wait3A_197 = tpu.memref_slice %arg14[%dma_wait3A_195, %dma_wait3A_196] : memref<10240x64xf32, #tpu.memory_space<vmem_shared>> -> memref<10240x64xf32, #tpu.memory_space<vmem_shared>>
      tpu.wait_indirect_dma semaphore(%run_scoped3A_185 : memref<!tpu.dma_semaphore, #tpu.memory_space<semaphore_mem>>) src(%arg11 : memref<80x64xf32, #tpu.memory_space<vmem>>) dst(%dma_wait3A_197 : memref<10240x64xf32, #tpu.memory_space<vmem_shared>>)
      tpu.yield
    }) : () -> ()
    %dma_wait3A_79 = arith.constant 124 : i32
    %dma_wait3A_80 = arith.constant 0 : i32
    %dma_wait3A_81 = tpu.memref_slice %arg6[%dma_wait3A_79, %dma_wait3A_80] : memref<125x80xi32, #tpu.memory_space<vmem>> -> memref<1x80xi32, #tpu.memory_space<vmem>>
    %dma_wait3A_82 = tpu.memref_squeeze %dma_wait3A_81 : memref<1x80xi32, #tpu.memory_space<vmem>> -> memref<80xi32, #tpu.memory_space<vmem>>
    %dma_wait3A_83 = arith.constant 0 : i32
    %dma_wait3A_84 = arith.constant 0 : i32
    %dma_wait3A_85 = tpu.memref_slice %arg2[%dma_wait3A_83, %dma_wait3A_84] : memref<20000x64xf32, #tpu.memory_space<hbm>> -> memref<20000x64xf32, #tpu.memory_space<hbm>>
    tpu.wait_indirect_dma semaphore(%arg19 : memref<!tpu.dma_semaphore, #tpu.memory_space<semaphore_mem>>) src(%dma_wait3A_85 : memref<20000x64xf32, #tpu.memory_space<hbm>>) dst(%arg12 : memref<80x64xf32, #tpu.memory_space<vmem>>)
    %run_scoped3A_86 = arith.constant 124 : i32
    "tpu.region"() ({
      %run_scoped3A_185 = tpu.sem_alloc : memref<!tpu.dma_semaphore, #tpu.memory_space<semaphore_mem>>
      %dma_start3A_186 = arith.constant 0 : i32
      %dma_start3A_187 = tpu.memref_slice %arg7[%run_scoped3A_86, %dma_start3A_186] : memref<125x80xi32, #tpu.memory_space<vmem>> -> memref<1x80xi32, #tpu.memory_space<vmem>>
      %dma_start3A_188 = tpu.memref_squeeze %dma_start3A_187 : memref<1x80xi32, #tpu.memory_space<vmem>> -> memref<80xi32, #tpu.memory_space<vmem>>
      %dma_start3A_189 = arith.constant 0 : i32
      %dma_start3A_190 = arith.constant 0 : i32
      %dma_start3A_191 = tpu.memref_slice %arg14[%dma_start3A_189, %dma_start3A_190] : memref<10240x64xf32, #tpu.memory_space<vmem_shared>> -> memref<10240x64xf32, #tpu.memory_space<vmem_shared>>
      tpu.enqueue_indirect_dma source(%arg12 : memref<80x64xf32, #tpu.memory_space<vmem>>) target(%dma_start3A_191 : memref<10240x64xf32, #tpu.memory_space<vmem_shared>>) offsets(%dma_start3A_188 : memref<80xi32, #tpu.memory_space<vmem>>) semaphore(%run_scoped3A_185 : memref<!tpu.dma_semaphore, #tpu.memory_space<semaphore_mem>>) {add = true}
      %dma_wait3A_192 = arith.constant 0 : i32
      %dma_wait3A_193 = tpu.memref_slice %arg7[%run_scoped3A_86, %dma_wait3A_192] : memref<125x80xi32, #tpu.memory_space<vmem>> -> memref<1x80xi32, #tpu.memory_space<vmem>>
      %dma_wait3A_194 = tpu.memref_squeeze %dma_wait3A_193 : memref<1x80xi32, #tpu.memory_space<vmem>> -> memref<80xi32, #tpu.memory_space<vmem>>
      %dma_wait3A_195 = arith.constant 0 : i32
      %dma_wait3A_196 = arith.constant 0 : i32
      %dma_wait3A_197 = tpu.memref_slice %arg14[%dma_wait3A_195, %dma_wait3A_196] : memref<10240x64xf32, #tpu.memory_space<vmem_shared>> -> memref<10240x64xf32, #tpu.memory_space<vmem_shared>>
      tpu.wait_indirect_dma semaphore(%run_scoped3A_185 : memref<!tpu.dma_semaphore, #tpu.memory_space<semaphore_mem>>) src(%arg12 : memref<80x64xf32, #tpu.memory_space<vmem>>) dst(%dma_wait3A_197 : memref<10240x64xf32, #tpu.memory_space<vmem_shared>>)
      tpu.yield
    }) : () -> ()
    %barrier3A_87 = arith.constant 0 : index
    tpu.barrier barrier_id(%barrier3A_87)
    %mul3A_88 = arith.constant 640 : i32
    %mul3A_89 = arith.muli %arg1, %mul3A_88 : i32
    %mul3A_90 = arith.constant 640 : i32
    %mul3A_91 = arith.muli %arg1, %mul3A_90 : i32
    "tpu.region"() ({
      %run_scoped3A_185 = tpu.sem_alloc : memref<!tpu.dma_semaphore, #tpu.memory_space<semaphore_mem>>
      %dma_start3A_186 = arith.constant 0 : i32
      %dma_start3A_187 = tpu.memref_slice %arg5[%arg0, %mul3A_91, %dma_start3A_186] : memref<2x10240x128xf32, #tpu.memory_space<hbm>> -> memref<1x640x64xf32, #tpu.memory_space<hbm>>
      %dma_start3A_188 = tpu.memref_squeeze %dma_start3A_187 : memref<1x640x64xf32, #tpu.memory_space<hbm>> -> memref<640x64xf32, #tpu.memory_space<hbm>>
      %dma_start3A_189 = arith.constant 0 : i32
      %dma_start3A_190 = tpu.memref_slice %arg14[%mul3A_89, %dma_start3A_189] : memref<10240x64xf32, #tpu.memory_space<vmem_shared>> -> memref<640x64xf32, #tpu.memory_space<vmem_shared>>
      tpu.enqueue_dma source(%dma_start3A_190 : memref<640x64xf32, #tpu.memory_space<vmem_shared>>) target(%dma_start3A_188 : memref<640x64xf32, #tpu.memory_space<hbm>>) target_semaphore(%run_scoped3A_185 : memref<!tpu.dma_semaphore, #tpu.memory_space<semaphore_mem>>)
      %dma_wait3A_191 = arith.constant 0 : i32
      %dma_wait3A_192 = tpu.memref_slice %arg5[%arg0, %mul3A_91, %dma_wait3A_191] : memref<2x10240x128xf32, #tpu.memory_space<hbm>> -> memref<1x640x64xf32, #tpu.memory_space<hbm>>
      %dma_wait3A_193 = tpu.memref_squeeze %dma_wait3A_192 : memref<1x640x64xf32, #tpu.memory_space<hbm>> -> memref<640x64xf32, #tpu.memory_space<hbm>>
      %dma_wait3A_194 = arith.constant 0 : i32
      %dma_wait3A_195 = tpu.memref_slice %arg14[%mul3A_89, %dma_wait3A_194] : memref<10240x64xf32, #tpu.memory_space<vmem_shared>> -> memref<640x64xf32, #tpu.memory_space<vmem_shared>>
      tpu.wait_dma2 semaphore(%run_scoped3A_185 : memref<!tpu.dma_semaphore, #tpu.memory_space<semaphore_mem>>) src(%dma_wait3A_195 : memref<640x64xf32, #tpu.memory_space<vmem_shared>>) dst(%dma_wait3A_193 : memref<640x64xf32, #tpu.memory_space<hbm>>)
      tpu.yield
    }) : () -> ()
    %scan3A_92 = arith.constant 0 : i32
    %scan3A_93 = arith.constant 125 : i32
    %scan3A_94 = arith.addi %scan3A_92, %scan3A_93 : i32
    %scan3A_95 = arith.constant 1 : i32
    scf.for %scan3A_185 = %scan3A_92 to %scan3A_94 step %scan3A_95  : i32 {
      %mul3A_186 = arith.constant 1 : i32
      %mul3A_187 = arith.muli %scan3A_185, %mul3A_186 : i32
      %add3A_188 = arith.constant 0 : i32
      %add3A_189 = arith.addi %add3A_188, %mul3A_187 : i32
      %scan3A_190 = arith.constant 0 : i32
      %scan3A_191 = arith.constant 5 : i32
      %scan3A_192 = arith.addi %scan3A_190, %scan3A_191 : i32
      %scan3A_193 = arith.constant 1 : i32
      scf.for %scan3A_195 = %scan3A_190 to %scan3A_192 step %scan3A_193  : i32 {
        %mul3A_196 = arith.constant 16 : i32
        %mul3A_197 = arith.muli %scan3A_195, %mul3A_196 : i32
        %add3A_198 = arith.constant 0 : i32
        %add3A_199 = arith.addi %add3A_198, %mul3A_197 : i32
        %get3A = arith.index_cast %add3A_189 : i32 to index
        %get3A_200 = arith.index_cast %add3A_199 : i32 to index
        %get3A_201 = tpu.vector_load %arg6[%get3A, %get3A_200] {strides = array<i32>} : memref<125x80xi32, #tpu.memory_space<vmem>>, vector<1x16xi32>,
        %get3A_202 = vector.shape_cast %get3A_201 : vector<1x16xi32> to vector<16xi32>
        %add3A_203 = arith.addi %get3A_202, %broadcast_in_dim3A_7 : vector<16xi32>
        %swap3A = arith.index_cast %add3A_189 : i32 to index
        %swap3A_204 = arith.index_cast %add3A_199 : i32 to index
        %swap3A_205 = tpu.vector_load %arg6[%swap3A, %swap3A_204] {strides = array<i32>} : memref<125x80xi32, #tpu.memory_space<vmem>>, vector<1x16xi32>,
        %swap3A_206 = vector.shape_cast %swap3A_205 : vector<1x16xi32> to vector<16xi32>
        %swap3A_207 = vector.shape_cast %add3A_203 : vector<16xi32> to vector<1x16xi32>
        tpu.vector_store %arg6[%swap3A, %swap3A_204], %swap3A_207 {strides = array<i32>} : memref<125x80xi32, #tpu.memory_space<vmem>>, vector<1x16xi32>,
      }
      %scan3A_194 = arith.constant 5 : i32
    }
    %scan3A_96 = arith.constant 125 : i32
    %mul3A_97 = arith.constant 640 : i32
    %mul3A_98 = arith.muli %arg1, %mul3A_97 : i32
    "tpu.region"() ({
      %run_scoped3A_185 = tpu.sem_alloc : memref<!tpu.dma_semaphore, #tpu.memory_space<semaphore_mem>>
      %dma_start3A_186 = arith.constant 0 : i32
      %dma_start3A_187 = tpu.memref_slice %arg14[%mul3A_98, %dma_start3A_186] : memref<10240x64xf32, #tpu.memory_space<vmem_shared>> -> memref<640x64xf32, #tpu.memory_space<vmem_shared>>
      %dma_start3A_188 = arith.constant 0 : i32
      %dma_start3A_189 = tpu.memref_slice %arg14[%mul3A_98, %dma_start3A_188] : memref<10240x64xf32, #tpu.memory_space<vmem_shared>> -> memref<640x64xf32, #tpu.memory_space<vmem_shared>>
      tpu.enqueue_dma source(%arg13 : memref<640x64xf32, #tpu.memory_space<vmem>>) target(%dma_start3A_189 : memref<640x64xf32, #tpu.memory_space<vmem_shared>>) target_semaphore(%run_scoped3A_185 : memref<!tpu.dma_semaphore, #tpu.memory_space<semaphore_mem>>)
      %dma_wait3A_190 = arith.constant 0 : i32
      %dma_wait3A_191 = tpu.memref_slice %arg14[%mul3A_98, %dma_wait3A_190] : memref<10240x64xf32, #tpu.memory_space<vmem_shared>> -> memref<640x64xf32, #tpu.memory_space<vmem_shared>>
      %dma_wait3A_192 = arith.constant 0 : i32
      %dma_wait3A_193 = tpu.memref_slice %arg14[%mul3A_98, %dma_wait3A_192] : memref<10240x64xf32, #tpu.memory_space<vmem_shared>> -> memref<640x64xf32, #tpu.memory_space<vmem_shared>>
      tpu.wait_dma2 semaphore(%run_scoped3A_185 : memref<!tpu.dma_semaphore, #tpu.memory_space<semaphore_mem>>) src(%arg13 : memref<640x64xf32, #tpu.memory_space<vmem>>) dst(%dma_wait3A_193 : memref<640x64xf32, #tpu.memory_space<vmem_shared>>)
      tpu.yield
    }) : () -> ()
    %barrier3A_99 = arith.constant 0 : index
    tpu.barrier barrier_id(%barrier3A_99)
    %dma_start3A_100 = arith.constant 0 : i32
    %dma_start3A_101 = arith.constant 0 : i32
    %dma_start3A_102 = tpu.memref_slice %arg6[%dma_start3A_100, %dma_start3A_101] : memref<125x80xi32, #tpu.memory_space<vmem>> -> memref<1x80xi32, #tpu.memory_space<vmem>>
    %dma_start3A_103 = tpu.memref_squeeze %dma_start3A_102 : memref<1x80xi32, #tpu.memory_space<vmem>> -> memref<80xi32, #tpu.memory_space<vmem>>
    %dma_start3A_104 = arith.constant 0 : i32
    %dma_start3A_105 = arith.constant 0 : i32
    %dma_start3A_106 = tpu.memref_slice %arg2[%dma_start3A_104, %dma_start3A_105] : memref<20000x64xf32, #tpu.memory_space<hbm>> -> memref<20000x64xf32, #tpu.memory_space<hbm>>
    tpu.enqueue_indirect_dma source(%dma_start3A_106 : memref<20000x64xf32, #tpu.memory_space<hbm>>) target(%arg8 : memref<80x64xf32, #tpu.memory_space<vmem>>) offsets(%dma_start3A_103 : memref<80xi32, #tpu.memory_space<vmem>>) semaphore(%arg15 : memref<!tpu.dma_semaphore, #tpu.memory_space<semaphore_mem>>)
    %dma_start3A_107 = arith.constant 1 : i32
    %dma_start3A_108 = arith.constant 0 : i32
    %dma_start3A_109 = tpu.memref_slice %arg6[%dma_start3A_107, %dma_start3A_108] : memref<125x80xi32, #tpu.memory_space<vmem>> -> memref<1x80xi32, #tpu.memory_space<vmem>>
    %dma_start3A_110 = tpu.memref_squeeze %dma_start3A_109 : memref<1x80xi32, #tpu.memory_space<vmem>> -> memref<80xi32, #tpu.memory_space<vmem>>
    %dma_start3A_111 = arith.constant 0 : i32
    %dma_start3A_112 = arith.constant 0 : i32
    %dma_start3A_113 = tpu.memref_slice %arg2[%dma_start3A_111, %dma_start3A_112] : memref<20000x64xf32, #tpu.memory_space<hbm>> -> memref<20000x64xf32, #tpu.memory_space<hbm>>
    tpu.enqueue_indirect_dma source(%dma_start3A_113 : memref<20000x64xf32, #tpu.memory_space<hbm>>) target(%arg9 : memref<80x64xf32, #tpu.memory_space<vmem>>) offsets(%dma_start3A_110 : memref<80xi32, #tpu.memory_space<vmem>>) semaphore(%arg16 : memref<!tpu.dma_semaphore, #tpu.memory_space<semaphore_mem>>)
    %dma_start3A_114 = arith.constant 2 : i32
    %dma_start3A_115 = arith.constant 0 : i32
    %dma_start3A_116 = tpu.memref_slice %arg6[%dma_start3A_114, %dma_start3A_115] : memref<125x80xi32, #tpu.memory_space<vmem>> -> memref<1x80xi32, #tpu.memory_space<vmem>>
    %dma_start3A_117 = tpu.memref_squeeze %dma_start3A_116 : memref<1x80xi32, #tpu.memory_space<vmem>> -> memref<80xi32, #tpu.memory_space<vmem>>
    %dma_start3A_118 = arith.constant 0 : i32
    %dma_start3A_119 = arith.constant 0 : i32
    %dma_start3A_120 = tpu.memref_slice %arg2[%dma_start3A_118, %dma_start3A_119] : memref<20000x64xf32, #tpu.memory_space<hbm>> -> memref<20000x64xf32, #tpu.memory_space<hbm>>
    tpu.enqueue_indirect_dma source(%dma_start3A_120 : memref<20000x64xf32, #tpu.memory_space<hbm>>) target(%arg10 : memref<80x64xf32, #tpu.memory_space<vmem>>) offsets(%dma_start3A_117 : memref<80xi32, #tpu.memory_space<vmem>>) semaphore(%arg17 : memref<!tpu.dma_semaphore, #tpu.memory_space<semaphore_mem>>)
    %dma_start3A_121 = arith.constant 3 : i32
    %dma_start3A_122 = arith.constant 0 : i32
    %dma_start3A_123 = tpu.memref_slice %arg6[%dma_start3A_121, %dma_start3A_122] : memref<125x80xi32, #tpu.memory_space<vmem>> -> memref<1x80xi32, #tpu.memory_space<vmem>>
    %dma_start3A_124 = tpu.memref_squeeze %dma_start3A_123 : memref<1x80xi32, #tpu.memory_space<vmem>> -> memref<80xi32, #tpu.memory_space<vmem>>
    %dma_start3A_125 = arith.constant 0 : i32
    %dma_start3A_126 = arith.constant 0 : i32
    %dma_start3A_127 = tpu.memref_slice %arg2[%dma_start3A_125, %dma_start3A_126] : memref<20000x64xf32, #tpu.memory_space<hbm>> -> memref<20000x64xf32, #tpu.memory_space<hbm>>
    tpu.enqueue_indirect_dma source(%dma_start3A_127 : memref<20000x64xf32, #tpu.memory_space<hbm>>) target(%arg11 : memref<80x64xf32, #tpu.memory_space<vmem>>) offsets(%dma_start3A_124 : memref<80xi32, #tpu.memory_space<vmem>>) semaphore(%arg18 : memref<!tpu.dma_semaphore, #tpu.memory_space<semaphore_mem>>)
    %dma_start3A_128 = arith.constant 4 : i32
    %dma_start3A_129 = arith.constant 0 : i32
    %dma_start3A_130 = tpu.memref_slice %arg6[%dma_start3A_128, %dma_start3A_129] : memref<125x80xi32, #tpu.memory_space<vmem>> -> memref<1x80xi32, #tpu.memory_space<vmem>>
    %dma_start3A_131 = tpu.memref_squeeze %dma_start3A_130 : memref<1x80xi32, #tpu.memory_space<vmem>> -> memref<80xi32, #tpu.memory_space<vmem>>
    %dma_start3A_132 = arith.constant 0 : i32
    %dma_start3A_133 = arith.constant 0 : i32
    %dma_start3A_134 = tpu.memref_slice %arg2[%dma_start3A_132, %dma_start3A_133] : memref<20000x64xf32, #tpu.memory_space<hbm>> -> memref<20000x64xf32, #tpu.memory_space<hbm>>
    tpu.enqueue_indirect_dma source(%dma_start3A_134 : memref<20000x64xf32, #tpu.memory_space<hbm>>) target(%arg12 : memref<80x64xf32, #tpu.memory_space<vmem>>) offsets(%dma_start3A_131 : memref<80xi32, #tpu.memory_space<vmem>>) semaphore(%arg19 : memref<!tpu.dma_semaphore, #tpu.memory_space<semaphore_mem>>)
    %scan3A_135 = arith.constant 0 : i32
    %scan3A_136 = arith.constant 24 : i32
    %scan3A_137 = arith.addi %scan3A_135, %scan3A_136 : i32
    %scan3A_138 = arith.constant 1 : i32
    scf.for %scan3A_185 = %scan3A_135 to %scan3A_137 step %scan3A_138  : i32 {
      %mul3A_186 = arith.constant 1 : i32
      %mul3A_187 = arith.muli %scan3A_185, %mul3A_186 : i32
      %add3A_188 = arith.constant 0 : i32
      %add3A_189 = arith.addi %add3A_188, %mul3A_187 : i32
      %mul3A_190 = arith.constant 5 : i32
      %mul3A_191 = arith.muli %mul3A_190, %add3A_189 : i32
      %add3A_192 = arith.constant 0 : i32
      %add3A_193 = arith.addi %mul3A_191, %add3A_192 : i32
      %dma_wait3A_194 = arith.constant 0 : i32
      %dma_wait3A_195 = tpu.memref_slice %arg6[%add3A_193, %dma_wait3A_194] : memref<125x80xi32, #tpu.memory_space<vmem>> -> memref<1x80xi32, #tpu.memory_space<vmem>>
      %dma_wait3A_196 = tpu.memref_squeeze %dma_wait3A_195 : memref<1x80xi32, #tpu.memory_space<vmem>> -> memref<80xi32, #tpu.memory_space<vmem>>
      %dma_wait3A_197 = arith.constant 0 : i32
      %dma_wait3A_198 = arith.constant 0 : i32
      %dma_wait3A_199 = tpu.memref_slice %arg2[%dma_wait3A_197, %dma_wait3A_198] : memref<20000x64xf32, #tpu.memory_space<hbm>> -> memref<20000x64xf32, #tpu.memory_space<hbm>>
      tpu.wait_indirect_dma semaphore(%arg15 : memref<!tpu.dma_semaphore, #tpu.memory_space<semaphore_mem>>) src(%dma_wait3A_199 : memref<20000x64xf32, #tpu.memory_space<hbm>>) dst(%arg8 : memref<80x64xf32, #tpu.memory_space<vmem>>)
      %add3A_200 = arith.constant 0 : i32
      %add3A_201 = arith.addi %mul3A_191, %add3A_200 : i32
      "tpu.region"() ({
        %run_scoped3A_292 = tpu.sem_alloc : memref<!tpu.dma_semaphore, #tpu.memory_space<semaphore_mem>>
        %dma_start3A_293 = arith.constant 0 : i32
        %dma_start3A_294 = tpu.memref_slice %arg7[%add3A_201, %dma_start3A_293] : memref<125x80xi32, #tpu.memory_space<vmem>> -> memref<1x80xi32, #tpu.memory_space<vmem>>
        %dma_start3A_295 = tpu.memref_squeeze %dma_start3A_294 : memref<1x80xi32, #tpu.memory_space<vmem>> -> memref<80xi32, #tpu.memory_space<vmem>>
        %dma_start3A_296 = arith.constant 0 : i32
        %dma_start3A_297 = arith.constant 0 : i32
        %dma_start3A_298 = tpu.memref_slice %arg14[%dma_start3A_296, %dma_start3A_297] : memref<10240x64xf32, #tpu.memory_space<vmem_shared>> -> memref<10240x64xf32, #tpu.memory_space<vmem_shared>>
        tpu.enqueue_indirect_dma source(%arg8 : memref<80x64xf32, #tpu.memory_space<vmem>>) target(%dma_start3A_298 : memref<10240x64xf32, #tpu.memory_space<vmem_shared>>) offsets(%dma_start3A_295 : memref<80xi32, #tpu.memory_space<vmem>>) semaphore(%run_scoped3A_292 : memref<!tpu.dma_semaphore, #tpu.memory_space<semaphore_mem>>) {add = true}
        %dma_wait3A_299 = arith.constant 0 : i32
        %dma_wait3A_300 = tpu.memref_slice %arg7[%add3A_201, %dma_wait3A_299] : memref<125x80xi32, #tpu.memory_space<vmem>> -> memref<1x80xi32, #tpu.memory_space<vmem>>
        %dma_wait3A_301 = tpu.memref_squeeze %dma_wait3A_300 : memref<1x80xi32, #tpu.memory_space<vmem>> -> memref<80xi32, #tpu.memory_space<vmem>>
        %dma_wait3A_302 = arith.constant 0 : i32
        %dma_wait3A_303 = arith.constant 0 : i32
        %dma_wait3A_304 = tpu.memref_slice %arg14[%dma_wait3A_302, %dma_wait3A_303] : memref<10240x64xf32, #tpu.memory_space<vmem_shared>> -> memref<10240x64xf32, #tpu.memory_space<vmem_shared>>
        tpu.wait_indirect_dma semaphore(%run_scoped3A_292 : memref<!tpu.dma_semaphore, #tpu.memory_space<semaphore_mem>>) src(%arg8 : memref<80x64xf32, #tpu.memory_space<vmem>>) dst(%dma_wait3A_304 : memref<10240x64xf32, #tpu.memory_space<vmem_shared>>)
        tpu.yield
      }) : () -> ()
      %add3A_202 = arith.constant 0 : i32
      %add3A_203 = arith.addi %mul3A_191, %add3A_202 : i32
      %add3A_204 = arith.constant 5 : i32
      %add3A_205 = arith.addi %add3A_203, %add3A_204 : i32
      %dma_start3A_206 = arith.constant 0 : i32
      %dma_start3A_207 = tpu.memref_slice %arg6[%add3A_205, %dma_start3A_206] : memref<125x80xi32, #tpu.memory_space<vmem>> -> memref<1x80xi32, #tpu.memory_space<vmem>>
      %dma_start3A_208 = tpu.memref_squeeze %dma_start3A_207 : memref<1x80xi32, #tpu.memory_space<vmem>> -> memref<80xi32, #tpu.memory_space<vmem>>
      %dma_start3A_209 = arith.constant 0 : i32
      %dma_start3A_210 = arith.constant 0 : i32
      %dma_start3A_211 = tpu.memref_slice %arg2[%dma_start3A_209, %dma_start3A_210] : memref<20000x64xf32, #tpu.memory_space<hbm>> -> memref<20000x64xf32, #tpu.memory_space<hbm>>
      tpu.enqueue_indirect_dma source(%dma_start3A_211 : memref<20000x64xf32, #tpu.memory_space<hbm>>) target(%arg8 : memref<80x64xf32, #tpu.memory_space<vmem>>) offsets(%dma_start3A_208 : memref<80xi32, #tpu.memory_space<vmem>>) semaphore(%arg15 : memref<!tpu.dma_semaphore, #tpu.memory_space<semaphore_mem>>)
      %add3A_212 = arith.constant 1 : i32
      %add3A_213 = arith.addi %mul3A_191, %add3A_212 : i32
      %dma_wait3A_214 = arith.constant 0 : i32
      %dma_wait3A_215 = tpu.memref_slice %arg6[%add3A_213, %dma_wait3A_214] : memref<125x80xi32, #tpu.memory_space<vmem>> -> memref<1x80xi32, #tpu.memory_space<vmem>>
      %dma_wait3A_216 = tpu.memref_squeeze %dma_wait3A_215 : memref<1x80xi32, #tpu.memory_space<vmem>> -> memref<80xi32, #tpu.memory_space<vmem>>
      %dma_wait3A_217 = arith.constant 0 : i32
      %dma_wait3A_218 = arith.constant 0 : i32
      %dma_wait3A_219 = tpu.memref_slice %arg2[%dma_wait3A_217, %dma_wait3A_218] : memref<20000x64xf32, #tpu.memory_space<hbm>> -> memref<20000x64xf32, #tpu.memory_space<hbm>>
      tpu.wait_indirect_dma semaphore(%arg16 : memref<!tpu.dma_semaphore, #tpu.memory_space<semaphore_mem>>) src(%dma_wait3A_219 : memref<20000x64xf32, #tpu.memory_space<hbm>>) dst(%arg9 : memref<80x64xf32, #tpu.memory_space<vmem>>)
      %add3A_220 = arith.constant 1 : i32
      %add3A_221 = arith.addi %mul3A_191, %add3A_220 : i32
      "tpu.region"() ({
        %run_scoped3A_292 = tpu.sem_alloc : memref<!tpu.dma_semaphore, #tpu.memory_space<semaphore_mem>>
        %dma_start3A_293 = arith.constant 0 : i32
        %dma_start3A_294 = tpu.memref_slice %arg7[%add3A_221, %dma_start3A_293] : memref<125x80xi32, #tpu.memory_space<vmem>> -> memref<1x80xi32, #tpu.memory_space<vmem>>
        %dma_start3A_295 = tpu.memref_squeeze %dma_start3A_294 : memref<1x80xi32, #tpu.memory_space<vmem>> -> memref<80xi32, #tpu.memory_space<vmem>>
        %dma_start3A_296 = arith.constant 0 : i32
        %dma_start3A_297 = arith.constant 0 : i32
        %dma_start3A_298 = tpu.memref_slice %arg14[%dma_start3A_296, %dma_start3A_297] : memref<10240x64xf32, #tpu.memory_space<vmem_shared>> -> memref<10240x64xf32, #tpu.memory_space<vmem_shared>>
        tpu.enqueue_indirect_dma source(%arg9 : memref<80x64xf32, #tpu.memory_space<vmem>>) target(%dma_start3A_298 : memref<10240x64xf32, #tpu.memory_space<vmem_shared>>) offsets(%dma_start3A_295 : memref<80xi32, #tpu.memory_space<vmem>>) semaphore(%run_scoped3A_292 : memref<!tpu.dma_semaphore, #tpu.memory_space<semaphore_mem>>) {add = true}
        %dma_wait3A_299 = arith.constant 0 : i32
        %dma_wait3A_300 = tpu.memref_slice %arg7[%add3A_221, %dma_wait3A_299] : memref<125x80xi32, #tpu.memory_space<vmem>> -> memref<1x80xi32, #tpu.memory_space<vmem>>
        %dma_wait3A_301 = tpu.memref_squeeze %dma_wait3A_300 : memref<1x80xi32, #tpu.memory_space<vmem>> -> memref<80xi32, #tpu.memory_space<vmem>>
        %dma_wait3A_302 = arith.constant 0 : i32
        %dma_wait3A_303 = arith.constant 0 : i32
        %dma_wait3A_304 = tpu.memref_slice %arg14[%dma_wait3A_302, %dma_wait3A_303] : memref<10240x64xf32, #tpu.memory_space<vmem_shared>> -> memref<10240x64xf32, #tpu.memory_space<vmem_shared>>
        tpu.wait_indirect_dma semaphore(%run_scoped3A_292 : memref<!tpu.dma_semaphore, #tpu.memory_space<semaphore_mem>>) src(%arg9 : memref<80x64xf32, #tpu.memory_space<vmem>>) dst(%dma_wait3A_304 : memref<10240x64xf32, #tpu.memory_space<vmem_shared>>)
        tpu.yield
      }) : () -> ()
      %add3A_222 = arith.constant 1 : i32
      %add3A_223 = arith.addi %mul3A_191, %add3A_222 : i32
      %add3A_224 = arith.constant 5 : i32
      %add3A_225 = arith.addi %add3A_223, %add3A_224 : i32
      %dma_start3A_226 = arith.constant 0 : i32
      %dma_start3A_227 = tpu.memref_slice %arg6[%add3A_225, %dma_start3A_226] : memref<125x80xi32, #tpu.memory_space<vmem>> -> memref<1x80xi32, #tpu.memory_space<vmem>>
      %dma_start3A_228 = tpu.memref_squeeze %dma_start3A_227 : memref<1x80xi32, #tpu.memory_space<vmem>> -> memref<80xi32, #tpu.memory_space<vmem>>
      %dma_start3A_229 = arith.constant 0 : i32
      %dma_start3A_230 = arith.constant 0 : i32
      %dma_start3A_231 = tpu.memref_slice %arg2[%dma_start3A_229, %dma_start3A_230] : memref<20000x64xf32, #tpu.memory_space<hbm>> -> memref<20000x64xf32, #tpu.memory_space<hbm>>
      tpu.enqueue_indirect_dma source(%dma_start3A_231 : memref<20000x64xf32, #tpu.memory_space<hbm>>) target(%arg9 : memref<80x64xf32, #tpu.memory_space<vmem>>) offsets(%dma_start3A_228 : memref<80xi32, #tpu.memory_space<vmem>>) semaphore(%arg16 : memref<!tpu.dma_semaphore, #tpu.memory_space<semaphore_mem>>)
      %add3A_232 = arith.constant 2 : i32
      %add3A_233 = arith.addi %mul3A_191, %add3A_232 : i32
      %dma_wait3A_234 = arith.constant 0 : i32
      %dma_wait3A_235 = tpu.memref_slice %arg6[%add3A_233, %dma_wait3A_234] : memref<125x80xi32, #tpu.memory_space<vmem>> -> memref<1x80xi32, #tpu.memory_space<vmem>>
      %dma_wait3A_236 = tpu.memref_squeeze %dma_wait3A_235 : memref<1x80xi32, #tpu.memory_space<vmem>> -> memref<80xi32, #tpu.memory_space<vmem>>
      %dma_wait3A_237 = arith.constant 0 : i32
      %dma_wait3A_238 = arith.constant 0 : i32
      %dma_wait3A_239 = tpu.memref_slice %arg2[%dma_wait3A_237, %dma_wait3A_238] : memref<20000x64xf32, #tpu.memory_space<hbm>> -> memref<20000x64xf32, #tpu.memory_space<hbm>>
      tpu.wait_indirect_dma semaphore(%arg17 : memref<!tpu.dma_semaphore, #tpu.memory_space<semaphore_mem>>) src(%dma_wait3A_239 : memref<20000x64xf32, #tpu.memory_space<hbm>>) dst(%arg10 : memref<80x64xf32, #tpu.memory_space<vmem>>)
      %add3A_240 = arith.constant 2 : i32
      %add3A_241 = arith.addi %mul3A_191, %add3A_240 : i32
      "tpu.region"() ({
        %run_scoped3A_292 = tpu.sem_alloc : memref<!tpu.dma_semaphore, #tpu.memory_space<semaphore_mem>>
        %dma_start3A_293 = arith.constant 0 : i32
        %dma_start3A_294 = tpu.memref_slice %arg7[%add3A_241, %dma_start3A_293] : memref<125x80xi32, #tpu.memory_space<vmem>> -> memref<1x80xi32, #tpu.memory_space<vmem>>
        %dma_start3A_295 = tpu.memref_squeeze %dma_start3A_294 : memref<1x80xi32, #tpu.memory_space<vmem>> -> memref<80xi32, #tpu.memory_space<vmem>>
        %dma_start3A_296 = arith.constant 0 : i32
        %dma_start3A_297 = arith.constant 0 : i32
        %dma_start3A_298 = tpu.memref_slice %arg14[%dma_start3A_296, %dma_start3A_297] : memref<10240x64xf32, #tpu.memory_space<vmem_shared>> -> memref<10240x64xf32, #tpu.memory_space<vmem_shared>>
        tpu.enqueue_indirect_dma source(%arg10 : memref<80x64xf32, #tpu.memory_space<vmem>>) target(%dma_start3A_298 : memref<10240x64xf32, #tpu.memory_space<vmem_shared>>) offsets(%dma_start3A_295 : memref<80xi32, #tpu.memory_space<vmem>>) semaphore(%run_scoped3A_292 : memref<!tpu.dma_semaphore, #tpu.memory_space<semaphore_mem>>) {add = true}
        %dma_wait3A_299 = arith.constant 0 : i32
        %dma_wait3A_300 = tpu.memref_slice %arg7[%add3A_241, %dma_wait3A_299] : memref<125x80xi32, #tpu.memory_space<vmem>> -> memref<1x80xi32, #tpu.memory_space<vmem>>
        %dma_wait3A_301 = tpu.memref_squeeze %dma_wait3A_300 : memref<1x80xi32, #tpu.memory_space<vmem>> -> memref<80xi32, #tpu.memory_space<vmem>>
        %dma_wait3A_302 = arith.constant 0 : i32
        %dma_wait3A_303 = arith.constant 0 : i32
        %dma_wait3A_304 = tpu.memref_slice %arg14[%dma_wait3A_302, %dma_wait3A_303] : memref<10240x64xf32, #tpu.memory_space<vmem_shared>> -> memref<10240x64xf32, #tpu.memory_space<vmem_shared>>
        tpu.wait_indirect_dma semaphore(%run_scoped3A_292 : memref<!tpu.dma_semaphore, #tpu.memory_space<semaphore_mem>>) src(%arg10 : memref<80x64xf32, #tpu.memory_space<vmem>>) dst(%dma_wait3A_304 : memref<10240x64xf32, #tpu.memory_space<vmem_shared>>)
        tpu.yield
      }) : () -> ()
      %add3A_242 = arith.constant 2 : i32
      %add3A_243 = arith.addi %mul3A_191, %add3A_242 : i32
      %add3A_244 = arith.constant 5 : i32
      %add3A_245 = arith.addi %add3A_243, %add3A_244 : i32
      %dma_start3A_246 = arith.constant 0 : i32
      %dma_start3A_247 = tpu.memref_slice %arg6[%add3A_245, %dma_start3A_246] : memref<125x80xi32, #tpu.memory_space<vmem>> -> memref<1x80xi32, #tpu.memory_space<vmem>>
      %dma_start3A_248 = tpu.memref_squeeze %dma_start3A_247 : memref<1x80xi32, #tpu.memory_space<vmem>> -> memref<80xi32, #tpu.memory_space<vmem>>
      %dma_start3A_249 = arith.constant 0 : i32
      %dma_start3A_250 = arith.constant 0 : i32
      %dma_start3A_251 = tpu.memref_slice %arg2[%dma_start3A_249, %dma_start3A_250] : memref<20000x64xf32, #tpu.memory_space<hbm>> -> memref<20000x64xf32, #tpu.memory_space<hbm>>
      tpu.enqueue_indirect_dma source(%dma_start3A_251 : memref<20000x64xf32, #tpu.memory_space<hbm>>) target(%arg10 : memref<80x64xf32, #tpu.memory_space<vmem>>) offsets(%dma_start3A_248 : memref<80xi32, #tpu.memory_space<vmem>>) semaphore(%arg17 : memref<!tpu.dma_semaphore, #tpu.memory_space<semaphore_mem>>)
      %add3A_252 = arith.constant 3 : i32
      %add3A_253 = arith.addi %mul3A_191, %add3A_252 : i32
      %dma_wait3A_254 = arith.constant 0 : i32
      %dma_wait3A_255 = tpu.memref_slice %arg6[%add3A_253, %dma_wait3A_254] : memref<125x80xi32, #tpu.memory_space<vmem>> -> memref<1x80xi32, #tpu.memory_space<vmem>>
      %dma_wait3A_256 = tpu.memref_squeeze %dma_wait3A_255 : memref<1x80xi32, #tpu.memory_space<vmem>> -> memref<80xi32, #tpu.memory_space<vmem>>
      %dma_wait3A_257 = arith.constant 0 : i32
      %dma_wait3A_258 = arith.constant 0 : i32
      %dma_wait3A_259 = tpu.memref_slice %arg2[%dma_wait3A_257, %dma_wait3A_258] : memref<20000x64xf32, #tpu.memory_space<hbm>> -> memref<20000x64xf32, #tpu.memory_space<hbm>>
      tpu.wait_indirect_dma semaphore(%arg18 : memref<!tpu.dma_semaphore, #tpu.memory_space<semaphore_mem>>) src(%dma_wait3A_259 : memref<20000x64xf32, #tpu.memory_space<hbm>>) dst(%arg11 : memref<80x64xf32, #tpu.memory_space<vmem>>)
      %add3A_260 = arith.constant 3 : i32
      %add3A_261 = arith.addi %mul3A_191, %add3A_260 : i32
      "tpu.region"() ({
        %run_scoped3A_292 = tpu.sem_alloc : memref<!tpu.dma_semaphore, #tpu.memory_space<semaphore_mem>>
        %dma_start3A_293 = arith.constant 0 : i32
        %dma_start3A_294 = tpu.memref_slice %arg7[%add3A_261, %dma_start3A_293] : memref<125x80xi32, #tpu.memory_space<vmem>> -> memref<1x80xi32, #tpu.memory_space<vmem>>
        %dma_start3A_295 = tpu.memref_squeeze %dma_start3A_294 : memref<1x80xi32, #tpu.memory_space<vmem>> -> memref<80xi32, #tpu.memory_space<vmem>>
        %dma_start3A_296 = arith.constant 0 : i32
        %dma_start3A_297 = arith.constant 0 : i32
        %dma_start3A_298 = tpu.memref_slice %arg14[%dma_start3A_296, %dma_start3A_297] : memref<10240x64xf32, #tpu.memory_space<vmem_shared>> -> memref<10240x64xf32, #tpu.memory_space<vmem_shared>>
        tpu.enqueue_indirect_dma source(%arg11 : memref<80x64xf32, #tpu.memory_space<vmem>>) target(%dma_start3A_298 : memref<10240x64xf32, #tpu.memory_space<vmem_shared>>) offsets(%dma_start3A_295 : memref<80xi32, #tpu.memory_space<vmem>>) semaphore(%run_scoped3A_292 : memref<!tpu.dma_semaphore, #tpu.memory_space<semaphore_mem>>) {add = true}
        %dma_wait3A_299 = arith.constant 0 : i32
        %dma_wait3A_300 = tpu.memref_slice %arg7[%add3A_261, %dma_wait3A_299] : memref<125x80xi32, #tpu.memory_space<vmem>> -> memref<1x80xi32, #tpu.memory_space<vmem>>
        %dma_wait3A_301 = tpu.memref_squeeze %dma_wait3A_300 : memref<1x80xi32, #tpu.memory_space<vmem>> -> memref<80xi32, #tpu.memory_space<vmem>>
        %dma_wait3A_302 = arith.constant 0 : i32
        %dma_wait3A_303 = arith.constant 0 : i32
        %dma_wait3A_304 = tpu.memref_slice %arg14[%dma_wait3A_302, %dma_wait3A_303] : memref<10240x64xf32, #tpu.memory_space<vmem_shared>> -> memref<10240x64xf32, #tpu.memory_space<vmem_shared>>
        tpu.wait_indirect_dma semaphore(%run_scoped3A_292 : memref<!tpu.dma_semaphore, #tpu.memory_space<semaphore_mem>>) src(%arg11 : memref<80x64xf32, #tpu.memory_space<vmem>>) dst(%dma_wait3A_304 : memref<10240x64xf32, #tpu.memory_space<vmem_shared>>)
        tpu.yield
      }) : () -> ()
      %add3A_262 = arith.constant 3 : i32
      %add3A_263 = arith.addi %mul3A_191, %add3A_262 : i32
      %add3A_264 = arith.constant 5 : i32
      %add3A_265 = arith.addi %add3A_263, %add3A_264 : i32
      %dma_start3A_266 = arith.constant 0 : i32
      %dma_start3A_267 = tpu.memref_slice %arg6[%add3A_265, %dma_start3A_266] : memref<125x80xi32, #tpu.memory_space<vmem>> -> memref<1x80xi32, #tpu.memory_space<vmem>>
      %dma_start3A_268 = tpu.memref_squeeze %dma_start3A_267 : memref<1x80xi32, #tpu.memory_space<vmem>> -> memref<80xi32, #tpu.memory_space<vmem>>
      %dma_start3A_269 = arith.constant 0 : i32
      %dma_start3A_270 = arith.constant 0 : i32
      %dma_start3A_271 = tpu.memref_slice %arg2[%dma_start3A_269, %dma_start3A_270] : memref<20000x64xf32, #tpu.memory_space<hbm>> -> memref<20000x64xf32, #tpu.memory_space<hbm>>
      tpu.enqueue_indirect_dma source(%dma_start3A_271 : memref<20000x64xf32, #tpu.memory_space<hbm>>) target(%arg11 : memref<80x64xf32, #tpu.memory_space<vmem>>) offsets(%dma_start3A_268 : memref<80xi32, #tpu.memory_space<vmem>>) semaphore(%arg18 : memref<!tpu.dma_semaphore, #tpu.memory_space<semaphore_mem>>)
      %add3A_272 = arith.constant 4 : i32
      %add3A_273 = arith.addi %mul3A_191, %add3A_272 : i32
      %dma_wait3A_274 = arith.constant 0 : i32
      %dma_wait3A_275 = tpu.memref_slice %arg6[%add3A_273, %dma_wait3A_274] : memref<125x80xi32, #tpu.memory_space<vmem>> -> memref<1x80xi32, #tpu.memory_space<vmem>>
      %dma_wait3A_276 = tpu.memref_squeeze %dma_wait3A_275 : memref<1x80xi32, #tpu.memory_space<vmem>> -> memref<80xi32, #tpu.memory_space<vmem>>
      %dma_wait3A_277 = arith.constant 0 : i32
      %dma_wait3A_278 = arith.constant 0 : i32
      %dma_wait3A_279 = tpu.memref_slice %arg2[%dma_wait3A_277, %dma_wait3A_278] : memref<20000x64xf32, #tpu.memory_space<hbm>> -> memref<20000x64xf32, #tpu.memory_space<hbm>>
      tpu.wait_indirect_dma semaphore(%arg19 : memref<!tpu.dma_semaphore, #tpu.memory_space<semaphore_mem>>) src(%dma_wait3A_279 : memref<20000x64xf32, #tpu.memory_space<hbm>>) dst(%arg12 : memref<80x64xf32, #tpu.memory_space<vmem>>)
      %add3A_280 = arith.constant 4 : i32
      %add3A_281 = arith.addi %mul3A_191, %add3A_280 : i32
      "tpu.region"() ({
        %run_scoped3A_292 = tpu.sem_alloc : memref<!tpu.dma_semaphore, #tpu.memory_space<semaphore_mem>>
        %dma_start3A_293 = arith.constant 0 : i32
        %dma_start3A_294 = tpu.memref_slice %arg7[%add3A_281, %dma_start3A_293] : memref<125x80xi32, #tpu.memory_space<vmem>> -> memref<1x80xi32, #tpu.memory_space<vmem>>
        %dma_start3A_295 = tpu.memref_squeeze %dma_start3A_294 : memref<1x80xi32, #tpu.memory_space<vmem>> -> memref<80xi32, #tpu.memory_space<vmem>>
        %dma_start3A_296 = arith.constant 0 : i32
        %dma_start3A_297 = arith.constant 0 : i32
        %dma_start3A_298 = tpu.memref_slice %arg14[%dma_start3A_296, %dma_start3A_297] : memref<10240x64xf32, #tpu.memory_space<vmem_shared>> -> memref<10240x64xf32, #tpu.memory_space<vmem_shared>>
        tpu.enqueue_indirect_dma source(%arg12 : memref<80x64xf32, #tpu.memory_space<vmem>>) target(%dma_start3A_298 : memref<10240x64xf32, #tpu.memory_space<vmem_shared>>) offsets(%dma_start3A_295 : memref<80xi32, #tpu.memory_space<vmem>>) semaphore(%run_scoped3A_292 : memref<!tpu.dma_semaphore, #tpu.memory_space<semaphore_mem>>) {add = true}
        %dma_wait3A_299 = arith.constant 0 : i32
        %dma_wait3A_300 = tpu.memref_slice %arg7[%add3A_281, %dma_wait3A_299] : memref<125x80xi32, #tpu.memory_space<vmem>> -> memref<1x80xi32, #tpu.memory_space<vmem>>
        %dma_wait3A_301 = tpu.memref_squeeze %dma_wait3A_300 : memref<1x80xi32, #tpu.memory_space<vmem>> -> memref<80xi32, #tpu.memory_space<vmem>>
        %dma_wait3A_302 = arith.constant 0 : i32
        %dma_wait3A_303 = arith.constant 0 : i32
        %dma_wait3A_304 = tpu.memref_slice %arg14[%dma_wait3A_302, %dma_wait3A_303] : memref<10240x64xf32, #tpu.memory_space<vmem_shared>> -> memref<10240x64xf32, #tpu.memory_space<vmem_shared>>
        tpu.wait_indirect_dma semaphore(%run_scoped3A_292 : memref<!tpu.dma_semaphore, #tpu.memory_space<semaphore_mem>>) src(%arg12 : memref<80x64xf32, #tpu.memory_space<vmem>>) dst(%dma_wait3A_304 : memref<10240x64xf32, #tpu.memory_space<vmem_shared>>)
        tpu.yield
      }) : () -> ()
      %add3A_282 = arith.constant 4 : i32
      %add3A_283 = arith.addi %mul3A_191, %add3A_282 : i32
      %add3A_284 = arith.constant 5 : i32
      %add3A_285 = arith.addi %add3A_283, %add3A_284 : i32
      %dma_start3A_286 = arith.constant 0 : i32
      %dma_start3A_287 = tpu.memref_slice %arg6[%add3A_285, %dma_start3A_286] : memref<125x80xi32, #tpu.memory_space<vmem>> -> memref<1x80xi32, #tpu.memory_space<vmem>>
      %dma_start3A_288 = tpu.memref_squeeze %dma_start3A_287 : memref<1x80xi32, #tpu.memory_space<vmem>> -> memref<80xi32, #tpu.memory_space<vmem>>
      %dma_start3A_289 = arith.constant 0 : i32
      %dma_start3A_290 = arith.constant 0 : i32
      %dma_start3A_291 = tpu.memref_slice %arg2[%dma_start3A_289, %dma_start3A_290] : memref<20000x64xf32, #tpu.memory_space<hbm>> -> memref<20000x64xf32, #tpu.memory_space<hbm>>
      tpu.enqueue_indirect_dma source(%dma_start3A_291 : memref<20000x64xf32, #tpu.memory_space<hbm>>) target(%arg12 : memref<80x64xf32, #tpu.memory_space<vmem>>) offsets(%dma_start3A_288 : memref<80xi32, #tpu.memory_space<vmem>>) semaphore(%arg19 : memref<!tpu.dma_semaphore, #tpu.memory_space<semaphore_mem>>)
    }
    %scan3A_139 = arith.constant 24 : i32
    %dma_wait3A_140 = arith.constant 120 : i32
    %dma_wait3A_141 = arith.constant 0 : i32
    %dma_wait3A_142 = tpu.memref_slice %arg6[%dma_wait3A_140, %dma_wait3A_141] : memref<125x80xi32, #tpu.memory_space<vmem>> -> memref<1x80xi32, #tpu.memory_space<vmem>>
    %dma_wait3A_143 = tpu.memref_squeeze %dma_wait3A_142 : memref<1x80xi32, #tpu.memory_space<vmem>> -> memref<80xi32, #tpu.memory_space<vmem>>
    %dma_wait3A_144 = arith.constant 0 : i32
    %dma_wait3A_145 = arith.constant 0 : i32
    %dma_wait3A_146 = tpu.memref_slice %arg2[%dma_wait3A_144, %dma_wait3A_145] : memref<20000x64xf32, #tpu.memory_space<hbm>> -> memref<20000x64xf32, #tpu.memory_space<hbm>>
    tpu.wait_indirect_dma semaphore(%arg15 : memref<!tpu.dma_semaphore, #tpu.memory_space<semaphore_mem>>) src(%dma_wait3A_146 : memref<20000x64xf32, #tpu.memory_space<hbm>>) dst(%arg8 : memref<80x64xf32, #tpu.memory_space<vmem>>)
    %run_scoped3A_147 = arith.constant 120 : i32
    "tpu.region"() ({
      %run_scoped3A_185 = tpu.sem_alloc : memref<!tpu.dma_semaphore, #tpu.memory_space<semaphore_mem>>
      %dma_start3A_186 = arith.constant 0 : i32
      %dma_start3A_187 = tpu.memref_slice %arg7[%run_scoped3A_147, %dma_start3A_186] : memref<125x80xi32, #tpu.memory_space<vmem>> -> memref<1x80xi32, #tpu.memory_space<vmem>>
      %dma_start3A_188 = tpu.memref_squeeze %dma_start3A_187 : memref<1x80xi32, #tpu.memory_space<vmem>> -> memref<80xi32, #tpu.memory_space<vmem>>
      %dma_start3A_189 = arith.constant 0 : i32
      %dma_start3A_190 = arith.constant 0 : i32
      %dma_start3A_191 = tpu.memref_slice %arg14[%dma_start3A_189, %dma_start3A_190] : memref<10240x64xf32, #tpu.memory_space<vmem_shared>> -> memref<10240x64xf32, #tpu.memory_space<vmem_shared>>
      tpu.enqueue_indirect_dma source(%arg8 : memref<80x64xf32, #tpu.memory_space<vmem>>) target(%dma_start3A_191 : memref<10240x64xf32, #tpu.memory_space<vmem_shared>>) offsets(%dma_start3A_188 : memref<80xi32, #tpu.memory_space<vmem>>) semaphore(%run_scoped3A_185 : memref<!tpu.dma_semaphore, #tpu.memory_space<semaphore_mem>>) {add = true}
      %dma_wait3A_192 = arith.constant 0 : i32
      %dma_wait3A_193 = tpu.memref_slice %arg7[%run_scoped3A_147, %dma_wait3A_192] : memref<125x80xi32, #tpu.memory_space<vmem>> -> memref<1x80xi32, #tpu.memory_space<vmem>>
      %dma_wait3A_194 = tpu.memref_squeeze %dma_wait3A_193 : memref<1x80xi32, #tpu.memory_space<vmem>> -> memref<80xi32, #tpu.memory_space<vmem>>
      %dma_wait3A_195 = arith.constant 0 : i32
      %dma_wait3A_196 = arith.constant 0 : i32
      %dma_wait3A_197 = tpu.memref_slice %arg14[%dma_wait3A_195, %dma_wait3A_196] : memref<10240x64xf32, #tpu.memory_space<vmem_shared>> -> memref<10240x64xf32, #tpu.memory_space<vmem_shared>>
      tpu.wait_indirect_dma semaphore(%run_scoped3A_185 : memref<!tpu.dma_semaphore, #tpu.memory_space<semaphore_mem>>) src(%arg8 : memref<80x64xf32, #tpu.memory_space<vmem>>) dst(%dma_wait3A_197 : memref<10240x64xf32, #tpu.memory_space<vmem_shared>>)
      tpu.yield
    }) : () -> ()
    %dma_wait3A_148 = arith.constant 121 : i32
    %dma_wait3A_149 = arith.constant 0 : i32
    %dma_wait3A_150 = tpu.memref_slice %arg6[%dma_wait3A_148, %dma_wait3A_149] : memref<125x80xi32, #tpu.memory_space<vmem>> -> memref<1x80xi32, #tpu.memory_space<vmem>>
    %dma_wait3A_151 = tpu.memref_squeeze %dma_wait3A_150 : memref<1x80xi32, #tpu.memory_space<vmem>> -> memref<80xi32, #tpu.memory_space<vmem>>
    %dma_wait3A_152 = arith.constant 0 : i32
    %dma_wait3A_153 = arith.constant 0 : i32
    %dma_wait3A_154 = tpu.memref_slice %arg2[%dma_wait3A_152, %dma_wait3A_153] : memref<20000x64xf32, #tpu.memory_space<hbm>> -> memref<20000x64xf32, #tpu.memory_space<hbm>>
    tpu.wait_indirect_dma semaphore(%arg16 : memref<!tpu.dma_semaphore, #tpu.memory_space<semaphore_mem>>) src(%dma_wait3A_154 : memref<20000x64xf32, #tpu.memory_space<hbm>>) dst(%arg9 : memref<80x64xf32, #tpu.memory_space<vmem>>)
    %run_scoped3A_155 = arith.constant 121 : i32
    "tpu.region"() ({
      %run_scoped3A_185 = tpu.sem_alloc : memref<!tpu.dma_semaphore, #tpu.memory_space<semaphore_mem>>
      %dma_start3A_186 = arith.constant 0 : i32
      %dma_start3A_187 = tpu.memref_slice %arg7[%run_scoped3A_155, %dma_start3A_186] : memref<125x80xi32, #tpu.memory_space<vmem>> -> memref<1x80xi32, #tpu.memory_space<vmem>>
      %dma_start3A_188 = tpu.memref_squeeze %dma_start3A_187 : memref<1x80xi32, #tpu.memory_space<vmem>> -> memref<80xi32, #tpu.memory_space<vmem>>
      %dma_start3A_189 = arith.constant 0 : i32
      %dma_start3A_190 = arith.constant 0 : i32
      %dma_start3A_191 = tpu.memref_slice %arg14[%dma_start3A_189, %dma_start3A_190] : memref<10240x64xf32, #tpu.memory_space<vmem_shared>> -> memref<10240x64xf32, #tpu.memory_space<vmem_shared>>
      tpu.enqueue_indirect_dma source(%arg9 : memref<80x64xf32, #tpu.memory_space<vmem>>) target(%dma_start3A_191 : memref<10240x64xf32, #tpu.memory_space<vmem_shared>>) offsets(%dma_start3A_188 : memref<80xi32, #tpu.memory_space<vmem>>) semaphore(%run_scoped3A_185 : memref<!tpu.dma_semaphore, #tpu.memory_space<semaphore_mem>>) {add = true}
      %dma_wait3A_192 = arith.constant 0 : i32
      %dma_wait3A_193 = tpu.memref_slice %arg7[%run_scoped3A_155, %dma_wait3A_192] : memref<125x80xi32, #tpu.memory_space<vmem>> -> memref<1x80xi32, #tpu.memory_space<vmem>>
      %dma_wait3A_194 = tpu.memref_squeeze %dma_wait3A_193 : memref<1x80xi32, #tpu.memory_space<vmem>> -> memref<80xi32, #tpu.memory_space<vmem>>
      %dma_wait3A_195 = arith.constant 0 : i32
      %dma_wait3A_196 = arith.constant 0 : i32
      %dma_wait3A_197 = tpu.memref_slice %arg14[%dma_wait3A_195, %dma_wait3A_196] : memref<10240x64xf32, #tpu.memory_space<vmem_shared>> -> memref<10240x64xf32, #tpu.memory_space<vmem_shared>>
      tpu.wait_indirect_dma semaphore(%run_scoped3A_185 : memref<!tpu.dma_semaphore, #tpu.memory_space<semaphore_mem>>) src(%arg9 : memref<80x64xf32, #tpu.memory_space<vmem>>) dst(%dma_wait3A_197 : memref<10240x64xf32, #tpu.memory_space<vmem_shared>>)
      tpu.yield
    }) : () -> ()
    %dma_wait3A_156 = arith.constant 122 : i32
    %dma_wait3A_157 = arith.constant 0 : i32
    %dma_wait3A_158 = tpu.memref_slice %arg6[%dma_wait3A_156, %dma_wait3A_157] : memref<125x80xi32, #tpu.memory_space<vmem>> -> memref<1x80xi32, #tpu.memory_space<vmem>>
    %dma_wait3A_159 = tpu.memref_squeeze %dma_wait3A_158 : memref<1x80xi32, #tpu.memory_space<vmem>> -> memref<80xi32, #tpu.memory_space<vmem>>
    %dma_wait3A_160 = arith.constant 0 : i32
    %dma_wait3A_161 = arith.constant 0 : i32
    %dma_wait3A_162 = tpu.memref_slice %arg2[%dma_wait3A_160, %dma_wait3A_161] : memref<20000x64xf32, #tpu.memory_space<hbm>> -> memref<20000x64xf32, #tpu.memory_space<hbm>>
    tpu.wait_indirect_dma semaphore(%arg17 : memref<!tpu.dma_semaphore, #tpu.memory_space<semaphore_mem>>) src(%dma_wait3A_162 : memref<20000x64xf32, #tpu.memory_space<hbm>>) dst(%arg10 : memref<80x64xf32, #tpu.memory_space<vmem>>)
    %run_scoped3A_163 = arith.constant 122 : i32
    "tpu.region"() ({
      %run_scoped3A_185 = tpu.sem_alloc : memref<!tpu.dma_semaphore, #tpu.memory_space<semaphore_mem>>
      %dma_start3A_186 = arith.constant 0 : i32
      %dma_start3A_187 = tpu.memref_slice %arg7[%run_scoped3A_163, %dma_start3A_186] : memref<125x80xi32, #tpu.memory_space<vmem>> -> memref<1x80xi32, #tpu.memory_space<vmem>>
      %dma_start3A_188 = tpu.memref_squeeze %dma_start3A_187 : memref<1x80xi32, #tpu.memory_space<vmem>> -> memref<80xi32, #tpu.memory_space<vmem>>
      %dma_start3A_189 = arith.constant 0 : i32
      %dma_start3A_190 = arith.constant 0 : i32
      %dma_start3A_191 = tpu.memref_slice %arg14[%dma_start3A_189, %dma_start3A_190] : memref<10240x64xf32, #tpu.memory_space<vmem_shared>> -> memref<10240x64xf32, #tpu.memory_space<vmem_shared>>
      tpu.enqueue_indirect_dma source(%arg10 : memref<80x64xf32, #tpu.memory_space<vmem>>) target(%dma_start3A_191 : memref<10240x64xf32, #tpu.memory_space<vmem_shared>>) offsets(%dma_start3A_188 : memref<80xi32, #tpu.memory_space<vmem>>) semaphore(%run_scoped3A_185 : memref<!tpu.dma_semaphore, #tpu.memory_space<semaphore_mem>>) {add = true}
      %dma_wait3A_192 = arith.constant 0 : i32
      %dma_wait3A_193 = tpu.memref_slice %arg7[%run_scoped3A_163, %dma_wait3A_192] : memref<125x80xi32, #tpu.memory_space<vmem>> -> memref<1x80xi32, #tpu.memory_space<vmem>>
      %dma_wait3A_194 = tpu.memref_squeeze %dma_wait3A_193 : memref<1x80xi32, #tpu.memory_space<vmem>> -> memref<80xi32, #tpu.memory_space<vmem>>
      %dma_wait3A_195 = arith.constant 0 : i32
      %dma_wait3A_196 = arith.constant 0 : i32
      %dma_wait3A_197 = tpu.memref_slice %arg14[%dma_wait3A_195, %dma_wait3A_196] : memref<10240x64xf32, #tpu.memory_space<vmem_shared>> -> memref<10240x64xf32, #tpu.memory_space<vmem_shared>>
      tpu.wait_indirect_dma semaphore(%run_scoped3A_185 : memref<!tpu.dma_semaphore, #tpu.memory_space<semaphore_mem>>) src(%arg10 : memref<80x64xf32, #tpu.memory_space<vmem>>) dst(%dma_wait3A_197 : memref<10240x64xf32, #tpu.memory_space<vmem_shared>>)
      tpu.yield
    }) : () -> ()
    %dma_wait3A_164 = arith.constant 123 : i32
    %dma_wait3A_165 = arith.constant 0 : i32
    %dma_wait3A_166 = tpu.memref_slice %arg6[%dma_wait3A_164, %dma_wait3A_165] : memref<125x80xi32, #tpu.memory_space<vmem>> -> memref<1x80xi32, #tpu.memory_space<vmem>>
    %dma_wait3A_167 = tpu.memref_squeeze %dma_wait3A_166 : memref<1x80xi32, #tpu.memory_space<vmem>> -> memref<80xi32, #tpu.memory_space<vmem>>
    %dma_wait3A_168 = arith.constant 0 : i32
    %dma_wait3A_169 = arith.constant 0 : i32
    %dma_wait3A_170 = tpu.memref_slice %arg2[%dma_wait3A_168, %dma_wait3A_169] : memref<20000x64xf32, #tpu.memory_space<hbm>> -> memref<20000x64xf32, #tpu.memory_space<hbm>>
    tpu.wait_indirect_dma semaphore(%arg18 : memref<!tpu.dma_semaphore, #tpu.memory_space<semaphore_mem>>) src(%dma_wait3A_170 : memref<20000x64xf32, #tpu.memory_space<hbm>>) dst(%arg11 : memref<80x64xf32, #tpu.memory_space<vmem>>)
    %run_scoped3A_171 = arith.constant 123 : i32
    "tpu.region"() ({
      %run_scoped3A_185 = tpu.sem_alloc : memref<!tpu.dma_semaphore, #tpu.memory_space<semaphore_mem>>
      %dma_start3A_186 = arith.constant 0 : i32
      %dma_start3A_187 = tpu.memref_slice %arg7[%run_scoped3A_171, %dma_start3A_186] : memref<125x80xi32, #tpu.memory_space<vmem>> -> memref<1x80xi32, #tpu.memory_space<vmem>>
      %dma_start3A_188 = tpu.memref_squeeze %dma_start3A_187 : memref<1x80xi32, #tpu.memory_space<vmem>> -> memref<80xi32, #tpu.memory_space<vmem>>
      %dma_start3A_189 = arith.constant 0 : i32
      %dma_start3A_190 = arith.constant 0 : i32
      %dma_start3A_191 = tpu.memref_slice %arg14[%dma_start3A_189, %dma_start3A_190] : memref<10240x64xf32, #tpu.memory_space<vmem_shared>> -> memref<10240x64xf32, #tpu.memory_space<vmem_shared>>
      tpu.enqueue_indirect_dma source(%arg11 : memref<80x64xf32, #tpu.memory_space<vmem>>) target(%dma_start3A_191 : memref<10240x64xf32, #tpu.memory_space<vmem_shared>>) offsets(%dma_start3A_188 : memref<80xi32, #tpu.memory_space<vmem>>) semaphore(%run_scoped3A_185 : memref<!tpu.dma_semaphore, #tpu.memory_space<semaphore_mem>>) {add = true}
      %dma_wait3A_192 = arith.constant 0 : i32
      %dma_wait3A_193 = tpu.memref_slice %arg7[%run_scoped3A_171, %dma_wait3A_192] : memref<125x80xi32, #tpu.memory_space<vmem>> -> memref<1x80xi32, #tpu.memory_space<vmem>>
      %dma_wait3A_194 = tpu.memref_squeeze %dma_wait3A_193 : memref<1x80xi32, #tpu.memory_space<vmem>> -> memref<80xi32, #tpu.memory_space<vmem>>
      %dma_wait3A_195 = arith.constant 0 : i32
      %dma_wait3A_196 = arith.constant 0 : i32
      %dma_wait3A_197 = tpu.memref_slice %arg14[%dma_wait3A_195, %dma_wait3A_196] : memref<10240x64xf32, #tpu.memory_space<vmem_shared>> -> memref<10240x64xf32, #tpu.memory_space<vmem_shared>>
      tpu.wait_indirect_dma semaphore(%run_scoped3A_185 : memref<!tpu.dma_semaphore, #tpu.memory_space<semaphore_mem>>) src(%arg11 : memref<80x64xf32, #tpu.memory_space<vmem>>) dst(%dma_wait3A_197 : memref<10240x64xf32, #tpu.memory_space<vmem_shared>>)
      tpu.yield
    }) : () -> ()
    %dma_wait3A_172 = arith.constant 124 : i32
    %dma_wait3A_173 = arith.constant 0 : i32
    %dma_wait3A_174 = tpu.memref_slice %arg6[%dma_wait3A_172, %dma_wait3A_173] : memref<125x80xi32, #tpu.memory_space<vmem>> -> memref<1x80xi32, #tpu.memory_space<vmem>>
    %dma_wait3A_175 = tpu.memref_squeeze %dma_wait3A_174 : memref<1x80xi32, #tpu.memory_space<vmem>> -> memref<80xi32, #tpu.memory_space<vmem>>
    %dma_wait3A_176 = arith.constant 0 : i32
    %dma_wait3A_177 = arith.constant 0 : i32
    %dma_wait3A_178 = tpu.memref_slice %arg2[%dma_wait3A_176, %dma_wait3A_177] : memref<20000x64xf32, #tpu.memory_space<hbm>> -> memref<20000x64xf32, #tpu.memory_space<hbm>>
    tpu.wait_indirect_dma semaphore(%arg19 : memref<!tpu.dma_semaphore, #tpu.memory_space<semaphore_mem>>) src(%dma_wait3A_178 : memref<20000x64xf32, #tpu.memory_space<hbm>>) dst(%arg12 : memref<80x64xf32, #tpu.memory_space<vmem>>)
    %run_scoped3A_179 = arith.constant 124 : i32
    "tpu.region"() ({
      %run_scoped3A_185 = tpu.sem_alloc : memref<!tpu.dma_semaphore, #tpu.memory_space<semaphore_mem>>
      %dma_start3A_186 = arith.constant 0 : i32
      %dma_start3A_187 = tpu.memref_slice %arg7[%run_scoped3A_179, %dma_start3A_186] : memref<125x80xi32, #tpu.memory_space<vmem>> -> memref<1x80xi32, #tpu.memory_space<vmem>>
      %dma_start3A_188 = tpu.memref_squeeze %dma_start3A_187 : memref<1x80xi32, #tpu.memory_space<vmem>> -> memref<80xi32, #tpu.memory_space<vmem>>
      %dma_start3A_189 = arith.constant 0 : i32
      %dma_start3A_190 = arith.constant 0 : i32
      %dma_start3A_191 = tpu.memref_slice %arg14[%dma_start3A_189, %dma_start3A_190] : memref<10240x64xf32, #tpu.memory_space<vmem_shared>> -> memref<10240x64xf32, #tpu.memory_space<vmem_shared>>
      tpu.enqueue_indirect_dma source(%arg12 : memref<80x64xf32, #tpu.memory_space<vmem>>) target(%dma_start3A_191 : memref<10240x64xf32, #tpu.memory_space<vmem_shared>>) offsets(%dma_start3A_188 : memref<80xi32, #tpu.memory_space<vmem>>) semaphore(%run_scoped3A_185 : memref<!tpu.dma_semaphore, #tpu.memory_space<semaphore_mem>>) {add = true}
      %dma_wait3A_192 = arith.constant 0 : i32
      %dma_wait3A_193 = tpu.memref_slice %arg7[%run_scoped3A_179, %dma_wait3A_192] : memref<125x80xi32, #tpu.memory_space<vmem>> -> memref<1x80xi32, #tpu.memory_space<vmem>>
      %dma_wait3A_194 = tpu.memref_squeeze %dma_wait3A_193 : memref<1x80xi32, #tpu.memory_space<vmem>> -> memref<80xi32, #tpu.memory_space<vmem>>
      %dma_wait3A_195 = arith.constant 0 : i32
      %dma_wait3A_196 = arith.constant 0 : i32
      %dma_wait3A_197 = tpu.memref_slice %arg14[%dma_wait3A_195, %dma_wait3A_196] : memref<10240x64xf32, #tpu.memory_space<vmem_shared>> -> memref<10240x64xf32, #tpu.memory_space<vmem_shared>>
      tpu.wait_indirect_dma semaphore(%run_scoped3A_185 : memref<!tpu.dma_semaphore, #tpu.memory_space<semaphore_mem>>) src(%arg12 : memref<80x64xf32, #tpu.memory_space<vmem>>) dst(%dma_wait3A_197 : memref<10240x64xf32, #tpu.memory_space<vmem_shared>>)
      tpu.yield
    }) : () -> ()
    %barrier3A_180 = arith.constant 0 : index
    tpu.barrier barrier_id(%barrier3A_180)
    %mul3A_181 = arith.constant 640 : i32
    %mul3A_182 = arith.muli %arg1, %mul3A_181 : i32
    %mul3A_183 = arith.constant 640 : i32
    %mul3A_184 = arith.muli %arg1, %mul3A_183 : i32
    "tpu.region"() ({
      %run_scoped3A_185 = tpu.sem_alloc : memref<!tpu.dma_semaphore, #tpu.memory_space<semaphore_mem>>
      %dma_start3A_186 = arith.constant 64 : i32
      %dma_start3A_187 = tpu.memref_slice %arg5[%arg0, %mul3A_184, %dma_start3A_186] : memref<2x10240x128xf32, #tpu.memory_space<hbm>> -> memref<1x640x64xf32, #tpu.memory_space<hbm>>
      %dma_start3A_188 = tpu.memref_squeeze %dma_start3A_187 : memref<1x640x64xf32, #tpu.memory_space<hbm>> -> memref<640x64xf32, #tpu.memory_space<hbm>>
      %dma_start3A_189 = arith.constant 0 : i32
      %dma_start3A_190 = tpu.memref_slice %arg14[%mul3A_182, %dma_start3A_189] : memref<10240x64xf32, #tpu.memory_space<vmem_shared>> -> memref<640x64xf32, #tpu.memory_space<vmem_shared>>
      tpu.enqueue_dma source(%dma_start3A_190 : memref<640x64xf32, #tpu.memory_space<vmem_shared>>) target(%dma_start3A_188 : memref<640x64xf32, #tpu.memory_space<hbm>>) target_semaphore(%run_scoped3A_185 : memref<!tpu.dma_semaphore, #tpu.memory_space<semaphore_mem>>)
      %dma_wait3A_191 = arith.constant 64 : i32
      %dma_wait3A_192 = tpu.memref_slice %arg5[%arg0, %mul3A_184, %dma_wait3A_191] : memref<2x10240x128xf32, #tpu.memory_space<hbm>> -> memref<1x640x64xf32, #tpu.memory_space<hbm>>
      %dma_wait3A_193 = tpu.memref_squeeze %dma_wait3A_192 : memref<1x640x64xf32, #tpu.memory_space<hbm>> -> memref<640x64xf32, #tpu.memory_space<hbm>>
      %dma_wait3A_194 = arith.constant 0 : i32
      %dma_wait3A_195 = tpu.memref_slice %arg14[%mul3A_182, %dma_wait3A_194] : memref<10240x64xf32, #tpu.memory_space<vmem_shared>> -> memref<640x64xf32, #tpu.memory_space<vmem_shared>>
      tpu.wait_dma2 semaphore(%run_scoped3A_185 : memref<!tpu.dma_semaphore, #tpu.memory_space<semaphore_mem>>) src(%dma_wait3A_195 : memref<640x64xf32, #tpu.memory_space<vmem_shared>>) dst(%dma_wait3A_193 : memref<640x64xf32, #tpu.memory_space<hbm>>)
      tpu.yield
    }) : () -> ()
    return
  }
}

#map = affine_map<(d0, d1) -> (0, 0, 0)>
module attributes {stable_mosaic.version = 14 : i64} {
  func.func @_deg_body(%arg0: i32, %arg1: i32, %arg2: memref<32x125x80xi32, #tpu.memory_space<hbm>>, %arg3: memref<2x10240x16xf32, #tpu.memory_space<hbm>>, %arg4: memref<125x80xi32, #tpu.memory_space<vmem>>, %arg5: memref<80x16xf32, #tpu.memory_space<vmem>>, %arg6: memref<640x16xf32, #tpu.memory_space<vmem>>, %arg7: memref<10240x16xf32, #tpu.memory_space<vmem_shared>>) attributes {dimension_semantics = [#tpu.dimension_semantics<core_parallel>, #tpu.dimension_semantics<subcore_parallel>], iteration_bounds = array<i64: 2, 16>, scalar_prefetch = 0 : i64, scratch_operands = 4 : i64, tpu.core_type = #tpu.core_type<sc_vector_subcore>, window_params = [{transform_indices = #map}, {transform_indices = #map}]} {
    %mul3A = arith.constant 2 : i32
    %mul3A_0 = arith.muli %arg1, %mul3A : i32
    %add3A = arith.addi %mul3A_0, %arg0 : i32
    %broadcast_in_dim3A = arith.constant 1.000000e+00 : f32
    %broadcast_in_dim3A_1 = vector.broadcast %broadcast_in_dim3A : f32 to vector<16xf32>
    %broadcast_in_dim3A_2 = arith.constant 0.000000e+00 : f32
    %broadcast_in_dim3A_3 = vector.broadcast %broadcast_in_dim3A_2 : f32 to vector<16xf32>
    %scan3A = arith.constant 0 : i32
    %scan3A_4 = arith.constant 80 : i32
    %scan3A_5 = arith.addi %scan3A, %scan3A_4 : i32
    %scan3A_6 = arith.constant 1 : i32
    scf.for %scan3A_25 = %scan3A to %scan3A_5 step %scan3A_6  : i32 {
      %mul3A_26 = arith.constant 1 : i32
      %mul3A_27 = arith.muli %scan3A_25, %mul3A_26 : i32
      %add3A_28 = arith.constant 0 : i32
      %add3A_29 = arith.addi %add3A_28, %mul3A_27 : i32
      %swap3A = arith.index_cast %add3A_29 : i32 to index
      %swap3A_30 = arith.constant 0 : index
      %swap3A_31 = tpu.vector_load %arg5[%swap3A, %swap3A_30] {strides = array<i32>} : memref<80x16xf32, #tpu.memory_space<vmem>>, vector<1x16xf32>,
      %swap3A_32 = vector.shape_cast %swap3A_31 : vector<1x16xf32> to vector<16xf32>
      %swap3A_33 = vector.shape_cast %broadcast_in_dim3A_1 : vector<16xf32> to vector<1x16xf32>
      tpu.vector_store %arg5[%swap3A, %swap3A_30], %swap3A_33 {strides = array<i32>} : memref<80x16xf32, #tpu.memory_space<vmem>>, vector<1x16xf32>,
    }
    %scan3A_7 = arith.constant 80 : i32
    %scan3A_8 = arith.constant 0 : i32
    %scan3A_9 = arith.constant 640 : i32
    %scan3A_10 = arith.addi %scan3A_8, %scan3A_9 : i32
    %scan3A_11 = arith.constant 1 : i32
    scf.for %scan3A_25 = %scan3A_8 to %scan3A_10 step %scan3A_11  : i32 {
      %mul3A_26 = arith.constant 1 : i32
      %mul3A_27 = arith.muli %scan3A_25, %mul3A_26 : i32
      %add3A_28 = arith.constant 0 : i32
      %add3A_29 = arith.addi %add3A_28, %mul3A_27 : i32
      %swap3A = arith.index_cast %add3A_29 : i32 to index
      %swap3A_30 = arith.constant 0 : index
      %swap3A_31 = tpu.vector_load %arg6[%swap3A, %swap3A_30] {strides = array<i32>} : memref<640x16xf32, #tpu.memory_space<vmem>>, vector<1x16xf32>,
      %swap3A_32 = vector.shape_cast %swap3A_31 : vector<1x16xf32> to vector<16xf32>
      %swap3A_33 = vector.shape_cast %broadcast_in_dim3A_3 : vector<16xf32> to vector<1x16xf32>
      tpu.vector_store %arg6[%swap3A, %swap3A_30], %swap3A_33 {strides = array<i32>} : memref<640x16xf32, #tpu.memory_space<vmem>>, vector<1x16xf32>,
    }
    %scan3A_12 = arith.constant 640 : i32
    "tpu.region"() ({
      %run_scoped3A = tpu.sem_alloc : memref<!tpu.dma_semaphore, #tpu.memory_space<semaphore_mem>>
      %dma_start3A = arith.constant 0 : i32
      %dma_start3A_25 = arith.constant 0 : i32
      %dma_start3A_26 = tpu.memref_slice %arg2[%add3A, %dma_start3A, %dma_start3A_25] : memref<32x125x80xi32, #tpu.memory_space<hbm>> -> memref<1x125x80xi32, #tpu.memory_space<hbm>>
      %dma_start3A_27 = tpu.memref_squeeze %dma_start3A_26 : memref<1x125x80xi32, #tpu.memory_space<hbm>> -> memref<125x80xi32, #tpu.memory_space<hbm>>
      %dma_start3A_28 = arith.constant 0 : i32
      %dma_start3A_29 = arith.constant 0 : i32
      %dma_start3A_30 = tpu.memref_slice %arg2[%add3A, %dma_start3A_28, %dma_start3A_29] : memref<32x125x80xi32, #tpu.memory_space<hbm>> -> memref<1x125x80xi32, #tpu.memory_space<hbm>>
      %dma_start3A_31 = tpu.memref_squeeze %dma_start3A_30 : memref<1x125x80xi32, #tpu.memory_space<hbm>> -> memref<125x80xi32, #tpu.memory_space<hbm>>
      tpu.enqueue_dma source(%dma_start3A_31 : memref<125x80xi32, #tpu.memory_space<hbm>>) target(%arg4 : memref<125x80xi32, #tpu.memory_space<vmem>>) target_semaphore(%run_scoped3A : memref<!tpu.dma_semaphore, #tpu.memory_space<semaphore_mem>>)
      %dma_wait3A = arith.constant 0 : i32
      %dma_wait3A_32 = arith.constant 0 : i32
      %dma_wait3A_33 = tpu.memref_slice %arg2[%add3A, %dma_wait3A, %dma_wait3A_32] : memref<32x125x80xi32, #tpu.memory_space<hbm>> -> memref<1x125x80xi32, #tpu.memory_space<hbm>>
      %dma_wait3A_34 = tpu.memref_squeeze %dma_wait3A_33 : memref<1x125x80xi32, #tpu.memory_space<hbm>> -> memref<125x80xi32, #tpu.memory_space<hbm>>
      %dma_wait3A_35 = arith.constant 0 : i32
      %dma_wait3A_36 = arith.constant 0 : i32
      %dma_wait3A_37 = tpu.memref_slice %arg2[%add3A, %dma_wait3A_35, %dma_wait3A_36] : memref<32x125x80xi32, #tpu.memory_space<hbm>> -> memref<1x125x80xi32, #tpu.memory_space<hbm>>
      %dma_wait3A_38 = tpu.memref_squeeze %dma_wait3A_37 : memref<1x125x80xi32, #tpu.memory_space<hbm>> -> memref<125x80xi32, #tpu.memory_space<hbm>>
      tpu.wait_dma2 semaphore(%run_scoped3A : memref<!tpu.dma_semaphore, #tpu.memory_space<semaphore_mem>>) src(%dma_wait3A_38 : memref<125x80xi32, #tpu.memory_space<hbm>>) dst(%arg4 : memref<125x80xi32, #tpu.memory_space<vmem>>)
      tpu.yield
    }) : () -> ()
    %mul3A_13 = arith.constant 640 : i32
    %mul3A_14 = arith.muli %arg1, %mul3A_13 : i32
    "tpu.region"() ({
      %run_scoped3A = tpu.sem_alloc : memref<!tpu.dma_semaphore, #tpu.memory_space<semaphore_mem>>
      %dma_start3A = arith.constant 0 : i32
      %dma_start3A_25 = tpu.memref_slice %arg7[%mul3A_14, %dma_start3A] : memref<10240x16xf32, #tpu.memory_space<vmem_shared>> -> memref<640x16xf32, #tpu.memory_space<vmem_shared>>
      %dma_start3A_26 = arith.constant 0 : i32
      %dma_start3A_27 = tpu.memref_slice %arg7[%mul3A_14, %dma_start3A_26] : memref<10240x16xf32, #tpu.memory_space<vmem_shared>> -> memref<640x16xf32, #tpu.memory_space<vmem_shared>>
      tpu.enqueue_dma source(%arg6 : memref<640x16xf32, #tpu.memory_space<vmem>>) target(%dma_start3A_27 : memref<640x16xf32, #tpu.memory_space<vmem_shared>>) target_semaphore(%run_scoped3A : memref<!tpu.dma_semaphore, #tpu.memory_space<semaphore_mem>>)
      %dma_wait3A = arith.constant 0 : i32
      %dma_wait3A_28 = tpu.memref_slice %arg7[%mul3A_14, %dma_wait3A] : memref<10240x16xf32, #tpu.memory_space<vmem_shared>> -> memref<640x16xf32, #tpu.memory_space<vmem_shared>>
      %dma_wait3A_29 = arith.constant 0 : i32
      %dma_wait3A_30 = tpu.memref_slice %arg7[%mul3A_14, %dma_wait3A_29] : memref<10240x16xf32, #tpu.memory_space<vmem_shared>> -> memref<640x16xf32, #tpu.memory_space<vmem_shared>>
      tpu.wait_dma2 semaphore(%run_scoped3A : memref<!tpu.dma_semaphore, #tpu.memory_space<semaphore_mem>>) src(%arg6 : memref<640x16xf32, #tpu.memory_space<vmem>>) dst(%dma_wait3A_30 : memref<640x16xf32, #tpu.memory_space<vmem_shared>>)
      tpu.yield
    }) : () -> ()
    %barrier3A = arith.constant 0 : index
    tpu.barrier barrier_id(%barrier3A)
    %scan3A_15 = arith.constant 0 : i32
    %scan3A_16 = arith.constant 125 : i32
    %scan3A_17 = arith.addi %scan3A_15, %scan3A_16 : i32
    %scan3A_18 = arith.constant 1 : i32
    scf.for %scan3A_25 = %scan3A_15 to %scan3A_17 step %scan3A_18  : i32 {
      %mul3A_26 = arith.constant 1 : i32
      %mul3A_27 = arith.muli %scan3A_25, %mul3A_26 : i32
      %add3A_28 = arith.constant 0 : i32
      %add3A_29 = arith.addi %add3A_28, %mul3A_27 : i32
      "tpu.region"() ({
        %run_scoped3A = tpu.sem_alloc : memref<!tpu.dma_semaphore, #tpu.memory_space<semaphore_mem>>
        %dma_start3A = arith.constant 0 : i32
        %dma_start3A_30 = tpu.memref_slice %arg4[%add3A_29, %dma_start3A] : memref<125x80xi32, #tpu.memory_space<vmem>> -> memref<1x80xi32, #tpu.memory_space<vmem>>
        %dma_start3A_31 = tpu.memref_squeeze %dma_start3A_30 : memref<1x80xi32, #tpu.memory_space<vmem>> -> memref<80xi32, #tpu.memory_space<vmem>>
        %dma_start3A_32 = arith.constant 0 : i32
        %dma_start3A_33 = arith.constant 0 : i32
        %dma_start3A_34 = tpu.memref_slice %arg7[%dma_start3A_32, %dma_start3A_33] : memref<10240x16xf32, #tpu.memory_space<vmem_shared>> -> memref<10240x16xf32, #tpu.memory_space<vmem_shared>>
        tpu.enqueue_indirect_dma source(%arg5 : memref<80x16xf32, #tpu.memory_space<vmem>>) target(%dma_start3A_34 : memref<10240x16xf32, #tpu.memory_space<vmem_shared>>) offsets(%dma_start3A_31 : memref<80xi32, #tpu.memory_space<vmem>>) semaphore(%run_scoped3A : memref<!tpu.dma_semaphore, #tpu.memory_space<semaphore_mem>>) {add = true}
        %dma_wait3A = arith.constant 0 : i32
        %dma_wait3A_35 = tpu.memref_slice %arg4[%add3A_29, %dma_wait3A] : memref<125x80xi32, #tpu.memory_space<vmem>> -> memref<1x80xi32, #tpu.memory_space<vmem>>
        %dma_wait3A_36 = tpu.memref_squeeze %dma_wait3A_35 : memref<1x80xi32, #tpu.memory_space<vmem>> -> memref<80xi32, #tpu.memory_space<vmem>>
        %dma_wait3A_37 = arith.constant 0 : i32
        %dma_wait3A_38 = arith.constant 0 : i32
        %dma_wait3A_39 = tpu.memref_slice %arg7[%dma_wait3A_37, %dma_wait3A_38] : memref<10240x16xf32, #tpu.memory_space<vmem_shared>> -> memref<10240x16xf32, #tpu.memory_space<vmem_shared>>
        tpu.wait_indirect_dma semaphore(%run_scoped3A : memref<!tpu.dma_semaphore, #tpu.memory_space<semaphore_mem>>) src(%arg5 : memref<80x16xf32, #tpu.memory_space<vmem>>) dst(%dma_wait3A_39 : memref<10240x16xf32, #tpu.memory_space<vmem_shared>>)
        tpu.yield
      }) : () -> ()
    }
    %scan3A_19 = arith.constant 125 : i32
    %barrier3A_20 = arith.constant 0 : index
    tpu.barrier barrier_id(%barrier3A_20)
    %mul3A_21 = arith.constant 640 : i32
    %mul3A_22 = arith.muli %arg1, %mul3A_21 : i32
    %mul3A_23 = arith.constant 640 : i32
    %mul3A_24 = arith.muli %arg1, %mul3A_23 : i32
    "tpu.region"() ({
      %run_scoped3A = tpu.sem_alloc : memref<!tpu.dma_semaphore, #tpu.memory_space<semaphore_mem>>
      %dma_start3A = arith.constant 0 : i32
      %dma_start3A_25 = tpu.memref_slice %arg3[%arg0, %mul3A_24, %dma_start3A] : memref<2x10240x16xf32, #tpu.memory_space<hbm>> -> memref<1x640x16xf32, #tpu.memory_space<hbm>>
      %dma_start3A_26 = tpu.memref_squeeze %dma_start3A_25 : memref<1x640x16xf32, #tpu.memory_space<hbm>> -> memref<640x16xf32, #tpu.memory_space<hbm>>
      %dma_start3A_27 = arith.constant 0 : i32
      %dma_start3A_28 = tpu.memref_slice %arg7[%mul3A_22, %dma_start3A_27] : memref<10240x16xf32, #tpu.memory_space<vmem_shared>> -> memref<640x16xf32, #tpu.memory_space<vmem_shared>>
      tpu.enqueue_dma source(%dma_start3A_28 : memref<640x16xf32, #tpu.memory_space<vmem_shared>>) target(%dma_start3A_26 : memref<640x16xf32, #tpu.memory_space<hbm>>) target_semaphore(%run_scoped3A : memref<!tpu.dma_semaphore, #tpu.memory_space<semaphore_mem>>)
      %dma_wait3A = arith.constant 0 : i32
      %dma_wait3A_29 = tpu.memref_slice %arg3[%arg0, %mul3A_24, %dma_wait3A] : memref<2x10240x16xf32, #tpu.memory_space<hbm>> -> memref<1x640x16xf32, #tpu.memory_space<hbm>>
      %dma_wait3A_30 = tpu.memref_squeeze %dma_wait3A_29 : memref<1x640x16xf32, #tpu.memory_space<hbm>> -> memref<640x16xf32, #tpu.memory_space<hbm>>
      %dma_wait3A_31 = arith.constant 0 : i32
      %dma_wait3A_32 = tpu.memref_slice %arg7[%mul3A_22, %dma_wait3A_31] : memref<10240x16xf32, #tpu.memory_space<vmem_shared>> -> memref<640x16xf32, #tpu.memory_space<vmem_shared>>
      tpu.wait_dma2 semaphore(%run_scoped3A : memref<!tpu.dma_semaphore, #tpu.memory_space<semaphore_mem>>) src(%dma_wait3A_32 : memref<640x16xf32, #tpu.memory_space<vmem_shared>>) dst(%dma_wait3A_30 : memref<640x16xf32, #tpu.memory_space<hbm>>)
      tpu.yield
    }) : () -> ()
    return
  }
}

#map = affine_map<(d0, d1) -> (0, 0)>
#map1 = affine_map<(d0, d1) -> (0, 0, 0)>
module attributes {stable_mosaic.version = 14 : i64} {
  func.func @_agg_body(%arg0: i32, %arg1: i32, %arg2: memref<20000x64xf32, #tpu.memory_space<hbm>>, %arg3: memref<32x125x80xi32, #tpu.memory_space<hbm>>, %arg4: memref<32x125x80xi32, #tpu.memory_space<hbm>>, %arg5: memref<2x10240x128xf32, #tpu.memory_space<hbm>>, %arg6: memref<125x80xi32, #tpu.memory_space<vmem>>, %arg7: memref<125x80xi32, #tpu.memory_space<vmem>>, %arg8: memref<80x64xf32, #tpu.memory_space<vmem>>, %arg9: memref<80x64xf32, #tpu.memory_space<vmem>>, %arg10: memref<80x64xf32, #tpu.memory_space<vmem>>, %arg11: memref<80x64xf32, #tpu.memory_space<vmem>>, %arg12: memref<80x64xf32, #tpu.memory_space<vmem>>, %arg13: memref<640x64xf32, #tpu.memory_space<vmem>>, %arg14: memref<10240x64xf32, #tpu.memory_space<vmem_shared>>, %arg15: memref<!tpu.dma_semaphore, #tpu.memory_space<semaphore_mem>>, %arg16: memref<!tpu.dma_semaphore, #tpu.memory_space<semaphore_mem>>, %arg17: memref<!tpu.dma_semaphore, #tpu.memory_space<semaphore_mem>>, %arg18: memref<!tpu.dma_semaphore, #tpu.memory_space<semaphore_mem>>, %arg19: memref<!tpu.dma_semaphore, #tpu.memory_space<semaphore_mem>>) attributes {dimension_semantics = [#tpu.dimension_semantics<core_parallel>, #tpu.dimension_semantics<subcore_parallel>], iteration_bounds = array<i64: 2, 16>, scalar_prefetch = 0 : i64, scratch_operands = 14 : i64, tpu.core_type = #tpu.core_type<sc_vector_subcore>, window_params = [{transform_indices = #map}, {transform_indices = #map1}, {transform_indices = #map1}, {transform_indices = #map1}]} {
    %mul3A = arith.constant 2 : i32
    %mul3A_0 = arith.muli %arg1, %mul3A : i32
    %add3A = arith.addi %mul3A_0, %arg0 : i32
    %broadcast_in_dim3A = arith.constant 0.000000e+00 : f32
    %broadcast_in_dim3A_1 = vector.broadcast %broadcast_in_dim3A : f32 to vector<16xf32>
    %scan3A = arith.constant 0 : i32
    %scan3A_2 = arith.constant 640 : i32
    %scan3A_3 = arith.addi %scan3A, %scan3A_2 : i32
    %scan3A_4 = arith.constant 1 : i32
    scf.for %scan3A_185 = %scan3A to %scan3A_3 step %scan3A_4  : i32 {
      %mul3A_186 = arith.constant 1 : i32
      %mul3A_187 = arith.muli %scan3A_185, %mul3A_186 : i32
      %add3A_188 = arith.constant 0 : i32
      %add3A_189 = arith.addi %add3A_188, %mul3A_187 : i32
      %scan3A_190 = arith.constant 0 : i32
      %scan3A_191 = arith.constant 4 : i32
      %scan3A_192 = arith.addi %scan3A_190, %scan3A_191 : i32
      %scan3A_193 = arith.constant 1 : i32
      scf.for %scan3A_195 = %scan3A_190 to %scan3A_192 step %scan3A_193  : i32 {
        %mul3A_196 = arith.constant 16 : i32
        %mul3A_197 = arith.muli %scan3A_195, %mul3A_196 : i32
        %add3A_198 = arith.constant 0 : i32
        %add3A_199 = arith.addi %add3A_198, %mul3A_197 : i32
        %swap3A = arith.index_cast %add3A_189 : i32 to index
        %swap3A_200 = arith.index_cast %add3A_199 : i32 to index
        %swap3A_201 = tpu.vector_load %arg13[%swap3A, %swap3A_200] {strides = array<i32>} : memref<640x64xf32, #tpu.memory_space<vmem>>, vector<1x16xf32>,
        %swap3A_202 = vector.shape_cast %swap3A_201 : vector<1x16xf32> to vector<16xf32>
        %swap3A_203 = vector.shape_cast %broadcast_in_dim3A_1 : vector<16xf32> to vector<1x16xf32>
        tpu.vector_store %arg13[%swap3A, %swap3A_200], %swap3A_203 {strides = array<i32>} : memref<640x64xf32, #tpu.memory_space<vmem>>, vector<1x16xf32>,
      }
      %scan3A_194 = arith.constant 4 : i32
    }
    %scan3A_5 = arith.constant 640 : i32
    "tpu.region"() ({
      %run_scoped3A_185 = tpu.sem_alloc : memref<!tpu.dma_semaphore, #tpu.memory_space<semaphore_mem>>
      %dma_start3A_186 = arith.constant 0 : i32
      %dma_start3A_187 = arith.constant 0 : i32
      %dma_start3A_188 = tpu.memref_slice %arg3[%add3A, %dma_start3A_186, %dma_start3A_187] : memref<32x125x80xi32, #tpu.memory_space<hbm>> -> memref<1x125x80xi32, #tpu.memory_space<hbm>>
      %dma_start3A_189 = tpu.memref_squeeze %dma_start3A_188 : memref<1x125x80xi32, #tpu.memory_space<hbm>> -> memref<125x80xi32, #tpu.memory_space<hbm>>
      %dma_start3A_190 = arith.constant 0 : i32
      %dma_start3A_191 = arith.constant 0 : i32
      %dma_start3A_192 = tpu.memref_slice %arg3[%add3A, %dma_start3A_190, %dma_start3A_191] : memref<32x125x80xi32, #tpu.memory_space<hbm>> -> memref<1x125x80xi32, #tpu.memory_space<hbm>>
      %dma_start3A_193 = tpu.memref_squeeze %dma_start3A_192 : memref<1x125x80xi32, #tpu.memory_space<hbm>> -> memref<125x80xi32, #tpu.memory_space<hbm>>
      tpu.enqueue_dma source(%dma_start3A_193 : memref<125x80xi32, #tpu.memory_space<hbm>>) target(%arg6 : memref<125x80xi32, #tpu.memory_space<vmem>>) target_semaphore(%run_scoped3A_185 : memref<!tpu.dma_semaphore, #tpu.memory_space<semaphore_mem>>)
      %dma_wait3A_194 = arith.constant 0 : i32
      %dma_wait3A_195 = arith.constant 0 : i32
      %dma_wait3A_196 = tpu.memref_slice %arg3[%add3A, %dma_wait3A_194, %dma_wait3A_195] : memref<32x125x80xi32, #tpu.memory_space<hbm>> -> memref<1x125x80xi32, #tpu.memory_space<hbm>>
      %dma_wait3A_197 = tpu.memref_squeeze %dma_wait3A_196 : memref<1x125x80xi32, #tpu.memory_space<hbm>> -> memref<125x80xi32, #tpu.memory_space<hbm>>
      %dma_wait3A_198 = arith.constant 0 : i32
      %dma_wait3A_199 = arith.constant 0 : i32
      %dma_wait3A_200 = tpu.memref_slice %arg3[%add3A, %dma_wait3A_198, %dma_wait3A_199] : memref<32x125x80xi32, #tpu.memory_space<hbm>> -> memref<1x125x80xi32, #tpu.memory_space<hbm>>
      %dma_wait3A_201 = tpu.memref_squeeze %dma_wait3A_200 : memref<1x125x80xi32, #tpu.memory_space<hbm>> -> memref<125x80xi32, #tpu.memory_space<hbm>>
      tpu.wait_dma2 semaphore(%run_scoped3A_185 : memref<!tpu.dma_semaphore, #tpu.memory_space<semaphore_mem>>) src(%dma_wait3A_201 : memref<125x80xi32, #tpu.memory_space<hbm>>) dst(%arg6 : memref<125x80xi32, #tpu.memory_space<vmem>>)
      tpu.yield
    }) : () -> ()
    "tpu.region"() ({
      %run_scoped3A_185 = tpu.sem_alloc : memref<!tpu.dma_semaphore, #tpu.memory_space<semaphore_mem>>
      %dma_start3A_186 = arith.constant 0 : i32
      %dma_start3A_187 = arith.constant 0 : i32
      %dma_start3A_188 = tpu.memref_slice %arg4[%add3A, %dma_start3A_186, %dma_start3A_187] : memref<32x125x80xi32, #tpu.memory_space<hbm>> -> memref<1x125x80xi32, #tpu.memory_space<hbm>>
      %dma_start3A_189 = tpu.memref_squeeze %dma_start3A_188 : memref<1x125x80xi32, #tpu.memory_space<hbm>> -> memref<125x80xi32, #tpu.memory_space<hbm>>
      %dma_start3A_190 = arith.constant 0 : i32
      %dma_start3A_191 = arith.constant 0 : i32
      %dma_start3A_192 = tpu.memref_slice %arg4[%add3A, %dma_start3A_190, %dma_start3A_191] : memref<32x125x80xi32, #tpu.memory_space<hbm>> -> memref<1x125x80xi32, #tpu.memory_space<hbm>>
      %dma_start3A_193 = tpu.memref_squeeze %dma_start3A_192 : memref<1x125x80xi32, #tpu.memory_space<hbm>> -> memref<125x80xi32, #tpu.memory_space<hbm>>
      tpu.enqueue_dma source(%dma_start3A_193 : memref<125x80xi32, #tpu.memory_space<hbm>>) target(%arg7 : memref<125x80xi32, #tpu.memory_space<vmem>>) target_semaphore(%run_scoped3A_185 : memref<!tpu.dma_semaphore, #tpu.memory_space<semaphore_mem>>)
      %dma_wait3A_194 = arith.constant 0 : i32
      %dma_wait3A_195 = arith.constant 0 : i32
      %dma_wait3A_196 = tpu.memref_slice %arg4[%add3A, %dma_wait3A_194, %dma_wait3A_195] : memref<32x125x80xi32, #tpu.memory_space<hbm>> -> memref<1x125x80xi32, #tpu.memory_space<hbm>>
      %dma_wait3A_197 = tpu.memref_squeeze %dma_wait3A_196 : memref<1x125x80xi32, #tpu.memory_space<hbm>> -> memref<125x80xi32, #tpu.memory_space<hbm>>
      %dma_wait3A_198 = arith.constant 0 : i32
      %dma_wait3A_199 = arith.constant 0 : i32
      %dma_wait3A_200 = tpu.memref_slice %arg4[%add3A, %dma_wait3A_198, %dma_wait3A_199] : memref<32x125x80xi32, #tpu.memory_space<hbm>> -> memref<1x125x80xi32, #tpu.memory_space<hbm>>
      %dma_wait3A_201 = tpu.memref_squeeze %dma_wait3A_200 : memref<1x125x80xi32, #tpu.memory_space<hbm>> -> memref<125x80xi32, #tpu.memory_space<hbm>>
      tpu.wait_dma2 semaphore(%run_scoped3A_185 : memref<!tpu.dma_semaphore, #tpu.memory_space<semaphore_mem>>) src(%dma_wait3A_201 : memref<125x80xi32, #tpu.memory_space<hbm>>) dst(%arg7 : memref<125x80xi32, #tpu.memory_space<vmem>>)
      tpu.yield
    }) : () -> ()
    %broadcast_in_dim3A_6 = arith.constant 1 : i32
    %broadcast_in_dim3A_7 = vector.broadcast %broadcast_in_dim3A_6 : i32 to vector<16xi32>
    %mul3A_8 = arith.constant 640 : i32
    %mul3A_9 = arith.muli %arg1, %mul3A_8 : i32
    "tpu.region"() ({
      %run_scoped3A_185 = tpu.sem_alloc : memref<!tpu.dma_semaphore, #tpu.memory_space<semaphore_mem>>
      %dma_start3A_186 = arith.constant 0 : i32
      %dma_start3A_187 = tpu.memref_slice %arg14[%mul3A_9, %dma_start3A_186] : memref<10240x64xf32, #tpu.memory_space<vmem_shared>> -> memref<640x64xf32, #tpu.memory_space<vmem_shared>>
      %dma_start3A_188 = arith.constant 0 : i32
      %dma_start3A_189 = tpu.memref_slice %arg14[%mul3A_9, %dma_start3A_188] : memref<10240x64xf32, #tpu.memory_space<vmem_shared>> -> memref<640x64xf32, #tpu.memory_space<vmem_shared>>
      tpu.enqueue_dma source(%arg13 : memref<640x64xf32, #tpu.memory_space<vmem>>) target(%dma_start3A_189 : memref<640x64xf32, #tpu.memory_space<vmem_shared>>) target_semaphore(%run_scoped3A_185 : memref<!tpu.dma_semaphore, #tpu.memory_space<semaphore_mem>>)
      %dma_wait3A_190 = arith.constant 0 : i32
      %dma_wait3A_191 = tpu.memref_slice %arg14[%mul3A_9, %dma_wait3A_190] : memref<10240x64xf32, #tpu.memory_space<vmem_shared>> -> memref<640x64xf32, #tpu.memory_space<vmem_shared>>
      %dma_wait3A_192 = arith.constant 0 : i32
      %dma_wait3A_193 = tpu.memref_slice %arg14[%mul3A_9, %dma_wait3A_192] : memref<10240x64xf32, #tpu.memory_space<vmem_shared>> -> memref<640x64xf32, #tpu.memory_space<vmem_shared>>
      tpu.wait_dma2 semaphore(%run_scoped3A_185 : memref<!tpu.dma_semaphore, #tpu.memory_space<semaphore_mem>>) src(%arg13 : memref<640x64xf32, #tpu.memory_space<vmem>>) dst(%dma_wait3A_193 : memref<640x64xf32, #tpu.memory_space<vmem_shared>>)
      tpu.yield
    }) : () -> ()
    %barrier3A = arith.constant 0 : index
    tpu.barrier barrier_id(%barrier3A)
    %dma_start3A = arith.constant 0 : i32
    %dma_start3A_10 = arith.constant 0 : i32
    %dma_start3A_11 = tpu.memref_slice %arg6[%dma_start3A, %dma_start3A_10] : memref<125x80xi32, #tpu.memory_space<vmem>> -> memref<1x80xi32, #tpu.memory_space<vmem>>
    %dma_start3A_12 = tpu.memref_squeeze %dma_start3A_11 : memref<1x80xi32, #tpu.memory_space<vmem>> -> memref<80xi32, #tpu.memory_space<vmem>>
    %dma_start3A_13 = arith.constant 0 : i32
    %dma_start3A_14 = arith.constant 0 : i32
    %dma_start3A_15 = tpu.memref_slice %arg2[%dma_start3A_13, %dma_start3A_14] : memref<20000x64xf32, #tpu.memory_space<hbm>> -> memref<20000x64xf32, #tpu.memory_space<hbm>>
    tpu.enqueue_indirect_dma source(%dma_start3A_15 : memref<20000x64xf32, #tpu.memory_space<hbm>>) target(%arg8 : memref<80x64xf32, #tpu.memory_space<vmem>>) offsets(%dma_start3A_12 : memref<80xi32, #tpu.memory_space<vmem>>) semaphore(%arg15 : memref<!tpu.dma_semaphore, #tpu.memory_space<semaphore_mem>>)
    %dma_start3A_16 = arith.constant 1 : i32
    %dma_start3A_17 = arith.constant 0 : i32
    %dma_start3A_18 = tpu.memref_slice %arg6[%dma_start3A_16, %dma_start3A_17] : memref<125x80xi32, #tpu.memory_space<vmem>> -> memref<1x80xi32, #tpu.memory_space<vmem>>
    %dma_start3A_19 = tpu.memref_squeeze %dma_start3A_18 : memref<1x80xi32, #tpu.memory_space<vmem>> -> memref<80xi32, #tpu.memory_space<vmem>>
    %dma_start3A_20 = arith.constant 0 : i32
    %dma_start3A_21 = arith.constant 0 : i32
    %dma_start3A_22 = tpu.memref_slice %arg2[%dma_start3A_20, %dma_start3A_21] : memref<20000x64xf32, #tpu.memory_space<hbm>> -> memref<20000x64xf32, #tpu.memory_space<hbm>>
    tpu.enqueue_indirect_dma source(%dma_start3A_22 : memref<20000x64xf32, #tpu.memory_space<hbm>>) target(%arg9 : memref<80x64xf32, #tpu.memory_space<vmem>>) offsets(%dma_start3A_19 : memref<80xi32, #tpu.memory_space<vmem>>) semaphore(%arg16 : memref<!tpu.dma_semaphore, #tpu.memory_space<semaphore_mem>>)
    %dma_start3A_23 = arith.constant 2 : i32
    %dma_start3A_24 = arith.constant 0 : i32
    %dma_start3A_25 = tpu.memref_slice %arg6[%dma_start3A_23, %dma_start3A_24] : memref<125x80xi32, #tpu.memory_space<vmem>> -> memref<1x80xi32, #tpu.memory_space<vmem>>
    %dma_start3A_26 = tpu.memref_squeeze %dma_start3A_25 : memref<1x80xi32, #tpu.memory_space<vmem>> -> memref<80xi32, #tpu.memory_space<vmem>>
    %dma_start3A_27 = arith.constant 0 : i32
    %dma_start3A_28 = arith.constant 0 : i32
    %dma_start3A_29 = tpu.memref_slice %arg2[%dma_start3A_27, %dma_start3A_28] : memref<20000x64xf32, #tpu.memory_space<hbm>> -> memref<20000x64xf32, #tpu.memory_space<hbm>>
    tpu.enqueue_indirect_dma source(%dma_start3A_29 : memref<20000x64xf32, #tpu.memory_space<hbm>>) target(%arg10 : memref<80x64xf32, #tpu.memory_space<vmem>>) offsets(%dma_start3A_26 : memref<80xi32, #tpu.memory_space<vmem>>) semaphore(%arg17 : memref<!tpu.dma_semaphore, #tpu.memory_space<semaphore_mem>>)
    %dma_start3A_30 = arith.constant 3 : i32
    %dma_start3A_31 = arith.constant 0 : i32
    %dma_start3A_32 = tpu.memref_slice %arg6[%dma_start3A_30, %dma_start3A_31] : memref<125x80xi32, #tpu.memory_space<vmem>> -> memref<1x80xi32, #tpu.memory_space<vmem>>
    %dma_start3A_33 = tpu.memref_squeeze %dma_start3A_32 : memref<1x80xi32, #tpu.memory_space<vmem>> -> memref<80xi32, #tpu.memory_space<vmem>>
    %dma_start3A_34 = arith.constant 0 : i32
    %dma_start3A_35 = arith.constant 0 : i32
    %dma_start3A_36 = tpu.memref_slice %arg2[%dma_start3A_34, %dma_start3A_35] : memref<20000x64xf32, #tpu.memory_space<hbm>> -> memref<20000x64xf32, #tpu.memory_space<hbm>>
    tpu.enqueue_indirect_dma source(%dma_start3A_36 : memref<20000x64xf32, #tpu.memory_space<hbm>>) target(%arg11 : memref<80x64xf32, #tpu.memory_space<vmem>>) offsets(%dma_start3A_33 : memref<80xi32, #tpu.memory_space<vmem>>) semaphore(%arg18 : memref<!tpu.dma_semaphore, #tpu.memory_space<semaphore_mem>>)
    %dma_start3A_37 = arith.constant 4 : i32
    %dma_start3A_38 = arith.constant 0 : i32
    %dma_start3A_39 = tpu.memref_slice %arg6[%dma_start3A_37, %dma_start3A_38] : memref<125x80xi32, #tpu.memory_space<vmem>> -> memref<1x80xi32, #tpu.memory_space<vmem>>
    %dma_start3A_40 = tpu.memref_squeeze %dma_start3A_39 : memref<1x80xi32, #tpu.memory_space<vmem>> -> memref<80xi32, #tpu.memory_space<vmem>>
    %dma_start3A_41 = arith.constant 0 : i32
    %dma_start3A_42 = arith.constant 0 : i32
    %dma_start3A_43 = tpu.memref_slice %arg2[%dma_start3A_41, %dma_start3A_42] : memref<20000x64xf32, #tpu.memory_space<hbm>> -> memref<20000x64xf32, #tpu.memory_space<hbm>>
    tpu.enqueue_indirect_dma source(%dma_start3A_43 : memref<20000x64xf32, #tpu.memory_space<hbm>>) target(%arg12 : memref<80x64xf32, #tpu.memory_space<vmem>>) offsets(%dma_start3A_40 : memref<80xi32, #tpu.memory_space<vmem>>) semaphore(%arg19 : memref<!tpu.dma_semaphore, #tpu.memory_space<semaphore_mem>>)
    %scan3A_44 = arith.constant 0 : i32
    %scan3A_45 = arith.constant 24 : i32
    %scan3A_46 = arith.addi %scan3A_44, %scan3A_45 : i32
    %scan3A_47 = arith.constant 1 : i32
    scf.for %scan3A_185 = %scan3A_44 to %scan3A_46 step %scan3A_47  : i32 {
      %mul3A_186 = arith.constant 1 : i32
      %mul3A_187 = arith.muli %scan3A_185, %mul3A_186 : i32
      %add3A_188 = arith.constant 0 : i32
      %add3A_189 = arith.addi %add3A_188, %mul3A_187 : i32
      %mul3A_190 = arith.constant 5 : i32
      %mul3A_191 = arith.muli %mul3A_190, %add3A_189 : i32
      %add3A_192 = arith.constant 0 : i32
      %add3A_193 = arith.addi %mul3A_191, %add3A_192 : i32
      %dma_wait3A_194 = arith.constant 0 : i32
      %dma_wait3A_195 = tpu.memref_slice %arg6[%add3A_193, %dma_wait3A_194] : memref<125x80xi32, #tpu.memory_space<vmem>> -> memref<1x80xi32, #tpu.memory_space<vmem>>
      %dma_wait3A_196 = tpu.memref_squeeze %dma_wait3A_195 : memref<1x80xi32, #tpu.memory_space<vmem>> -> memref<80xi32, #tpu.memory_space<vmem>>
      %dma_wait3A_197 = arith.constant 0 : i32
      %dma_wait3A_198 = arith.constant 0 : i32
      %dma_wait3A_199 = tpu.memref_slice %arg2[%dma_wait3A_197, %dma_wait3A_198] : memref<20000x64xf32, #tpu.memory_space<hbm>> -> memref<20000x64xf32, #tpu.memory_space<hbm>>
      tpu.wait_indirect_dma semaphore(%arg15 : memref<!tpu.dma_semaphore, #tpu.memory_space<semaphore_mem>>) src(%dma_wait3A_199 : memref<20000x64xf32, #tpu.memory_space<hbm>>) dst(%arg8 : memref<80x64xf32, #tpu.memory_space<vmem>>)
      %add3A_200 = arith.constant 0 : i32
      %add3A_201 = arith.addi %mul3A_191, %add3A_200 : i32
      "tpu.region"() ({
        %run_scoped3A_292 = tpu.sem_alloc : memref<!tpu.dma_semaphore, #tpu.memory_space<semaphore_mem>>
        %dma_start3A_293 = arith.constant 0 : i32
        %dma_start3A_294 = tpu.memref_slice %arg7[%add3A_201, %dma_start3A_293] : memref<125x80xi32, #tpu.memory_space<vmem>> -> memref<1x80xi32, #tpu.memory_space<vmem>>
        %dma_start3A_295 = tpu.memref_squeeze %dma_start3A_294 : memref<1x80xi32, #tpu.memory_space<vmem>> -> memref<80xi32, #tpu.memory_space<vmem>>
        %dma_start3A_296 = arith.constant 0 : i32
        %dma_start3A_297 = arith.constant 0 : i32
        %dma_start3A_298 = tpu.memref_slice %arg14[%dma_start3A_296, %dma_start3A_297] : memref<10240x64xf32, #tpu.memory_space<vmem_shared>> -> memref<10240x64xf32, #tpu.memory_space<vmem_shared>>
        tpu.enqueue_indirect_dma source(%arg8 : memref<80x64xf32, #tpu.memory_space<vmem>>) target(%dma_start3A_298 : memref<10240x64xf32, #tpu.memory_space<vmem_shared>>) offsets(%dma_start3A_295 : memref<80xi32, #tpu.memory_space<vmem>>) semaphore(%run_scoped3A_292 : memref<!tpu.dma_semaphore, #tpu.memory_space<semaphore_mem>>) {add = true}
        %dma_wait3A_299 = arith.constant 0 : i32
        %dma_wait3A_300 = tpu.memref_slice %arg7[%add3A_201, %dma_wait3A_299] : memref<125x80xi32, #tpu.memory_space<vmem>> -> memref<1x80xi32, #tpu.memory_space<vmem>>
        %dma_wait3A_301 = tpu.memref_squeeze %dma_wait3A_300 : memref<1x80xi32, #tpu.memory_space<vmem>> -> memref<80xi32, #tpu.memory_space<vmem>>
        %dma_wait3A_302 = arith.constant 0 : i32
        %dma_wait3A_303 = arith.constant 0 : i32
        %dma_wait3A_304 = tpu.memref_slice %arg14[%dma_wait3A_302, %dma_wait3A_303] : memref<10240x64xf32, #tpu.memory_space<vmem_shared>> -> memref<10240x64xf32, #tpu.memory_space<vmem_shared>>
        tpu.wait_indirect_dma semaphore(%run_scoped3A_292 : memref<!tpu.dma_semaphore, #tpu.memory_space<semaphore_mem>>) src(%arg8 : memref<80x64xf32, #tpu.memory_space<vmem>>) dst(%dma_wait3A_304 : memref<10240x64xf32, #tpu.memory_space<vmem_shared>>)
        tpu.yield
      }) : () -> ()
      %add3A_202 = arith.constant 0 : i32
      %add3A_203 = arith.addi %mul3A_191, %add3A_202 : i32
      %add3A_204 = arith.constant 5 : i32
      %add3A_205 = arith.addi %add3A_203, %add3A_204 : i32
      %dma_start3A_206 = arith.constant 0 : i32
      %dma_start3A_207 = tpu.memref_slice %arg6[%add3A_205, %dma_start3A_206] : memref<125x80xi32, #tpu.memory_space<vmem>> -> memref<1x80xi32, #tpu.memory_space<vmem>>
      %dma_start3A_208 = tpu.memref_squeeze %dma_start3A_207 : memref<1x80xi32, #tpu.memory_space<vmem>> -> memref<80xi32, #tpu.memory_space<vmem>>
      %dma_start3A_209 = arith.constant 0 : i32
      %dma_start3A_210 = arith.constant 0 : i32
      %dma_start3A_211 = tpu.memref_slice %arg2[%dma_start3A_209, %dma_start3A_210] : memref<20000x64xf32, #tpu.memory_space<hbm>> -> memref<20000x64xf32, #tpu.memory_space<hbm>>
      tpu.enqueue_indirect_dma source(%dma_start3A_211 : memref<20000x64xf32, #tpu.memory_space<hbm>>) target(%arg8 : memref<80x64xf32, #tpu.memory_space<vmem>>) offsets(%dma_start3A_208 : memref<80xi32, #tpu.memory_space<vmem>>) semaphore(%arg15 : memref<!tpu.dma_semaphore, #tpu.memory_space<semaphore_mem>>)
      %add3A_212 = arith.constant 1 : i32
      %add3A_213 = arith.addi %mul3A_191, %add3A_212 : i32
      %dma_wait3A_214 = arith.constant 0 : i32
      %dma_wait3A_215 = tpu.memref_slice %arg6[%add3A_213, %dma_wait3A_214] : memref<125x80xi32, #tpu.memory_space<vmem>> -> memref<1x80xi32, #tpu.memory_space<vmem>>
      %dma_wait3A_216 = tpu.memref_squeeze %dma_wait3A_215 : memref<1x80xi32, #tpu.memory_space<vmem>> -> memref<80xi32, #tpu.memory_space<vmem>>
      %dma_wait3A_217 = arith.constant 0 : i32
      %dma_wait3A_218 = arith.constant 0 : i32
      %dma_wait3A_219 = tpu.memref_slice %arg2[%dma_wait3A_217, %dma_wait3A_218] : memref<20000x64xf32, #tpu.memory_space<hbm>> -> memref<20000x64xf32, #tpu.memory_space<hbm>>
      tpu.wait_indirect_dma semaphore(%arg16 : memref<!tpu.dma_semaphore, #tpu.memory_space<semaphore_mem>>) src(%dma_wait3A_219 : memref<20000x64xf32, #tpu.memory_space<hbm>>) dst(%arg9 : memref<80x64xf32, #tpu.memory_space<vmem>>)
      %add3A_220 = arith.constant 1 : i32
      %add3A_221 = arith.addi %mul3A_191, %add3A_220 : i32
      "tpu.region"() ({
        %run_scoped3A_292 = tpu.sem_alloc : memref<!tpu.dma_semaphore, #tpu.memory_space<semaphore_mem>>
        %dma_start3A_293 = arith.constant 0 : i32
        %dma_start3A_294 = tpu.memref_slice %arg7[%add3A_221, %dma_start3A_293] : memref<125x80xi32, #tpu.memory_space<vmem>> -> memref<1x80xi32, #tpu.memory_space<vmem>>
        %dma_start3A_295 = tpu.memref_squeeze %dma_start3A_294 : memref<1x80xi32, #tpu.memory_space<vmem>> -> memref<80xi32, #tpu.memory_space<vmem>>
        %dma_start3A_296 = arith.constant 0 : i32
        %dma_start3A_297 = arith.constant 0 : i32
        %dma_start3A_298 = tpu.memref_slice %arg14[%dma_start3A_296, %dma_start3A_297] : memref<10240x64xf32, #tpu.memory_space<vmem_shared>> -> memref<10240x64xf32, #tpu.memory_space<vmem_shared>>
        tpu.enqueue_indirect_dma source(%arg9 : memref<80x64xf32, #tpu.memory_space<vmem>>) target(%dma_start3A_298 : memref<10240x64xf32, #tpu.memory_space<vmem_shared>>) offsets(%dma_start3A_295 : memref<80xi32, #tpu.memory_space<vmem>>) semaphore(%run_scoped3A_292 : memref<!tpu.dma_semaphore, #tpu.memory_space<semaphore_mem>>) {add = true}
        %dma_wait3A_299 = arith.constant 0 : i32
        %dma_wait3A_300 = tpu.memref_slice %arg7[%add3A_221, %dma_wait3A_299] : memref<125x80xi32, #tpu.memory_space<vmem>> -> memref<1x80xi32, #tpu.memory_space<vmem>>
        %dma_wait3A_301 = tpu.memref_squeeze %dma_wait3A_300 : memref<1x80xi32, #tpu.memory_space<vmem>> -> memref<80xi32, #tpu.memory_space<vmem>>
        %dma_wait3A_302 = arith.constant 0 : i32
        %dma_wait3A_303 = arith.constant 0 : i32
        %dma_wait3A_304 = tpu.memref_slice %arg14[%dma_wait3A_302, %dma_wait3A_303] : memref<10240x64xf32, #tpu.memory_space<vmem_shared>> -> memref<10240x64xf32, #tpu.memory_space<vmem_shared>>
        tpu.wait_indirect_dma semaphore(%run_scoped3A_292 : memref<!tpu.dma_semaphore, #tpu.memory_space<semaphore_mem>>) src(%arg9 : memref<80x64xf32, #tpu.memory_space<vmem>>) dst(%dma_wait3A_304 : memref<10240x64xf32, #tpu.memory_space<vmem_shared>>)
        tpu.yield
      }) : () -> ()
      %add3A_222 = arith.constant 1 : i32
      %add3A_223 = arith.addi %mul3A_191, %add3A_222 : i32
      %add3A_224 = arith.constant 5 : i32
      %add3A_225 = arith.addi %add3A_223, %add3A_224 : i32
      %dma_start3A_226 = arith.constant 0 : i32
      %dma_start3A_227 = tpu.memref_slice %arg6[%add3A_225, %dma_start3A_226] : memref<125x80xi32, #tpu.memory_space<vmem>> -> memref<1x80xi32, #tpu.memory_space<vmem>>
      %dma_start3A_228 = tpu.memref_squeeze %dma_start3A_227 : memref<1x80xi32, #tpu.memory_space<vmem>> -> memref<80xi32, #tpu.memory_space<vmem>>
      %dma_start3A_229 = arith.constant 0 : i32
      %dma_start3A_230 = arith.constant 0 : i32
      %dma_start3A_231 = tpu.memref_slice %arg2[%dma_start3A_229, %dma_start3A_230] : memref<20000x64xf32, #tpu.memory_space<hbm>> -> memref<20000x64xf32, #tpu.memory_space<hbm>>
      tpu.enqueue_indirect_dma source(%dma_start3A_231 : memref<20000x64xf32, #tpu.memory_space<hbm>>) target(%arg9 : memref<80x64xf32, #tpu.memory_space<vmem>>) offsets(%dma_start3A_228 : memref<80xi32, #tpu.memory_space<vmem>>) semaphore(%arg16 : memref<!tpu.dma_semaphore, #tpu.memory_space<semaphore_mem>>)
      %add3A_232 = arith.constant 2 : i32
      %add3A_233 = arith.addi %mul3A_191, %add3A_232 : i32
      %dma_wait3A_234 = arith.constant 0 : i32
      %dma_wait3A_235 = tpu.memref_slice %arg6[%add3A_233, %dma_wait3A_234] : memref<125x80xi32, #tpu.memory_space<vmem>> -> memref<1x80xi32, #tpu.memory_space<vmem>>
      %dma_wait3A_236 = tpu.memref_squeeze %dma_wait3A_235 : memref<1x80xi32, #tpu.memory_space<vmem>> -> memref<80xi32, #tpu.memory_space<vmem>>
      %dma_wait3A_237 = arith.constant 0 : i32
      %dma_wait3A_238 = arith.constant 0 : i32
      %dma_wait3A_239 = tpu.memref_slice %arg2[%dma_wait3A_237, %dma_wait3A_238] : memref<20000x64xf32, #tpu.memory_space<hbm>> -> memref<20000x64xf32, #tpu.memory_space<hbm>>
      tpu.wait_indirect_dma semaphore(%arg17 : memref<!tpu.dma_semaphore, #tpu.memory_space<semaphore_mem>>) src(%dma_wait3A_239 : memref<20000x64xf32, #tpu.memory_space<hbm>>) dst(%arg10 : memref<80x64xf32, #tpu.memory_space<vmem>>)
      %add3A_240 = arith.constant 2 : i32
      %add3A_241 = arith.addi %mul3A_191, %add3A_240 : i32
      "tpu.region"() ({
        %run_scoped3A_292 = tpu.sem_alloc : memref<!tpu.dma_semaphore, #tpu.memory_space<semaphore_mem>>
        %dma_start3A_293 = arith.constant 0 : i32
        %dma_start3A_294 = tpu.memref_slice %arg7[%add3A_241, %dma_start3A_293] : memref<125x80xi32, #tpu.memory_space<vmem>> -> memref<1x80xi32, #tpu.memory_space<vmem>>
        %dma_start3A_295 = tpu.memref_squeeze %dma_start3A_294 : memref<1x80xi32, #tpu.memory_space<vmem>> -> memref<80xi32, #tpu.memory_space<vmem>>
        %dma_start3A_296 = arith.constant 0 : i32
        %dma_start3A_297 = arith.constant 0 : i32
        %dma_start3A_298 = tpu.memref_slice %arg14[%dma_start3A_296, %dma_start3A_297] : memref<10240x64xf32, #tpu.memory_space<vmem_shared>> -> memref<10240x64xf32, #tpu.memory_space<vmem_shared>>
        tpu.enqueue_indirect_dma source(%arg10 : memref<80x64xf32, #tpu.memory_space<vmem>>) target(%dma_start3A_298 : memref<10240x64xf32, #tpu.memory_space<vmem_shared>>) offsets(%dma_start3A_295 : memref<80xi32, #tpu.memory_space<vmem>>) semaphore(%run_scoped3A_292 : memref<!tpu.dma_semaphore, #tpu.memory_space<semaphore_mem>>) {add = true}
        %dma_wait3A_299 = arith.constant 0 : i32
        %dma_wait3A_300 = tpu.memref_slice %arg7[%add3A_241, %dma_wait3A_299] : memref<125x80xi32, #tpu.memory_space<vmem>> -> memref<1x80xi32, #tpu.memory_space<vmem>>
        %dma_wait3A_301 = tpu.memref_squeeze %dma_wait3A_300 : memref<1x80xi32, #tpu.memory_space<vmem>> -> memref<80xi32, #tpu.memory_space<vmem>>
        %dma_wait3A_302 = arith.constant 0 : i32
        %dma_wait3A_303 = arith.constant 0 : i32
        %dma_wait3A_304 = tpu.memref_slice %arg14[%dma_wait3A_302, %dma_wait3A_303] : memref<10240x64xf32, #tpu.memory_space<vmem_shared>> -> memref<10240x64xf32, #tpu.memory_space<vmem_shared>>
        tpu.wait_indirect_dma semaphore(%run_scoped3A_292 : memref<!tpu.dma_semaphore, #tpu.memory_space<semaphore_mem>>) src(%arg10 : memref<80x64xf32, #tpu.memory_space<vmem>>) dst(%dma_wait3A_304 : memref<10240x64xf32, #tpu.memory_space<vmem_shared>>)
        tpu.yield
      }) : () -> ()
      %add3A_242 = arith.constant 2 : i32
      %add3A_243 = arith.addi %mul3A_191, %add3A_242 : i32
      %add3A_244 = arith.constant 5 : i32
      %add3A_245 = arith.addi %add3A_243, %add3A_244 : i32
      %dma_start3A_246 = arith.constant 0 : i32
      %dma_start3A_247 = tpu.memref_slice %arg6[%add3A_245, %dma_start3A_246] : memref<125x80xi32, #tpu.memory_space<vmem>> -> memref<1x80xi32, #tpu.memory_space<vmem>>
      %dma_start3A_248 = tpu.memref_squeeze %dma_start3A_247 : memref<1x80xi32, #tpu.memory_space<vmem>> -> memref<80xi32, #tpu.memory_space<vmem>>
      %dma_start3A_249 = arith.constant 0 : i32
      %dma_start3A_250 = arith.constant 0 : i32
      %dma_start3A_251 = tpu.memref_slice %arg2[%dma_start3A_249, %dma_start3A_250] : memref<20000x64xf32, #tpu.memory_space<hbm>> -> memref<20000x64xf32, #tpu.memory_space<hbm>>
      tpu.enqueue_indirect_dma source(%dma_start3A_251 : memref<20000x64xf32, #tpu.memory_space<hbm>>) target(%arg10 : memref<80x64xf32, #tpu.memory_space<vmem>>) offsets(%dma_start3A_248 : memref<80xi32, #tpu.memory_space<vmem>>) semaphore(%arg17 : memref<!tpu.dma_semaphore, #tpu.memory_space<semaphore_mem>>)
      %add3A_252 = arith.constant 3 : i32
      %add3A_253 = arith.addi %mul3A_191, %add3A_252 : i32
      %dma_wait3A_254 = arith.constant 0 : i32
      %dma_wait3A_255 = tpu.memref_slice %arg6[%add3A_253, %dma_wait3A_254] : memref<125x80xi32, #tpu.memory_space<vmem>> -> memref<1x80xi32, #tpu.memory_space<vmem>>
      %dma_wait3A_256 = tpu.memref_squeeze %dma_wait3A_255 : memref<1x80xi32, #tpu.memory_space<vmem>> -> memref<80xi32, #tpu.memory_space<vmem>>
      %dma_wait3A_257 = arith.constant 0 : i32
      %dma_wait3A_258 = arith.constant 0 : i32
      %dma_wait3A_259 = tpu.memref_slice %arg2[%dma_wait3A_257, %dma_wait3A_258] : memref<20000x64xf32, #tpu.memory_space<hbm>> -> memref<20000x64xf32, #tpu.memory_space<hbm>>
      tpu.wait_indirect_dma semaphore(%arg18 : memref<!tpu.dma_semaphore, #tpu.memory_space<semaphore_mem>>) src(%dma_wait3A_259 : memref<20000x64xf32, #tpu.memory_space<hbm>>) dst(%arg11 : memref<80x64xf32, #tpu.memory_space<vmem>>)
      %add3A_260 = arith.constant 3 : i32
      %add3A_261 = arith.addi %mul3A_191, %add3A_260 : i32
      "tpu.region"() ({
        %run_scoped3A_292 = tpu.sem_alloc : memref<!tpu.dma_semaphore, #tpu.memory_space<semaphore_mem>>
        %dma_start3A_293 = arith.constant 0 : i32
        %dma_start3A_294 = tpu.memref_slice %arg7[%add3A_261, %dma_start3A_293] : memref<125x80xi32, #tpu.memory_space<vmem>> -> memref<1x80xi32, #tpu.memory_space<vmem>>
        %dma_start3A_295 = tpu.memref_squeeze %dma_start3A_294 : memref<1x80xi32, #tpu.memory_space<vmem>> -> memref<80xi32, #tpu.memory_space<vmem>>
        %dma_start3A_296 = arith.constant 0 : i32
        %dma_start3A_297 = arith.constant 0 : i32
        %dma_start3A_298 = tpu.memref_slice %arg14[%dma_start3A_296, %dma_start3A_297] : memref<10240x64xf32, #tpu.memory_space<vmem_shared>> -> memref<10240x64xf32, #tpu.memory_space<vmem_shared>>
        tpu.enqueue_indirect_dma source(%arg11 : memref<80x64xf32, #tpu.memory_space<vmem>>) target(%dma_start3A_298 : memref<10240x64xf32, #tpu.memory_space<vmem_shared>>) offsets(%dma_start3A_295 : memref<80xi32, #tpu.memory_space<vmem>>) semaphore(%run_scoped3A_292 : memref<!tpu.dma_semaphore, #tpu.memory_space<semaphore_mem>>) {add = true}
        %dma_wait3A_299 = arith.constant 0 : i32
        %dma_wait3A_300 = tpu.memref_slice %arg7[%add3A_261, %dma_wait3A_299] : memref<125x80xi32, #tpu.memory_space<vmem>> -> memref<1x80xi32, #tpu.memory_space<vmem>>
        %dma_wait3A_301 = tpu.memref_squeeze %dma_wait3A_300 : memref<1x80xi32, #tpu.memory_space<vmem>> -> memref<80xi32, #tpu.memory_space<vmem>>
        %dma_wait3A_302 = arith.constant 0 : i32
        %dma_wait3A_303 = arith.constant 0 : i32
        %dma_wait3A_304 = tpu.memref_slice %arg14[%dma_wait3A_302, %dma_wait3A_303] : memref<10240x64xf32, #tpu.memory_space<vmem_shared>> -> memref<10240x64xf32, #tpu.memory_space<vmem_shared>>
        tpu.wait_indirect_dma semaphore(%run_scoped3A_292 : memref<!tpu.dma_semaphore, #tpu.memory_space<semaphore_mem>>) src(%arg11 : memref<80x64xf32, #tpu.memory_space<vmem>>) dst(%dma_wait3A_304 : memref<10240x64xf32, #tpu.memory_space<vmem_shared>>)
        tpu.yield
      }) : () -> ()
      %add3A_262 = arith.constant 3 : i32
      %add3A_263 = arith.addi %mul3A_191, %add3A_262 : i32
      %add3A_264 = arith.constant 5 : i32
      %add3A_265 = arith.addi %add3A_263, %add3A_264 : i32
      %dma_start3A_266 = arith.constant 0 : i32
      %dma_start3A_267 = tpu.memref_slice %arg6[%add3A_265, %dma_start3A_266] : memref<125x80xi32, #tpu.memory_space<vmem>> -> memref<1x80xi32, #tpu.memory_space<vmem>>
      %dma_start3A_268 = tpu.memref_squeeze %dma_start3A_267 : memref<1x80xi32, #tpu.memory_space<vmem>> -> memref<80xi32, #tpu.memory_space<vmem>>
      %dma_start3A_269 = arith.constant 0 : i32
      %dma_start3A_270 = arith.constant 0 : i32
      %dma_start3A_271 = tpu.memref_slice %arg2[%dma_start3A_269, %dma_start3A_270] : memref<20000x64xf32, #tpu.memory_space<hbm>> -> memref<20000x64xf32, #tpu.memory_space<hbm>>
      tpu.enqueue_indirect_dma source(%dma_start3A_271 : memref<20000x64xf32, #tpu.memory_space<hbm>>) target(%arg11 : memref<80x64xf32, #tpu.memory_space<vmem>>) offsets(%dma_start3A_268 : memref<80xi32, #tpu.memory_space<vmem>>) semaphore(%arg18 : memref<!tpu.dma_semaphore, #tpu.memory_space<semaphore_mem>>)
      %add3A_272 = arith.constant 4 : i32
      %add3A_273 = arith.addi %mul3A_191, %add3A_272 : i32
      %dma_wait3A_274 = arith.constant 0 : i32
      %dma_wait3A_275 = tpu.memref_slice %arg6[%add3A_273, %dma_wait3A_274] : memref<125x80xi32, #tpu.memory_space<vmem>> -> memref<1x80xi32, #tpu.memory_space<vmem>>
      %dma_wait3A_276 = tpu.memref_squeeze %dma_wait3A_275 : memref<1x80xi32, #tpu.memory_space<vmem>> -> memref<80xi32, #tpu.memory_space<vmem>>
      %dma_wait3A_277 = arith.constant 0 : i32
      %dma_wait3A_278 = arith.constant 0 : i32
      %dma_wait3A_279 = tpu.memref_slice %arg2[%dma_wait3A_277, %dma_wait3A_278] : memref<20000x64xf32, #tpu.memory_space<hbm>> -> memref<20000x64xf32, #tpu.memory_space<hbm>>
      tpu.wait_indirect_dma semaphore(%arg19 : memref<!tpu.dma_semaphore, #tpu.memory_space<semaphore_mem>>) src(%dma_wait3A_279 : memref<20000x64xf32, #tpu.memory_space<hbm>>) dst(%arg12 : memref<80x64xf32, #tpu.memory_space<vmem>>)
      %add3A_280 = arith.constant 4 : i32
      %add3A_281 = arith.addi %mul3A_191, %add3A_280 : i32
      "tpu.region"() ({
        %run_scoped3A_292 = tpu.sem_alloc : memref<!tpu.dma_semaphore, #tpu.memory_space<semaphore_mem>>
        %dma_start3A_293 = arith.constant 0 : i32
        %dma_start3A_294 = tpu.memref_slice %arg7[%add3A_281, %dma_start3A_293] : memref<125x80xi32, #tpu.memory_space<vmem>> -> memref<1x80xi32, #tpu.memory_space<vmem>>
        %dma_start3A_295 = tpu.memref_squeeze %dma_start3A_294 : memref<1x80xi32, #tpu.memory_space<vmem>> -> memref<80xi32, #tpu.memory_space<vmem>>
        %dma_start3A_296 = arith.constant 0 : i32
        %dma_start3A_297 = arith.constant 0 : i32
        %dma_start3A_298 = tpu.memref_slice %arg14[%dma_start3A_296, %dma_start3A_297] : memref<10240x64xf32, #tpu.memory_space<vmem_shared>> -> memref<10240x64xf32, #tpu.memory_space<vmem_shared>>
        tpu.enqueue_indirect_dma source(%arg12 : memref<80x64xf32, #tpu.memory_space<vmem>>) target(%dma_start3A_298 : memref<10240x64xf32, #tpu.memory_space<vmem_shared>>) offsets(%dma_start3A_295 : memref<80xi32, #tpu.memory_space<vmem>>) semaphore(%run_scoped3A_292 : memref<!tpu.dma_semaphore, #tpu.memory_space<semaphore_mem>>) {add = true}
        %dma_wait3A_299 = arith.constant 0 : i32
        %dma_wait3A_300 = tpu.memref_slice %arg7[%add3A_281, %dma_wait3A_299] : memref<125x80xi32, #tpu.memory_space<vmem>> -> memref<1x80xi32, #tpu.memory_space<vmem>>
        %dma_wait3A_301 = tpu.memref_squeeze %dma_wait3A_300 : memref<1x80xi32, #tpu.memory_space<vmem>> -> memref<80xi32, #tpu.memory_space<vmem>>
        %dma_wait3A_302 = arith.constant 0 : i32
        %dma_wait3A_303 = arith.constant 0 : i32
        %dma_wait3A_304 = tpu.memref_slice %arg14[%dma_wait3A_302, %dma_wait3A_303] : memref<10240x64xf32, #tpu.memory_space<vmem_shared>> -> memref<10240x64xf32, #tpu.memory_space<vmem_shared>>
        tpu.wait_indirect_dma semaphore(%run_scoped3A_292 : memref<!tpu.dma_semaphore, #tpu.memory_space<semaphore_mem>>) src(%arg12 : memref<80x64xf32, #tpu.memory_space<vmem>>) dst(%dma_wait3A_304 : memref<10240x64xf32, #tpu.memory_space<vmem_shared>>)
        tpu.yield
      }) : () -> ()
      %add3A_282 = arith.constant 4 : i32
      %add3A_283 = arith.addi %mul3A_191, %add3A_282 : i32
      %add3A_284 = arith.constant 5 : i32
      %add3A_285 = arith.addi %add3A_283, %add3A_284 : i32
      %dma_start3A_286 = arith.constant 0 : i32
      %dma_start3A_287 = tpu.memref_slice %arg6[%add3A_285, %dma_start3A_286] : memref<125x80xi32, #tpu.memory_space<vmem>> -> memref<1x80xi32, #tpu.memory_space<vmem>>
      %dma_start3A_288 = tpu.memref_squeeze %dma_start3A_287 : memref<1x80xi32, #tpu.memory_space<vmem>> -> memref<80xi32, #tpu.memory_space<vmem>>
      %dma_start3A_289 = arith.constant 0 : i32
      %dma_start3A_290 = arith.constant 0 : i32
      %dma_start3A_291 = tpu.memref_slice %arg2[%dma_start3A_289, %dma_start3A_290] : memref<20000x64xf32, #tpu.memory_space<hbm>> -> memref<20000x64xf32, #tpu.memory_space<hbm>>
      tpu.enqueue_indirect_dma source(%dma_start3A_291 : memref<20000x64xf32, #tpu.memory_space<hbm>>) target(%arg12 : memref<80x64xf32, #tpu.memory_space<vmem>>) offsets(%dma_start3A_288 : memref<80xi32, #tpu.memory_space<vmem>>) semaphore(%arg19 : memref<!tpu.dma_semaphore, #tpu.memory_space<semaphore_mem>>)
    }
    %scan3A_48 = arith.constant 24 : i32
    %dma_wait3A = arith.constant 120 : i32
    %dma_wait3A_49 = arith.constant 0 : i32
    %dma_wait3A_50 = tpu.memref_slice %arg6[%dma_wait3A, %dma_wait3A_49] : memref<125x80xi32, #tpu.memory_space<vmem>> -> memref<1x80xi32, #tpu.memory_space<vmem>>
    %dma_wait3A_51 = tpu.memref_squeeze %dma_wait3A_50 : memref<1x80xi32, #tpu.memory_space<vmem>> -> memref<80xi32, #tpu.memory_space<vmem>>
    %dma_wait3A_52 = arith.constant 0 : i32
    %dma_wait3A_53 = arith.constant 0 : i32
    %dma_wait3A_54 = tpu.memref_slice %arg2[%dma_wait3A_52, %dma_wait3A_53] : memref<20000x64xf32, #tpu.memory_space<hbm>> -> memref<20000x64xf32, #tpu.memory_space<hbm>>
    tpu.wait_indirect_dma semaphore(%arg15 : memref<!tpu.dma_semaphore, #tpu.memory_space<semaphore_mem>>) src(%dma_wait3A_54 : memref<20000x64xf32, #tpu.memory_space<hbm>>) dst(%arg8 : memref<80x64xf32, #tpu.memory_space<vmem>>)
    %run_scoped3A = arith.constant 120 : i32
    "tpu.region"() ({
      %run_scoped3A_185 = tpu.sem_alloc : memref<!tpu.dma_semaphore, #tpu.memory_space<semaphore_mem>>
      %dma_start3A_186 = arith.constant 0 : i32
      %dma_start3A_187 = tpu.memref_slice %arg7[%run_scoped3A, %dma_start3A_186] : memref<125x80xi32, #tpu.memory_space<vmem>> -> memref<1x80xi32, #tpu.memory_space<vmem>>
      %dma_start3A_188 = tpu.memref_squeeze %dma_start3A_187 : memref<1x80xi32, #tpu.memory_space<vmem>> -> memref<80xi32, #tpu.memory_space<vmem>>
      %dma_start3A_189 = arith.constant 0 : i32
      %dma_start3A_190 = arith.constant 0 : i32
      %dma_start3A_191 = tpu.memref_slice %arg14[%dma_start3A_189, %dma_start3A_190] : memref<10240x64xf32, #tpu.memory_space<vmem_shared>> -> memref<10240x64xf32, #tpu.memory_space<vmem_shared>>
      tpu.enqueue_indirect_dma source(%arg8 : memref<80x64xf32, #tpu.memory_space<vmem>>) target(%dma_start3A_191 : memref<10240x64xf32, #tpu.memory_space<vmem_shared>>) offsets(%dma_start3A_188 : memref<80xi32, #tpu.memory_space<vmem>>) semaphore(%run_scoped3A_185 : memref<!tpu.dma_semaphore, #tpu.memory_space<semaphore_mem>>) {add = true}
      %dma_wait3A_192 = arith.constant 0 : i32
      %dma_wait3A_193 = tpu.memref_slice %arg7[%run_scoped3A, %dma_wait3A_192] : memref<125x80xi32, #tpu.memory_space<vmem>> -> memref<1x80xi32, #tpu.memory_space<vmem>>
      %dma_wait3A_194 = tpu.memref_squeeze %dma_wait3A_193 : memref<1x80xi32, #tpu.memory_space<vmem>> -> memref<80xi32, #tpu.memory_space<vmem>>
      %dma_wait3A_195 = arith.constant 0 : i32
      %dma_wait3A_196 = arith.constant 0 : i32
      %dma_wait3A_197 = tpu.memref_slice %arg14[%dma_wait3A_195, %dma_wait3A_196] : memref<10240x64xf32, #tpu.memory_space<vmem_shared>> -> memref<10240x64xf32, #tpu.memory_space<vmem_shared>>
      tpu.wait_indirect_dma semaphore(%run_scoped3A_185 : memref<!tpu.dma_semaphore, #tpu.memory_space<semaphore_mem>>) src(%arg8 : memref<80x64xf32, #tpu.memory_space<vmem>>) dst(%dma_wait3A_197 : memref<10240x64xf32, #tpu.memory_space<vmem_shared>>)
      tpu.yield
    }) : () -> ()
    %dma_wait3A_55 = arith.constant 121 : i32
    %dma_wait3A_56 = arith.constant 0 : i32
    %dma_wait3A_57 = tpu.memref_slice %arg6[%dma_wait3A_55, %dma_wait3A_56] : memref<125x80xi32, #tpu.memory_space<vmem>> -> memref<1x80xi32, #tpu.memory_space<vmem>>
    %dma_wait3A_58 = tpu.memref_squeeze %dma_wait3A_57 : memref<1x80xi32, #tpu.memory_space<vmem>> -> memref<80xi32, #tpu.memory_space<vmem>>
    %dma_wait3A_59 = arith.constant 0 : i32
    %dma_wait3A_60 = arith.constant 0 : i32
    %dma_wait3A_61 = tpu.memref_slice %arg2[%dma_wait3A_59, %dma_wait3A_60] : memref<20000x64xf32, #tpu.memory_space<hbm>> -> memref<20000x64xf32, #tpu.memory_space<hbm>>
    tpu.wait_indirect_dma semaphore(%arg16 : memref<!tpu.dma_semaphore, #tpu.memory_space<semaphore_mem>>) src(%dma_wait3A_61 : memref<20000x64xf32, #tpu.memory_space<hbm>>) dst(%arg9 : memref<80x64xf32, #tpu.memory_space<vmem>>)
    %run_scoped3A_62 = arith.constant 121 : i32
    "tpu.region"() ({
      %run_scoped3A_185 = tpu.sem_alloc : memref<!tpu.dma_semaphore, #tpu.memory_space<semaphore_mem>>
      %dma_start3A_186 = arith.constant 0 : i32
      %dma_start3A_187 = tpu.memref_slice %arg7[%run_scoped3A_62, %dma_start3A_186] : memref<125x80xi32, #tpu.memory_space<vmem>> -> memref<1x80xi32, #tpu.memory_space<vmem>>
      %dma_start3A_188 = tpu.memref_squeeze %dma_start3A_187 : memref<1x80xi32, #tpu.memory_space<vmem>> -> memref<80xi32, #tpu.memory_space<vmem>>
      %dma_start3A_189 = arith.constant 0 : i32
      %dma_start3A_190 = arith.constant 0 : i32
      %dma_start3A_191 = tpu.memref_slice %arg14[%dma_start3A_189, %dma_start3A_190] : memref<10240x64xf32, #tpu.memory_space<vmem_shared>> -> memref<10240x64xf32, #tpu.memory_space<vmem_shared>>
      tpu.enqueue_indirect_dma source(%arg9 : memref<80x64xf32, #tpu.memory_space<vmem>>) target(%dma_start3A_191 : memref<10240x64xf32, #tpu.memory_space<vmem_shared>>) offsets(%dma_start3A_188 : memref<80xi32, #tpu.memory_space<vmem>>) semaphore(%run_scoped3A_185 : memref<!tpu.dma_semaphore, #tpu.memory_space<semaphore_mem>>) {add = true}
      %dma_wait3A_192 = arith.constant 0 : i32
      %dma_wait3A_193 = tpu.memref_slice %arg7[%run_scoped3A_62, %dma_wait3A_192] : memref<125x80xi32, #tpu.memory_space<vmem>> -> memref<1x80xi32, #tpu.memory_space<vmem>>
      %dma_wait3A_194 = tpu.memref_squeeze %dma_wait3A_193 : memref<1x80xi32, #tpu.memory_space<vmem>> -> memref<80xi32, #tpu.memory_space<vmem>>
      %dma_wait3A_195 = arith.constant 0 : i32
      %dma_wait3A_196 = arith.constant 0 : i32
      %dma_wait3A_197 = tpu.memref_slice %arg14[%dma_wait3A_195, %dma_wait3A_196] : memref<10240x64xf32, #tpu.memory_space<vmem_shared>> -> memref<10240x64xf32, #tpu.memory_space<vmem_shared>>
      tpu.wait_indirect_dma semaphore(%run_scoped3A_185 : memref<!tpu.dma_semaphore, #tpu.memory_space<semaphore_mem>>) src(%arg9 : memref<80x64xf32, #tpu.memory_space<vmem>>) dst(%dma_wait3A_197 : memref<10240x64xf32, #tpu.memory_space<vmem_shared>>)
      tpu.yield
    }) : () -> ()
    %dma_wait3A_63 = arith.constant 122 : i32
    %dma_wait3A_64 = arith.constant 0 : i32
    %dma_wait3A_65 = tpu.memref_slice %arg6[%dma_wait3A_63, %dma_wait3A_64] : memref<125x80xi32, #tpu.memory_space<vmem>> -> memref<1x80xi32, #tpu.memory_space<vmem>>
    %dma_wait3A_66 = tpu.memref_squeeze %dma_wait3A_65 : memref<1x80xi32, #tpu.memory_space<vmem>> -> memref<80xi32, #tpu.memory_space<vmem>>
    %dma_wait3A_67 = arith.constant 0 : i32
    %dma_wait3A_68 = arith.constant 0 : i32
    %dma_wait3A_69 = tpu.memref_slice %arg2[%dma_wait3A_67, %dma_wait3A_68] : memref<20000x64xf32, #tpu.memory_space<hbm>> -> memref<20000x64xf32, #tpu.memory_space<hbm>>
    tpu.wait_indirect_dma semaphore(%arg17 : memref<!tpu.dma_semaphore, #tpu.memory_space<semaphore_mem>>) src(%dma_wait3A_69 : memref<20000x64xf32, #tpu.memory_space<hbm>>) dst(%arg10 : memref<80x64xf32, #tpu.memory_space<vmem>>)
    %run_scoped3A_70 = arith.constant 122 : i32
    "tpu.region"() ({
      %run_scoped3A_185 = tpu.sem_alloc : memref<!tpu.dma_semaphore, #tpu.memory_space<semaphore_mem>>
      %dma_start3A_186 = arith.constant 0 : i32
      %dma_start3A_187 = tpu.memref_slice %arg7[%run_scoped3A_70, %dma_start3A_186] : memref<125x80xi32, #tpu.memory_space<vmem>> -> memref<1x80xi32, #tpu.memory_space<vmem>>
      %dma_start3A_188 = tpu.memref_squeeze %dma_start3A_187 : memref<1x80xi32, #tpu.memory_space<vmem>> -> memref<80xi32, #tpu.memory_space<vmem>>
      %dma_start3A_189 = arith.constant 0 : i32
      %dma_start3A_190 = arith.constant 0 : i32
      %dma_start3A_191 = tpu.memref_slice %arg14[%dma_start3A_189, %dma_start3A_190] : memref<10240x64xf32, #tpu.memory_space<vmem_shared>> -> memref<10240x64xf32, #tpu.memory_space<vmem_shared>>
      tpu.enqueue_indirect_dma source(%arg10 : memref<80x64xf32, #tpu.memory_space<vmem>>) target(%dma_start3A_191 : memref<10240x64xf32, #tpu.memory_space<vmem_shared>>) offsets(%dma_start3A_188 : memref<80xi32, #tpu.memory_space<vmem>>) semaphore(%run_scoped3A_185 : memref<!tpu.dma_semaphore, #tpu.memory_space<semaphore_mem>>) {add = true}
      %dma_wait3A_192 = arith.constant 0 : i32
      %dma_wait3A_193 = tpu.memref_slice %arg7[%run_scoped3A_70, %dma_wait3A_192] : memref<125x80xi32, #tpu.memory_space<vmem>> -> memref<1x80xi32, #tpu.memory_space<vmem>>
      %dma_wait3A_194 = tpu.memref_squeeze %dma_wait3A_193 : memref<1x80xi32, #tpu.memory_space<vmem>> -> memref<80xi32, #tpu.memory_space<vmem>>
      %dma_wait3A_195 = arith.constant 0 : i32
      %dma_wait3A_196 = arith.constant 0 : i32
      %dma_wait3A_197 = tpu.memref_slice %arg14[%dma_wait3A_195, %dma_wait3A_196] : memref<10240x64xf32, #tpu.memory_space<vmem_shared>> -> memref<10240x64xf32, #tpu.memory_space<vmem_shared>>
      tpu.wait_indirect_dma semaphore(%run_scoped3A_185 : memref<!tpu.dma_semaphore, #tpu.memory_space<semaphore_mem>>) src(%arg10 : memref<80x64xf32, #tpu.memory_space<vmem>>) dst(%dma_wait3A_197 : memref<10240x64xf32, #tpu.memory_space<vmem_shared>>)
      tpu.yield
    }) : () -> ()
    %dma_wait3A_71 = arith.constant 123 : i32
    %dma_wait3A_72 = arith.constant 0 : i32
    %dma_wait3A_73 = tpu.memref_slice %arg6[%dma_wait3A_71, %dma_wait3A_72] : memref<125x80xi32, #tpu.memory_space<vmem>> -> memref<1x80xi32, #tpu.memory_space<vmem>>
    %dma_wait3A_74 = tpu.memref_squeeze %dma_wait3A_73 : memref<1x80xi32, #tpu.memory_space<vmem>> -> memref<80xi32, #tpu.memory_space<vmem>>
    %dma_wait3A_75 = arith.constant 0 : i32
    %dma_wait3A_76 = arith.constant 0 : i32
    %dma_wait3A_77 = tpu.memref_slice %arg2[%dma_wait3A_75, %dma_wait3A_76] : memref<20000x64xf32, #tpu.memory_space<hbm>> -> memref<20000x64xf32, #tpu.memory_space<hbm>>
    tpu.wait_indirect_dma semaphore(%arg18 : memref<!tpu.dma_semaphore, #tpu.memory_space<semaphore_mem>>) src(%dma_wait3A_77 : memref<20000x64xf32, #tpu.memory_space<hbm>>) dst(%arg11 : memref<80x64xf32, #tpu.memory_space<vmem>>)
    %run_scoped3A_78 = arith.constant 123 : i32
    "tpu.region"() ({
      %run_scoped3A_185 = tpu.sem_alloc : memref<!tpu.dma_semaphore, #tpu.memory_space<semaphore_mem>>
      %dma_start3A_186 = arith.constant 0 : i32
      %dma_start3A_187 = tpu.memref_slice %arg7[%run_scoped3A_78, %dma_start3A_186] : memref<125x80xi32, #tpu.memory_space<vmem>> -> memref<1x80xi32, #tpu.memory_space<vmem>>
      %dma_start3A_188 = tpu.memref_squeeze %dma_start3A_187 : memref<1x80xi32, #tpu.memory_space<vmem>> -> memref<80xi32, #tpu.memory_space<vmem>>
      %dma_start3A_189 = arith.constant 0 : i32
      %dma_start3A_190 = arith.constant 0 : i32
      %dma_start3A_191 = tpu.memref_slice %arg14[%dma_start3A_189, %dma_start3A_190] : memref<10240x64xf32, #tpu.memory_space<vmem_shared>> -> memref<10240x64xf32, #tpu.memory_space<vmem_shared>>
      tpu.enqueue_indirect_dma source(%arg11 : memref<80x64xf32, #tpu.memory_space<vmem>>) target(%dma_start3A_191 : memref<10240x64xf32, #tpu.memory_space<vmem_shared>>) offsets(%dma_start3A_188 : memref<80xi32, #tpu.memory_space<vmem>>) semaphore(%run_scoped3A_185 : memref<!tpu.dma_semaphore, #tpu.memory_space<semaphore_mem>>) {add = true}
      %dma_wait3A_192 = arith.constant 0 : i32
      %dma_wait3A_193 = tpu.memref_slice %arg7[%run_scoped3A_78, %dma_wait3A_192] : memref<125x80xi32, #tpu.memory_space<vmem>> -> memref<1x80xi32, #tpu.memory_space<vmem>>
      %dma_wait3A_194 = tpu.memref_squeeze %dma_wait3A_193 : memref<1x80xi32, #tpu.memory_space<vmem>> -> memref<80xi32, #tpu.memory_space<vmem>>
      %dma_wait3A_195 = arith.constant 0 : i32
      %dma_wait3A_196 = arith.constant 0 : i32
      %dma_wait3A_197 = tpu.memref_slice %arg14[%dma_wait3A_195, %dma_wait3A_196] : memref<10240x64xf32, #tpu.memory_space<vmem_shared>> -> memref<10240x64xf32, #tpu.memory_space<vmem_shared>>
      tpu.wait_indirect_dma semaphore(%run_scoped3A_185 : memref<!tpu.dma_semaphore, #tpu.memory_space<semaphore_mem>>) src(%arg11 : memref<80x64xf32, #tpu.memory_space<vmem>>) dst(%dma_wait3A_197 : memref<10240x64xf32, #tpu.memory_space<vmem_shared>>)
      tpu.yield
    }) : () -> ()
    %dma_wait3A_79 = arith.constant 124 : i32
    %dma_wait3A_80 = arith.constant 0 : i32
    %dma_wait3A_81 = tpu.memref_slice %arg6[%dma_wait3A_79, %dma_wait3A_80] : memref<125x80xi32, #tpu.memory_space<vmem>> -> memref<1x80xi32, #tpu.memory_space<vmem>>
    %dma_wait3A_82 = tpu.memref_squeeze %dma_wait3A_81 : memref<1x80xi32, #tpu.memory_space<vmem>> -> memref<80xi32, #tpu.memory_space<vmem>>
    %dma_wait3A_83 = arith.constant 0 : i32
    %dma_wait3A_84 = arith.constant 0 : i32
    %dma_wait3A_85 = tpu.memref_slice %arg2[%dma_wait3A_83, %dma_wait3A_84] : memref<20000x64xf32, #tpu.memory_space<hbm>> -> memref<20000x64xf32, #tpu.memory_space<hbm>>
    tpu.wait_indirect_dma semaphore(%arg19 : memref<!tpu.dma_semaphore, #tpu.memory_space<semaphore_mem>>) src(%dma_wait3A_85 : memref<20000x64xf32, #tpu.memory_space<hbm>>) dst(%arg12 : memref<80x64xf32, #tpu.memory_space<vmem>>)
    %run_scoped3A_86 = arith.constant 124 : i32
    "tpu.region"() ({
      %run_scoped3A_185 = tpu.sem_alloc : memref<!tpu.dma_semaphore, #tpu.memory_space<semaphore_mem>>
      %dma_start3A_186 = arith.constant 0 : i32
      %dma_start3A_187 = tpu.memref_slice %arg7[%run_scoped3A_86, %dma_start3A_186] : memref<125x80xi32, #tpu.memory_space<vmem>> -> memref<1x80xi32, #tpu.memory_space<vmem>>
      %dma_start3A_188 = tpu.memref_squeeze %dma_start3A_187 : memref<1x80xi32, #tpu.memory_space<vmem>> -> memref<80xi32, #tpu.memory_space<vmem>>
      %dma_start3A_189 = arith.constant 0 : i32
      %dma_start3A_190 = arith.constant 0 : i32
      %dma_start3A_191 = tpu.memref_slice %arg14[%dma_start3A_189, %dma_start3A_190] : memref<10240x64xf32, #tpu.memory_space<vmem_shared>> -> memref<10240x64xf32, #tpu.memory_space<vmem_shared>>
      tpu.enqueue_indirect_dma source(%arg12 : memref<80x64xf32, #tpu.memory_space<vmem>>) target(%dma_start3A_191 : memref<10240x64xf32, #tpu.memory_space<vmem_shared>>) offsets(%dma_start3A_188 : memref<80xi32, #tpu.memory_space<vmem>>) semaphore(%run_scoped3A_185 : memref<!tpu.dma_semaphore, #tpu.memory_space<semaphore_mem>>) {add = true}
      %dma_wait3A_192 = arith.constant 0 : i32
      %dma_wait3A_193 = tpu.memref_slice %arg7[%run_scoped3A_86, %dma_wait3A_192] : memref<125x80xi32, #tpu.memory_space<vmem>> -> memref<1x80xi32, #tpu.memory_space<vmem>>
      %dma_wait3A_194 = tpu.memref_squeeze %dma_wait3A_193 : memref<1x80xi32, #tpu.memory_space<vmem>> -> memref<80xi32, #tpu.memory_space<vmem>>
      %dma_wait3A_195 = arith.constant 0 : i32
      %dma_wait3A_196 = arith.constant 0 : i32
      %dma_wait3A_197 = tpu.memref_slice %arg14[%dma_wait3A_195, %dma_wait3A_196] : memref<10240x64xf32, #tpu.memory_space<vmem_shared>> -> memref<10240x64xf32, #tpu.memory_space<vmem_shared>>
      tpu.wait_indirect_dma semaphore(%run_scoped3A_185 : memref<!tpu.dma_semaphore, #tpu.memory_space<semaphore_mem>>) src(%arg12 : memref<80x64xf32, #tpu.memory_space<vmem>>) dst(%dma_wait3A_197 : memref<10240x64xf32, #tpu.memory_space<vmem_shared>>)
      tpu.yield
    }) : () -> ()
    %barrier3A_87 = arith.constant 0 : index
    tpu.barrier barrier_id(%barrier3A_87)
    %mul3A_88 = arith.constant 640 : i32
    %mul3A_89 = arith.muli %arg1, %mul3A_88 : i32
    %mul3A_90 = arith.constant 640 : i32
    %mul3A_91 = arith.muli %arg1, %mul3A_90 : i32
    "tpu.region"() ({
      %run_scoped3A_185 = tpu.sem_alloc : memref<!tpu.dma_semaphore, #tpu.memory_space<semaphore_mem>>
      %dma_start3A_186 = arith.constant 0 : i32
      %dma_start3A_187 = tpu.memref_slice %arg5[%arg0, %mul3A_91, %dma_start3A_186] : memref<2x10240x128xf32, #tpu.memory_space<hbm>> -> memref<1x640x64xf32, #tpu.memory_space<hbm>>
      %dma_start3A_188 = tpu.memref_squeeze %dma_start3A_187 : memref<1x640x64xf32, #tpu.memory_space<hbm>> -> memref<640x64xf32, #tpu.memory_space<hbm>>
      %dma_start3A_189 = arith.constant 0 : i32
      %dma_start3A_190 = tpu.memref_slice %arg14[%mul3A_89, %dma_start3A_189] : memref<10240x64xf32, #tpu.memory_space<vmem_shared>> -> memref<640x64xf32, #tpu.memory_space<vmem_shared>>
      tpu.enqueue_dma source(%dma_start3A_190 : memref<640x64xf32, #tpu.memory_space<vmem_shared>>) target(%dma_start3A_188 : memref<640x64xf32, #tpu.memory_space<hbm>>) target_semaphore(%run_scoped3A_185 : memref<!tpu.dma_semaphore, #tpu.memory_space<semaphore_mem>>)
      %dma_wait3A_191 = arith.constant 0 : i32
      %dma_wait3A_192 = tpu.memref_slice %arg5[%arg0, %mul3A_91, %dma_wait3A_191] : memref<2x10240x128xf32, #tpu.memory_space<hbm>> -> memref<1x640x64xf32, #tpu.memory_space<hbm>>
      %dma_wait3A_193 = tpu.memref_squeeze %dma_wait3A_192 : memref<1x640x64xf32, #tpu.memory_space<hbm>> -> memref<640x64xf32, #tpu.memory_space<hbm>>
      %dma_wait3A_194 = arith.constant 0 : i32
      %dma_wait3A_195 = tpu.memref_slice %arg14[%mul3A_89, %dma_wait3A_194] : memref<10240x64xf32, #tpu.memory_space<vmem_shared>> -> memref<640x64xf32, #tpu.memory_space<vmem_shared>>
      tpu.wait_dma2 semaphore(%run_scoped3A_185 : memref<!tpu.dma_semaphore, #tpu.memory_space<semaphore_mem>>) src(%dma_wait3A_195 : memref<640x64xf32, #tpu.memory_space<vmem_shared>>) dst(%dma_wait3A_193 : memref<640x64xf32, #tpu.memory_space<hbm>>)
      tpu.yield
    }) : () -> ()
    %scan3A_92 = arith.constant 0 : i32
    %scan3A_93 = arith.constant 125 : i32
    %scan3A_94 = arith.addi %scan3A_92, %scan3A_93 : i32
    %scan3A_95 = arith.constant 1 : i32
    scf.for %scan3A_185 = %scan3A_92 to %scan3A_94 step %scan3A_95  : i32 {
      %mul3A_186 = arith.constant 1 : i32
      %mul3A_187 = arith.muli %scan3A_185, %mul3A_186 : i32
      %add3A_188 = arith.constant 0 : i32
      %add3A_189 = arith.addi %add3A_188, %mul3A_187 : i32
      %scan3A_190 = arith.constant 0 : i32
      %scan3A_191 = arith.constant 5 : i32
      %scan3A_192 = arith.addi %scan3A_190, %scan3A_191 : i32
      %scan3A_193 = arith.constant 1 : i32
      scf.for %scan3A_195 = %scan3A_190 to %scan3A_192 step %scan3A_193  : i32 {
        %mul3A_196 = arith.constant 16 : i32
        %mul3A_197 = arith.muli %scan3A_195, %mul3A_196 : i32
        %add3A_198 = arith.constant 0 : i32
        %add3A_199 = arith.addi %add3A_198, %mul3A_197 : i32
        %get3A = arith.index_cast %add3A_189 : i32 to index
        %get3A_200 = arith.index_cast %add3A_199 : i32 to index
        %get3A_201 = tpu.vector_load %arg6[%get3A, %get3A_200] {strides = array<i32>} : memref<125x80xi32, #tpu.memory_space<vmem>>, vector<1x16xi32>,
        %get3A_202 = vector.shape_cast %get3A_201 : vector<1x16xi32> to vector<16xi32>
        %add3A_203 = arith.addi %get3A_202, %broadcast_in_dim3A_7 : vector<16xi32>
        %swap3A = arith.index_cast %add3A_189 : i32 to index
        %swap3A_204 = arith.index_cast %add3A_199 : i32 to index
        %swap3A_205 = tpu.vector_load %arg6[%swap3A, %swap3A_204] {strides = array<i32>} : memref<125x80xi32, #tpu.memory_space<vmem>>, vector<1x16xi32>,
        %swap3A_206 = vector.shape_cast %swap3A_205 : vector<1x16xi32> to vector<16xi32>
        %swap3A_207 = vector.shape_cast %add3A_203 : vector<16xi32> to vector<1x16xi32>
        tpu.vector_store %arg6[%swap3A, %swap3A_204], %swap3A_207 {strides = array<i32>} : memref<125x80xi32, #tpu.memory_space<vmem>>, vector<1x16xi32>,
      }
      %scan3A_194 = arith.constant 5 : i32
    }
    %scan3A_96 = arith.constant 125 : i32
    %mul3A_97 = arith.constant 640 : i32
    %mul3A_98 = arith.muli %arg1, %mul3A_97 : i32
    "tpu.region"() ({
      %run_scoped3A_185 = tpu.sem_alloc : memref<!tpu.dma_semaphore, #tpu.memory_space<semaphore_mem>>
      %dma_start3A_186 = arith.constant 0 : i32
      %dma_start3A_187 = tpu.memref_slice %arg14[%mul3A_98, %dma_start3A_186] : memref<10240x64xf32, #tpu.memory_space<vmem_shared>> -> memref<640x64xf32, #tpu.memory_space<vmem_shared>>
      %dma_start3A_188 = arith.constant 0 : i32
      %dma_start3A_189 = tpu.memref_slice %arg14[%mul3A_98, %dma_start3A_188] : memref<10240x64xf32, #tpu.memory_space<vmem_shared>> -> memref<640x64xf32, #tpu.memory_space<vmem_shared>>
      tpu.enqueue_dma source(%arg13 : memref<640x64xf32, #tpu.memory_space<vmem>>) target(%dma_start3A_189 : memref<640x64xf32, #tpu.memory_space<vmem_shared>>) target_semaphore(%run_scoped3A_185 : memref<!tpu.dma_semaphore, #tpu.memory_space<semaphore_mem>>)
      %dma_wait3A_190 = arith.constant 0 : i32
      %dma_wait3A_191 = tpu.memref_slice %arg14[%mul3A_98, %dma_wait3A_190] : memref<10240x64xf32, #tpu.memory_space<vmem_shared>> -> memref<640x64xf32, #tpu.memory_space<vmem_shared>>
      %dma_wait3A_192 = arith.constant 0 : i32
      %dma_wait3A_193 = tpu.memref_slice %arg14[%mul3A_98, %dma_wait3A_192] : memref<10240x64xf32, #tpu.memory_space<vmem_shared>> -> memref<640x64xf32, #tpu.memory_space<vmem_shared>>
      tpu.wait_dma2 semaphore(%run_scoped3A_185 : memref<!tpu.dma_semaphore, #tpu.memory_space<semaphore_mem>>) src(%arg13 : memref<640x64xf32, #tpu.memory_space<vmem>>) dst(%dma_wait3A_193 : memref<640x64xf32, #tpu.memory_space<vmem_shared>>)
      tpu.yield
    }) : () -> ()
    %barrier3A_99 = arith.constant 0 : index
    tpu.barrier barrier_id(%barrier3A_99)
    %dma_start3A_100 = arith.constant 0 : i32
    %dma_start3A_101 = arith.constant 0 : i32
    %dma_start3A_102 = tpu.memref_slice %arg6[%dma_start3A_100, %dma_start3A_101] : memref<125x80xi32, #tpu.memory_space<vmem>> -> memref<1x80xi32, #tpu.memory_space<vmem>>
    %dma_start3A_103 = tpu.memref_squeeze %dma_start3A_102 : memref<1x80xi32, #tpu.memory_space<vmem>> -> memref<80xi32, #tpu.memory_space<vmem>>
    %dma_start3A_104 = arith.constant 0 : i32
    %dma_start3A_105 = arith.constant 0 : i32
    %dma_start3A_106 = tpu.memref_slice %arg2[%dma_start3A_104, %dma_start3A_105] : memref<20000x64xf32, #tpu.memory_space<hbm>> -> memref<20000x64xf32, #tpu.memory_space<hbm>>
    tpu.enqueue_indirect_dma source(%dma_start3A_106 : memref<20000x64xf32, #tpu.memory_space<hbm>>) target(%arg8 : memref<80x64xf32, #tpu.memory_space<vmem>>) offsets(%dma_start3A_103 : memref<80xi32, #tpu.memory_space<vmem>>) semaphore(%arg15 : memref<!tpu.dma_semaphore, #tpu.memory_space<semaphore_mem>>)
    %dma_start3A_107 = arith.constant 1 : i32
    %dma_start3A_108 = arith.constant 0 : i32
    %dma_start3A_109 = tpu.memref_slice %arg6[%dma_start3A_107, %dma_start3A_108] : memref<125x80xi32, #tpu.memory_space<vmem>> -> memref<1x80xi32, #tpu.memory_space<vmem>>
    %dma_start3A_110 = tpu.memref_squeeze %dma_start3A_109 : memref<1x80xi32, #tpu.memory_space<vmem>> -> memref<80xi32, #tpu.memory_space<vmem>>
    %dma_start3A_111 = arith.constant 0 : i32
    %dma_start3A_112 = arith.constant 0 : i32
    %dma_start3A_113 = tpu.memref_slice %arg2[%dma_start3A_111, %dma_start3A_112] : memref<20000x64xf32, #tpu.memory_space<hbm>> -> memref<20000x64xf32, #tpu.memory_space<hbm>>
    tpu.enqueue_indirect_dma source(%dma_start3A_113 : memref<20000x64xf32, #tpu.memory_space<hbm>>) target(%arg9 : memref<80x64xf32, #tpu.memory_space<vmem>>) offsets(%dma_start3A_110 : memref<80xi32, #tpu.memory_space<vmem>>) semaphore(%arg16 : memref<!tpu.dma_semaphore, #tpu.memory_space<semaphore_mem>>)
    %dma_start3A_114 = arith.constant 2 : i32
    %dma_start3A_115 = arith.constant 0 : i32
    %dma_start3A_116 = tpu.memref_slice %arg6[%dma_start3A_114, %dma_start3A_115] : memref<125x80xi32, #tpu.memory_space<vmem>> -> memref<1x80xi32, #tpu.memory_space<vmem>>
    %dma_start3A_117 = tpu.memref_squeeze %dma_start3A_116 : memref<1x80xi32, #tpu.memory_space<vmem>> -> memref<80xi32, #tpu.memory_space<vmem>>
    %dma_start3A_118 = arith.constant 0 : i32
    %dma_start3A_119 = arith.constant 0 : i32
    %dma_start3A_120 = tpu.memref_slice %arg2[%dma_start3A_118, %dma_start3A_119] : memref<20000x64xf32, #tpu.memory_space<hbm>> -> memref<20000x64xf32, #tpu.memory_space<hbm>>
    tpu.enqueue_indirect_dma source(%dma_start3A_120 : memref<20000x64xf32, #tpu.memory_space<hbm>>) target(%arg10 : memref<80x64xf32, #tpu.memory_space<vmem>>) offsets(%dma_start3A_117 : memref<80xi32, #tpu.memory_space<vmem>>) semaphore(%arg17 : memref<!tpu.dma_semaphore, #tpu.memory_space<semaphore_mem>>)
    %dma_start3A_121 = arith.constant 3 : i32
    %dma_start3A_122 = arith.constant 0 : i32
    %dma_start3A_123 = tpu.memref_slice %arg6[%dma_start3A_121, %dma_start3A_122] : memref<125x80xi32, #tpu.memory_space<vmem>> -> memref<1x80xi32, #tpu.memory_space<vmem>>
    %dma_start3A_124 = tpu.memref_squeeze %dma_start3A_123 : memref<1x80xi32, #tpu.memory_space<vmem>> -> memref<80xi32, #tpu.memory_space<vmem>>
    %dma_start3A_125 = arith.constant 0 : i32
    %dma_start3A_126 = arith.constant 0 : i32
    %dma_start3A_127 = tpu.memref_slice %arg2[%dma_start3A_125, %dma_start3A_126] : memref<20000x64xf32, #tpu.memory_space<hbm>> -> memref<20000x64xf32, #tpu.memory_space<hbm>>
    tpu.enqueue_indirect_dma source(%dma_start3A_127 : memref<20000x64xf32, #tpu.memory_space<hbm>>) target(%arg11 : memref<80x64xf32, #tpu.memory_space<vmem>>) offsets(%dma_start3A_124 : memref<80xi32, #tpu.memory_space<vmem>>) semaphore(%arg18 : memref<!tpu.dma_semaphore, #tpu.memory_space<semaphore_mem>>)
    %dma_start3A_128 = arith.constant 4 : i32
    %dma_start3A_129 = arith.constant 0 : i32
    %dma_start3A_130 = tpu.memref_slice %arg6[%dma_start3A_128, %dma_start3A_129] : memref<125x80xi32, #tpu.memory_space<vmem>> -> memref<1x80xi32, #tpu.memory_space<vmem>>
    %dma_start3A_131 = tpu.memref_squeeze %dma_start3A_130 : memref<1x80xi32, #tpu.memory_space<vmem>> -> memref<80xi32, #tpu.memory_space<vmem>>
    %dma_start3A_132 = arith.constant 0 : i32
    %dma_start3A_133 = arith.constant 0 : i32
    %dma_start3A_134 = tpu.memref_slice %arg2[%dma_start3A_132, %dma_start3A_133] : memref<20000x64xf32, #tpu.memory_space<hbm>> -> memref<20000x64xf32, #tpu.memory_space<hbm>>
    tpu.enqueue_indirect_dma source(%dma_start3A_134 : memref<20000x64xf32, #tpu.memory_space<hbm>>) target(%arg12 : memref<80x64xf32, #tpu.memory_space<vmem>>) offsets(%dma_start3A_131 : memref<80xi32, #tpu.memory_space<vmem>>) semaphore(%arg19 : memref<!tpu.dma_semaphore, #tpu.memory_space<semaphore_mem>>)
    %scan3A_135 = arith.constant 0 : i32
    %scan3A_136 = arith.constant 24 : i32
    %scan3A_137 = arith.addi %scan3A_135, %scan3A_136 : i32
    %scan3A_138 = arith.constant 1 : i32
    scf.for %scan3A_185 = %scan3A_135 to %scan3A_137 step %scan3A_138  : i32 {
      %mul3A_186 = arith.constant 1 : i32
      %mul3A_187 = arith.muli %scan3A_185, %mul3A_186 : i32
      %add3A_188 = arith.constant 0 : i32
      %add3A_189 = arith.addi %add3A_188, %mul3A_187 : i32
      %mul3A_190 = arith.constant 5 : i32
      %mul3A_191 = arith.muli %mul3A_190, %add3A_189 : i32
      %add3A_192 = arith.constant 0 : i32
      %add3A_193 = arith.addi %mul3A_191, %add3A_192 : i32
      %dma_wait3A_194 = arith.constant 0 : i32
      %dma_wait3A_195 = tpu.memref_slice %arg6[%add3A_193, %dma_wait3A_194] : memref<125x80xi32, #tpu.memory_space<vmem>> -> memref<1x80xi32, #tpu.memory_space<vmem>>
      %dma_wait3A_196 = tpu.memref_squeeze %dma_wait3A_195 : memref<1x80xi32, #tpu.memory_space<vmem>> -> memref<80xi32, #tpu.memory_space<vmem>>
      %dma_wait3A_197 = arith.constant 0 : i32
      %dma_wait3A_198 = arith.constant 0 : i32
      %dma_wait3A_199 = tpu.memref_slice %arg2[%dma_wait3A_197, %dma_wait3A_198] : memref<20000x64xf32, #tpu.memory_space<hbm>> -> memref<20000x64xf32, #tpu.memory_space<hbm>>
      tpu.wait_indirect_dma semaphore(%arg15 : memref<!tpu.dma_semaphore, #tpu.memory_space<semaphore_mem>>) src(%dma_wait3A_199 : memref<20000x64xf32, #tpu.memory_space<hbm>>) dst(%arg8 : memref<80x64xf32, #tpu.memory_space<vmem>>)
      %add3A_200 = arith.constant 0 : i32
      %add3A_201 = arith.addi %mul3A_191, %add3A_200 : i32
      "tpu.region"() ({
        %run_scoped3A_292 = tpu.sem_alloc : memref<!tpu.dma_semaphore, #tpu.memory_space<semaphore_mem>>
        %dma_start3A_293 = arith.constant 0 : i32
        %dma_start3A_294 = tpu.memref_slice %arg7[%add3A_201, %dma_start3A_293] : memref<125x80xi32, #tpu.memory_space<vmem>> -> memref<1x80xi32, #tpu.memory_space<vmem>>
        %dma_start3A_295 = tpu.memref_squeeze %dma_start3A_294 : memref<1x80xi32, #tpu.memory_space<vmem>> -> memref<80xi32, #tpu.memory_space<vmem>>
        %dma_start3A_296 = arith.constant 0 : i32
        %dma_start3A_297 = arith.constant 0 : i32
        %dma_start3A_298 = tpu.memref_slice %arg14[%dma_start3A_296, %dma_start3A_297] : memref<10240x64xf32, #tpu.memory_space<vmem_shared>> -> memref<10240x64xf32, #tpu.memory_space<vmem_shared>>
        tpu.enqueue_indirect_dma source(%arg8 : memref<80x64xf32, #tpu.memory_space<vmem>>) target(%dma_start3A_298 : memref<10240x64xf32, #tpu.memory_space<vmem_shared>>) offsets(%dma_start3A_295 : memref<80xi32, #tpu.memory_space<vmem>>) semaphore(%run_scoped3A_292 : memref<!tpu.dma_semaphore, #tpu.memory_space<semaphore_mem>>) {add = true}
        %dma_wait3A_299 = arith.constant 0 : i32
        %dma_wait3A_300 = tpu.memref_slice %arg7[%add3A_201, %dma_wait3A_299] : memref<125x80xi32, #tpu.memory_space<vmem>> -> memref<1x80xi32, #tpu.memory_space<vmem>>
        %dma_wait3A_301 = tpu.memref_squeeze %dma_wait3A_300 : memref<1x80xi32, #tpu.memory_space<vmem>> -> memref<80xi32, #tpu.memory_space<vmem>>
        %dma_wait3A_302 = arith.constant 0 : i32
        %dma_wait3A_303 = arith.constant 0 : i32
        %dma_wait3A_304 = tpu.memref_slice %arg14[%dma_wait3A_302, %dma_wait3A_303] : memref<10240x64xf32, #tpu.memory_space<vmem_shared>> -> memref<10240x64xf32, #tpu.memory_space<vmem_shared>>
        tpu.wait_indirect_dma semaphore(%run_scoped3A_292 : memref<!tpu.dma_semaphore, #tpu.memory_space<semaphore_mem>>) src(%arg8 : memref<80x64xf32, #tpu.memory_space<vmem>>) dst(%dma_wait3A_304 : memref<10240x64xf32, #tpu.memory_space<vmem_shared>>)
        tpu.yield
      }) : () -> ()
      %add3A_202 = arith.constant 0 : i32
      %add3A_203 = arith.addi %mul3A_191, %add3A_202 : i32
      %add3A_204 = arith.constant 5 : i32
      %add3A_205 = arith.addi %add3A_203, %add3A_204 : i32
      %dma_start3A_206 = arith.constant 0 : i32
      %dma_start3A_207 = tpu.memref_slice %arg6[%add3A_205, %dma_start3A_206] : memref<125x80xi32, #tpu.memory_space<vmem>> -> memref<1x80xi32, #tpu.memory_space<vmem>>
      %dma_start3A_208 = tpu.memref_squeeze %dma_start3A_207 : memref<1x80xi32, #tpu.memory_space<vmem>> -> memref<80xi32, #tpu.memory_space<vmem>>
      %dma_start3A_209 = arith.constant 0 : i32
      %dma_start3A_210 = arith.constant 0 : i32
      %dma_start3A_211 = tpu.memref_slice %arg2[%dma_start3A_209, %dma_start3A_210] : memref<20000x64xf32, #tpu.memory_space<hbm>> -> memref<20000x64xf32, #tpu.memory_space<hbm>>
      tpu.enqueue_indirect_dma source(%dma_start3A_211 : memref<20000x64xf32, #tpu.memory_space<hbm>>) target(%arg8 : memref<80x64xf32, #tpu.memory_space<vmem>>) offsets(%dma_start3A_208 : memref<80xi32, #tpu.memory_space<vmem>>) semaphore(%arg15 : memref<!tpu.dma_semaphore, #tpu.memory_space<semaphore_mem>>)
      %add3A_212 = arith.constant 1 : i32
      %add3A_213 = arith.addi %mul3A_191, %add3A_212 : i32
      %dma_wait3A_214 = arith.constant 0 : i32
      %dma_wait3A_215 = tpu.memref_slice %arg6[%add3A_213, %dma_wait3A_214] : memref<125x80xi32, #tpu.memory_space<vmem>> -> memref<1x80xi32, #tpu.memory_space<vmem>>
      %dma_wait3A_216 = tpu.memref_squeeze %dma_wait3A_215 : memref<1x80xi32, #tpu.memory_space<vmem>> -> memref<80xi32, #tpu.memory_space<vmem>>
      %dma_wait3A_217 = arith.constant 0 : i32
      %dma_wait3A_218 = arith.constant 0 : i32
      %dma_wait3A_219 = tpu.memref_slice %arg2[%dma_wait3A_217, %dma_wait3A_218] : memref<20000x64xf32, #tpu.memory_space<hbm>> -> memref<20000x64xf32, #tpu.memory_space<hbm>>
      tpu.wait_indirect_dma semaphore(%arg16 : memref<!tpu.dma_semaphore, #tpu.memory_space<semaphore_mem>>) src(%dma_wait3A_219 : memref<20000x64xf32, #tpu.memory_space<hbm>>) dst(%arg9 : memref<80x64xf32, #tpu.memory_space<vmem>>)
      %add3A_220 = arith.constant 1 : i32
      %add3A_221 = arith.addi %mul3A_191, %add3A_220 : i32
      "tpu.region"() ({
        %run_scoped3A_292 = tpu.sem_alloc : memref<!tpu.dma_semaphore, #tpu.memory_space<semaphore_mem>>
        %dma_start3A_293 = arith.constant 0 : i32
        %dma_start3A_294 = tpu.memref_slice %arg7[%add3A_221, %dma_start3A_293] : memref<125x80xi32, #tpu.memory_space<vmem>> -> memref<1x80xi32, #tpu.memory_space<vmem>>
        %dma_start3A_295 = tpu.memref_squeeze %dma_start3A_294 : memref<1x80xi32, #tpu.memory_space<vmem>> -> memref<80xi32, #tpu.memory_space<vmem>>
        %dma_start3A_296 = arith.constant 0 : i32
        %dma_start3A_297 = arith.constant 0 : i32
        %dma_start3A_298 = tpu.memref_slice %arg14[%dma_start3A_296, %dma_start3A_297] : memref<10240x64xf32, #tpu.memory_space<vmem_shared>> -> memref<10240x64xf32, #tpu.memory_space<vmem_shared>>
        tpu.enqueue_indirect_dma source(%arg9 : memref<80x64xf32, #tpu.memory_space<vmem>>) target(%dma_start3A_298 : memref<10240x64xf32, #tpu.memory_space<vmem_shared>>) offsets(%dma_start3A_295 : memref<80xi32, #tpu.memory_space<vmem>>) semaphore(%run_scoped3A_292 : memref<!tpu.dma_semaphore, #tpu.memory_space<semaphore_mem>>) {add = true}
        %dma_wait3A_299 = arith.constant 0 : i32
        %dma_wait3A_300 = tpu.memref_slice %arg7[%add3A_221, %dma_wait3A_299] : memref<125x80xi32, #tpu.memory_space<vmem>> -> memref<1x80xi32, #tpu.memory_space<vmem>>
        %dma_wait3A_301 = tpu.memref_squeeze %dma_wait3A_300 : memref<1x80xi32, #tpu.memory_space<vmem>> -> memref<80xi32, #tpu.memory_space<vmem>>
        %dma_wait3A_302 = arith.constant 0 : i32
        %dma_wait3A_303 = arith.constant 0 : i32
        %dma_wait3A_304 = tpu.memref_slice %arg14[%dma_wait3A_302, %dma_wait3A_303] : memref<10240x64xf32, #tpu.memory_space<vmem_shared>> -> memref<10240x64xf32, #tpu.memory_space<vmem_shared>>
        tpu.wait_indirect_dma semaphore(%run_scoped3A_292 : memref<!tpu.dma_semaphore, #tpu.memory_space<semaphore_mem>>) src(%arg9 : memref<80x64xf32, #tpu.memory_space<vmem>>) dst(%dma_wait3A_304 : memref<10240x64xf32, #tpu.memory_space<vmem_shared>>)
        tpu.yield
      }) : () -> ()
      %add3A_222 = arith.constant 1 : i32
      %add3A_223 = arith.addi %mul3A_191, %add3A_222 : i32
      %add3A_224 = arith.constant 5 : i32
      %add3A_225 = arith.addi %add3A_223, %add3A_224 : i32
      %dma_start3A_226 = arith.constant 0 : i32
      %dma_start3A_227 = tpu.memref_slice %arg6[%add3A_225, %dma_start3A_226] : memref<125x80xi32, #tpu.memory_space<vmem>> -> memref<1x80xi32, #tpu.memory_space<vmem>>
      %dma_start3A_228 = tpu.memref_squeeze %dma_start3A_227 : memref<1x80xi32, #tpu.memory_space<vmem>> -> memref<80xi32, #tpu.memory_space<vmem>>
      %dma_start3A_229 = arith.constant 0 : i32
      %dma_start3A_230 = arith.constant 0 : i32
      %dma_start3A_231 = tpu.memref_slice %arg2[%dma_start3A_229, %dma_start3A_230] : memref<20000x64xf32, #tpu.memory_space<hbm>> -> memref<20000x64xf32, #tpu.memory_space<hbm>>
      tpu.enqueue_indirect_dma source(%dma_start3A_231 : memref<20000x64xf32, #tpu.memory_space<hbm>>) target(%arg9 : memref<80x64xf32, #tpu.memory_space<vmem>>) offsets(%dma_start3A_228 : memref<80xi32, #tpu.memory_space<vmem>>) semaphore(%arg16 : memref<!tpu.dma_semaphore, #tpu.memory_space<semaphore_mem>>)
      %add3A_232 = arith.constant 2 : i32
      %add3A_233 = arith.addi %mul3A_191, %add3A_232 : i32
      %dma_wait3A_234 = arith.constant 0 : i32
      %dma_wait3A_235 = tpu.memref_slice %arg6[%add3A_233, %dma_wait3A_234] : memref<125x80xi32, #tpu.memory_space<vmem>> -> memref<1x80xi32, #tpu.memory_space<vmem>>
      %dma_wait3A_236 = tpu.memref_squeeze %dma_wait3A_235 : memref<1x80xi32, #tpu.memory_space<vmem>> -> memref<80xi32, #tpu.memory_space<vmem>>
      %dma_wait3A_237 = arith.constant 0 : i32
      %dma_wait3A_238 = arith.constant 0 : i32
      %dma_wait3A_239 = tpu.memref_slice %arg2[%dma_wait3A_237, %dma_wait3A_238] : memref<20000x64xf32, #tpu.memory_space<hbm>> -> memref<20000x64xf32, #tpu.memory_space<hbm>>
      tpu.wait_indirect_dma semaphore(%arg17 : memref<!tpu.dma_semaphore, #tpu.memory_space<semaphore_mem>>) src(%dma_wait3A_239 : memref<20000x64xf32, #tpu.memory_space<hbm>>) dst(%arg10 : memref<80x64xf32, #tpu.memory_space<vmem>>)
      %add3A_240 = arith.constant 2 : i32
      %add3A_241 = arith.addi %mul3A_191, %add3A_240 : i32
      "tpu.region"() ({
        %run_scoped3A_292 = tpu.sem_alloc : memref<!tpu.dma_semaphore, #tpu.memory_space<semaphore_mem>>
        %dma_start3A_293 = arith.constant 0 : i32
        %dma_start3A_294 = tpu.memref_slice %arg7[%add3A_241, %dma_start3A_293] : memref<125x80xi32, #tpu.memory_space<vmem>> -> memref<1x80xi32, #tpu.memory_space<vmem>>
        %dma_start3A_295 = tpu.memref_squeeze %dma_start3A_294 : memref<1x80xi32, #tpu.memory_space<vmem>> -> memref<80xi32, #tpu.memory_space<vmem>>
        %dma_start3A_296 = arith.constant 0 : i32
        %dma_start3A_297 = arith.constant 0 : i32
        %dma_start3A_298 = tpu.memref_slice %arg14[%dma_start3A_296, %dma_start3A_297] : memref<10240x64xf32, #tpu.memory_space<vmem_shared>> -> memref<10240x64xf32, #tpu.memory_space<vmem_shared>>
        tpu.enqueue_indirect_dma source(%arg10 : memref<80x64xf32, #tpu.memory_space<vmem>>) target(%dma_start3A_298 : memref<10240x64xf32, #tpu.memory_space<vmem_shared>>) offsets(%dma_start3A_295 : memref<80xi32, #tpu.memory_space<vmem>>) semaphore(%run_scoped3A_292 : memref<!tpu.dma_semaphore, #tpu.memory_space<semaphore_mem>>) {add = true}
        %dma_wait3A_299 = arith.constant 0 : i32
        %dma_wait3A_300 = tpu.memref_slice %arg7[%add3A_241, %dma_wait3A_299] : memref<125x80xi32, #tpu.memory_space<vmem>> -> memref<1x80xi32, #tpu.memory_space<vmem>>
        %dma_wait3A_301 = tpu.memref_squeeze %dma_wait3A_300 : memref<1x80xi32, #tpu.memory_space<vmem>> -> memref<80xi32, #tpu.memory_space<vmem>>
        %dma_wait3A_302 = arith.constant 0 : i32
        %dma_wait3A_303 = arith.constant 0 : i32
        %dma_wait3A_304 = tpu.memref_slice %arg14[%dma_wait3A_302, %dma_wait3A_303] : memref<10240x64xf32, #tpu.memory_space<vmem_shared>> -> memref<10240x64xf32, #tpu.memory_space<vmem_shared>>
        tpu.wait_indirect_dma semaphore(%run_scoped3A_292 : memref<!tpu.dma_semaphore, #tpu.memory_space<semaphore_mem>>) src(%arg10 : memref<80x64xf32, #tpu.memory_space<vmem>>) dst(%dma_wait3A_304 : memref<10240x64xf32, #tpu.memory_space<vmem_shared>>)
        tpu.yield
      }) : () -> ()
      %add3A_242 = arith.constant 2 : i32
      %add3A_243 = arith.addi %mul3A_191, %add3A_242 : i32
      %add3A_244 = arith.constant 5 : i32
      %add3A_245 = arith.addi %add3A_243, %add3A_244 : i32
      %dma_start3A_246 = arith.constant 0 : i32
      %dma_start3A_247 = tpu.memref_slice %arg6[%add3A_245, %dma_start3A_246] : memref<125x80xi32, #tpu.memory_space<vmem>> -> memref<1x80xi32, #tpu.memory_space<vmem>>
      %dma_start3A_248 = tpu.memref_squeeze %dma_start3A_247 : memref<1x80xi32, #tpu.memory_space<vmem>> -> memref<80xi32, #tpu.memory_space<vmem>>
      %dma_start3A_249 = arith.constant 0 : i32
      %dma_start3A_250 = arith.constant 0 : i32
      %dma_start3A_251 = tpu.memref_slice %arg2[%dma_start3A_249, %dma_start3A_250] : memref<20000x64xf32, #tpu.memory_space<hbm>> -> memref<20000x64xf32, #tpu.memory_space<hbm>>
      tpu.enqueue_indirect_dma source(%dma_start3A_251 : memref<20000x64xf32, #tpu.memory_space<hbm>>) target(%arg10 : memref<80x64xf32, #tpu.memory_space<vmem>>) offsets(%dma_start3A_248 : memref<80xi32, #tpu.memory_space<vmem>>) semaphore(%arg17 : memref<!tpu.dma_semaphore, #tpu.memory_space<semaphore_mem>>)
      %add3A_252 = arith.constant 3 : i32
      %add3A_253 = arith.addi %mul3A_191, %add3A_252 : i32
      %dma_wait3A_254 = arith.constant 0 : i32
      %dma_wait3A_255 = tpu.memref_slice %arg6[%add3A_253, %dma_wait3A_254] : memref<125x80xi32, #tpu.memory_space<vmem>> -> memref<1x80xi32, #tpu.memory_space<vmem>>
      %dma_wait3A_256 = tpu.memref_squeeze %dma_wait3A_255 : memref<1x80xi32, #tpu.memory_space<vmem>> -> memref<80xi32, #tpu.memory_space<vmem>>
      %dma_wait3A_257 = arith.constant 0 : i32
      %dma_wait3A_258 = arith.constant 0 : i32
      %dma_wait3A_259 = tpu.memref_slice %arg2[%dma_wait3A_257, %dma_wait3A_258] : memref<20000x64xf32, #tpu.memory_space<hbm>> -> memref<20000x64xf32, #tpu.memory_space<hbm>>
      tpu.wait_indirect_dma semaphore(%arg18 : memref<!tpu.dma_semaphore, #tpu.memory_space<semaphore_mem>>) src(%dma_wait3A_259 : memref<20000x64xf32, #tpu.memory_space<hbm>>) dst(%arg11 : memref<80x64xf32, #tpu.memory_space<vmem>>)
      %add3A_260 = arith.constant 3 : i32
      %add3A_261 = arith.addi %mul3A_191, %add3A_260 : i32
      "tpu.region"() ({
        %run_scoped3A_292 = tpu.sem_alloc : memref<!tpu.dma_semaphore, #tpu.memory_space<semaphore_mem>>
        %dma_start3A_293 = arith.constant 0 : i32
        %dma_start3A_294 = tpu.memref_slice %arg7[%add3A_261, %dma_start3A_293] : memref<125x80xi32, #tpu.memory_space<vmem>> -> memref<1x80xi32, #tpu.memory_space<vmem>>
        %dma_start3A_295 = tpu.memref_squeeze %dma_start3A_294 : memref<1x80xi32, #tpu.memory_space<vmem>> -> memref<80xi32, #tpu.memory_space<vmem>>
        %dma_start3A_296 = arith.constant 0 : i32
        %dma_start3A_297 = arith.constant 0 : i32
        %dma_start3A_298 = tpu.memref_slice %arg14[%dma_start3A_296, %dma_start3A_297] : memref<10240x64xf32, #tpu.memory_space<vmem_shared>> -> memref<10240x64xf32, #tpu.memory_space<vmem_shared>>
        tpu.enqueue_indirect_dma source(%arg11 : memref<80x64xf32, #tpu.memory_space<vmem>>) target(%dma_start3A_298 : memref<10240x64xf32, #tpu.memory_space<vmem_shared>>) offsets(%dma_start3A_295 : memref<80xi32, #tpu.memory_space<vmem>>) semaphore(%run_scoped3A_292 : memref<!tpu.dma_semaphore, #tpu.memory_space<semaphore_mem>>) {add = true}
        %dma_wait3A_299 = arith.constant 0 : i32
        %dma_wait3A_300 = tpu.memref_slice %arg7[%add3A_261, %dma_wait3A_299] : memref<125x80xi32, #tpu.memory_space<vmem>> -> memref<1x80xi32, #tpu.memory_space<vmem>>
        %dma_wait3A_301 = tpu.memref_squeeze %dma_wait3A_300 : memref<1x80xi32, #tpu.memory_space<vmem>> -> memref<80xi32, #tpu.memory_space<vmem>>
        %dma_wait3A_302 = arith.constant 0 : i32
        %dma_wait3A_303 = arith.constant 0 : i32
        %dma_wait3A_304 = tpu.memref_slice %arg14[%dma_wait3A_302, %dma_wait3A_303] : memref<10240x64xf32, #tpu.memory_space<vmem_shared>> -> memref<10240x64xf32, #tpu.memory_space<vmem_shared>>
        tpu.wait_indirect_dma semaphore(%run_scoped3A_292 : memref<!tpu.dma_semaphore, #tpu.memory_space<semaphore_mem>>) src(%arg11 : memref<80x64xf32, #tpu.memory_space<vmem>>) dst(%dma_wait3A_304 : memref<10240x64xf32, #tpu.memory_space<vmem_shared>>)
        tpu.yield
      }) : () -> ()
      %add3A_262 = arith.constant 3 : i32
      %add3A_263 = arith.addi %mul3A_191, %add3A_262 : i32
      %add3A_264 = arith.constant 5 : i32
      %add3A_265 = arith.addi %add3A_263, %add3A_264 : i32
      %dma_start3A_266 = arith.constant 0 : i32
      %dma_start3A_267 = tpu.memref_slice %arg6[%add3A_265, %dma_start3A_266] : memref<125x80xi32, #tpu.memory_space<vmem>> -> memref<1x80xi32, #tpu.memory_space<vmem>>
      %dma_start3A_268 = tpu.memref_squeeze %dma_start3A_267 : memref<1x80xi32, #tpu.memory_space<vmem>> -> memref<80xi32, #tpu.memory_space<vmem>>
      %dma_start3A_269 = arith.constant 0 : i32
      %dma_start3A_270 = arith.constant 0 : i32
      %dma_start3A_271 = tpu.memref_slice %arg2[%dma_start3A_269, %dma_start3A_270] : memref<20000x64xf32, #tpu.memory_space<hbm>> -> memref<20000x64xf32, #tpu.memory_space<hbm>>
      tpu.enqueue_indirect_dma source(%dma_start3A_271 : memref<20000x64xf32, #tpu.memory_space<hbm>>) target(%arg11 : memref<80x64xf32, #tpu.memory_space<vmem>>) offsets(%dma_start3A_268 : memref<80xi32, #tpu.memory_space<vmem>>) semaphore(%arg18 : memref<!tpu.dma_semaphore, #tpu.memory_space<semaphore_mem>>)
      %add3A_272 = arith.constant 4 : i32
      %add3A_273 = arith.addi %mul3A_191, %add3A_272 : i32
      %dma_wait3A_274 = arith.constant 0 : i32
      %dma_wait3A_275 = tpu.memref_slice %arg6[%add3A_273, %dma_wait3A_274] : memref<125x80xi32, #tpu.memory_space<vmem>> -> memref<1x80xi32, #tpu.memory_space<vmem>>
      %dma_wait3A_276 = tpu.memref_squeeze %dma_wait3A_275 : memref<1x80xi32, #tpu.memory_space<vmem>> -> memref<80xi32, #tpu.memory_space<vmem>>
      %dma_wait3A_277 = arith.constant 0 : i32
      %dma_wait3A_278 = arith.constant 0 : i32
      %dma_wait3A_279 = tpu.memref_slice %arg2[%dma_wait3A_277, %dma_wait3A_278] : memref<20000x64xf32, #tpu.memory_space<hbm>> -> memref<20000x64xf32, #tpu.memory_space<hbm>>
      tpu.wait_indirect_dma semaphore(%arg19 : memref<!tpu.dma_semaphore, #tpu.memory_space<semaphore_mem>>) src(%dma_wait3A_279 : memref<20000x64xf32, #tpu.memory_space<hbm>>) dst(%arg12 : memref<80x64xf32, #tpu.memory_space<vmem>>)
      %add3A_280 = arith.constant 4 : i32
      %add3A_281 = arith.addi %mul3A_191, %add3A_280 : i32
      "tpu.region"() ({
        %run_scoped3A_292 = tpu.sem_alloc : memref<!tpu.dma_semaphore, #tpu.memory_space<semaphore_mem>>
        %dma_start3A_293 = arith.constant 0 : i32
        %dma_start3A_294 = tpu.memref_slice %arg7[%add3A_281, %dma_start3A_293] : memref<125x80xi32, #tpu.memory_space<vmem>> -> memref<1x80xi32, #tpu.memory_space<vmem>>
        %dma_start3A_295 = tpu.memref_squeeze %dma_start3A_294 : memref<1x80xi32, #tpu.memory_space<vmem>> -> memref<80xi32, #tpu.memory_space<vmem>>
        %dma_start3A_296 = arith.constant 0 : i32
        %dma_start3A_297 = arith.constant 0 : i32
        %dma_start3A_298 = tpu.memref_slice %arg14[%dma_start3A_296, %dma_start3A_297] : memref<10240x64xf32, #tpu.memory_space<vmem_shared>> -> memref<10240x64xf32, #tpu.memory_space<vmem_shared>>
        tpu.enqueue_indirect_dma source(%arg12 : memref<80x64xf32, #tpu.memory_space<vmem>>) target(%dma_start3A_298 : memref<10240x64xf32, #tpu.memory_space<vmem_shared>>) offsets(%dma_start3A_295 : memref<80xi32, #tpu.memory_space<vmem>>) semaphore(%run_scoped3A_292 : memref<!tpu.dma_semaphore, #tpu.memory_space<semaphore_mem>>) {add = true}
        %dma_wait3A_299 = arith.constant 0 : i32
        %dma_wait3A_300 = tpu.memref_slice %arg7[%add3A_281, %dma_wait3A_299] : memref<125x80xi32, #tpu.memory_space<vmem>> -> memref<1x80xi32, #tpu.memory_space<vmem>>
        %dma_wait3A_301 = tpu.memref_squeeze %dma_wait3A_300 : memref<1x80xi32, #tpu.memory_space<vmem>> -> memref<80xi32, #tpu.memory_space<vmem>>
        %dma_wait3A_302 = arith.constant 0 : i32
        %dma_wait3A_303 = arith.constant 0 : i32
        %dma_wait3A_304 = tpu.memref_slice %arg14[%dma_wait3A_302, %dma_wait3A_303] : memref<10240x64xf32, #tpu.memory_space<vmem_shared>> -> memref<10240x64xf32, #tpu.memory_space<vmem_shared>>
        tpu.wait_indirect_dma semaphore(%run_scoped3A_292 : memref<!tpu.dma_semaphore, #tpu.memory_space<semaphore_mem>>) src(%arg12 : memref<80x64xf32, #tpu.memory_space<vmem>>) dst(%dma_wait3A_304 : memref<10240x64xf32, #tpu.memory_space<vmem_shared>>)
        tpu.yield
      }) : () -> ()
      %add3A_282 = arith.constant 4 : i32
      %add3A_283 = arith.addi %mul3A_191, %add3A_282 : i32
      %add3A_284 = arith.constant 5 : i32
      %add3A_285 = arith.addi %add3A_283, %add3A_284 : i32
      %dma_start3A_286 = arith.constant 0 : i32
      %dma_start3A_287 = tpu.memref_slice %arg6[%add3A_285, %dma_start3A_286] : memref<125x80xi32, #tpu.memory_space<vmem>> -> memref<1x80xi32, #tpu.memory_space<vmem>>
      %dma_start3A_288 = tpu.memref_squeeze %dma_start3A_287 : memref<1x80xi32, #tpu.memory_space<vmem>> -> memref<80xi32, #tpu.memory_space<vmem>>
      %dma_start3A_289 = arith.constant 0 : i32
      %dma_start3A_290 = arith.constant 0 : i32
      %dma_start3A_291 = tpu.memref_slice %arg2[%dma_start3A_289, %dma_start3A_290] : memref<20000x64xf32, #tpu.memory_space<hbm>> -> memref<20000x64xf32, #tpu.memory_space<hbm>>
      tpu.enqueue_indirect_dma source(%dma_start3A_291 : memref<20000x64xf32, #tpu.memory_space<hbm>>) target(%arg12 : memref<80x64xf32, #tpu.memory_space<vmem>>) offsets(%dma_start3A_288 : memref<80xi32, #tpu.memory_space<vmem>>) semaphore(%arg19 : memref<!tpu.dma_semaphore, #tpu.memory_space<semaphore_mem>>)
    }
    %scan3A_139 = arith.constant 24 : i32
    %dma_wait3A_140 = arith.constant 120 : i32
    %dma_wait3A_141 = arith.constant 0 : i32
    %dma_wait3A_142 = tpu.memref_slice %arg6[%dma_wait3A_140, %dma_wait3A_141] : memref<125x80xi32, #tpu.memory_space<vmem>> -> memref<1x80xi32, #tpu.memory_space<vmem>>
    %dma_wait3A_143 = tpu.memref_squeeze %dma_wait3A_142 : memref<1x80xi32, #tpu.memory_space<vmem>> -> memref<80xi32, #tpu.memory_space<vmem>>
    %dma_wait3A_144 = arith.constant 0 : i32
    %dma_wait3A_145 = arith.constant 0 : i32
    %dma_wait3A_146 = tpu.memref_slice %arg2[%dma_wait3A_144, %dma_wait3A_145] : memref<20000x64xf32, #tpu.memory_space<hbm>> -> memref<20000x64xf32, #tpu.memory_space<hbm>>
    tpu.wait_indirect_dma semaphore(%arg15 : memref<!tpu.dma_semaphore, #tpu.memory_space<semaphore_mem>>) src(%dma_wait3A_146 : memref<20000x64xf32, #tpu.memory_space<hbm>>) dst(%arg8 : memref<80x64xf32, #tpu.memory_space<vmem>>)
    %run_scoped3A_147 = arith.constant 120 : i32
    "tpu.region"() ({
      %run_scoped3A_185 = tpu.sem_alloc : memref<!tpu.dma_semaphore, #tpu.memory_space<semaphore_mem>>
      %dma_start3A_186 = arith.constant 0 : i32
      %dma_start3A_187 = tpu.memref_slice %arg7[%run_scoped3A_147, %dma_start3A_186] : memref<125x80xi32, #tpu.memory_space<vmem>> -> memref<1x80xi32, #tpu.memory_space<vmem>>
      %dma_start3A_188 = tpu.memref_squeeze %dma_start3A_187 : memref<1x80xi32, #tpu.memory_space<vmem>> -> memref<80xi32, #tpu.memory_space<vmem>>
      %dma_start3A_189 = arith.constant 0 : i32
      %dma_start3A_190 = arith.constant 0 : i32
      %dma_start3A_191 = tpu.memref_slice %arg14[%dma_start3A_189, %dma_start3A_190] : memref<10240x64xf32, #tpu.memory_space<vmem_shared>> -> memref<10240x64xf32, #tpu.memory_space<vmem_shared>>
      tpu.enqueue_indirect_dma source(%arg8 : memref<80x64xf32, #tpu.memory_space<vmem>>) target(%dma_start3A_191 : memref<10240x64xf32, #tpu.memory_space<vmem_shared>>) offsets(%dma_start3A_188 : memref<80xi32, #tpu.memory_space<vmem>>) semaphore(%run_scoped3A_185 : memref<!tpu.dma_semaphore, #tpu.memory_space<semaphore_mem>>) {add = true}
      %dma_wait3A_192 = arith.constant 0 : i32
      %dma_wait3A_193 = tpu.memref_slice %arg7[%run_scoped3A_147, %dma_wait3A_192] : memref<125x80xi32, #tpu.memory_space<vmem>> -> memref<1x80xi32, #tpu.memory_space<vmem>>
      %dma_wait3A_194 = tpu.memref_squeeze %dma_wait3A_193 : memref<1x80xi32, #tpu.memory_space<vmem>> -> memref<80xi32, #tpu.memory_space<vmem>>
      %dma_wait3A_195 = arith.constant 0 : i32
      %dma_wait3A_196 = arith.constant 0 : i32
      %dma_wait3A_197 = tpu.memref_slice %arg14[%dma_wait3A_195, %dma_wait3A_196] : memref<10240x64xf32, #tpu.memory_space<vmem_shared>> -> memref<10240x64xf32, #tpu.memory_space<vmem_shared>>
      tpu.wait_indirect_dma semaphore(%run_scoped3A_185 : memref<!tpu.dma_semaphore, #tpu.memory_space<semaphore_mem>>) src(%arg8 : memref<80x64xf32, #tpu.memory_space<vmem>>) dst(%dma_wait3A_197 : memref<10240x64xf32, #tpu.memory_space<vmem_shared>>)
      tpu.yield
    }) : () -> ()
    %dma_wait3A_148 = arith.constant 121 : i32
    %dma_wait3A_149 = arith.constant 0 : i32
    %dma_wait3A_150 = tpu.memref_slice %arg6[%dma_wait3A_148, %dma_wait3A_149] : memref<125x80xi32, #tpu.memory_space<vmem>> -> memref<1x80xi32, #tpu.memory_space<vmem>>
    %dma_wait3A_151 = tpu.memref_squeeze %dma_wait3A_150 : memref<1x80xi32, #tpu.memory_space<vmem>> -> memref<80xi32, #tpu.memory_space<vmem>>
    %dma_wait3A_152 = arith.constant 0 : i32
    %dma_wait3A_153 = arith.constant 0 : i32
    %dma_wait3A_154 = tpu.memref_slice %arg2[%dma_wait3A_152, %dma_wait3A_153] : memref<20000x64xf32, #tpu.memory_space<hbm>> -> memref<20000x64xf32, #tpu.memory_space<hbm>>
    tpu.wait_indirect_dma semaphore(%arg16 : memref<!tpu.dma_semaphore, #tpu.memory_space<semaphore_mem>>) src(%dma_wait3A_154 : memref<20000x64xf32, #tpu.memory_space<hbm>>) dst(%arg9 : memref<80x64xf32, #tpu.memory_space<vmem>>)
    %run_scoped3A_155 = arith.constant 121 : i32
    "tpu.region"() ({
      %run_scoped3A_185 = tpu.sem_alloc : memref<!tpu.dma_semaphore, #tpu.memory_space<semaphore_mem>>
      %dma_start3A_186 = arith.constant 0 : i32
      %dma_start3A_187 = tpu.memref_slice %arg7[%run_scoped3A_155, %dma_start3A_186] : memref<125x80xi32, #tpu.memory_space<vmem>> -> memref<1x80xi32, #tpu.memory_space<vmem>>
      %dma_start3A_188 = tpu.memref_squeeze %dma_start3A_187 : memref<1x80xi32, #tpu.memory_space<vmem>> -> memref<80xi32, #tpu.memory_space<vmem>>
      %dma_start3A_189 = arith.constant 0 : i32
      %dma_start3A_190 = arith.constant 0 : i32
      %dma_start3A_191 = tpu.memref_slice %arg14[%dma_start3A_189, %dma_start3A_190] : memref<10240x64xf32, #tpu.memory_space<vmem_shared>> -> memref<10240x64xf32, #tpu.memory_space<vmem_shared>>
      tpu.enqueue_indirect_dma source(%arg9 : memref<80x64xf32, #tpu.memory_space<vmem>>) target(%dma_start3A_191 : memref<10240x64xf32, #tpu.memory_space<vmem_shared>>) offsets(%dma_start3A_188 : memref<80xi32, #tpu.memory_space<vmem>>) semaphore(%run_scoped3A_185 : memref<!tpu.dma_semaphore, #tpu.memory_space<semaphore_mem>>) {add = true}
      %dma_wait3A_192 = arith.constant 0 : i32
      %dma_wait3A_193 = tpu.memref_slice %arg7[%run_scoped3A_155, %dma_wait3A_192] : memref<125x80xi32, #tpu.memory_space<vmem>> -> memref<1x80xi32, #tpu.memory_space<vmem>>
      %dma_wait3A_194 = tpu.memref_squeeze %dma_wait3A_193 : memref<1x80xi32, #tpu.memory_space<vmem>> -> memref<80xi32, #tpu.memory_space<vmem>>
      %dma_wait3A_195 = arith.constant 0 : i32
      %dma_wait3A_196 = arith.constant 0 : i32
      %dma_wait3A_197 = tpu.memref_slice %arg14[%dma_wait3A_195, %dma_wait3A_196] : memref<10240x64xf32, #tpu.memory_space<vmem_shared>> -> memref<10240x64xf32, #tpu.memory_space<vmem_shared>>
      tpu.wait_indirect_dma semaphore(%run_scoped3A_185 : memref<!tpu.dma_semaphore, #tpu.memory_space<semaphore_mem>>) src(%arg9 : memref<80x64xf32, #tpu.memory_space<vmem>>) dst(%dma_wait3A_197 : memref<10240x64xf32, #tpu.memory_space<vmem_shared>>)
      tpu.yield
    }) : () -> ()
    %dma_wait3A_156 = arith.constant 122 : i32
    %dma_wait3A_157 = arith.constant 0 : i32
    %dma_wait3A_158 = tpu.memref_slice %arg6[%dma_wait3A_156, %dma_wait3A_157] : memref<125x80xi32, #tpu.memory_space<vmem>> -> memref<1x80xi32, #tpu.memory_space<vmem>>
    %dma_wait3A_159 = tpu.memref_squeeze %dma_wait3A_158 : memref<1x80xi32, #tpu.memory_space<vmem>> -> memref<80xi32, #tpu.memory_space<vmem>>
    %dma_wait3A_160 = arith.constant 0 : i32
    %dma_wait3A_161 = arith.constant 0 : i32
    %dma_wait3A_162 = tpu.memref_slice %arg2[%dma_wait3A_160, %dma_wait3A_161] : memref<20000x64xf32, #tpu.memory_space<hbm>> -> memref<20000x64xf32, #tpu.memory_space<hbm>>
    tpu.wait_indirect_dma semaphore(%arg17 : memref<!tpu.dma_semaphore, #tpu.memory_space<semaphore_mem>>) src(%dma_wait3A_162 : memref<20000x64xf32, #tpu.memory_space<hbm>>) dst(%arg10 : memref<80x64xf32, #tpu.memory_space<vmem>>)
    %run_scoped3A_163 = arith.constant 122 : i32
    "tpu.region"() ({
      %run_scoped3A_185 = tpu.sem_alloc : memref<!tpu.dma_semaphore, #tpu.memory_space<semaphore_mem>>
      %dma_start3A_186 = arith.constant 0 : i32
      %dma_start3A_187 = tpu.memref_slice %arg7[%run_scoped3A_163, %dma_start3A_186] : memref<125x80xi32, #tpu.memory_space<vmem>> -> memref<1x80xi32, #tpu.memory_space<vmem>>
      %dma_start3A_188 = tpu.memref_squeeze %dma_start3A_187 : memref<1x80xi32, #tpu.memory_space<vmem>> -> memref<80xi32, #tpu.memory_space<vmem>>
      %dma_start3A_189 = arith.constant 0 : i32
      %dma_start3A_190 = arith.constant 0 : i32
      %dma_start3A_191 = tpu.memref_slice %arg14[%dma_start3A_189, %dma_start3A_190] : memref<10240x64xf32, #tpu.memory_space<vmem_shared>> -> memref<10240x64xf32, #tpu.memory_space<vmem_shared>>
      tpu.enqueue_indirect_dma source(%arg10 : memref<80x64xf32, #tpu.memory_space<vmem>>) target(%dma_start3A_191 : memref<10240x64xf32, #tpu.memory_space<vmem_shared>>) offsets(%dma_start3A_188 : memref<80xi32, #tpu.memory_space<vmem>>) semaphore(%run_scoped3A_185 : memref<!tpu.dma_semaphore, #tpu.memory_space<semaphore_mem>>) {add = true}
      %dma_wait3A_192 = arith.constant 0 : i32
      %dma_wait3A_193 = tpu.memref_slice %arg7[%run_scoped3A_163, %dma_wait3A_192] : memref<125x80xi32, #tpu.memory_space<vmem>> -> memref<1x80xi32, #tpu.memory_space<vmem>>
      %dma_wait3A_194 = tpu.memref_squeeze %dma_wait3A_193 : memref<1x80xi32, #tpu.memory_space<vmem>> -> memref<80xi32, #tpu.memory_space<vmem>>
      %dma_wait3A_195 = arith.constant 0 : i32
      %dma_wait3A_196 = arith.constant 0 : i32
      %dma_wait3A_197 = tpu.memref_slice %arg14[%dma_wait3A_195, %dma_wait3A_196] : memref<10240x64xf32, #tpu.memory_space<vmem_shared>> -> memref<10240x64xf32, #tpu.memory_space<vmem_shared>>
      tpu.wait_indirect_dma semaphore(%run_scoped3A_185 : memref<!tpu.dma_semaphore, #tpu.memory_space<semaphore_mem>>) src(%arg10 : memref<80x64xf32, #tpu.memory_space<vmem>>) dst(%dma_wait3A_197 : memref<10240x64xf32, #tpu.memory_space<vmem_shared>>)
      tpu.yield
    }) : () -> ()
    %dma_wait3A_164 = arith.constant 123 : i32
    %dma_wait3A_165 = arith.constant 0 : i32
    %dma_wait3A_166 = tpu.memref_slice %arg6[%dma_wait3A_164, %dma_wait3A_165] : memref<125x80xi32, #tpu.memory_space<vmem>> -> memref<1x80xi32, #tpu.memory_space<vmem>>
    %dma_wait3A_167 = tpu.memref_squeeze %dma_wait3A_166 : memref<1x80xi32, #tpu.memory_space<vmem>> -> memref<80xi32, #tpu.memory_space<vmem>>
    %dma_wait3A_168 = arith.constant 0 : i32
    %dma_wait3A_169 = arith.constant 0 : i32
    %dma_wait3A_170 = tpu.memref_slice %arg2[%dma_wait3A_168, %dma_wait3A_169] : memref<20000x64xf32, #tpu.memory_space<hbm>> -> memref<20000x64xf32, #tpu.memory_space<hbm>>
    tpu.wait_indirect_dma semaphore(%arg18 : memref<!tpu.dma_semaphore, #tpu.memory_space<semaphore_mem>>) src(%dma_wait3A_170 : memref<20000x64xf32, #tpu.memory_space<hbm>>) dst(%arg11 : memref<80x64xf32, #tpu.memory_space<vmem>>)
    %run_scoped3A_171 = arith.constant 123 : i32
    "tpu.region"() ({
      %run_scoped3A_185 = tpu.sem_alloc : memref<!tpu.dma_semaphore, #tpu.memory_space<semaphore_mem>>
      %dma_start3A_186 = arith.constant 0 : i32
      %dma_start3A_187 = tpu.memref_slice %arg7[%run_scoped3A_171, %dma_start3A_186] : memref<125x80xi32, #tpu.memory_space<vmem>> -> memref<1x80xi32, #tpu.memory_space<vmem>>
      %dma_start3A_188 = tpu.memref_squeeze %dma_start3A_187 : memref<1x80xi32, #tpu.memory_space<vmem>> -> memref<80xi32, #tpu.memory_space<vmem>>
      %dma_start3A_189 = arith.constant 0 : i32
      %dma_start3A_190 = arith.constant 0 : i32
      %dma_start3A_191 = tpu.memref_slice %arg14[%dma_start3A_189, %dma_start3A_190] : memref<10240x64xf32, #tpu.memory_space<vmem_shared>> -> memref<10240x64xf32, #tpu.memory_space<vmem_shared>>
      tpu.enqueue_indirect_dma source(%arg11 : memref<80x64xf32, #tpu.memory_space<vmem>>) target(%dma_start3A_191 : memref<10240x64xf32, #tpu.memory_space<vmem_shared>>) offsets(%dma_start3A_188 : memref<80xi32, #tpu.memory_space<vmem>>) semaphore(%run_scoped3A_185 : memref<!tpu.dma_semaphore, #tpu.memory_space<semaphore_mem>>) {add = true}
      %dma_wait3A_192 = arith.constant 0 : i32
      %dma_wait3A_193 = tpu.memref_slice %arg7[%run_scoped3A_171, %dma_wait3A_192] : memref<125x80xi32, #tpu.memory_space<vmem>> -> memref<1x80xi32, #tpu.memory_space<vmem>>
      %dma_wait3A_194 = tpu.memref_squeeze %dma_wait3A_193 : memref<1x80xi32, #tpu.memory_space<vmem>> -> memref<80xi32, #tpu.memory_space<vmem>>
      %dma_wait3A_195 = arith.constant 0 : i32
      %dma_wait3A_196 = arith.constant 0 : i32
      %dma_wait3A_197 = tpu.memref_slice %arg14[%dma_wait3A_195, %dma_wait3A_196] : memref<10240x64xf32, #tpu.memory_space<vmem_shared>> -> memref<10240x64xf32, #tpu.memory_space<vmem_shared>>
      tpu.wait_indirect_dma semaphore(%run_scoped3A_185 : memref<!tpu.dma_semaphore, #tpu.memory_space<semaphore_mem>>) src(%arg11 : memref<80x64xf32, #tpu.memory_space<vmem>>) dst(%dma_wait3A_197 : memref<10240x64xf32, #tpu.memory_space<vmem_shared>>)
      tpu.yield
    }) : () -> ()
    %dma_wait3A_172 = arith.constant 124 : i32
    %dma_wait3A_173 = arith.constant 0 : i32
    %dma_wait3A_174 = tpu.memref_slice %arg6[%dma_wait3A_172, %dma_wait3A_173] : memref<125x80xi32, #tpu.memory_space<vmem>> -> memref<1x80xi32, #tpu.memory_space<vmem>>
    %dma_wait3A_175 = tpu.memref_squeeze %dma_wait3A_174 : memref<1x80xi32, #tpu.memory_space<vmem>> -> memref<80xi32, #tpu.memory_space<vmem>>
    %dma_wait3A_176 = arith.constant 0 : i32
    %dma_wait3A_177 = arith.constant 0 : i32
    %dma_wait3A_178 = tpu.memref_slice %arg2[%dma_wait3A_176, %dma_wait3A_177] : memref<20000x64xf32, #tpu.memory_space<hbm>> -> memref<20000x64xf32, #tpu.memory_space<hbm>>
    tpu.wait_indirect_dma semaphore(%arg19 : memref<!tpu.dma_semaphore, #tpu.memory_space<semaphore_mem>>) src(%dma_wait3A_178 : memref<20000x64xf32, #tpu.memory_space<hbm>>) dst(%arg12 : memref<80x64xf32, #tpu.memory_space<vmem>>)
    %run_scoped3A_179 = arith.constant 124 : i32
    "tpu.region"() ({
      %run_scoped3A_185 = tpu.sem_alloc : memref<!tpu.dma_semaphore, #tpu.memory_space<semaphore_mem>>
      %dma_start3A_186 = arith.constant 0 : i32
      %dma_start3A_187 = tpu.memref_slice %arg7[%run_scoped3A_179, %dma_start3A_186] : memref<125x80xi32, #tpu.memory_space<vmem>> -> memref<1x80xi32, #tpu.memory_space<vmem>>
      %dma_start3A_188 = tpu.memref_squeeze %dma_start3A_187 : memref<1x80xi32, #tpu.memory_space<vmem>> -> memref<80xi32, #tpu.memory_space<vmem>>
      %dma_start3A_189 = arith.constant 0 : i32
      %dma_start3A_190 = arith.constant 0 : i32
      %dma_start3A_191 = tpu.memref_slice %arg14[%dma_start3A_189, %dma_start3A_190] : memref<10240x64xf32, #tpu.memory_space<vmem_shared>> -> memref<10240x64xf32, #tpu.memory_space<vmem_shared>>
      tpu.enqueue_indirect_dma source(%arg12 : memref<80x64xf32, #tpu.memory_space<vmem>>) target(%dma_start3A_191 : memref<10240x64xf32, #tpu.memory_space<vmem_shared>>) offsets(%dma_start3A_188 : memref<80xi32, #tpu.memory_space<vmem>>) semaphore(%run_scoped3A_185 : memref<!tpu.dma_semaphore, #tpu.memory_space<semaphore_mem>>) {add = true}
      %dma_wait3A_192 = arith.constant 0 : i32
      %dma_wait3A_193 = tpu.memref_slice %arg7[%run_scoped3A_179, %dma_wait3A_192] : memref<125x80xi32, #tpu.memory_space<vmem>> -> memref<1x80xi32, #tpu.memory_space<vmem>>
      %dma_wait3A_194 = tpu.memref_squeeze %dma_wait3A_193 : memref<1x80xi32, #tpu.memory_space<vmem>> -> memref<80xi32, #tpu.memory_space<vmem>>
      %dma_wait3A_195 = arith.constant 0 : i32
      %dma_wait3A_196 = arith.constant 0 : i32
      %dma_wait3A_197 = tpu.memref_slice %arg14[%dma_wait3A_195, %dma_wait3A_196] : memref<10240x64xf32, #tpu.memory_space<vmem_shared>> -> memref<10240x64xf32, #tpu.memory_space<vmem_shared>>
      tpu.wait_indirect_dma semaphore(%run_scoped3A_185 : memref<!tpu.dma_semaphore, #tpu.memory_space<semaphore_mem>>) src(%arg12 : memref<80x64xf32, #tpu.memory_space<vmem>>) dst(%dma_wait3A_197 : memref<10240x64xf32, #tpu.memory_space<vmem_shared>>)
      tpu.yield
    }) : () -> ()
    %barrier3A_180 = arith.constant 0 : index
    tpu.barrier barrier_id(%barrier3A_180)
    %mul3A_181 = arith.constant 640 : i32
    %mul3A_182 = arith.muli %arg1, %mul3A_181 : i32
    %mul3A_183 = arith.constant 640 : i32
    %mul3A_184 = arith.muli %arg1, %mul3A_183 : i32
    "tpu.region"() ({
      %run_scoped3A_185 = tpu.sem_alloc : memref<!tpu.dma_semaphore, #tpu.memory_space<semaphore_mem>>
      %dma_start3A_186 = arith.constant 64 : i32
      %dma_start3A_187 = tpu.memref_slice %arg5[%arg0, %mul3A_184, %dma_start3A_186] : memref<2x10240x128xf32, #tpu.memory_space<hbm>> -> memref<1x640x64xf32, #tpu.memory_space<hbm>>
      %dma_start3A_188 = tpu.memref_squeeze %dma_start3A_187 : memref<1x640x64xf32, #tpu.memory_space<hbm>> -> memref<640x64xf32, #tpu.memory_space<hbm>>
      %dma_start3A_189 = arith.constant 0 : i32
      %dma_start3A_190 = tpu.memref_slice %arg14[%mul3A_182, %dma_start3A_189] : memref<10240x64xf32, #tpu.memory_space<vmem_shared>> -> memref<640x64xf32, #tpu.memory_space<vmem_shared>>
      tpu.enqueue_dma source(%dma_start3A_190 : memref<640x64xf32, #tpu.memory_space<vmem_shared>>) target(%dma_start3A_188 : memref<640x64xf32, #tpu.memory_space<hbm>>) target_semaphore(%run_scoped3A_185 : memref<!tpu.dma_semaphore, #tpu.memory_space<semaphore_mem>>)
      %dma_wait3A_191 = arith.constant 64 : i32
      %dma_wait3A_192 = tpu.memref_slice %arg5[%arg0, %mul3A_184, %dma_wait3A_191] : memref<2x10240x128xf32, #tpu.memory_space<hbm>> -> memref<1x640x64xf32, #tpu.memory_space<hbm>>
      %dma_wait3A_193 = tpu.memref_squeeze %dma_wait3A_192 : memref<1x640x64xf32, #tpu.memory_space<hbm>> -> memref<640x64xf32, #tpu.memory_space<hbm>>
      %dma_wait3A_194 = arith.constant 0 : i32
      %dma_wait3A_195 = tpu.memref_slice %arg14[%mul3A_182, %dma_wait3A_194] : memref<10240x64xf32, #tpu.memory_space<vmem_shared>> -> memref<640x64xf32, #tpu.memory_space<vmem_shared>>
      tpu.wait_dma2 semaphore(%run_scoped3A_185 : memref<!tpu.dma_semaphore, #tpu.memory_space<semaphore_mem>>) src(%dma_wait3A_195 : memref<640x64xf32, #tpu.memory_space<vmem_shared>>) dst(%dma_wait3A_193 : memref<640x64xf32, #tpu.memory_space<hbm>>)
      tpu.yield
    }) : () -> ()
    return
  }
}

module attributes {stable_mosaic.version = 14 : i64} {
  func.func @_norm_body(%arg0: i32, %arg1: memref<2x2000x16xf32, #tpu.memory_space<vmem>>, %arg2: memref<2000x128xf32, #tpu.memory_space<vmem>>, %arg3: memref<2000x128xf32, #tpu.memory_space<vmem>>, %arg4: memref<2000x1xf32, #tpu.memory_space<vmem>>) attributes {dimension_semantics = [#tpu.dimension_semantics<arbitrary>], iteration_bounds = array<i64: 5>, scalar_prefetch = 0 : i64, scratch_operands = 0 : i64, tpu.core_type = #tpu.core_type<tc>, window_params = [{transform_indices = @transform_0, window_bounds = array<i64: 2, 2000, 16>}, {transform_indices = @transform_1, window_bounds = array<i64: 2000, 128>}, {transform_indices = @transform_2, window_bounds = array<i64: 2000, 128>}, {transform_indices = @transform_3, window_bounds = array<i64: 2000, 1>}]} {
    %get3A = arith.constant 0 : index
    %get3A_0 = arith.constant 0 : index
    %get3A_1 = arith.constant 0 : index
    %get3A_2 = vector.load %arg1[%get3A, %get3A_0, %get3A_1] : memref<2x2000x16xf32, #tpu.memory_space<vmem>>, vector<1x2000x1xf32>
    %get3A_3 = vector.shape_cast %get3A_2 : vector<1x2000x1xf32> to vector<2000x1xf32>
    %add3A = arith.constant 1.000000e+00 : f32
    %add3A_4 = vector.broadcast %add3A : f32 to vector<2000x1xf32>
    %add3A_5 = arith.addf %add3A_4, %get3A_3 : vector<2000x1xf32>
    %get3A_6 = arith.constant 1 : index
    %get3A_7 = arith.constant 0 : index
    %get3A_8 = arith.constant 0 : index
    %get3A_9 = vector.load %arg1[%get3A_6, %get3A_7, %get3A_8] : memref<2x2000x16xf32, #tpu.memory_space<vmem>>, vector<1x2000x1xf32>
    %get3A_10 = vector.shape_cast %get3A_9 : vector<1x2000x1xf32> to vector<2000x1xf32>
    %add3A_11 = arith.addf %add3A_5, %get3A_10 : vector<2000x1xf32>
    %rsqrt3A = math.rsqrt %add3A_11 : vector<2000x1xf32>
    %swap3A = arith.constant 0 : index
    %swap3A_12 = arith.constant 0 : index
    %swap3A_13 = vector.load %arg4[%swap3A, %swap3A_12] : memref<2000x1xf32, #tpu.memory_space<vmem>>, vector<2000x1xf32>
    tpu.vector_store %arg4[%swap3A, %swap3A_12], %rsqrt3A {strides = array<i32>} : memref<2000x1xf32, #tpu.memory_space<vmem>>, vector<2000x1xf32>,
    %get3A_14 = arith.constant 0 : index
    %get3A_15 = arith.constant 0 : index
    %get3A_16 = vector.load %arg2[%get3A_14, %get3A_15] : memref<2000x128xf32, #tpu.memory_space<vmem>>, vector<2000x128xf32>
    %mul3A = vector.broadcast %rsqrt3A : vector<2000x1xf32> to vector<2000x128xf32>
    %mul3A_17 = arith.mulf %mul3A, %get3A_16 : vector<2000x128xf32>
    %swap3A_18 = arith.constant 0 : index
    %swap3A_19 = arith.constant 0 : index
    %swap3A_20 = vector.load %arg3[%swap3A_18, %swap3A_19] : memref<2000x128xf32, #tpu.memory_space<vmem>>, vector<2000x128xf32>
    tpu.vector_store %arg3[%swap3A_18, %swap3A_19], %mul3A_17 {strides = array<i32>} : memref<2000x128xf32, #tpu.memory_space<vmem>>, vector<2000x128xf32>,
    return
  }
  func.func @transform_0(%arg0: i32) -> (i32, i32, i32) {
    %c0_i32 = arith.constant 0 : i32
    %c0_i32_0 = arith.constant 0 : i32
    %c0_i32_1 = arith.constant 0 : i32
    return %c0_i32, %arg0, %c0_i32_0 : i32, i32, i32
  }
  func.func @transform_1(%arg0: i32) -> (i32, i32) {
    %c0_i32 = arith.constant 0 : i32
    %c0_i32_0 = arith.constant 0 : i32
    return %arg0, %c0_i32 : i32, i32
  }
  func.func @transform_2(%arg0: i32) -> (i32, i32) {
    %c0_i32 = arith.constant 0 : i32
    %c0_i32_0 = arith.constant 0 : i32
    return %arg0, %c0_i32 : i32, i32
  }
  func.func @transform_3(%arg0: i32) -> (i32, i32) {
    %c0_i32 = arith.constant 0 : i32
    %c0_i32_0 = arith.constant 0 : i32
    return %arg0, %c0_i32 : i32, i32
  }
}

module attributes {stable_mosaic.version = 14 : i64} {
  func.func @_mm_body(%arg0: i32, %arg1: memref<2000x128xf32, #tpu.memory_space<vmem>>, %arg2: memref<128x128xf32, #tpu.memory_space<vmem>>, %arg3: memref<2000x128xf32, #tpu.memory_space<vmem>>) attributes {dimension_semantics = [#tpu.dimension_semantics<arbitrary>], iteration_bounds = array<i64: 5>, scalar_prefetch = 0 : i64, scratch_operands = 0 : i64, tpu.core_type = #tpu.core_type<tc>, window_params = [{transform_indices = @transform_0, window_bounds = array<i64: 2000, 128>}, {pipeline_mode = #tpu.pipeline_mode<synchronous>, transform_indices = @transform_1, window_bounds = array<i64: 128, 128>}, {transform_indices = @transform_2, window_bounds = array<i64: 2000, 128>}]} {
    %get3A = arith.constant 0 : index
    %get3A_0 = arith.constant 0 : index
    %get3A_1 = vector.load %arg1[%get3A, %get3A_0] : memref<2000x128xf32, #tpu.memory_space<vmem>>, vector<2000x128xf32>
    %get3A_2 = arith.constant 0 : index
    %get3A_3 = arith.constant 0 : index
    %get3A_4 = vector.load %arg2[%get3A_2, %get3A_3] : memref<128x128xf32, #tpu.memory_space<vmem>>, vector<128x128xf32>
    %dot_general3A = arith.constant dense<0.000000e+00> : vector<2000x128xf32>
    %dot_general3A_5 = tpu.matmul %get3A_1, %get3A_4, %dot_general3A {dimension_numbers = #tpu.dot_dimension_numbers<[1], [0], [0], [1], [0, 0, 1, 1], [], []>, transpose_lhs_hint = false} : vector<2000x128xf32>, vector<128x128xf32>, vector<2000x128xf32> -> vector<2000x128xf32>
    %swap3A = arith.constant 0 : index
    %swap3A_6 = arith.constant 0 : index
    %swap3A_7 = vector.load %arg3[%swap3A, %swap3A_6] : memref<2000x128xf32, #tpu.memory_space<vmem>>, vector<2000x128xf32>
    tpu.vector_store %arg3[%swap3A, %swap3A_6], %dot_general3A_5 {strides = array<i32>} : memref<2000x128xf32, #tpu.memory_space<vmem>>, vector<2000x128xf32>,
    return
  }
  func.func @transform_0(%arg0: i32) -> (i32, i32) {
    %c0_i32 = arith.constant 0 : i32
    %c0_i32_0 = arith.constant 0 : i32
    return %arg0, %c0_i32 : i32, i32
  }
  func.func @transform_1(%arg0: i32) -> (i32, i32) {
    %c0_i32 = arith.constant 0 : i32
    %c0_i32_0 = arith.constant 0 : i32
    %c0_i32_1 = arith.constant 0 : i32
    return %c0_i32, %c0_i32_0 : i32, i32
  }
  func.func @transform_2(%arg0: i32) -> (i32, i32) {
    %c0_i32 = arith.constant 0 : i32
    %c0_i32_0 = arith.constant 0 : i32
    return %arg0, %c0_i32 : i32, i32
  }
}

module attributes {stable_mosaic.version = 14 : i64} {
  func.func @_layer1_body(%arg0: i32, %arg1: memref<2x2000x128xf32, #tpu.memory_space<vmem>>, %arg2: memref<2000x128xf32, #tpu.memory_space<vmem>>, %arg3: memref<2000x1xf32, #tpu.memory_space<vmem>>, %arg4: memref<1x128xf32, #tpu.memory_space<vmem>>, %arg5: memref<2000x128xf32, #tpu.memory_space<vmem>>, %arg6: memref<2000x128xf32, #tpu.memory_space<vmem>>) attributes {dimension_semantics = [#tpu.dimension_semantics<arbitrary>], iteration_bounds = array<i64: 5>, scalar_prefetch = 0 : i64, scratch_operands = 0 : i64, tpu.core_type = #tpu.core_type<tc>, window_params = [{transform_indices = @transform_0, window_bounds = array<i64: 2, 2000, 128>}, {transform_indices = @transform_1, window_bounds = array<i64: 2000, 128>}, {transform_indices = @transform_2, window_bounds = array<i64: 2000, 1>}, {pipeline_mode = #tpu.pipeline_mode<synchronous>, transform_indices = @transform_3, window_bounds = array<i64: 1, 128>}, {transform_indices = @transform_4, window_bounds = array<i64: 2000, 128>}, {transform_indices = @transform_5, window_bounds = array<i64: 2000, 128>}]} {
    %get3A = arith.constant 0 : index
    %get3A_0 = arith.constant 0 : index
    %get3A_1 = vector.load %arg3[%get3A, %get3A_0] : memref<2000x1xf32, #tpu.memory_space<vmem>>, vector<2000x1xf32>
    %get3A_2 = arith.constant 0 : index
    %get3A_3 = arith.constant 0 : index
    %get3A_4 = arith.constant 0 : index
    %get3A_5 = vector.load %arg1[%get3A_2, %get3A_3, %get3A_4] : memref<2x2000x128xf32, #tpu.memory_space<vmem>>, vector<1x2000x128xf32>
    %get3A_6 = vector.shape_cast %get3A_5 : vector<1x2000x128xf32> to vector<2000x128xf32>
    %get3A_7 = arith.constant 1 : index
    %get3A_8 = arith.constant 0 : index
    %get3A_9 = arith.constant 0 : index
    %get3A_10 = vector.load %arg1[%get3A_7, %get3A_8, %get3A_9] : memref<2x2000x128xf32, #tpu.memory_space<vmem>>, vector<1x2000x128xf32>
    %get3A_11 = vector.shape_cast %get3A_10 : vector<1x2000x128xf32> to vector<2000x128xf32>
    %add3A = arith.addf %get3A_6, %get3A_11 : vector<2000x128xf32>
    %mul3A = vector.broadcast %get3A_1 : vector<2000x1xf32> to vector<2000x128xf32>
    %mul3A_12 = arith.mulf %mul3A, %add3A : vector<2000x128xf32>
    %mul3A_13 = arith.mulf %get3A_1, %get3A_1 : vector<2000x1xf32>
    %get3A_14 = arith.constant 0 : index
    %get3A_15 = arith.constant 0 : index
    %get3A_16 = vector.load %arg2[%get3A_14, %get3A_15] : memref<2000x128xf32, #tpu.memory_space<vmem>>, vector<2000x128xf32>
    %mul3A_17 = vector.broadcast %mul3A_13 : vector<2000x1xf32> to vector<2000x128xf32>
    %mul3A_18 = arith.mulf %mul3A_17, %get3A_16 : vector<2000x128xf32>
    %add3A_19 = arith.addf %mul3A_12, %mul3A_18 : vector<2000x128xf32>
    %get3A_20 = arith.constant 0 : index
    %get3A_21 = arith.constant 0 : index
    %get3A_22 = vector.load %arg4[%get3A_20, %get3A_21] : memref<1x128xf32, #tpu.memory_space<vmem>>, vector<1x128xf32>
    %add3A_23 = vector.broadcast %get3A_22 : vector<1x128xf32> to vector<2000x128xf32>
    %add3A_24 = arith.addf %add3A_19, %add3A_23 : vector<2000x128xf32>
    %max3A = arith.constant 0.000000e+00 : f32
    %max3A_25 = vector.broadcast %max3A : f32 to vector<2000x128xf32>
    %max3A_26 = arith.maximumf %add3A_24, %max3A_25 : vector<2000x128xf32>
    %swap3A = arith.constant 0 : index
    %swap3A_27 = arith.constant 0 : index
    %swap3A_28 = vector.load %arg5[%swap3A, %swap3A_27] : memref<2000x128xf32, #tpu.memory_space<vmem>>, vector<2000x128xf32>
    tpu.vector_store %arg5[%swap3A, %swap3A_27], %max3A_26 {strides = array<i32>} : memref<2000x128xf32, #tpu.memory_space<vmem>>, vector<2000x128xf32>,
    %mul3A_29 = vector.broadcast %get3A_1 : vector<2000x1xf32> to vector<2000x128xf32>
    %mul3A_30 = arith.mulf %mul3A_29, %max3A_26 : vector<2000x128xf32>
    %swap3A_31 = arith.constant 0 : index
    %swap3A_32 = arith.constant 0 : index
    %swap3A_33 = vector.load %arg6[%swap3A_31, %swap3A_32] : memref<2000x128xf32, #tpu.memory_space<vmem>>, vector<2000x128xf32>
    tpu.vector_store %arg6[%swap3A_31, %swap3A_32], %mul3A_30 {strides = array<i32>} : memref<2000x128xf32, #tpu.memory_space<vmem>>, vector<2000x128xf32>,
    return
  }
  func.func @transform_0(%arg0: i32) -> (i32, i32, i32) {
    %c0_i32 = arith.constant 0 : i32
    %c0_i32_0 = arith.constant 0 : i32
    %c0_i32_1 = arith.constant 0 : i32
    return %c0_i32, %arg0, %c0_i32_0 : i32, i32, i32
  }
  func.func @transform_1(%arg0: i32) -> (i32, i32) {
    %c0_i32 = arith.constant 0 : i32
    %c0_i32_0 = arith.constant 0 : i32
    return %arg0, %c0_i32 : i32, i32
  }
  func.func @transform_2(%arg0: i32) -> (i32, i32) {
    %c0_i32 = arith.constant 0 : i32
    %c0_i32_0 = arith.constant 0 : i32
    return %arg0, %c0_i32 : i32, i32
  }
  func.func @transform_3(%arg0: i32) -> (i32, i32) {
    %c0_i32 = arith.constant 0 : i32
    %c0_i32_0 = arith.constant 0 : i32
    %c0_i32_1 = arith.constant 0 : i32
    return %c0_i32, %c0_i32_0 : i32, i32
  }
  func.func @transform_4(%arg0: i32) -> (i32, i32) {
    %c0_i32 = arith.constant 0 : i32
    %c0_i32_0 = arith.constant 0 : i32
    return %arg0, %c0_i32 : i32, i32
  }
  func.func @transform_5(%arg0: i32) -> (i32, i32) {
    %c0_i32 = arith.constant 0 : i32
    %c0_i32_0 = arith.constant 0 : i32
    return %arg0, %c0_i32 : i32, i32
  }
}

module attributes {stable_mosaic.version = 14 : i64} {
  func.func @_heads_body(%arg0: i32, %arg1: memref<2x2000x128xf32, #tpu.memory_space<vmem>>, %arg2: memref<2000x128xf32, #tpu.memory_space<vmem>>, %arg3: memref<2000x1xf32, #tpu.memory_space<vmem>>, %arg4: memref<128x64xf32, #tpu.memory_space<vmem>>, %arg5: memref<1x64xf32, #tpu.memory_space<vmem>>, %arg6: memref<128x64xf32, #tpu.memory_space<vmem>>, %arg7: memref<1x64xf32, #tpu.memory_space<vmem>>, %arg8: memref<2000x64xf32, #tpu.memory_space<vmem>>, %arg9: memref<2000x64xf32, #tpu.memory_space<vmem>>) attributes {dimension_semantics = [#tpu.dimension_semantics<arbitrary>], iteration_bounds = array<i64: 5>, scalar_prefetch = 0 : i64, scratch_operands = 0 : i64, tpu.core_type = #tpu.core_type<tc>, window_params = [{transform_indices = @transform_0, window_bounds = array<i64: 2, 2000, 128>}, {transform_indices = @transform_1, window_bounds = array<i64: 2000, 128>}, {transform_indices = @transform_2, window_bounds = array<i64: 2000, 1>}, {pipeline_mode = #tpu.pipeline_mode<synchronous>, transform_indices = @transform_3, window_bounds = array<i64: 128, 64>}, {pipeline_mode = #tpu.pipeline_mode<synchronous>, transform_indices = @transform_4, window_bounds = array<i64: 1, 64>}, {pipeline_mode = #tpu.pipeline_mode<synchronous>, transform_indices = @transform_5, window_bounds = array<i64: 128, 64>}, {pipeline_mode = #tpu.pipeline_mode<synchronous>, transform_indices = @transform_6, window_bounds = array<i64: 1, 64>}, {transform_indices = @transform_7, window_bounds = array<i64: 2000, 64>}, {transform_indices = @transform_8, window_bounds = array<i64: 2000, 64>}]} {
    %get3A = arith.constant 0 : index
    %get3A_0 = arith.constant 0 : index
    %get3A_1 = vector.load %arg3[%get3A, %get3A_0] : memref<2000x1xf32, #tpu.memory_space<vmem>>, vector<2000x1xf32>
    %get3A_2 = arith.constant 0 : index
    %get3A_3 = arith.constant 0 : index
    %get3A_4 = arith.constant 0 : index
    %get3A_5 = vector.load %arg1[%get3A_2, %get3A_3, %get3A_4] : memref<2x2000x128xf32, #tpu.memory_space<vmem>>, vector<1x2000x128xf32>
    %get3A_6 = vector.shape_cast %get3A_5 : vector<1x2000x128xf32> to vector<2000x128xf32>
    %get3A_7 = arith.constant 1 : index
    %get3A_8 = arith.constant 0 : index
    %get3A_9 = arith.constant 0 : index
    %get3A_10 = vector.load %arg1[%get3A_7, %get3A_8, %get3A_9] : memref<2x2000x128xf32, #tpu.memory_space<vmem>>, vector<1x2000x128xf32>
    %get3A_11 = vector.shape_cast %get3A_10 : vector<1x2000x128xf32> to vector<2000x128xf32>
    %add3A = arith.addf %get3A_6, %get3A_11 : vector<2000x128xf32>
    %mul3A = vector.broadcast %get3A_1 : vector<2000x1xf32> to vector<2000x128xf32>
    %mul3A_12 = arith.mulf %mul3A, %add3A : vector<2000x128xf32>
    %mul3A_13 = arith.mulf %get3A_1, %get3A_1 : vector<2000x1xf32>
    %get3A_14 = arith.constant 0 : index
    %get3A_15 = arith.constant 0 : index
    %get3A_16 = vector.load %arg2[%get3A_14, %get3A_15] : memref<2000x128xf32, #tpu.memory_space<vmem>>, vector<2000x128xf32>
    %mul3A_17 = vector.broadcast %mul3A_13 : vector<2000x1xf32> to vector<2000x128xf32>
    %mul3A_18 = arith.mulf %mul3A_17, %get3A_16 : vector<2000x128xf32>
    %add3A_19 = arith.addf %mul3A_12, %mul3A_18 : vector<2000x128xf32>
    %get3A_20 = arith.constant 0 : index
    %get3A_21 = arith.constant 0 : index
    %get3A_22 = vector.load %arg4[%get3A_20, %get3A_21] : memref<128x64xf32, #tpu.memory_space<vmem>>, vector<128x64xf32>
    %dot_general3A = arith.constant dense<0.000000e+00> : vector<2000x64xf32>
    %dot_general3A_23 = tpu.matmul %add3A_19, %get3A_22, %dot_general3A {dimension_numbers = #tpu.dot_dimension_numbers<[1], [0], [0], [1], [0, 0, 1, 1], [], []>, transpose_lhs_hint = false} : vector<2000x128xf32>, vector<128x64xf32>, vector<2000x64xf32> -> vector<2000x64xf32>
    %get3A_24 = arith.constant 0 : index
    %get3A_25 = arith.constant 0 : index
    %get3A_26 = vector.load %arg5[%get3A_24, %get3A_25] : memref<1x64xf32, #tpu.memory_space<vmem>>, vector<1x64xf32>
    %add3A_27 = vector.broadcast %get3A_26 : vector<1x64xf32> to vector<2000x64xf32>
    %add3A_28 = arith.addf %dot_general3A_23, %add3A_27 : vector<2000x64xf32>
    %swap3A = arith.constant 0 : index
    %swap3A_29 = arith.constant 0 : index
    %swap3A_30 = vector.load %arg8[%swap3A, %swap3A_29] : memref<2000x64xf32, #tpu.memory_space<vmem>>, vector<2000x64xf32>
    tpu.vector_store %arg8[%swap3A, %swap3A_29], %add3A_28 {strides = array<i32>} : memref<2000x64xf32, #tpu.memory_space<vmem>>, vector<2000x64xf32>,
    %get3A_31 = arith.constant 0 : index
    %get3A_32 = arith.constant 0 : index
    %get3A_33 = vector.load %arg6[%get3A_31, %get3A_32] : memref<128x64xf32, #tpu.memory_space<vmem>>, vector<128x64xf32>
    %dot_general3A_34 = arith.constant dense<0.000000e+00> : vector<2000x64xf32>
    %dot_general3A_35 = tpu.matmul %add3A_19, %get3A_33, %dot_general3A_34 {dimension_numbers = #tpu.dot_dimension_numbers<[1], [0], [0], [1], [0, 0, 1, 1], [], []>, transpose_lhs_hint = false} : vector<2000x128xf32>, vector<128x64xf32>, vector<2000x64xf32> -> vector<2000x64xf32>
    %get3A_36 = arith.constant 0 : index
    %get3A_37 = arith.constant 0 : index
    %get3A_38 = vector.load %arg7[%get3A_36, %get3A_37] : memref<1x64xf32, #tpu.memory_space<vmem>>, vector<1x64xf32>
    %add3A_39 = vector.broadcast %get3A_38 : vector<1x64xf32> to vector<2000x64xf32>
    %add3A_40 = arith.addf %dot_general3A_35, %add3A_39 : vector<2000x64xf32>
    %swap3A_41 = arith.constant 0 : index
    %swap3A_42 = arith.constant 0 : index
    %swap3A_43 = vector.load %arg9[%swap3A_41, %swap3A_42] : memref<2000x64xf32, #tpu.memory_space<vmem>>, vector<2000x64xf32>
    tpu.vector_store %arg9[%swap3A_41, %swap3A_42], %add3A_40 {strides = array<i32>} : memref<2000x64xf32, #tpu.memory_space<vmem>>, vector<2000x64xf32>,
    return
  }
  func.func @transform_0(%arg0: i32) -> (i32, i32, i32) {
    %c0_i32 = arith.constant 0 : i32
    %c0_i32_0 = arith.constant 0 : i32
    %c0_i32_1 = arith.constant 0 : i32
    return %c0_i32, %arg0, %c0_i32_0 : i32, i32, i32
  }
  func.func @transform_1(%arg0: i32) -> (i32, i32) {
    %c0_i32 = arith.constant 0 : i32
    %c0_i32_0 = arith.constant 0 : i32
    return %arg0, %c0_i32 : i32, i32
  }
  func.func @transform_2(%arg0: i32) -> (i32, i32) {
    %c0_i32 = arith.constant 0 : i32
    %c0_i32_0 = arith.constant 0 : i32
    return %arg0, %c0_i32 : i32, i32
  }
  func.func @transform_3(%arg0: i32) -> (i32, i32) {
    %c0_i32 = arith.constant 0 : i32
    %c0_i32_0 = arith.constant 0 : i32
    %c0_i32_1 = arith.constant 0 : i32
    return %c0_i32, %c0_i32_0 : i32, i32
  }
  func.func @transform_4(%arg0: i32) -> (i32, i32) {
    %c0_i32 = arith.constant 0 : i32
    %c0_i32_0 = arith.constant 0 : i32
    %c0_i32_1 = arith.constant 0 : i32
    return %c0_i32, %c0_i32_0 : i32, i32
  }
  func.func @transform_5(%arg0: i32) -> (i32, i32) {
    %c0_i32 = arith.constant 0 : i32
    %c0_i32_0 = arith.constant 0 : i32
    %c0_i32_1 = arith.constant 0 : i32
    return %c0_i32, %c0_i32_0 : i32, i32
  }
  func.func @transform_6(%arg0: i32) -> (i32, i32) {
    %c0_i32 = arith.constant 0 : i32
    %c0_i32_0 = arith.constant 0 : i32
    %c0_i32_1 = arith.constant 0 : i32
    return %c0_i32, %c0_i32_0 : i32, i32
  }
  func.func @transform_7(%arg0: i32) -> (i32, i32) {
    %c0_i32 = arith.constant 0 : i32
    %c0_i32_0 = arith.constant 0 : i32
    return %arg0, %c0_i32 : i32, i32
  }
  func.func @transform_8(%arg0: i32) -> (i32, i32) {
    %c0_i32 = arith.constant 0 : i32
    %c0_i32_0 = arith.constant 0 : i32
    return %arg0, %c0_i32 : i32, i32
  }
}

</mosaic_0001>

<sc_bundles>
// kernel: kernel.12.cloned.1.call-start
scs
__scs_entry_jumppad:
0x0: {  	(pc) =	sbr.rel $0x88, $3  }
0x1: {  	(tag) =	ssettag $0x0;
	lr =	simm.s32 $0x1  }
0x2: {  	[smem:$0x3F99] =	sst lr;
	_ =	strace $0xD0000000  }
0x3: {  	_ = 	snop  }
0x4: {  	_ = 	snop  }
0x5: {  	_ = 	snop  }
0x6: {  	_ = 	snop  }
0x7: {  	_ = 	snop  }
__scs_overlays_trampoline_lowered:
0x8: {  	[smem:$0x3FA8] =	sst s0  }
0x9: {  	[smem:$0x3FA9] =	sst s1  }
0xa: {  	[smem:$0x3FAA] =	sst s2  }
0xb: {  	[smem:$0x3FAB] =	sst s3  }
0xc: {  	[smem:$0x3FAC] =	sst s4  }
0xd: {  	[smem:$0x3FAD] =	sst s5  }
0xe: {  	[smem:$0x3FAE] =	sst s6  }
0xf: {  	[smem:$0x3FAF] =	sst s7  }
0x10: {  	[smem:$0x3FB0] =	sst s8  }
0x11: {  	[smem:$0x3FB1] =	sst s9;
	s0 =	simm.s32 @!p0 $0x0  }
0x12: {  	s1 =	sld [smem:$0x3F97];
	s0 =	simm.s32 @p0 $0x1  }
0x13: {  	[smem:$0x3FB2] =	sst s0;
	s0 =	simm.s32 @!p1 $0x0  }
0x14: {  	s2 =	sld [smem:$0x3F96];
	s0 =	simm.s32 @p1 $0x1  }
0x15: {  	[smem:$0x3FB3] =	sst s0;
	s0 =	simm.s32 @!p2 $0x0  }
0x16: {  	s3 =	sld [smem:$0x3FDB];
	s0 =	simm.s32 @p2 $0x1  }
0x17: {  	s4 =	simm.s32 $0x1BF5;
	[smem:$0x3FB5] =	sst s0  }
0x18: {  	s0 =	sld [smem:$0x3F98];
	_ =	swait.ge [sflag:s4], $0x0  }
0x19: {  	s7 =	sld [smem:$0x3F99]  }
0x1a: {  	s8 =	sadd.s32 $0xFFFFE003, lr  }
0x1b: {  	s9 =	sadd.s32 $0xFFFFFEF7, lr;
	s5 =	simm.s32 $0xFFFFFFFF;
	p2 =	slt.u32 s8, $0xFFFFF086  }
0x1c: {  	p1 =	slt.u32 s9, $0xF7A;
	s5 =	simm.s32 @!p2 $0x0  }
0x1d: {  	s5 =	simm.s32 @p1 $0x1;
	p0 =	seq.s32 s7, s2  }
0x1e: {  	s7 =	smul.u32 @!p0 $0xF7A, s2;
	p2 =	seq.s32 @!p0 s5, $0x0  }
0x1f: {  	s9 =	smul.u32 $0xF7A, s1;
	s8 =	simm.s32 @!p0 $0x1BF5;
	p2 =	por !p2, p0  }
0x20: {  	[sflag:s8] =	ssyncset.s32 @!p0 $0xFFFFF086;
	s6 =	sadd.s32 @!p0 s3, s7;
	s7 =	simm.s32 @!p0 $0x108  }
0x21: {  	s3 =	sadd.s32 s3, s9;
	s6 =	sadd.s32 @!p0 $0x88, s6;
	s7 =	simm.s32 @p2 $0x1082  }
0x22: {  	[simem:s7], [sflag:s8] =	dma.local @!p0 [hbm:s6], $0xF7A  }
0x23: {  	s9 =	sor.u32 $0xD0000000, s2;
	s6 =	simm.s32 $0x108;
	_ =	swait.ge @!p0 [sflag:s8], $0x0  }
0x24: {  	s3 =	sadd.s32 $0x88, s3;
	s6 =	simm.s32 @!p1 $0x1082;
	[sflag:s4] =	ssyncset.s32 $0xFFFFF086  }
0x25: {  	[simem:s6], [sflag:s4] =	dma.local [hbm:s3], $0xF7A  }
0x26: {  	[smem:$0x3F99] =	sst s1;
	(tag) =	ssettag s2;
	_ =	strace s9  }
0x27: {  	s1 =	sld [smem:$0x3FA9]  }
0x28: {  	s2 =	sld [smem:$0x3FAA]  }
0x29: {  	s4 =	sld [smem:$0x3FAC]  }
0x2a: {  	p0 =	seq.s32 s5, $0x0;
	s5 =	sld [smem:$0x3FAD]  }
0x2b: {  	s6 =	sld [smem:$0x3FAE]  }
0x2c: {  	s7 =	sld [smem:$0x3FAF]  }
0x2d: {  	s3 =	simm.s32 $0x108;
	s8 =	sld [smem:$0x3FB0]  }
0x2e: {  	s3 =	simm.s32 @!p0 $0x1082;
	s9 =	sld [smem:$0x3FB1]  }
0x2f: {  	lr =	sadd.s32 s0, s3;
	s0 =	sld [smem:$0x3FA8]  }
0x30: {  	s3 =	sld [smem:$0x3FAB]  }
0x31: {  	[smem:$0x3FB4] =	sst s10  }
0x32: {  	s10 =	sld [smem:$0x3FB2];
	_ =	sdelay $0x3  }
0x33: {  	p0 =	seq.s32 s10, $0x1;
	s10 =	sld [smem:$0x3FB4];
	_ =	sdelay $0x3  }
0x34: {  	[smem:$0x3FB4] =	sst s10  }
0x35: {  	s10 =	sld [smem:$0x3FB3];
	_ =	sdelay $0x3  }
0x36: {  	p1 =	seq.s32 s10, $0x1;
	s10 =	sld [smem:$0x3FB4];
	_ =	sdelay $0x3  }
0x37: {  	[smem:$0x3FB4] =	sst s10  }
0x38: {  	s10 =	sld [smem:$0x3FB5]  }
0x39: {  	_ = 	snop;
	(pc) =	sbr.ind lr, $3  }
0x3a: {  	_ = 	snop  }
0x3b: {  	_ = 	snop  }
0x3c: {  	p2 =	seq.s32 s10, $0x1;
	s10 =	sld [smem:$0x3FB4]  }
0x3d: {  	_ =	shalt  }
0x3e: {  	_ =	shalt  }
0x3f: {  	_ =	shalt  }
0x40: {  	_ =	shalt  }
0x41: {  	_ =	shalt  }
0x42: {  	_ =	shalt  }
0x43: {  	_ =	shalt  }
0x44: {  	_ =	shalt  }
0x45: {  	_ =	shalt  }
0x46: {  	_ =	shalt  }
0x47: {  	_ =	shalt  }
0x48: {  	_ =	shalt  }
0x49: {  	_ =	shalt  }
0x4a: {  	_ =	shalt  }
0x4b: {  	_ =	shalt  }
0x4c: {  	_ =	shalt  }
0x4d: {  	_ =	shalt  }
0x4e: {  	_ =	shalt  }
0x4f: {  	_ =	shalt  }
0x50: {  	_ =	shalt  }
0x51: {  	_ =	shalt  }
0x52: {  	_ =	shalt  }
0x53: {  	_ =	shalt  }
0x54: {  	_ =	shalt  }
0x55: {  	_ =	shalt  }
0x56: {  	_ =	shalt  }
0x57: {  	_ =	shalt  }
0x58: {  	_ =	shalt  }
0x59: {  	_ =	shalt  }
0x5a: {  	_ =	shalt  }
0x5b: {  	_ =	shalt  }
0x5c: {  	_ =	shalt  }
0x5d: {  	_ =	shalt  }
0x5e: {  	_ =	shalt  }
0x5f: {  	_ =	shalt  }
0x60: {  	_ =	shalt  }
0x61: {  	_ =	shalt  }
0x62: {  	_ =	shalt  }
0x63: {  	_ =	shalt  }
0x64: {  	_ =	shalt  }
0x65: {  	_ =	shalt  }
0x66: {  	_ =	shalt  }
0x67: {  	_ =	shalt  }
0x68: {  	_ =	shalt  }
0x69: {  	_ =	shalt  }
0x6a: {  	_ =	shalt  }
0x6b: {  	_ =	shalt  }
0x6c: {  	_ =	shalt  }
0x6d: {  	_ =	shalt  }
0x6e: {  	_ =	shalt  }
0x6f: {  	_ =	shalt  }
0x70: {  	_ =	shalt  }
0x71: {  	_ =	shalt  }
0x72: {  	_ =	shalt  }
0x73: {  	_ =	shalt  }
0x74: {  	_ =	shalt  }
0x75: {  	_ =	shalt  }
0x76: {  	_ =	shalt  }
0x77: {  	_ =	shalt  }
0x78: {  	_ =	shalt  }
0x79: {  	_ =	shalt  }
0x7a: {  	_ =	shalt  }
0x7b: {  	_ =	shalt  }
0x7c: {  	_ =	shalt  }
0x7d: {  	_ =	shalt  }
0x7e: {  	_ =	shalt  }
0x7f: {  	_ =	shalt  }
0x80: {  	_ =	shalt  }
0x81: {  	_ =	shalt  }
0x82: {  	_ =	shalt  }
0x83: {  	_ =	shalt  }
0x84: {  	_ =	shalt  }
0x85: {  	_ =	shalt  }
0x86: {  	_ =	shalt  }
0x87: {  	_ =	shalt  }
.Lfunc_end0:
.L_simem_size_0:
called_computation.1_lowered:
.L_overlay_start_0:
0x88: {  	s2 =	sld [smem:$0x3FD9]  }
0x89: {  	s3 =	sld [smem:$0x3FFE];
	_ =	sdelay $0x1  }
0x8a: {  	s1 =	srdreg.scid  }
0x8b: {  	s0 =	sand.u32 $0x1, s1  }
0x8c: {  	s14 =	sshll.u32 s0, $0xA;
	s2 =	sadd.s32 s3, s2  }
0x8d: {  	s2 =	sadd.s32 s2, s14  }
0x8e: {  	[smem:$0x3FC0] =	sst s2  }
0x8f: {  	_ = 	snop  }
0x90: {  	s2 =	sld [smem:$0x3FD0];
	_ =	sdelay $0x2  }
0x91: {  	s15 =	simm.s32 $0xA;
	s4 =	simm.s32 $0x10  }
0x92: {  	[smem:s4], [sflag:s15] =	dma.local [hbm:s2], $0x1  }
0x93: {  	_ =	swait.eq [sflag:s15], $0x1  }
0x94: {  	[sflag:s15] =	ssyncset.done $0x0  }
0x95: {  	[sflag:s15] =	ssyncadd.s32 $0xFFFFFFFF  }
0x96: {  	s16 =	sld [smem:$0x10];
	(tm) =	ssettm $0x1  }
0x97: {  	s17 =	sld [smem:$0x3FFB];
	_ =	sdelay $0x3  }
0x98: {  	_ =	strace s17  }
0x99: {  	s3 =	sld [smem:$0x3FFC];
	_ =	sdelay $0x3  }
0x9a: {  	_ =	strace s3  }
0x9b: {  	s3 =	sld [smem:$0x3FFD];
	_ =	sdelay $0x3  }
0x9c: {  	_ =	strace s3  }
0x9d: {  	_ =	strace $0x8FFFFFFF  }
0x9e: {  	s18 =	sld [smem:$0x3FDB];
	_ =	sdelay $0x1  }
0x9f: {  	s19 =	simm.s32 $_scs_section_size  }
0xa0: {  	s5 =	simm.s32 $_size__tile_overlayer_lowered;
	s6 =	simm.s32 $_tile_overlayer_lowered  }
0xa1: {  	s22 =	simm.s32 $0x1BFF;
	s21 =	sshll.u32 s6, $0x1;
	s3 =	sadd.s32 s19, s18  }
0xa2: {  	s7 =	simm.s32 $0x0;
	s20 =	sshll.u32 s5, $0x1;
	s5 =	sadd.s32 s21, s3  }
0xa3: {  	[timem:s7], [sflag:s22] =	dma.local [hbm:s5], s20  }
0xa4: {  	_ =	swait.ge [sflag:s22], s20  }
0xa5: {  	s4 =	ssub.s32 $0x0, s20;
	[sflag:s22] =	ssyncset.done $0x0  }
0xa6: {  	[sflag:s22] =	ssyncadd.s32 s4;
	_ =	sdelay $0x1  }
0xa7: {  	s23 =	simm.s32 $0x1B8B  }
0xa8: {  	_ =	swait.ge [sflag:s23], $0x1  }
0xa9: {  	[sflag:s23] =	ssyncset.done $0x0  }
0xaa: {  	s25 =	simm.s32 $0x1B8E;
	s24 =	sld [smem:$0x3FFE];
	[sflag:s23] =	ssyncadd.s32 $0xFFFFFFFF  }
0xab: {  	s26 =	simm.s32 $execute0_lowered;
	[smem:$0x3FD2] =	sst s25  }
0xac: {  	s5 =	sshll.u32 s26, $0x1;
	_ =	strace $0x80000049;
	[dreg:$0x1] =	wrdreg $0xFFFFFFFF  }
0xad: {  	s28 =	simm.s32 $_size_execute0_lowered;
	s3 =	sadd.s32 s3, s5;
	[dreg:$0x0] =	wrdreg $0x0  }
0xae: {  	s5 =	sshll.u32 s28, $0x1;
	[dreg:$0x2] =	wrdreg s3  }
0xaf: {  	[dreg:$0x3] =	wrdreg s5  }
0xb0: {  	[dreg:$0x4] =	wrdreg $0xC0  }
0xb1: {  	_ =	task [dreg:s7], $0x5FFFF  }
0xb2: {  	[dreg:$0x1] =	wrdreg $0xFFFFFFFF  }
0xb3: {  	[dreg:$0x0] =	wrdreg $0x60  }
0xb4: {  	[dreg:$0x2] =	wrdreg s24  }
0xb5: {  	[dreg:$0x3] =	wrdreg s16  }
0xb6: {  	[dreg:$0x4] =	wrdreg $0x152200  }
0xb7: {  	[dreg:$0x5] =	wrdreg $0x9  }
0xb8: {  	_ =	task.clear_ibuf [dreg:s7], $0x6FFFF;
	_ =	strace $0x90000049  }
0xb9: {  	s29 =	simm.s32 $0x9;
	_ =	strace $0x8000004B  }
0xba: {  	_ =	swait.ge [sflag:s29], $0x1  }
0xbb: {  	[sflag:s29] =	ssyncadd.s32 $0xFFFFFFFF  }
0xbc: {  	_ =	strace $0x9000004B  }
0xbd: {  	_ =	sfence  }
0xbe: {  	s30 =	sld [smem:$0x0];
	_ =	sdelay $0x2  }
0xbf: {  	s31 =	sshll.u32 s1, $0xD;
	s1 =	sshrl.u32 s1, $0x2  }
0xc0: {  	s3 =	sand.u32 $0x4000, s31;
	s1 =	sadd.s32 s1, s30  }
0xc1: {  	s0 =	sor.u32 s3, s0;
	s1 =	sshll.u32 s1, $0x11  }
0xc2: {  	s0 =	sor.u32 s1, s0  }
0xc3: {  	s0 =	sadd.s32 $0x8F2B, s0  }
0xc4: {  	[sflag:s0] =	ssyncadd.remote.s32 $0x1  }
0xc5: {  	_ =	sfence.sel $0xFFFF  }
0xc6: {  	[dreg:$0x0] =	wrdreg $0xFFFFFFFF;
	(pc) =	sbr.abs _section_cstart, $3  }
0xc7: {  	[dreg:$0x1] =	wrdreg $0xFFFFFFFF  }
0xc8: {  	_ =	task.clear_ibuf [dreg:s7], $0x2FFFF;
	_ =	strace $0x9FFFFFFF  }
0xc9: {  	(tm) =	ssettm $0x7FFFFFFF  }
tec
execute0_lowered:
.L_overlay_start_1:
0x0: {  	(tag) =	ssettag $0x1  }
0x1: {  	s0 =	rddreg [dreg:$0x0]  }
0x2: {  	s1 =	rddreg [dreg:$0x1]  }
0x3: {  	s2 =	rddreg [dreg:$0x2];
	s3 =	srdreg.scid  }
0x4: {  	s9 =	stileid.u32;
	s11 =	simm.s32 $0x6;
	s14 =	simm.s32 $0x50  }
0x5: {  	s15 =	simm.s32 $0x4E20;
	s16 =	simm.s32 $0x6220;
	s18 =	simm.s32 $0x7620  }
0x6: {  	s19 =	simm.s32 $0xF0;
	s20 =	simm.s32 $0x8A20;
	s21 =	simm.s32 $0x140  }
0x7: {  	s28 =	simm.s32 $0x5;
	s29 =	simm.s32 $0x4C90;
	s30 =	simm.s32 $0x4CE0  }
0x8: {  	s31 =	simm.s32 $0x4D30;
	s12 =	simm.s32 $0x4DD0;
	s8 =	smul.u32 $0x14000, s9  }
0x9: {  	s13 =	simm.s32 $0x8;
	s5 =	sand.u32 $0x1, s3;
	s22 =	smul.u32 $0x28000, s9  }
0xa: {  	s3 =	simm.s32 $0x0;
	s4 =	sshll.u32 s9, $0x1;
	s6 =	smul.u32 $0x140000, s5  }
0xb: {  	[smem:$0x7FF] =	sst s3;
	s7 =	sor.u32 s5, s4;
	s4 =	sadd.s32 $0xC000, s0  }
0xc: {  	s5 =	ssub.s32 $0x2, s5;
	_ =	strace $0x8000004A;
	s7 =	smul.u32 $0x4E2, s7  }
0xd: {  	s10 =	sshrl.u32 s5, $0x1;
	s24 =	sshrl.u32 s22, $0x2;
	s22 =	simm.s32 $0x9E20  }
0xe: {  	s6 =	sadd.s32 s8, s6;
	s5 =	ssub.s32 s5, s10;
	s23 =	sadd.s32 s7, s0  }
0xf: {  	s6 =	sshrl.u32 s6, $0x3;
	s1 =	sadd.s32 s1, s7;
	s7 =	sadd.s32 s24, s2  }
0x10: {  	s10 =	smax.u32 s5, $0x1;
	s24 =	simm.s32 $0x2;
	s0 =	sadd.s32 s6, s0  }
0x11: {  	[dreg:$0x4] =	wrdreg s1;
	s25 =	sadd.s32 $0x2200, s23;
	s23 =	simm.s32 $0x1  }
0x12: {  	s1 =	simm.s32 $0x10;
	[dreg:$0x5] =	wrdreg s25;
	s26 =	sadd.s32 $0x33200, s0  }
0x13: {  	s0 =	sadd.s32 $0x33208, s0;
	s25 =	simm.s32 $0x3;
	[dreg:$0x6] =	wrdreg s26  }
0x14: {  	v0 =	vimm.f32 $0.0e+00;
	[dreg:$0x7] =	wrdreg s0;
	s26 =	simm.s32 $0x4;
	s0 =	simm.s32 $0x4D80  }
.LBB2_1:
0x15: {  	s6 =	simm.s32 $0x100;
	s5 =	simm.s32 $0x0  }
.LBB2_2:
0x16: {  	p0 =	sne.s32 s6, $0x27F00;
	[tilespmem:s5+$0xB250] =	vst v0;
	s8 =	smov.u32 s6;
	s6 =	sadd.s32 $0x100, s6  }
.Ltmp0:
0x17: {  	[tilespmem:s5+$0xB240] =	vst v0;
	(pc) =	sbr.rel @p0 .LBB2_2-.Ltmp0, $3  }
0x18: {  	[tilespmem:s5+$0xB220] =	vst v0  }
0x19: {  	[tilespmem:s5+$0xB230] =	vst v0;
	_ =	sdelay $0x1  }
0x1a: {  	s5 =	sshra.s32 s8, $0x2  }
0x1b: {  	[tilespmem:s5+$0xB250] =	vst v0  }
0x1c: {  	[tilespmem:s5+$0xB240] =	vst v0  }
0x1d: {  	[tilespmem:s5+$0xB220] =	vst v0  }
0x1e: {  	[tilespmem:s5+$0xB230] =	vst v0;
	s9 =	simm.s32 $0x0;
	s6 =	rddreg [dreg:$0x4]  }
0x1f: {  	[tilespmem:s9], [sflag:$0x6] =	stream.linear.gather [hbm4b:s6+s9], $0x2710, $0x38;
	[tilespmem:$0x1F220] =	vst v63  }
0x20: {  	_ =	swait.ge [sflag:s11], $0x2710  }
0x21: {  	[sflag:s11] =	ssyncset.done $0x0  }
0x22: {  	s8 =	simm.s32 $0x2710;
	s17 =	rddreg [dreg:$0x5];
	[sflag:s11] =	ssyncadd.s32 $0xFFFFD8F0  }
0x23: {  	[tilespmem:s8], [sflag:$0x6] =	stream.linear.gather [hbm4b:s17+s9], $0x2710, $0x38;
	[tilespmem:$0x1F220] =	vst v63  }
0x24: {  	_ =	swait.ge [sflag:s11], $0x2710  }
0x25: {  	[sflag:s11] =	ssyncset.done $0x0  }
0x26: {  	s8 =	simm.s32 $0xB220;
	[sflag:s11] =	ssyncadd.s32 $0xFFFFD8F0  }
0x27: {  	[spmem:s7] =	stream.linear.scatter [tilespmem:s8], [sflag:$0x6], $0xA000, $0x38;
	[tilespmem:$0x1F220] =	vst v63  }
0x28: {  	_ =	swait.ge [sflag:s11], $0xA000  }
0x29: {  	[sflag:s11] =	ssyncset.done $0x0  }
0x2a: {  	[sflag:s11] =	ssyncadd.s32 $0xFFFF6000  }
0x2b: {  	[bflag:$0x0] =	sbarrier.arrive $0xFFFF  }
0x2c: {  	[tilespmem:s15], [sflag:$0x1] =	stream.indirect.gather [hbm4b:s4+s14], $0x40, s9, s14, $0xb8;
	[tilespmem:$0x1F220] =	vst v63  }
0x2d: {  	_ = 	snop  }
0x2e: {  	[tilespmem:s16], [sflag:$0x2] =	stream.indirect.gather [hbm4b:s4+s14], $0x40, s14, s14, $0xb8;
	[tilespmem:$0x1F220] =	vst v63  }
0x2f: {  	s9 =	simm.s32 $0xA0  }
0x30: {  	[tilespmem:s18], [sflag:$0x3] =	stream.indirect.gather [hbm4b:s4+s14], $0x40, s9, s14, $0xb8;
	[tilespmem:$0x1F220] =	vst v63  }
0x31: {  	_ = 	snop  }
0x32: {  	[tilespmem:s20], [sflag:$0x4] =	stream.indirect.gather [hbm4b:s4+s14], $0x40, s19, s14, $0xb8;
	[tilespmem:$0x1F220] =	vst v63  }
0x33: {  	_ = 	snop  }
0x34: {  	[tilespmem:s22], [sflag:$0x5] =	stream.indirect.gather [hbm4b:s4+s14], $0x40, s21, s14, $0xb8;
	[tilespmem:$0x1F220] =	vst v63  }
0x35: {  	_ =	swait.ge [sflag:s23], $0x1400  }
0x36: {  	[sflag:s23] =	ssyncset.done $0x0  }
0x37: {  	s17 =	simm.s32 $0x2710;
	[sflag:s23] =	ssyncadd.s32 $0xFFFFEC00  }
0x38: {  	[spmem:s2] =	stream.indirect.scatter.add.f32 [tilespmem:s15], [sflag:$0x6], $0x40, s17, s14, $0xb8;
	[tilespmem:$0x1F220] =	vst v63  }
0x39: {  	_ =	swait.ge [sflag:s11], $0x1400  }
0x3a: {  	[sflag:s11] =	ssyncset.done $0x0  }
0x3b: {  	s6 =	simm.s32 $0x190;
	[sflag:s11] =	ssyncadd.s32 $0xFFFFEC00  }
0x3c: {  	[tilespmem:s15], [sflag:$0x1] =	stream.indirect.gather [hbm4b:s4+s14], $0x40, s6, s14, $0xb8;
	[tilespmem:$0x1F220] =	vst v63  }
0x3d: {  	_ =	swait.ge [sflag:s24], $0x1400  }
0x3e: {  	[sflag:s24] =	ssyncset.done $0x0  }
0x3f: {  	s8 =	simm.s32 $0x2760;
	[sflag:s24] =	ssyncadd.s32 $0xFFFFEC00  }
0x40: {  	[spmem:s2] =	stream.indirect.scatter.add.f32 [tilespmem:s16], [sflag:$0x6], $0x40, s8, s14, $0xb8;
	[tilespmem:$0x1F220] =	vst v63  }
0x41: {  	_ =	swait.ge [sflag:s11], $0x1400  }
0x42: {  	[sflag:s11] =	ssyncset.done $0x0  }
0x43: {  	s9 =	simm.s32 $0x1E0;
	[sflag:s11] =	ssyncadd.s32 $0xFFFFEC00  }
0x44: {  	[tilespmem:s16], [sflag:$0x2] =	stream.indirect.gather [hbm4b:s4+s14], $0x40, s9, s14, $0xb8;
	[tilespmem:$0x1F220] =	vst v63  }
0x45: {  	_ =	swait.ge [sflag:s25], $0x1400  }
0x46: {  	[sflag:s25] =	ssyncset.done $0x0  }
0x47: {  	s17 =	simm.s32 $0x27B0;
	[sflag:s25] =	ssyncadd.s32 $0xFFFFEC00  }
0x48: {  	[spmem:s2] =	stream.indirect.scatter.add.f32 [tilespmem:s18], [sflag:$0x6], $0x40, s17, s14, $0xb8;
	[tilespmem:$0x1F220] =	vst v63  }
0x49: {  	_ =	swait.ge [sflag:s11], $0x1400  }
0x4a: {  	[sflag:s11] =	ssyncset.done $0x0  }
0x4b: {  	s6 =	simm.s32 $0x230;
	[sflag:s11] =	ssyncadd.s32 $0xFFFFEC00  }
0x4c: {  	[tilespmem:s18], [sflag:$0x3] =	stream.indirect.gather [hbm4b:s4+s14], $0x40, s6, s14, $0xb8;
	[tilespmem:$0x1F220] =	vst v63  }
0x4d: {  	_ =	swait.ge [sflag:s26], $0x1400  }
0x4e: {  	[sflag:s26] =	ssyncset.done $0x0  }
0x4f: {  	s8 =	simm.s32 $0x2800;
	[sflag:s26] =	ssyncadd.s32 $0xFFFFEC00  }
0x50: {  	[spmem:s2] =	stream.indirect.scatter.add.f32 [tilespmem:s20], [sflag:$0x6], $0x40, s8, s14, $0xb8;
	[tilespmem:$0x1F220] =	vst v63  }
0x51: {  	_ =	swait.ge [sflag:s11], $0x1400  }
0x52: {  	[sflag:s11] =	ssyncset.done $0x0  }
0x53: {  	s9 =	simm.s32 $0x280;
	[sflag:s11] =	ssyncadd.s32 $0xFFFFEC00  }
0x54: {  	[tilespmem:s20], [sflag:$0x4] =	stream.indirect.gather [hbm4b:s4+s14], $0x40, s9, s14, $0xb8;
	[tilespmem:$0x1F220] =	vst v63  }
0x55: {  	_ =	swait.ge [sflag:s28], $0x1400  }
0x56: {  	[sflag:s28] =	ssyncset.done $0x0  }
0x57: {  	s17 =	simm.s32 $0x2850;
	[sflag:s28] =	ssyncadd.s32 $0xFFFFEC00  }
0x58: {  	[spmem:s2] =	stream.indirect.scatter.add.f32 [tilespmem:s22], [sflag:$0x6], $0x40, s17, s14, $0xb8;
	[tilespmem:$0x1F220] =	vst v63  }
0x59: {  	_ =	swait.ge [sflag:s11], $0x1400  }
0x5a: {  	[sflag:s11] =	ssyncset.done $0x0  }
0x5b: {  	s5 =	simm.s32 $0x640;
	s6 =	simm.s32 $0x2D0;
	[sflag:s11] =	ssyncadd.s32 $0xFFFFEC00  }
.LBB2_4:
0x5c: {  	[tilespmem:s22], [sflag:$0x5] =	stream.indirect.gather [hbm4b:s4+s14], $0x40, s6, s14, $0xb8;
	[tilespmem:$0x1F220] =	vst v63  }
0x5d: {  	s6 =	smov.u32 s5  }
0x5e: {  	p0 =	sne.s32 s5, $0x8FC0;
	s5 =	sadd.s32 $0x640, s5;
	_ =	swait.ge [sflag:s23], $0x1400  }
0x5f: {  	s6 =	sshra.s32 s6, $0x2;
	[sflag:s23] =	ssyncset.done $0x0  }
0x60: {  	s8 =	sadd.s32 $0x2710, s6;
	[sflag:s23] =	ssyncadd.s32 $0xFFFFEC00  }
0x61: {  	[spmem:s2] =	stream.indirect.scatter.add.f32 [tilespmem:s15], [sflag:$0x6], $0x40, s8, s14, $0xb8;
	[tilespmem:$0x1F220] =	vst v63  }
0x62: {  	_ =	swait.ge [sflag:s11], $0x1400  }
0x63: {  	[sflag:s11] =	ssyncset.done $0x0  }
0x64: {  	s8 =	sadd.s32 $0x190, s6;
	[sflag:s11] =	ssyncadd.s32 $0xFFFFEC00  }
0x65: {  	[tilespmem:s15], [sflag:$0x1] =	stream.indirect.gather [hbm4b:s4+s14], $0x40, s8, s14, $0xb8;
	[tilespmem:$0x1F220] =	vst v63  }
0x66: {  	_ =	swait.ge [sflag:s24], $0x1400  }
0x67: {  	[sflag:s24] =	ssyncset.done $0x0  }
0x68: {  	s8 =	sadd.s32 $0x2760, s6;
	[sflag:s24] =	ssyncadd.s32 $0xFFFFEC00  }
0x69: {  	[spmem:s2] =	stream.indirect.scatter.add.f32 [tilespmem:s16], [sflag:$0x6], $0x40, s8, s14, $0xb8;
	[tilespmem:$0x1F220] =	vst v63  }
0x6a: {  	_ =	swait.ge [sflag:s11], $0x1400  }
0x6b: {  	[sflag:s11] =	ssyncset.done $0x0  }
0x6c: {  	s8 =	sadd.s32 $0x1E0, s6;
	[sflag:s11] =	ssyncadd.s32 $0xFFFFEC00  }
0x6d: {  	[tilespmem:s16], [sflag:$0x2] =	stream.indirect.gather [hbm4b:s4+s14], $0x40, s8, s14, $0xb8;
	[tilespmem:$0x1F220] =	vst v63  }
0x6e: {  	_ =	swait.ge [sflag:s25], $0x1400  }
0x6f: {  	[sflag:s25] =	ssyncset.done $0x0  }
0x70: {  	s8 =	sadd.s32 $0x27B0, s6;
	[sflag:s25] =	ssyncadd.s32 $0xFFFFEC00  }
0x71: {  	[spmem:s2] =	stream.indirect.scatter.add.f32 [tilespmem:s18], [sflag:$0x6], $0x40, s8, s14, $0xb8;
	[tilespmem:$0x1F220] =	vst v63  }
0x72: {  	_ =	swait.ge [sflag:s11], $0x1400  }
0x73: {  	[sflag:s11] =	ssyncset.done $0x0  }
0x74: {  	s8 =	sadd.s32 $0x230, s6;
	[sflag:s11] =	ssyncadd.s32 $0xFFFFEC00  }
0x75: {  	[tilespmem:s18], [sflag:$0x3] =	stream.indirect.gather [hbm4b:s4+s14], $0x40, s8, s14, $0xb8;
	[tilespmem:$0x1F220] =	vst v63  }
0x76: {  	_ =	swait.ge [sflag:s26], $0x1400  }
0x77: {  	[sflag:s26] =	ssyncset.done $0x0  }
0x78: {  	s8 =	sadd.s32 $0x2800, s6;
	[sflag:s26] =	ssyncadd.s32 $0xFFFFEC00  }
0x79: {  	[spmem:s2] =	stream.indirect.scatter.add.f32 [tilespmem:s20], [sflag:$0x6], $0x40, s8, s14, $0xb8;
	[tilespmem:$0x1F220] =	vst v63  }
0x7a: {  	_ =	swait.ge [sflag:s11], $0x1400  }
0x7b: {  	[sflag:s11] =	ssyncset.done $0x0  }
0x7c: {  	s8 =	sadd.s32 $0x280, s6;
	[sflag:s11] =	ssyncadd.s32 $0xFFFFEC00  }
0x7d: {  	[tilespmem:s20], [sflag:$0x4] =	stream.indirect.gather [hbm4b:s4+s14], $0x40, s8, s14, $0xb8;
	[tilespmem:$0x1F220] =	vst v63  }
0x7e: {  	_ =	swait.ge [sflag:s28], $0x1400  }
0x7f: {  	[sflag:s28] =	ssyncset.done $0x0  }
.Ltmp1:
0x80: {  	s8 =	sadd.s32 $0x2850, s6;
	[sflag:s28] =	ssyncadd.s32 $0xFFFFEC00;
	(pc) =	sbr.rel @p0 .LBB2_4-.Ltmp1, $4  }
0x81: {  	[spmem:s2] =	stream.indirect.scatter.add.f32 [tilespmem:s22], [sflag:$0x6], $0x40, s8, s14, $0xb8;
	[tilespmem:$0x1F220] =	vst v63  }
0x82: {  	_ =	swait.ge [sflag:s11], $0x1400  }
0x83: {  	[sflag:s11] =	ssyncset.done $0x0  }
0x84: {  	s6 =	sadd.s32 $0x2D0, s6;
	[sflag:s11] =	ssyncadd.s32 $0xFFFFEC00  }
0x85: {  	[tilespmem:s22], [sflag:$0x5] =	stream.indirect.gather [hbm4b:s4+s14], $0x40, s6, s14, $0xb8;
	[tilespmem:$0x1F220] =	vst v63  }
0x86: {  	_ =	swait.ge [sflag:s23], $0x1400  }
0x87: {  	[sflag:s23] =	ssyncset.done $0x0  }
0x88: {  	[sflag:s23] =	ssyncadd.s32 $0xFFFFEC00  }
0x89: {  	[spmem:s2] =	stream.indirect.scatter.add.f32 [tilespmem:s15], [sflag:$0x6], $0x40, s29, s14, $0xb8;
	[tilespmem:$0x1F220] =	vst v63  }
0x8a: {  	_ =	swait.ge [sflag:s11], $0x1400  }
0x8b: {  	[sflag:s11] =	ssyncset.done $0x0  }
0x8c: {  	[sflag:s11] =	ssyncadd.s32 $0xFFFFEC00  }
0x8d: {  	_ =	swait.ge [sflag:s24], $0x1400  }
0x8e: {  	[sflag:s24] =	ssyncset.done $0x0  }
0x8f: {  	[sflag:s24] =	ssyncadd.s32 $0xFFFFEC00  }
0x90: {  	[spmem:s2] =	stream.indirect.scatter.add.f32 [tilespmem:s16], [sflag:$0x6], $0x40, s30, s14, $0xb8;
	[tilespmem:$0x1F220] =	vst v63  }
0x91: {  	_ =	swait.ge [sflag:s11], $0x1400  }
0x92: {  	[sflag:s11] =	ssyncset.done $0x0  }
0x93: {  	[sflag:s11] =	ssyncadd.s32 $0xFFFFEC00  }
0x94: {  	_ =	swait.ge [sflag:s25], $0x1400  }
0x95: {  	[sflag:s25] =	ssyncset.done $0x0  }
0x96: {  	[sflag:s25] =	ssyncadd.s32 $0xFFFFEC00  }
0x97: {  	[spmem:s2] =	stream.indirect.scatter.add.f32 [tilespmem:s18], [sflag:$0x6], $0x40, s31, s14, $0xb8;
	[tilespmem:$0x1F220] =	vst v63  }
0x98: {  	_ =	swait.ge [sflag:s11], $0x1400  }
0x99: {  	[sflag:s11] =	ssyncset.done $0x0  }
0x9a: {  	[sflag:s11] =	ssyncadd.s32 $0xFFFFEC00  }
0x9b: {  	_ =	swait.ge [sflag:s26], $0x1400  }
0x9c: {  	[sflag:s26] =	ssyncset.done $0x0  }
0x9d: {  	[sflag:s26] =	ssyncadd.s32 $0xFFFFEC00  }
0x9e: {  	[spmem:s2] =	stream.indirect.scatter.add.f32 [tilespmem:s20], [sflag:$0x6], $0x40, s0, s14, $0xb8;
	[tilespmem:$0x1F220] =	vst v63  }
0x9f: {  	_ =	swait.ge [sflag:s11], $0x1400  }
0xa0: {  	[sflag:s11] =	ssyncset.done $0x0  }
0xa1: {  	[sflag:s11] =	ssyncadd.s32 $0xFFFFEC00  }
0xa2: {  	_ =	swait.ge [sflag:s28], $0x1400  }
0xa3: {  	[sflag:s28] =	ssyncset.done $0x0  }
0xa4: {  	[sflag:s28] =	ssyncadd.s32 $0xFFFFEC00  }
0xa5: {  	[spmem:s2] =	stream.indirect.scatter.add.f32 [tilespmem:s22], [sflag:$0x6], $0x40, s12, s14, $0xb8;
	[tilespmem:$0x1F220] =	vst v63  }
0xa6: {  	_ =	swait.ge [sflag:s11], $0x1400  }
0xa7: {  	[sflag:s11] =	ssyncset.done $0x0  }
0xa8: {  	s5 =	stileid.u32;
	[sflag:s11] =	ssyncadd.s32 $0xFFFFEC00  }
0xa9: {  	s5 =	sshll.u32 s5, $0x6;
	[bflag:$0x0] =	sbarrier.arrive $0xFFFF  }
0xaa: {  	s6 =	sshrl.u32 s7, $0x3;
	s5 =	sor.u32 $0x1C06, s5;
	s8 =	rddreg [dreg:$0x6]  }
0xab: {  	[hbm:s8@s1], [sflag:s5] =	dma.strided [spmem:s6@s13], $0x1400, s23, $0x8   }
0xac: {  	_ =	swait.ge [sflag:s11], $0x1400  }
0xad: {  	[sflag:s11] =	ssyncset.done $0x0  }
0xae: {  	s8 =	simm.s32 $0x40;
	[sflag:s11] =	ssyncadd.s32 $0xFFFFEC00  }
0xaf: {  	v1 =	vld [tilespmem:s8+$0xFFFFFFC0]  }
0xb0: {  	v2 =	vld [tilespmem:s8+$0xFFFFFFD0]  }
0xb1: {  	v3 =	vld [tilespmem:s8+$0xFFFFFFE0]  }
0xb2: {  	v4 =	vld [tilespmem:s8+$0x0]  }
0xb3: {  	v5 =	vld [tilespmem:s8+$0xFFFFFFF0]  }
0xb4: {  	v1 =	vadd.s32 $0x1, v1  }
0xb5: {  	s17 =	simm.s32 $0x90;
	v2 =	vadd.s32 $0x1, v2;
	[tilespmem:s8+$0xFFFFFFC0] =	vst v1  }
0xb6: {  	v3 =	vadd.s32 $0x1, v3;
	v1 =	vld [tilespmem:s17+$0xFFFFFFC0];
	[tilespmem:s8+$0xFFFFFFD0] =	vst v2  }
0xb7: {  	v6 =	vadd.s32 $0x1, v4;
	v2 =	vld [tilespmem:s17+$0xFFFFFFD0];
	[tilespmem:s8+$0xFFFFFFE0] =	vst v3  }
0xb8: {  	s9 =	simm.s32 $0x380;
	v4 =	vadd.s32 $0x1, v5;
	v3 =	vld [tilespmem:s17+$0xFFFFFFE0];
	[tilespmem:s8+$0x0] =	vst v6  }
.LBB2_6:
0xb9: {  	p0 =	sne.s32 s9, $0x9C00;
	v5 =	vld [tilespmem:s17+$0x0];
	[tilespmem:s8+$0xFFFFFFF0] =	vst v4;
	s8 =	smov.u32 s17  }
0xba: {  	v4 =	vld [tilespmem:s8+$0xFFFFFFF0]  }
.Ltmp2:
0xbb: {  	v1 =	vadd.s32 $0x1, v1;
	(pc) =	sbr.rel @p0 .LBB2_6-.Ltmp2, $4  }
0xbc: {  	s17 =	sshra.s32 s9, $0x2;
	[tilespmem:s8+$0xFFFFFFC0] =	vst v1;
	v2 =	vadd.s32 $0x1, v2  }
0xbd: {  	v1 =	vld [tilespmem:s17+$0xFFFFFFC0];
	[tilespmem:s8+$0xFFFFFFD0] =	vst v2;
	v3 =	vadd.s32 $0x1, v3  }
0xbe: {  	v2 =	vld [tilespmem:s17+$0xFFFFFFD0];
	[tilespmem:s8+$0xFFFFFFE0] =	vst v3;
	v5 =	vadd.s32 $0x1, v5  }
0xbf: {  	s9 =	sadd.s32 $0x140, s9;
	v3 =	vld [tilespmem:s17+$0xFFFFFFE0];
	v4 =	vadd.s32 $0x1, v4;
	[tilespmem:s8+$0x0] =	vst v5  }
0xc0: {  	v5 =	vld [tilespmem:s17+$0x0];
	[tilespmem:s8+$0xFFFFFFF0] =	vst v4  }
0xc1: {  	v4 =	vld [tilespmem:s17+$0xFFFFFFF0]  }
0xc2: {  	v1 =	vadd.s32 $0x1, v1  }
0xc3: {  	[tilespmem:s17+$0xFFFFFFC0] =	vst v1;
	v1 =	vadd.s32 $0x1, v2  }
0xc4: {  	[tilespmem:s17+$0xFFFFFFD0] =	vst v1;
	v1 =	vadd.s32 $0x1, v3  }
0xc5: {  	[tilespmem:s17+$0xFFFFFFE0] =	vst v1;
	v1 =	vadd.s32 $0x1, v5  }
0xc6: {  	v2 =	vadd.s32 $0x1, v4;
	[tilespmem:s17+$0x0] =	vst v1  }
0xc7: {  	s9 =	simm.s32 $0xB220;
	[tilespmem:s17+$0xFFFFFFF0] =	vst v2  }
0xc8: {  	[spmem:s7] =	stream.linear.scatter [tilespmem:s9], [sflag:$0x6], $0xA000, $0x38;
	[tilespmem:$0x1F220] =	vst v63  }
0xc9: {  	_ =	swait.ge [sflag:s11], $0xA000  }
0xca: {  	[sflag:s11] =	ssyncset.done $0x0  }
0xcb: {  	[sflag:s11] =	ssyncadd.s32 $0xFFFF6000  }
0xcc: {  	s17 =	simm.s32 $0x0;
	[bflag:$0x0] =	sbarrier.arrive $0xFFFF  }
0xcd: {  	[tilespmem:s15], [sflag:$0x1] =	stream.indirect.gather [hbm4b:s4+s14], $0x40, s17, s14, $0xb8;
	[tilespmem:$0x1F220] =	vst v63  }
0xce: {  	_ = 	snop  }
0xcf: {  	[tilespmem:s16], [sflag:$0x2] =	stream.indirect.gather [hbm4b:s4+s14], $0x40, s14, s14, $0xb8;
	[tilespmem:$0x1F220] =	vst v63  }
0xd0: {  	s9 =	simm.s32 $0xA0  }
0xd1: {  	[tilespmem:s18], [sflag:$0x3] =	stream.indirect.gather [hbm4b:s4+s14], $0x40, s9, s14, $0xb8;
	[tilespmem:$0x1F220] =	vst v63  }
0xd2: {  	_ = 	snop  }
0xd3: {  	[tilespmem:s20], [sflag:$0x4] =	stream.indirect.gather [hbm4b:s4+s14], $0x40, s19, s14, $0xb8;
	[tilespmem:$0x1F220] =	vst v63  }
0xd4: {  	_ = 	snop  }
0xd5: {  	[tilespmem:s22], [sflag:$0x5] =	stream.indirect.gather [hbm4b:s4+s14], $0x40, s21, s14, $0xb8;
	[tilespmem:$0x1F220] =	vst v63  }
0xd6: {  	_ =	swait.ge [sflag:s23], $0x1400  }
0xd7: {  	[sflag:s23] =	ssyncset.done $0x0  }
0xd8: {  	s17 =	simm.s32 $0x2710;
	[sflag:s23] =	ssyncadd.s32 $0xFFFFEC00  }
0xd9: {  	[spmem:s2] =	stream.indirect.scatter.add.f32 [tilespmem:s15], [sflag:$0x6], $0x40, s17, s14, $0xb8;
	[tilespmem:$0x1F220] =	vst v63  }
0xda: {  	_ =	swait.ge [sflag:s11], $0x1400  }
0xdb: {  	[sflag:s11] =	ssyncset.done $0x0  }
0xdc: {  	s9 =	simm.s32 $0x190;
	[sflag:s11] =	ssyncadd.s32 $0xFFFFEC00  }
0xdd: {  	[tilespmem:s15], [sflag:$0x1] =	stream.indirect.gather [hbm4b:s4+s14], $0x40, s9, s14, $0xb8;
	[tilespmem:$0x1F220] =	vst v63  }
0xde: {  	_ =	swait.ge [sflag:s24], $0x1400  }
0xdf: {  	[sflag:s24] =	ssyncset.done $0x0  }
0xe0: {  	s17 =	simm.s32 $0x2760;
	[sflag:s24] =	ssyncadd.s32 $0xFFFFEC00  }
0xe1: {  	[spmem:s2] =	stream.indirect.scatter.add.f32 [tilespmem:s16], [sflag:$0x6], $0x40, s17, s14, $0xb8;
	[tilespmem:$0x1F220] =	vst v63  }
0xe2: {  	_ =	swait.ge [sflag:s11], $0x1400  }
0xe3: {  	[sflag:s11] =	ssyncset.done $0x0  }
0xe4: {  	s9 =	simm.s32 $0x1E0;
	[sflag:s11] =	ssyncadd.s32 $0xFFFFEC00  }
0xe5: {  	[tilespmem:s16], [sflag:$0x2] =	stream.indirect.gather [hbm4b:s4+s14], $0x40, s9, s14, $0xb8;
	[tilespmem:$0x1F220] =	vst v63  }
0xe6: {  	_ =	swait.ge [sflag:s25], $0x1400  }
0xe7: {  	[sflag:s25] =	ssyncset.done $0x0  }
0xe8: {  	s17 =	simm.s32 $0x27B0;
	[sflag:s25] =	ssyncadd.s32 $0xFFFFEC00  }
0xe9: {  	[spmem:s2] =	stream.indirect.scatter.add.f32 [tilespmem:s18], [sflag:$0x6], $0x40, s17, s14, $0xb8;
	[tilespmem:$0x1F220] =	vst v63  }
0xea: {  	_ =	swait.ge [sflag:s11], $0x1400  }
0xeb: {  	[sflag:s11] =	ssyncset.done $0x0  }
0xec: {  	s9 =	simm.s32 $0x230;
	[sflag:s11] =	ssyncadd.s32 $0xFFFFEC00  }
0xed: {  	[tilespmem:s18], [sflag:$0x3] =	stream.indirect.gather [hbm4b:s4+s14], $0x40, s9, s14, $0xb8;
	[tilespmem:$0x1F220] =	vst v63  }
0xee: {  	_ =	swait.ge [sflag:s26], $0x1400  }
0xef: {  	[sflag:s26] =	ssyncset.done $0x0  }
0xf0: {  	s17 =	simm.s32 $0x2800;
	[sflag:s26] =	ssyncadd.s32 $0xFFFFEC00  }
0xf1: {  	[spmem:s2] =	stream.indirect.scatter.add.f32 [tilespmem:s20], [sflag:$0x6], $0x40, s17, s14, $0xb8;
	[tilespmem:$0x1F220] =	vst v63  }
0xf2: {  	_ =	swait.ge [sflag:s11], $0x1400  }
0xf3: {  	[sflag:s11] =	ssyncset.done $0x0  }
0xf4: {  	s9 =	simm.s32 $0x280;
	[sflag:s11] =	ssyncadd.s32 $0xFFFFEC00  }
0xf5: {  	[tilespmem:s20], [sflag:$0x4] =	stream.indirect.gather [hbm4b:s4+s14], $0x40, s9, s14, $0xb8;
	[tilespmem:$0x1F220] =	vst v63  }
0xf6: {  	_ =	swait.ge [sflag:s28], $0x1400  }
0xf7: {  	[sflag:s28] =	ssyncset.done $0x0  }
0xf8: {  	s17 =	simm.s32 $0x2850;
	[sflag:s28] =	ssyncadd.s32 $0xFFFFEC00  }
0xf9: {  	[spmem:s2] =	stream.indirect.scatter.add.f32 [tilespmem:s22], [sflag:$0x6], $0x40, s17, s14, $0xb8;
	[tilespmem:$0x1F220] =	vst v63  }
0xfa: {  	_ =	swait.ge [sflag:s11], $0x1400  }
0xfb: {  	[sflag:s11] =	ssyncset.done $0x0  }
0xfc: {  	s8 =	simm.s32 $0x640;
	s9 =	simm.s32 $0x2D0;
	[sflag:s11] =	ssyncadd.s32 $0xFFFFEC00  }
.LBB2_8:
0xfd: {  	[tilespmem:s22], [sflag:$0x5] =	stream.indirect.gather [hbm4b:s4+s14], $0x40, s9, s14, $0xb8;
	[tilespmem:$0x1F220] =	vst v63  }
0xfe: {  	s9 =	smov.u32 s8  }
0xff: {  	p0 =	sne.s32 s8, $0x8FC0;
	s8 =	sadd.s32 $0x640, s8;
	_ =	swait.ge [sflag:s23], $0x1400  }
0x100: {  	s17 =	sshra.s32 s9, $0x2;
	[sflag:s23] =	ssyncset.done $0x0  }
0x101: {  	s9 =	sadd.s32 $0x2710, s17;
	[sflag:s23] =	ssyncadd.s32 $0xFFFFEC00  }
0x102: {  	[spmem:s2] =	stream.indirect.scatter.add.f32 [tilespmem:s15], [sflag:$0x6], $0x40, s9, s14, $0xb8;
	[tilespmem:$0x1F220] =	vst v63  }
0x103: {  	_ =	swait.ge [sflag:s11], $0x1400  }
0x104: {  	[sflag:s11] =	ssyncset.done $0x0  }
0x105: {  	s9 =	sadd.s32 $0x190, s17;
	[sflag:s11] =	ssyncadd.s32 $0xFFFFEC00  }
0x106: {  	[tilespmem:s15], [sflag:$0x1] =	stream.indirect.gather [hbm4b:s4+s14], $0x40, s9, s14, $0xb8;
	[tilespmem:$0x1F220] =	vst v63  }
0x107: {  	_ =	swait.ge [sflag:s24], $0x1400  }
0x108: {  	[sflag:s24] =	ssyncset.done $0x0  }
0x109: {  	s9 =	sadd.s32 $0x2760, s17;
	[sflag:s24] =	ssyncadd.s32 $0xFFFFEC00  }
0x10a: {  	[spmem:s2] =	stream.indirect.scatter.add.f32 [tilespmem:s16], [sflag:$0x6], $0x40, s9, s14, $0xb8;
	[tilespmem:$0x1F220] =	vst v63  }
0x10b: {  	_ =	swait.ge [sflag:s11], $0x1400  }
0x10c: {  	[sflag:s11] =	ssyncset.done $0x0  }
0x10d: {  	s9 =	sadd.s32 $0x1E0, s17;
	[sflag:s11] =	ssyncadd.s32 $0xFFFFEC00  }
0x10e: {  	[tilespmem:s16], [sflag:$0x2] =	stream.indirect.gather [hbm4b:s4+s14], $0x40, s9, s14, $0xb8;
	[tilespmem:$0x1F220] =	vst v63  }
0x10f: {  	_ =	swait.ge [sflag:s25], $0x1400  }
0x110: {  	[sflag:s25] =	ssyncset.done $0x0  }
0x111: {  	s9 =	sadd.s32 $0x27B0, s17;
	[sflag:s25] =	ssyncadd.s32 $0xFFFFEC00  }
0x112: {  	[spmem:s2] =	stream.indirect.scatter.add.f32 [tilespmem:s18], [sflag:$0x6], $0x40, s9, s14, $0xb8;
	[tilespmem:$0x1F220] =	vst v63  }
0x113: {  	_ =	swait.ge [sflag:s11], $0x1400  }
0x114: {  	[sflag:s11] =	ssyncset.done $0x0  }
0x115: {  	s9 =	sadd.s32 $0x230, s17;
	[sflag:s11] =	ssyncadd.s32 $0xFFFFEC00  }
0x116: {  	[tilespmem:s18], [sflag:$0x3] =	stream.indirect.gather [hbm4b:s4+s14], $0x40, s9, s14, $0xb8;
	[tilespmem:$0x1F220] =	vst v63  }
0x117: {  	_ =	swait.ge [sflag:s26], $0x1400  }
0x118: {  	[sflag:s26] =	ssyncset.done $0x0  }
0x119: {  	s9 =	sadd.s32 $0x2800, s17;
	[sflag:s26] =	ssyncadd.s32 $0xFFFFEC00  }
0x11a: {  	[spmem:s2] =	stream.indirect.scatter.add.f32 [tilespmem:s20], [sflag:$0x6], $0x40, s9, s14, $0xb8;
	[tilespmem:$0x1F220] =	vst v63  }
0x11b: {  	_ =	swait.ge [sflag:s11], $0x1400  }
0x11c: {  	[sflag:s11] =	ssyncset.done $0x0  }
0x11d: {  	s9 =	sadd.s32 $0x280, s17;
	[sflag:s11] =	ssyncadd.s32 $0xFFFFEC00  }
0x11e: {  	[tilespmem:s20], [sflag:$0x4] =	stream.indirect.gather [hbm4b:s4+s14], $0x40, s9, s14, $0xb8;
	[tilespmem:$0x1F220] =	vst v63  }
0x11f: {  	_ =	swait.ge [sflag:s28], $0x1400  }
0x120: {  	[sflag:s28] =	ssyncset.done $0x0  }
.Ltmp3:
0x121: {  	s9 =	sadd.s32 $0x2850, s17;
	[sflag:s28] =	ssyncadd.s32 $0xFFFFEC00;
	(pc) =	sbr.rel @p0 .LBB2_8-.Ltmp3, $4  }
0x122: {  	[spmem:s2] =	stream.indirect.scatter.add.f32 [tilespmem:s22], [sflag:$0x6], $0x40, s9, s14, $0xb8;
	[tilespmem:$0x1F220] =	vst v63  }
0x123: {  	_ =	swait.ge [sflag:s11], $0x1400  }
0x124: {  	[sflag:s11] =	ssyncset.done $0x0  }
0x125: {  	s9 =	sadd.s32 $0x2D0, s17;
	[sflag:s11] =	ssyncadd.s32 $0xFFFFEC00  }
0x126: {  	[tilespmem:s22], [sflag:$0x5] =	stream.indirect.gather [hbm4b:s4+s14], $0x40, s9, s14, $0xb8;
	[tilespmem:$0x1F220] =	vst v63  }
0x127: {  	_ =	swait.ge [sflag:s23], $0x1400  }
0x128: {  	[sflag:s23] =	ssyncset.done $0x0  }
0x129: {  	[sflag:s23] =	ssyncadd.s32 $0xFFFFEC00  }
0x12a: {  	[spmem:s2] =	stream.indirect.scatter.add.f32 [tilespmem:s15], [sflag:$0x6], $0x40, s29, s14, $0xb8;
	[tilespmem:$0x1F220] =	vst v63  }
0x12b: {  	_ =	swait.ge [sflag:s11], $0x1400  }
0x12c: {  	[sflag:s11] =	ssyncset.done $0x0  }
0x12d: {  	[sflag:s11] =	ssyncadd.s32 $0xFFFFEC00  }
0x12e: {  	_ =	swait.ge [sflag:s24], $0x1400  }
0x12f: {  	[sflag:s24] =	ssyncset.done $0x0  }
0x130: {  	[sflag:s24] =	ssyncadd.s32 $0xFFFFEC00  }
0x131: {  	[spmem:s2] =	stream.indirect.scatter.add.f32 [tilespmem:s16], [sflag:$0x6], $0x40, s30, s14, $0xb8;
	[tilespmem:$0x1F220] =	vst v63  }
0x132: {  	_ =	swait.ge [sflag:s11], $0x1400  }
0x133: {  	[sflag:s11] =	ssyncset.done $0x0  }
0x134: {  	[sflag:s11] =	ssyncadd.s32 $0xFFFFEC00  }
0x135: {  	_ =	swait.ge [sflag:s25], $0x1400  }
0x136: {  	[sflag:s25] =	ssyncset.done $0x0  }
0x137: {  	[sflag:s25] =	ssyncadd.s32 $0xFFFFEC00  }
0x138: {  	[spmem:s2] =	stream.indirect.scatter.add.f32 [tilespmem:s18], [sflag:$0x6], $0x40, s31, s14, $0xb8;
	[tilespmem:$0x1F220] =	vst v63  }
0x139: {  	_ =	swait.ge [sflag:s11], $0x1400  }
0x13a: {  	[sflag:s11] =	ssyncset.done $0x0  }
0x13b: {  	[sflag:s11] =	ssyncadd.s32 $0xFFFFEC00  }
0x13c: {  	_ =	swait.ge [sflag:s26], $0x1400  }
0x13d: {  	[sflag:s26] =	ssyncset.done $0x0  }
0x13e: {  	[sflag:s26] =	ssyncadd.s32 $0xFFFFEC00  }
0x13f: {  	[spmem:s2] =	stream.indirect.scatter.add.f32 [tilespmem:s20], [sflag:$0x6], $0x40, s0, s14, $0xb8;
	[tilespmem:$0x1F220] =	vst v63  }
0x140: {  	_ =	swait.ge [sflag:s11], $0x1400  }
0x141: {  	[sflag:s11] =	ssyncset.done $0x0  }
0x142: {  	[sflag:s11] =	ssyncadd.s32 $0xFFFFEC00  }
0x143: {  	_ =	swait.ge [sflag:s28], $0x1400  }
0x144: {  	[sflag:s28] =	ssyncset.done $0x0  }
0x145: {  	[sflag:s28] =	ssyncadd.s32 $0xFFFFEC00  }
0x146: {  	[spmem:s2] =	stream.indirect.scatter.add.f32 [tilespmem:s22], [sflag:$0x6], $0x40, s12, s14, $0xb8;
	[tilespmem:$0x1F220] =	vst v63  }
0x147: {  	_ =	swait.ge [sflag:s11], $0x1400  }
0x148: {  	[sflag:s11] =	ssyncset.done $0x0  }
0x149: {  	s3 =	sadd.s32 $0x1, s3;
	[sflag:s11] =	ssyncadd.s32 $0xFFFFEC00  }
0x14a: {  	p0 =	sne.s32 s3, s10;
	[bflag:$0x0] =	sbarrier.arrive $0xFFFF  }
.Ltmp4:
0x14b: {  	s8 =	rddreg [dreg:$0x7];
	(pc) =	sbr.rel @p0 .LBB2_1-.Ltmp4, $4  }
0x14c: {  	[hbm:s8@s1], [sflag:s5] =	dma.strided [spmem:s6@s13], $0x1400, s23, $0x8   }
0x14d: {  	_ =	swait.ge [sflag:s11], $0x1400  }
0x14e: {  	[sflag:s11] =	ssyncset.done $0x0  }
0x14f: {  	[sflag:s11] =	ssyncadd.s32 $0xFFFFEC00  }
0x150: {  	_ =	sfence.sel $0x180000  }
0x151: {  	[bflag:$0x0] =	sbarrier.arrive $0xFFFF  }
0x152: {  	_ =	strace $0x9000004A  }
0x153: {  	s0 =	stileid.u32;
	[bflag:$0x2] =	sbarrier.arrive $0xFFFF  }
0x154: {  	p0 =	sne.s32 s0, $0x0;
	s0 =	rddreg [dreg:$0x3]  }
0x155: {  	s0 =	sadd.s32 @!p0 $0x100000, s0  }
0x156: {  	[sflag:s0] =	ssyncadd.tile.s32 @!p0 $0x1;
	_ =	shalt  }
.Lfunc_end2:
_tile_overlayer_lowered:
.L_overlay_start_2:
0x157: {  	(tag) =	ssettag $0x2  }
0x158: {  	s0 =	rddreg [dreg:$0x0];
	s2 =	stileid.u32  }
0x159: {  	s1 =	rddreg [dreg:$0x1];
	p0 =	sne.s32 s2, $0x0  }
0x15a: {  	s3 =	rddreg [dreg:$0x2];
	[bflag:$0x3] =	sbarrier.arrive $0xFFFF;
	s2 =	simm.s32 @!p0 $0x1C06  }
0x15b: {  	[timem:s3], [sflag:s2] =	dma.local @!p0 [hbm:s0], s1  }
0x15c: {  	s0 =	simm.s32 @!p0 $0x6  }
0x15d: {  	_ =	swait.ge @!p0 [sflag:s0], s1  }
0x15e: {  	s1 =	ssub.s32 @!p0 $0x0, s1;
	[sflag:s0] =	ssyncset.done @!p0 $0x0  }
0x15f: {  	[sflag:s0] =	ssyncadd.s32 @!p0 s1  }
0x160: {  	[bflag:$0x3] =	sbarrier.arrive $0xFFFF  }
0x161: {  	_ =	shalt  }

// kernel: kernel.15.cloned.1.call-start
scs
__scs_entry_jumppad:
0x0: {  	(pc) =	sbr.rel $0x88, $3  }
0x1: {  	(tag) =	ssettag $0x0;
	lr =	simm.s32 $0x1  }
0x2: {  	[smem:$0x3F99] =	sst lr;
	_ =	strace $0xD0000000  }
0x3: {  	_ = 	snop  }
0x4: {  	_ = 	snop  }
0x5: {  	_ = 	snop  }
0x6: {  	_ = 	snop  }
0x7: {  	_ = 	snop  }
__scs_overlays_trampoline_lowered:
0x8: {  	[smem:$0x3FA8] =	sst s0  }
0x9: {  	[smem:$0x3FA9] =	sst s1  }
0xa: {  	[smem:$0x3FAA] =	sst s2  }
0xb: {  	[smem:$0x3FAB] =	sst s3  }
0xc: {  	[smem:$0x3FAC] =	sst s4  }
0xd: {  	[smem:$0x3FAD] =	sst s5  }
0xe: {  	[smem:$0x3FAE] =	sst s6  }
0xf: {  	[smem:$0x3FAF] =	sst s7  }
0x10: {  	[smem:$0x3FB0] =	sst s8  }
0x11: {  	[smem:$0x3FB1] =	sst s9;
	s0 =	simm.s32 @!p0 $0x0  }
0x12: {  	s1 =	sld [smem:$0x3F97];
	s0 =	simm.s32 @p0 $0x1  }
0x13: {  	[smem:$0x3FB2] =	sst s0;
	s0 =	simm.s32 @!p1 $0x0  }
0x14: {  	s2 =	sld [smem:$0x3F96];
	s0 =	simm.s32 @p1 $0x1  }
0x15: {  	[smem:$0x3FB3] =	sst s0;
	s0 =	simm.s32 @!p2 $0x0  }
0x16: {  	s3 =	sld [smem:$0x3FDB];
	s0 =	simm.s32 @p2 $0x1  }
0x17: {  	s4 =	simm.s32 $0x1BF5;
	[smem:$0x3FB5] =	sst s0  }
0x18: {  	s0 =	sld [smem:$0x3F98];
	_ =	swait.ge [sflag:s4], $0x0  }
0x19: {  	s7 =	sld [smem:$0x3F99]  }
0x1a: {  	s8 =	sadd.s32 $0xFFFFE003, lr  }
0x1b: {  	s9 =	sadd.s32 $0xFFFFFEF7, lr;
	s5 =	simm.s32 $0xFFFFFFFF;
	p2 =	slt.u32 s8, $0xFFFFF086  }
0x1c: {  	p1 =	slt.u32 s9, $0xF7A;
	s5 =	simm.s32 @!p2 $0x0  }
0x1d: {  	s5 =	simm.s32 @p1 $0x1;
	p0 =	seq.s32 s7, s2  }
0x1e: {  	s7 =	smul.u32 @!p0 $0xF7A, s2;
	p2 =	seq.s32 @!p0 s5, $0x0  }
0x1f: {  	s9 =	smul.u32 $0xF7A, s1;
	s8 =	simm.s32 @!p0 $0x1BF5;
	p2 =	por !p2, p0  }
0x20: {  	[sflag:s8] =	ssyncset.s32 @!p0 $0xFFFFF086;
	s6 =	sadd.s32 @!p0 s3, s7;
	s7 =	simm.s32 @!p0 $0x108  }
0x21: {  	s3 =	sadd.s32 s3, s9;
	s6 =	sadd.s32 @!p0 $0x88, s6;
	s7 =	simm.s32 @p2 $0x1082  }
0x22: {  	[simem:s7], [sflag:s8] =	dma.local @!p0 [hbm:s6], $0xF7A  }
0x23: {  	s9 =	sor.u32 $0xD0000000, s2;
	s6 =	simm.s32 $0x108;
	_ =	swait.ge @!p0 [sflag:s8], $0x0  }
0x24: {  	s3 =	sadd.s32 $0x88, s3;
	s6 =	simm.s32 @!p1 $0x1082;
	[sflag:s4] =	ssyncset.s32 $0xFFFFF086  }
0x25: {  	[simem:s6], [sflag:s4] =	dma.local [hbm:s3], $0xF7A  }
0x26: {  	[smem:$0x3F99] =	sst s1;
	(tag) =	ssettag s2;
	_ =	strace s9  }
0x27: {  	s1 =	sld [smem:$0x3FA9]  }
0x28: {  	s2 =	sld [smem:$0x3FAA]  }
0x29: {  	s4 =	sld [smem:$0x3FAC]  }
0x2a: {  	p0 =	seq.s32 s5, $0x0;
	s5 =	sld [smem:$0x3FAD]  }
0x2b: {  	s6 =	sld [smem:$0x3FAE]  }
0x2c: {  	s7 =	sld [smem:$0x3FAF]  }
0x2d: {  	s3 =	simm.s32 $0x108;
	s8 =	sld [smem:$0x3FB0]  }
0x2e: {  	s3 =	simm.s32 @!p0 $0x1082;
	s9 =	sld [smem:$0x3FB1]  }
0x2f: {  	lr =	sadd.s32 s0, s3;
	s0 =	sld [smem:$0x3FA8]  }
0x30: {  	s3 =	sld [smem:$0x3FAB]  }
0x31: {  	[smem:$0x3FB4] =	sst s10  }
0x32: {  	s10 =	sld [smem:$0x3FB2];
	_ =	sdelay $0x3  }
0x33: {  	p0 =	seq.s32 s10, $0x1;
	s10 =	sld [smem:$0x3FB4];
	_ =	sdelay $0x3  }
0x34: {  	[smem:$0x3FB4] =	sst s10  }
0x35: {  	s10 =	sld [smem:$0x3FB3];
	_ =	sdelay $0x3  }
0x36: {  	p1 =	seq.s32 s10, $0x1;
	s10 =	sld [smem:$0x3FB4];
	_ =	sdelay $0x3  }
0x37: {  	[smem:$0x3FB4] =	sst s10  }
0x38: {  	s10 =	sld [smem:$0x3FB5]  }
0x39: {  	_ = 	snop;
	(pc) =	sbr.ind lr, $3  }
0x3a: {  	_ = 	snop  }
0x3b: {  	_ = 	snop  }
0x3c: {  	p2 =	seq.s32 s10, $0x1;
	s10 =	sld [smem:$0x3FB4]  }
0x3d: {  	_ =	shalt  }
0x3e: {  	_ =	shalt  }
0x3f: {  	_ =	shalt  }
0x40: {  	_ =	shalt  }
0x41: {  	_ =	shalt  }
0x42: {  	_ =	shalt  }
0x43: {  	_ =	shalt  }
0x44: {  	_ =	shalt  }
0x45: {  	_ =	shalt  }
0x46: {  	_ =	shalt  }
0x47: {  	_ =	shalt  }
0x48: {  	_ =	shalt  }
0x49: {  	_ =	shalt  }
0x4a: {  	_ =	shalt  }
0x4b: {  	_ =	shalt  }
0x4c: {  	_ =	shalt  }
0x4d: {  	_ =	shalt  }
0x4e: {  	_ =	shalt  }
0x4f: {  	_ =	shalt  }
0x50: {  	_ =	shalt  }
0x51: {  	_ =	shalt  }
0x52: {  	_ =	shalt  }
0x53: {  	_ =	shalt  }
0x54: {  	_ =	shalt  }
0x55: {  	_ =	shalt  }
0x56: {  	_ =	shalt  }
0x57: {  	_ =	shalt  }
0x58: {  	_ =	shalt  }
0x59: {  	_ =	shalt  }
0x5a: {  	_ =	shalt  }
0x5b: {  	_ =	shalt  }
0x5c: {  	_ =	shalt  }
0x5d: {  	_ =	shalt  }
0x5e: {  	_ =	shalt  }
0x5f: {  	_ =	shalt  }
0x60: {  	_ =	shalt  }
0x61: {  	_ =	shalt  }
0x62: {  	_ =	shalt  }
0x63: {  	_ =	shalt  }
0x64: {  	_ =	shalt  }
0x65: {  	_ =	shalt  }
0x66: {  	_ =	shalt  }
0x67: {  	_ =	shalt  }
0x68: {  	_ =	shalt  }
0x69: {  	_ =	shalt  }
0x6a: {  	_ =	shalt  }
0x6b: {  	_ =	shalt  }
0x6c: {  	_ =	shalt  }
0x6d: {  	_ =	shalt  }
0x6e: {  	_ =	shalt  }
0x6f: {  	_ =	shalt  }
0x70: {  	_ =	shalt  }
0x71: {  	_ =	shalt  }
0x72: {  	_ =	shalt  }
0x73: {  	_ =	shalt  }
0x74: {  	_ =	shalt  }
0x75: {  	_ =	shalt  }
0x76: {  	_ =	shalt  }
0x77: {  	_ =	shalt  }
0x78: {  	_ =	shalt  }
0x79: {  	_ =	shalt  }
0x7a: {  	_ =	shalt  }
0x7b: {  	_ =	shalt  }
0x7c: {  	_ =	shalt  }
0x7d: {  	_ =	shalt  }
0x7e: {  	_ =	shalt  }
0x7f: {  	_ =	shalt  }
0x80: {  	_ =	shalt  }
0x81: {  	_ =	shalt  }
0x82: {  	_ =	shalt  }
0x83: {  	_ =	shalt  }
0x84: {  	_ =	shalt  }
0x85: {  	_ =	shalt  }
0x86: {  	_ =	shalt  }
0x87: {  	_ =	shalt  }
.Lfunc_end0:
.L_simem_size_0:
called_computation.2_lowered:
.L_overlay_start_0:
0x88: {  	s2 =	sld [smem:$0x3FD9]  }
0x89: {  	s3 =	sld [smem:$0x3FFE];
	_ =	sdelay $0x1  }
0x8a: {  	s1 =	srdreg.scid  }
0x8b: {  	s0 =	sand.u32 $0x1, s1  }
0x8c: {  	s14 =	sshll.u32 s0, $0xA;
	s2 =	sadd.s32 s3, s2  }
0x8d: {  	s2 =	sadd.s32 s2, s14  }
0x8e: {  	[smem:$0x3FC0] =	sst s2  }
0x8f: {  	_ = 	snop  }
0x90: {  	s2 =	sld [smem:$0x3FD0];
	_ =	sdelay $0x2  }
0x91: {  	s15 =	simm.s32 $0xA;
	s4 =	simm.s32 $0x10  }
0x92: {  	[smem:s4], [sflag:s15] =	dma.local [hbm:s2], $0x1  }
0x93: {  	_ =	swait.eq [sflag:s15], $0x1  }
0x94: {  	[sflag:s15] =	ssyncset.done $0x0  }
0x95: {  	[sflag:s15] =	ssyncadd.s32 $0xFFFFFFFF  }
0x96: {  	s16 =	sld [smem:$0x10];
	(tm) =	ssettm $0x1  }
0x97: {  	s17 =	sld [smem:$0x3FFB];
	_ =	sdelay $0x3  }
0x98: {  	_ =	strace s17  }
0x99: {  	s3 =	sld [smem:$0x3FFC];
	_ =	sdelay $0x3  }
0x9a: {  	_ =	strace s3  }
0x9b: {  	s3 =	sld [smem:$0x3FFD];
	_ =	sdelay $0x3  }
0x9c: {  	_ =	strace s3  }
0x9d: {  	_ =	strace $0x8FFFFFFF  }
0x9e: {  	s18 =	sld [smem:$0x3FDB];
	_ =	sdelay $0x1  }
0x9f: {  	s19 =	simm.s32 $_scs_section_size  }
0xa0: {  	s5 =	simm.s32 $_size__tile_overlayer_lowered;
	s6 =	simm.s32 $_tile_overlayer_lowered  }
0xa1: {  	s22 =	simm.s32 $0x1BFF;
	s21 =	sshll.u32 s6, $0x1;
	s3 =	sadd.s32 s19, s18  }
0xa2: {  	s7 =	simm.s32 $0x0;
	s20 =	sshll.u32 s5, $0x1;
	s5 =	sadd.s32 s21, s3  }
0xa3: {  	[timem:s7], [sflag:s22] =	dma.local [hbm:s5], s20  }
0xa4: {  	_ =	swait.ge [sflag:s22], s20  }
0xa5: {  	s4 =	ssub.s32 $0x0, s20;
	[sflag:s22] =	ssyncset.done $0x0  }
0xa6: {  	[sflag:s22] =	ssyncadd.s32 s4;
	_ =	sdelay $0x1  }
0xa7: {  	s23 =	simm.s32 $0x1B8B  }
0xa8: {  	_ =	swait.ge [sflag:s23], $0x1  }
0xa9: {  	[sflag:s23] =	ssyncset.done $0x0  }
0xaa: {  	s25 =	simm.s32 $0x1B8E;
	s24 =	sld [smem:$0x3FFE];
	[sflag:s23] =	ssyncadd.s32 $0xFFFFFFFF  }
0xab: {  	s26 =	simm.s32 $execute0_lowered;
	[smem:$0x3FD2] =	sst s25  }
0xac: {  	s5 =	sshll.u32 s26, $0x1;
	_ =	strace $0x8000004C;
	[dreg:$0x1] =	wrdreg $0xFFFFFFFF  }
0xad: {  	s28 =	simm.s32 $_size_execute0_lowered;
	s3 =	sadd.s32 s3, s5;
	[dreg:$0x0] =	wrdreg $0x0  }
0xae: {  	s5 =	sshll.u32 s28, $0x1;
	[dreg:$0x2] =	wrdreg s3  }
0xaf: {  	[dreg:$0x3] =	wrdreg s5  }
0xb0: {  	[dreg:$0x4] =	wrdreg $0xC0  }
0xb1: {  	_ =	task [dreg:s7], $0x5FFFF  }
0xb2: {  	[dreg:$0x1] =	wrdreg $0xFFFFFFFF  }
0xb3: {  	[dreg:$0x0] =	wrdreg $0x60  }
0xb4: {  	[dreg:$0x2] =	wrdreg s24  }
0xb5: {  	[dreg:$0x3] =	wrdreg s16  }
0xb6: {  	[dreg:$0x4] =	wrdreg $0x152200  }
0xb7: {  	[dreg:$0x5] =	wrdreg $0x9  }
0xb8: {  	_ =	task.clear_ibuf [dreg:s7], $0x6FFFF;
	_ =	strace $0x9000004C  }
0xb9: {  	s29 =	simm.s32 $0x9;
	_ =	strace $0x8000004E  }
0xba: {  	_ =	swait.ge [sflag:s29], $0x1  }
0xbb: {  	[sflag:s29] =	ssyncadd.s32 $0xFFFFFFFF  }
0xbc: {  	_ =	strace $0x9000004E  }
0xbd: {  	_ =	sfence  }
0xbe: {  	s30 =	sld [smem:$0x0];
	_ =	sdelay $0x2  }
0xbf: {  	s31 =	sshll.u32 s1, $0xD;
	s1 =	sshrl.u32 s1, $0x2  }
0xc0: {  	s3 =	sand.u32 $0x4000, s31;
	s1 =	sadd.s32 s1, s30  }
0xc1: {  	s0 =	sor.u32 s3, s0;
	s1 =	sshll.u32 s1, $0x11  }
0xc2: {  	s0 =	sor.u32 s1, s0  }
0xc3: {  	s0 =	sadd.s32 $0x8F2B, s0  }
0xc4: {  	[sflag:s0] =	ssyncadd.remote.s32 $0x1  }
0xc5: {  	_ =	sfence.sel $0xFFFF  }
0xc6: {  	[dreg:$0x0] =	wrdreg $0xFFFFFFFF;
	(pc) =	sbr.abs _section_cstart, $3  }
0xc7: {  	[dreg:$0x1] =	wrdreg $0xFFFFFFFF  }
0xc8: {  	_ =	task.clear_ibuf [dreg:s7], $0x2FFFF;
	_ =	strace $0x9FFFFFFF  }
0xc9: {  	(tm) =	ssettm $0x7FFFFFFF  }
tec
execute0_lowered:
.L_overlay_start_1:
0x0: {  	(tag) =	ssettag $0x1  }
0x1: {  	s0 =	rddreg [dreg:$0x0]  }
0x2: {  	s1 =	rddreg [dreg:$0x1]  }
0x3: {  	s2 =	rddreg [dreg:$0x2];
	s3 =	srdreg.scid  }
0x4: {  	s9 =	stileid.u32;
	s11 =	simm.s32 $0x6;
	s14 =	simm.s32 $0x50  }
0x5: {  	s15 =	simm.s32 $0x4E20;
	s16 =	simm.s32 $0x6220;
	s18 =	simm.s32 $0x7620  }
0x6: {  	s19 =	simm.s32 $0xF0;
	s20 =	simm.s32 $0x8A20;
	s21 =	simm.s32 $0x140  }
0x7: {  	s28 =	simm.s32 $0x5;
	s29 =	simm.s32 $0x4C90;
	s30 =	simm.s32 $0x4CE0  }
0x8: {  	s31 =	simm.s32 $0x4D30;
	s12 =	simm.s32 $0x4DD0;
	s8 =	smul.u32 $0x14000, s9  }
0x9: {  	s13 =	simm.s32 $0x8;
	s5 =	sand.u32 $0x1, s3;
	s22 =	smul.u32 $0x28000, s9  }
0xa: {  	s3 =	simm.s32 $0x0;
	s4 =	sshll.u32 s9, $0x1;
	s6 =	smul.u32 $0x140000, s5  }
0xb: {  	[smem:$0x7FF] =	sst s3;
	s7 =	sor.u32 s5, s4;
	s4 =	sadd.s32 $0xC000, s0  }
0xc: {  	s5 =	ssub.s32 $0x2, s5;
	_ =	strace $0x8000004D;
	s7 =	smul.u32 $0x4E2, s7  }
0xd: {  	s10 =	sshrl.u32 s5, $0x1;
	s24 =	sshrl.u32 s22, $0x2;
	s22 =	simm.s32 $0x9E20  }
0xe: {  	s6 =	sadd.s32 s8, s6;
	s5 =	ssub.s32 s5, s10;
	s23 =	sadd.s32 s7, s0  }
0xf: {  	s6 =	sshrl.u32 s6, $0x3;
	s1 =	sadd.s32 s1, s7;
	s7 =	sadd.s32 s24, s2  }
0x10: {  	s10 =	smax.u32 s5, $0x1;
	s24 =	simm.s32 $0x2;
	s0 =	sadd.s32 s6, s0  }
0x11: {  	[dreg:$0x4] =	wrdreg s1;
	s25 =	sadd.s32 $0x2200, s23;
	s23 =	simm.s32 $0x1  }
0x12: {  	s1 =	simm.s32 $0x10;
	[dreg:$0x5] =	wrdreg s25;
	s26 =	sadd.s32 $0x33200, s0  }
0x13: {  	s0 =	sadd.s32 $0x33208, s0;
	s25 =	simm.s32 $0x3;
	[dreg:$0x6] =	wrdreg s26  }
0x14: {  	v0 =	vimm.f32 $0.0e+00;
	[dreg:$0x7] =	wrdreg s0;
	s26 =	simm.s32 $0x4;
	s0 =	simm.s32 $0x4D80  }
.LBB2_1:
0x15: {  	s6 =	simm.s32 $0x100;
	s5 =	simm.s32 $0x0  }
.LBB2_2:
0x16: {  	p0 =	sne.s32 s6, $0x27F00;
	[tilespmem:s5+$0xB250] =	vst v0;
	s8 =	smov.u32 s6;
	s6 =	sadd.s32 $0x100, s6  }
.Ltmp0:
0x17: {  	[tilespmem:s5+$0xB240] =	vst v0;
	(pc) =	sbr.rel @p0 .LBB2_2-.Ltmp0, $3  }
0x18: {  	[tilespmem:s5+$0xB220] =	vst v0  }
0x19: {  	[tilespmem:s5+$0xB230] =	vst v0;
	_ =	sdelay $0x1  }
0x1a: {  	s5 =	sshra.s32 s8, $0x2  }
0x1b: {  	[tilespmem:s5+$0xB250] =	vst v0  }
0x1c: {  	[tilespmem:s5+$0xB240] =	vst v0  }
0x1d: {  	[tilespmem:s5+$0xB220] =	vst v0  }
0x1e: {  	[tilespmem:s5+$0xB230] =	vst v0;
	s9 =	simm.s32 $0x0;
	s6 =	rddreg [dreg:$0x4]  }
0x1f: {  	[tilespmem:s9], [sflag:$0x6] =	stream.linear.gather [hbm4b:s6+s9], $0x2710, $0x38;
	[tilespmem:$0x1F220] =	vst v63  }
0x20: {  	_ =	swait.ge [sflag:s11], $0x2710  }
0x21: {  	[sflag:s11] =	ssyncset.done $0x0  }
0x22: {  	s8 =	simm.s32 $0x2710;
	s17 =	rddreg [dreg:$0x5];
	[sflag:s11] =	ssyncadd.s32 $0xFFFFD8F0  }
0x23: {  	[tilespmem:s8], [sflag:$0x6] =	stream.linear.gather [hbm4b:s17+s9], $0x2710, $0x38;
	[tilespmem:$0x1F220] =	vst v63  }
0x24: {  	_ =	swait.ge [sflag:s11], $0x2710  }
0x25: {  	[sflag:s11] =	ssyncset.done $0x0  }
0x26: {  	s8 =	simm.s32 $0xB220;
	[sflag:s11] =	ssyncadd.s32 $0xFFFFD8F0  }
0x27: {  	[spmem:s7] =	stream.linear.scatter [tilespmem:s8], [sflag:$0x6], $0xA000, $0x38;
	[tilespmem:$0x1F220] =	vst v63  }
0x28: {  	_ =	swait.ge [sflag:s11], $0xA000  }
0x29: {  	[sflag:s11] =	ssyncset.done $0x0  }
0x2a: {  	[sflag:s11] =	ssyncadd.s32 $0xFFFF6000  }
0x2b: {  	[bflag:$0x0] =	sbarrier.arrive $0xFFFF  }
0x2c: {  	[tilespmem:s15], [sflag:$0x1] =	stream.indirect.gather [hbm4b:s4+s14], $0x40, s9, s14, $0xb8;
	[tilespmem:$0x1F220] =	vst v63  }
0x2d: {  	_ = 	snop  }
0x2e: {  	[tilespmem:s16], [sflag:$0x2] =	stream.indirect.gather [hbm4b:s4+s14], $0x40, s14, s14, $0xb8;
	[tilespmem:$0x1F220] =	vst v63  }
0x2f: {  	s9 =	simm.s32 $0xA0  }
0x30: {  	[tilespmem:s18], [sflag:$0x3] =	stream.indirect.gather [hbm4b:s4+s14], $0x40, s9, s14, $0xb8;
	[tilespmem:$0x1F220] =	vst v63  }
0x31: {  	_ = 	snop  }
0x32: {  	[tilespmem:s20], [sflag:$0x4] =	stream.indirect.gather [hbm4b:s4+s14], $0x40, s19, s14, $0xb8;
	[tilespmem:$0x1F220] =	vst v63  }
0x33: {  	_ = 	snop  }
0x34: {  	[tilespmem:s22], [sflag:$0x5] =	stream.indirect.gather [hbm4b:s4+s14], $0x40, s21, s14, $0xb8;
	[tilespmem:$0x1F220] =	vst v63  }
0x35: {  	_ =	swait.ge [sflag:s23], $0x1400  }
0x36: {  	[sflag:s23] =	ssyncset.done $0x0  }
0x37: {  	s17 =	simm.s32 $0x2710;
	[sflag:s23] =	ssyncadd.s32 $0xFFFFEC00  }
0x38: {  	[spmem:s2] =	stream.indirect.scatter.add.f32 [tilespmem:s15], [sflag:$0x6], $0x40, s17, s14, $0xb8;
	[tilespmem:$0x1F220] =	vst v63  }
0x39: {  	_ =	swait.ge [sflag:s11], $0x1400  }
0x3a: {  	[sflag:s11] =	ssyncset.done $0x0  }
0x3b: {  	s6 =	simm.s32 $0x190;
	[sflag:s11] =	ssyncadd.s32 $0xFFFFEC00  }
0x3c: {  	[tilespmem:s15], [sflag:$0x1] =	stream.indirect.gather [hbm4b:s4+s14], $0x40, s6, s14, $0xb8;
	[tilespmem:$0x1F220] =	vst v63  }
0x3d: {  	_ =	swait.ge [sflag:s24], $0x1400  }
0x3e: {  	[sflag:s24] =	ssyncset.done $0x0  }
0x3f: {  	s8 =	simm.s32 $0x2760;
	[sflag:s24] =	ssyncadd.s32 $0xFFFFEC00  }
0x40: {  	[spmem:s2] =	stream.indirect.scatter.add.f32 [tilespmem:s16], [sflag:$0x6], $0x40, s8, s14, $0xb8;
	[tilespmem:$0x1F220] =	vst v63  }
0x41: {  	_ =	swait.ge [sflag:s11], $0x1400  }
0x42: {  	[sflag:s11] =	ssyncset.done $0x0  }
0x43: {  	s9 =	simm.s32 $0x1E0;
	[sflag:s11] =	ssyncadd.s32 $0xFFFFEC00  }
0x44: {  	[tilespmem:s16], [sflag:$0x2] =	stream.indirect.gather [hbm4b:s4+s14], $0x40, s9, s14, $0xb8;
	[tilespmem:$0x1F220] =	vst v63  }
0x45: {  	_ =	swait.ge [sflag:s25], $0x1400  }
0x46: {  	[sflag:s25] =	ssyncset.done $0x0  }
0x47: {  	s17 =	simm.s32 $0x27B0;
	[sflag:s25] =	ssyncadd.s32 $0xFFFFEC00  }
0x48: {  	[spmem:s2] =	stream.indirect.scatter.add.f32 [tilespmem:s18], [sflag:$0x6], $0x40, s17, s14, $0xb8;
	[tilespmem:$0x1F220] =	vst v63  }
0x49: {  	_ =	swait.ge [sflag:s11], $0x1400  }
0x4a: {  	[sflag:s11] =	ssyncset.done $0x0  }
0x4b: {  	s6 =	simm.s32 $0x230;
	[sflag:s11] =	ssyncadd.s32 $0xFFFFEC00  }
0x4c: {  	[tilespmem:s18], [sflag:$0x3] =	stream.indirect.gather [hbm4b:s4+s14], $0x40, s6, s14, $0xb8;
	[tilespmem:$0x1F220] =	vst v63  }
0x4d: {  	_ =	swait.ge [sflag:s26], $0x1400  }
0x4e: {  	[sflag:s26] =	ssyncset.done $0x0  }
0x4f: {  	s8 =	simm.s32 $0x2800;
	[sflag:s26] =	ssyncadd.s32 $0xFFFFEC00  }
0x50: {  	[spmem:s2] =	stream.indirect.scatter.add.f32 [tilespmem:s20], [sflag:$0x6], $0x40, s8, s14, $0xb8;
	[tilespmem:$0x1F220] =	vst v63  }
0x51: {  	_ =	swait.ge [sflag:s11], $0x1400  }
0x52: {  	[sflag:s11] =	ssyncset.done $0x0  }
0x53: {  	s9 =	simm.s32 $0x280;
	[sflag:s11] =	ssyncadd.s32 $0xFFFFEC00  }
0x54: {  	[tilespmem:s20], [sflag:$0x4] =	stream.indirect.gather [hbm4b:s4+s14], $0x40, s9, s14, $0xb8;
	[tilespmem:$0x1F220] =	vst v63  }
0x55: {  	_ =	swait.ge [sflag:s28], $0x1400  }
0x56: {  	[sflag:s28] =	ssyncset.done $0x0  }
0x57: {  	s17 =	simm.s32 $0x2850;
	[sflag:s28] =	ssyncadd.s32 $0xFFFFEC00  }
0x58: {  	[spmem:s2] =	stream.indirect.scatter.add.f32 [tilespmem:s22], [sflag:$0x6], $0x40, s17, s14, $0xb8;
	[tilespmem:$0x1F220] =	vst v63  }
0x59: {  	_ =	swait.ge [sflag:s11], $0x1400  }
0x5a: {  	[sflag:s11] =	ssyncset.done $0x0  }
0x5b: {  	s5 =	simm.s32 $0x640;
	s6 =	simm.s32 $0x2D0;
	[sflag:s11] =	ssyncadd.s32 $0xFFFFEC00  }
.LBB2_4:
0x5c: {  	[tilespmem:s22], [sflag:$0x5] =	stream.indirect.gather [hbm4b:s4+s14], $0x40, s6, s14, $0xb8;
	[tilespmem:$0x1F220] =	vst v63  }
0x5d: {  	s6 =	smov.u32 s5  }
0x5e: {  	p0 =	sne.s32 s5, $0x8FC0;
	s5 =	sadd.s32 $0x640, s5;
	_ =	swait.ge [sflag:s23], $0x1400  }
0x5f: {  	s6 =	sshra.s32 s6, $0x2;
	[sflag:s23] =	ssyncset.done $0x0  }
0x60: {  	s8 =	sadd.s32 $0x2710, s6;
	[sflag:s23] =	ssyncadd.s32 $0xFFFFEC00  }
0x61: {  	[spmem:s2] =	stream.indirect.scatter.add.f32 [tilespmem:s15], [sflag:$0x6], $0x40, s8, s14, $0xb8;
	[tilespmem:$0x1F220] =	vst v63  }
0x62: {  	_ =	swait.ge [sflag:s11], $0x1400  }
0x63: {  	[sflag:s11] =	ssyncset.done $0x0  }
0x64: {  	s8 =	sadd.s32 $0x190, s6;
	[sflag:s11] =	ssyncadd.s32 $0xFFFFEC00  }
0x65: {  	[tilespmem:s15], [sflag:$0x1] =	stream.indirect.gather [hbm4b:s4+s14], $0x40, s8, s14, $0xb8;
	[tilespmem:$0x1F220] =	vst v63  }
0x66: {  	_ =	swait.ge [sflag:s24], $0x1400  }
0x67: {  	[sflag:s24] =	ssyncset.done $0x0  }
0x68: {  	s8 =	sadd.s32 $0x2760, s6;
	[sflag:s24] =	ssyncadd.s32 $0xFFFFEC00  }
0x69: {  	[spmem:s2] =	stream.indirect.scatter.add.f32 [tilespmem:s16], [sflag:$0x6], $0x40, s8, s14, $0xb8;
	[tilespmem:$0x1F220] =	vst v63  }
0x6a: {  	_ =	swait.ge [sflag:s11], $0x1400  }
0x6b: {  	[sflag:s11] =	ssyncset.done $0x0  }
0x6c: {  	s8 =	sadd.s32 $0x1E0, s6;
	[sflag:s11] =	ssyncadd.s32 $0xFFFFEC00  }
0x6d: {  	[tilespmem:s16], [sflag:$0x2] =	stream.indirect.gather [hbm4b:s4+s14], $0x40, s8, s14, $0xb8;
	[tilespmem:$0x1F220] =	vst v63  }
0x6e: {  	_ =	swait.ge [sflag:s25], $0x1400  }
0x6f: {  	[sflag:s25] =	ssyncset.done $0x0  }
0x70: {  	s8 =	sadd.s32 $0x27B0, s6;
	[sflag:s25] =	ssyncadd.s32 $0xFFFFEC00  }
0x71: {  	[spmem:s2] =	stream.indirect.scatter.add.f32 [tilespmem:s18], [sflag:$0x6], $0x40, s8, s14, $0xb8;
	[tilespmem:$0x1F220] =	vst v63  }
0x72: {  	_ =	swait.ge [sflag:s11], $0x1400  }
0x73: {  	[sflag:s11] =	ssyncset.done $0x0  }
0x74: {  	s8 =	sadd.s32 $0x230, s6;
	[sflag:s11] =	ssyncadd.s32 $0xFFFFEC00  }
0x75: {  	[tilespmem:s18], [sflag:$0x3] =	stream.indirect.gather [hbm4b:s4+s14], $0x40, s8, s14, $0xb8;
	[tilespmem:$0x1F220] =	vst v63  }
0x76: {  	_ =	swait.ge [sflag:s26], $0x1400  }
0x77: {  	[sflag:s26] =	ssyncset.done $0x0  }
0x78: {  	s8 =	sadd.s32 $0x2800, s6;
	[sflag:s26] =	ssyncadd.s32 $0xFFFFEC00  }
0x79: {  	[spmem:s2] =	stream.indirect.scatter.add.f32 [tilespmem:s20], [sflag:$0x6], $0x40, s8, s14, $0xb8;
	[tilespmem:$0x1F220] =	vst v63  }
0x7a: {  	_ =	swait.ge [sflag:s11], $0x1400  }
0x7b: {  	[sflag:s11] =	ssyncset.done $0x0  }
0x7c: {  	s8 =	sadd.s32 $0x280, s6;
	[sflag:s11] =	ssyncadd.s32 $0xFFFFEC00  }
0x7d: {  	[tilespmem:s20], [sflag:$0x4] =	stream.indirect.gather [hbm4b:s4+s14], $0x40, s8, s14, $0xb8;
	[tilespmem:$0x1F220] =	vst v63  }
0x7e: {  	_ =	swait.ge [sflag:s28], $0x1400  }
0x7f: {  	[sflag:s28] =	ssyncset.done $0x0  }
.Ltmp1:
0x80: {  	s8 =	sadd.s32 $0x2850, s6;
	[sflag:s28] =	ssyncadd.s32 $0xFFFFEC00;
	(pc) =	sbr.rel @p0 .LBB2_4-.Ltmp1, $4  }
0x81: {  	[spmem:s2] =	stream.indirect.scatter.add.f32 [tilespmem:s22], [sflag:$0x6], $0x40, s8, s14, $0xb8;
	[tilespmem:$0x1F220] =	vst v63  }
0x82: {  	_ =	swait.ge [sflag:s11], $0x1400  }
0x83: {  	[sflag:s11] =	ssyncset.done $0x0  }
0x84: {  	s6 =	sadd.s32 $0x2D0, s6;
	[sflag:s11] =	ssyncadd.s32 $0xFFFFEC00  }
0x85: {  	[tilespmem:s22], [sflag:$0x5] =	stream.indirect.gather [hbm4b:s4+s14], $0x40, s6, s14, $0xb8;
	[tilespmem:$0x1F220] =	vst v63  }
0x86: {  	_ =	swait.ge [sflag:s23], $0x1400  }
0x87: {  	[sflag:s23] =	ssyncset.done $0x0  }
0x88: {  	[sflag:s23] =	ssyncadd.s32 $0xFFFFEC00  }
0x89: {  	[spmem:s2] =	stream.indirect.scatter.add.f32 [tilespmem:s15], [sflag:$0x6], $0x40, s29, s14, $0xb8;
	[tilespmem:$0x1F220] =	vst v63  }
0x8a: {  	_ =	swait.ge [sflag:s11], $0x1400  }
0x8b: {  	[sflag:s11] =	ssyncset.done $0x0  }
0x8c: {  	[sflag:s11] =	ssyncadd.s32 $0xFFFFEC00  }
0x8d: {  	_ =	swait.ge [sflag:s24], $0x1400  }
0x8e: {  	[sflag:s24] =	ssyncset.done $0x0  }
0x8f: {  	[sflag:s24] =	ssyncadd.s32 $0xFFFFEC00  }
0x90: {  	[spmem:s2] =	stream.indirect.scatter.add.f32 [tilespmem:s16], [sflag:$0x6], $0x40, s30, s14, $0xb8;
	[tilespmem:$0x1F220] =	vst v63  }
0x91: {  	_ =	swait.ge [sflag:s11], $0x1400  }
0x92: {  	[sflag:s11] =	ssyncset.done $0x0  }
0x93: {  	[sflag:s11] =	ssyncadd.s32 $0xFFFFEC00  }
0x94: {  	_ =	swait.ge [sflag:s25], $0x1400  }
0x95: {  	[sflag:s25] =	ssyncset.done $0x0  }
0x96: {  	[sflag:s25] =	ssyncadd.s32 $0xFFFFEC00  }
0x97: {  	[spmem:s2] =	stream.indirect.scatter.add.f32 [tilespmem:s18], [sflag:$0x6], $0x40, s31, s14, $0xb8;
	[tilespmem:$0x1F220] =	vst v63  }
0x98: {  	_ =	swait.ge [sflag:s11], $0x1400  }
0x99: {  	[sflag:s11] =	ssyncset.done $0x0  }
0x9a: {  	[sflag:s11] =	ssyncadd.s32 $0xFFFFEC00  }
0x9b: {  	_ =	swait.ge [sflag:s26], $0x1400  }
0x9c: {  	[sflag:s26] =	ssyncset.done $0x0  }
0x9d: {  	[sflag:s26] =	ssyncadd.s32 $0xFFFFEC00  }
0x9e: {  	[spmem:s2] =	stream.indirect.scatter.add.f32 [tilespmem:s20], [sflag:$0x6], $0x40, s0, s14, $0xb8;
	[tilespmem:$0x1F220] =	vst v63  }
0x9f: {  	_ =	swait.ge [sflag:s11], $0x1400  }
0xa0: {  	[sflag:s11] =	ssyncset.done $0x0  }
0xa1: {  	[sflag:s11] =	ssyncadd.s32 $0xFFFFEC00  }
0xa2: {  	_ =	swait.ge [sflag:s28], $0x1400  }
0xa3: {  	[sflag:s28] =	ssyncset.done $0x0  }
0xa4: {  	[sflag:s28] =	ssyncadd.s32 $0xFFFFEC00  }
0xa5: {  	[spmem:s2] =	stream.indirect.scatter.add.f32 [tilespmem:s22], [sflag:$0x6], $0x40, s12, s14, $0xb8;
	[tilespmem:$0x1F220] =	vst v63  }
0xa6: {  	_ =	swait.ge [sflag:s11], $0x1400  }
0xa7: {  	[sflag:s11] =	ssyncset.done $0x0  }
0xa8: {  	s5 =	stileid.u32;
	[sflag:s11] =	ssyncadd.s32 $0xFFFFEC00  }
0xa9: {  	s5 =	sshll.u32 s5, $0x6;
	[bflag:$0x0] =	sbarrier.arrive $0xFFFF  }
0xaa: {  	s6 =	sshrl.u32 s7, $0x3;
	s5 =	sor.u32 $0x1C06, s5;
	s8 =	rddreg [dreg:$0x6]  }
0xab: {  	[hbm:s8@s1], [sflag:s5] =	dma.strided [spmem:s6@s13], $0x1400, s23, $0x8   }
0xac: {  	_ =	swait.ge [sflag:s11], $0x1400  }
0xad: {  	[sflag:s11] =	ssyncset.done $0x0  }
0xae: {  	s8 =	simm.s32 $0x40;
	[sflag:s11] =	ssyncadd.s32 $0xFFFFEC00  }
0xaf: {  	v1 =	vld [tilespmem:s8+$0xFFFFFFC0]  }
0xb0: {  	v2 =	vld [tilespmem:s8+$0xFFFFFFD0]  }
0xb1: {  	v3 =	vld [tilespmem:s8+$0xFFFFFFE0]  }
0xb2: {  	v4 =	vld [tilespmem:s8+$0x0]  }
0xb3: {  	v5 =	vld [tilespmem:s8+$0xFFFFFFF0]  }
0xb4: {  	v1 =	vadd.s32 $0x1, v1  }
0xb5: {  	s17 =	simm.s32 $0x90;
	v2 =	vadd.s32 $0x1, v2;
	[tilespmem:s8+$0xFFFFFFC0] =	vst v1  }
0xb6: {  	v3 =	vadd.s32 $0x1, v3;
	v1 =	vld [tilespmem:s17+$0xFFFFFFC0];
	[tilespmem:s8+$0xFFFFFFD0] =	vst v2  }
0xb7: {  	v6 =	vadd.s32 $0x1, v4;
	v2 =	vld [tilespmem:s17+$0xFFFFFFD0];
	[tilespmem:s8+$0xFFFFFFE0] =	vst v3  }
0xb8: {  	s9 =	simm.s32 $0x380;
	v4 =	vadd.s32 $0x1, v5;
	v3 =	vld [tilespmem:s17+$0xFFFFFFE0];
	[tilespmem:s8+$0x0] =	vst v6  }
.LBB2_6:
0xb9: {  	p0 =	sne.s32 s9, $0x9C00;
	v5 =	vld [tilespmem:s17+$0x0];
	[tilespmem:s8+$0xFFFFFFF0] =	vst v4;
	s8 =	smov.u32 s17  }
0xba: {  	v4 =	vld [tilespmem:s8+$0xFFFFFFF0]  }
.Ltmp2:
0xbb: {  	v1 =	vadd.s32 $0x1, v1;
	(pc) =	sbr.rel @p0 .LBB2_6-.Ltmp2, $4  }
0xbc: {  	s17 =	sshra.s32 s9, $0x2;
	[tilespmem:s8+$0xFFFFFFC0] =	vst v1;
	v2 =	vadd.s32 $0x1, v2  }
0xbd: {  	v1 =	vld [tilespmem:s17+$0xFFFFFFC0];
	[tilespmem:s8+$0xFFFFFFD0] =	vst v2;
	v3 =	vadd.s32 $0x1, v3  }
0xbe: {  	v2 =	vld [tilespmem:s17+$0xFFFFFFD0];
	[tilespmem:s8+$0xFFFFFFE0] =	vst v3;
	v5 =	vadd.s32 $0x1, v5  }
0xbf: {  	s9 =	sadd.s32 $0x140, s9;
	v3 =	vld [tilespmem:s17+$0xFFFFFFE0];
	v4 =	vadd.s32 $0x1, v4;
	[tilespmem:s8+$0x0] =	vst v5  }
0xc0: {  	v5 =	vld [tilespmem:s17+$0x0];
	[tilespmem:s8+$0xFFFFFFF0] =	vst v4  }
0xc1: {  	v4 =	vld [tilespmem:s17+$0xFFFFFFF0]  }
0xc2: {  	v1 =	vadd.s32 $0x1, v1  }
0xc3: {  	[tilespmem:s17+$0xFFFFFFC0] =	vst v1;
	v1 =	vadd.s32 $0x1, v2  }
0xc4: {  	[tilespmem:s17+$0xFFFFFFD0] =	vst v1;
	v1 =	vadd.s32 $0x1, v3  }
0xc5: {  	[tilespmem:s17+$0xFFFFFFE0] =	vst v1;
	v1 =	vadd.s32 $0x1, v5  }
0xc6: {  	v2 =	vadd.s32 $0x1, v4;
	[tilespmem:s17+$0x0] =	vst v1  }
0xc7: {  	s9 =	simm.s32 $0xB220;
	[tilespmem:s17+$0xFFFFFFF0] =	vst v2  }
0xc8: {  	[spmem:s7] =	stream.linear.scatter [tilespmem:s9], [sflag:$0x6], $0xA000, $0x38;
	[tilespmem:$0x1F220] =	vst v63  }
0xc9: {  	_ =	swait.ge [sflag:s11], $0xA000  }
0xca: {  	[sflag:s11] =	ssyncset.done $0x0  }
0xcb: {  	[sflag:s11] =	ssyncadd.s32 $0xFFFF6000  }
0xcc: {  	s17 =	simm.s32 $0x0;
	[bflag:$0x0] =	sbarrier.arrive $0xFFFF  }
0xcd: {  	[tilespmem:s15], [sflag:$0x1] =	stream.indirect.gather [hbm4b:s4+s14], $0x40, s17, s14, $0xb8;
	[tilespmem:$0x1F220] =	vst v63  }
0xce: {  	_ = 	snop  }
0xcf: {  	[tilespmem:s16], [sflag:$0x2] =	stream.indirect.gather [hbm4b:s4+s14], $0x40, s14, s14, $0xb8;
	[tilespmem:$0x1F220] =	vst v63  }
0xd0: {  	s9 =	simm.s32 $0xA0  }
0xd1: {  	[tilespmem:s18], [sflag:$0x3] =	stream.indirect.gather [hbm4b:s4+s14], $0x40, s9, s14, $0xb8;
	[tilespmem:$0x1F220] =	vst v63  }
0xd2: {  	_ = 	snop  }
0xd3: {  	[tilespmem:s20], [sflag:$0x4] =	stream.indirect.gather [hbm4b:s4+s14], $0x40, s19, s14, $0xb8;
	[tilespmem:$0x1F220] =	vst v63  }
0xd4: {  	_ = 	snop  }
0xd5: {  	[tilespmem:s22], [sflag:$0x5] =	stream.indirect.gather [hbm4b:s4+s14], $0x40, s21, s14, $0xb8;
	[tilespmem:$0x1F220] =	vst v63  }
0xd6: {  	_ =	swait.ge [sflag:s23], $0x1400  }
0xd7: {  	[sflag:s23] =	ssyncset.done $0x0  }
0xd8: {  	s17 =	simm.s32 $0x2710;
	[sflag:s23] =	ssyncadd.s32 $0xFFFFEC00  }
0xd9: {  	[spmem:s2] =	stream.indirect.scatter.add.f32 [tilespmem:s15], [sflag:$0x6], $0x40, s17, s14, $0xb8;
	[tilespmem:$0x1F220] =	vst v63  }
0xda: {  	_ =	swait.ge [sflag:s11], $0x1400  }
0xdb: {  	[sflag:s11] =	ssyncset.done $0x0  }
0xdc: {  	s9 =	simm.s32 $0x190;
	[sflag:s11] =	ssyncadd.s32 $0xFFFFEC00  }
0xdd: {  	[tilespmem:s15], [sflag:$0x1] =	stream.indirect.gather [hbm4b:s4+s14], $0x40, s9, s14, $0xb8;
	[tilespmem:$0x1F220] =	vst v63  }
0xde: {  	_ =	swait.ge [sflag:s24], $0x1400  }
0xdf: {  	[sflag:s24] =	ssyncset.done $0x0  }
0xe0: {  	s17 =	simm.s32 $0x2760;
	[sflag:s24] =	ssyncadd.s32 $0xFFFFEC00  }
0xe1: {  	[spmem:s2] =	stream.indirect.scatter.add.f32 [tilespmem:s16], [sflag:$0x6], $0x40, s17, s14, $0xb8;
	[tilespmem:$0x1F220] =	vst v63  }
0xe2: {  	_ =	swait.ge [sflag:s11], $0x1400  }
0xe3: {  	[sflag:s11] =	ssyncset.done $0x0  }
0xe4: {  	s9 =	simm.s32 $0x1E0;
	[sflag:s11] =	ssyncadd.s32 $0xFFFFEC00  }
0xe5: {  	[tilespmem:s16], [sflag:$0x2] =	stream.indirect.gather [hbm4b:s4+s14], $0x40, s9, s14, $0xb8;
	[tilespmem:$0x1F220] =	vst v63  }
0xe6: {  	_ =	swait.ge [sflag:s25], $0x1400  }
0xe7: {  	[sflag:s25] =	ssyncset.done $0x0  }
0xe8: {  	s17 =	simm.s32 $0x27B0;
	[sflag:s25] =	ssyncadd.s32 $0xFFFFEC00  }
0xe9: {  	[spmem:s2] =	stream.indirect.scatter.add.f32 [tilespmem:s18], [sflag:$0x6], $0x40, s17, s14, $0xb8;
	[tilespmem:$0x1F220] =	vst v63  }
0xea: {  	_ =	swait.ge [sflag:s11], $0x1400  }
0xeb: {  	[sflag:s11] =	ssyncset.done $0x0  }
0xec: {  	s9 =	simm.s32 $0x230;
	[sflag:s11] =	ssyncadd.s32 $0xFFFFEC00  }
0xed: {  	[tilespmem:s18], [sflag:$0x3] =	stream.indirect.gather [hbm4b:s4+s14], $0x40, s9, s14, $0xb8;
	[tilespmem:$0x1F220] =	vst v63  }
0xee: {  	_ =	swait.ge [sflag:s26], $0x1400  }
0xef: {  	[sflag:s26] =	ssyncset.done $0x0  }
0xf0: {  	s17 =	simm.s32 $0x2800;
	[sflag:s26] =	ssyncadd.s32 $0xFFFFEC00  }
0xf1: {  	[spmem:s2] =	stream.indirect.scatter.add.f32 [tilespmem:s20], [sflag:$0x6], $0x40, s17, s14, $0xb8;
	[tilespmem:$0x1F220] =	vst v63  }
0xf2: {  	_ =	swait.ge [sflag:s11], $0x1400  }
0xf3: {  	[sflag:s11] =	ssyncset.done $0x0  }
0xf4: {  	s9 =	simm.s32 $0x280;
	[sflag:s11] =	ssyncadd.s32 $0xFFFFEC00  }
0xf5: {  	[tilespmem:s20], [sflag:$0x4] =	stream.indirect.gather [hbm4b:s4+s14], $0x40, s9, s14, $0xb8;
	[tilespmem:$0x1F220] =	vst v63  }
0xf6: {  	_ =	swait.ge [sflag:s28], $0x1400  }
0xf7: {  	[sflag:s28] =	ssyncset.done $0x0  }
0xf8: {  	s17 =	simm.s32 $0x2850;
	[sflag:s28] =	ssyncadd.s32 $0xFFFFEC00  }
0xf9: {  	[spmem:s2] =	stream.indirect.scatter.add.f32 [tilespmem:s22], [sflag:$0x6], $0x40, s17, s14, $0xb8;
	[tilespmem:$0x1F220] =	vst v63  }
0xfa: {  	_ =	swait.ge [sflag:s11], $0x1400  }
0xfb: {  	[sflag:s11] =	ssyncset.done $0x0  }
0xfc: {  	s8 =	simm.s32 $0x640;
	s9 =	simm.s32 $0x2D0;
	[sflag:s11] =	ssyncadd.s32 $0xFFFFEC00  }
.LBB2_8:
0xfd: {  	[tilespmem:s22], [sflag:$0x5] =	stream.indirect.gather [hbm4b:s4+s14], $0x40, s9, s14, $0xb8;
	[tilespmem:$0x1F220] =	vst v63  }
0xfe: {  	s9 =	smov.u32 s8  }
0xff: {  	p0 =	sne.s32 s8, $0x8FC0;
	s8 =	sadd.s32 $0x640, s8;
	_ =	swait.ge [sflag:s23], $0x1400  }
0x100: {  	s17 =	sshra.s32 s9, $0x2;
	[sflag:s23] =	ssyncset.done $0x0  }
0x101: {  	s9 =	sadd.s32 $0x2710, s17;
	[sflag:s23] =	ssyncadd.s32 $0xFFFFEC00  }
0x102: {  	[spmem:s2] =	stream.indirect.scatter.add.f32 [tilespmem:s15], [sflag:$0x6], $0x40, s9, s14, $0xb8;
	[tilespmem:$0x1F220] =	vst v63  }
0x103: {  	_ =	swait.ge [sflag:s11], $0x1400  }
0x104: {  	[sflag:s11] =	ssyncset.done $0x0  }
0x105: {  	s9 =	sadd.s32 $0x190, s17;
	[sflag:s11] =	ssyncadd.s32 $0xFFFFEC00  }
0x106: {  	[tilespmem:s15], [sflag:$0x1] =	stream.indirect.gather [hbm4b:s4+s14], $0x40, s9, s14, $0xb8;
	[tilespmem:$0x1F220] =	vst v63  }
0x107: {  	_ =	swait.ge [sflag:s24], $0x1400  }
0x108: {  	[sflag:s24] =	ssyncset.done $0x0  }
0x109: {  	s9 =	sadd.s32 $0x2760, s17;
	[sflag:s24] =	ssyncadd.s32 $0xFFFFEC00  }
0x10a: {  	[spmem:s2] =	stream.indirect.scatter.add.f32 [tilespmem:s16], [sflag:$0x6], $0x40, s9, s14, $0xb8;
	[tilespmem:$0x1F220] =	vst v63  }
0x10b: {  	_ =	swait.ge [sflag:s11], $0x1400  }
0x10c: {  	[sflag:s11] =	ssyncset.done $0x0  }
0x10d: {  	s9 =	sadd.s32 $0x1E0, s17;
	[sflag:s11] =	ssyncadd.s32 $0xFFFFEC00  }
0x10e: {  	[tilespmem:s16], [sflag:$0x2] =	stream.indirect.gather [hbm4b:s4+s14], $0x40, s9, s14, $0xb8;
	[tilespmem:$0x1F220] =	vst v63  }
0x10f: {  	_ =	swait.ge [sflag:s25], $0x1400  }
0x110: {  	[sflag:s25] =	ssyncset.done $0x0  }
0x111: {  	s9 =	sadd.s32 $0x27B0, s17;
	[sflag:s25] =	ssyncadd.s32 $0xFFFFEC00  }
0x112: {  	[spmem:s2] =	stream.indirect.scatter.add.f32 [tilespmem:s18], [sflag:$0x6], $0x40, s9, s14, $0xb8;
	[tilespmem:$0x1F220] =	vst v63  }
0x113: {  	_ =	swait.ge [sflag:s11], $0x1400  }
0x114: {  	[sflag:s11] =	ssyncset.done $0x0  }
0x115: {  	s9 =	sadd.s32 $0x230, s17;
	[sflag:s11] =	ssyncadd.s32 $0xFFFFEC00  }
0x116: {  	[tilespmem:s18], [sflag:$0x3] =	stream.indirect.gather [hbm4b:s4+s14], $0x40, s9, s14, $0xb8;
	[tilespmem:$0x1F220] =	vst v63  }
0x117: {  	_ =	swait.ge [sflag:s26], $0x1400  }
0x118: {  	[sflag:s26] =	ssyncset.done $0x0  }
0x119: {  	s9 =	sadd.s32 $0x2800, s17;
	[sflag:s26] =	ssyncadd.s32 $0xFFFFEC00  }
0x11a: {  	[spmem:s2] =	stream.indirect.scatter.add.f32 [tilespmem:s20], [sflag:$0x6], $0x40, s9, s14, $0xb8;
	[tilespmem:$0x1F220] =	vst v63  }
0x11b: {  	_ =	swait.ge [sflag:s11], $0x1400  }
0x11c: {  	[sflag:s11] =	ssyncset.done $0x0  }
0x11d: {  	s9 =	sadd.s32 $0x280, s17;
	[sflag:s11] =	ssyncadd.s32 $0xFFFFEC00  }
0x11e: {  	[tilespmem:s20], [sflag:$0x4] =	stream.indirect.gather [hbm4b:s4+s14], $0x40, s9, s14, $0xb8;
	[tilespmem:$0x1F220] =	vst v63  }
0x11f: {  	_ =	swait.ge [sflag:s28], $0x1400  }
0x120: {  	[sflag:s28] =	ssyncset.done $0x0  }
.Ltmp3:
0x121: {  	s9 =	sadd.s32 $0x2850, s17;
	[sflag:s28] =	ssyncadd.s32 $0xFFFFEC00;
	(pc) =	sbr.rel @p0 .LBB2_8-.Ltmp3, $4  }
0x122: {  	[spmem:s2] =	stream.indirect.scatter.add.f32 [tilespmem:s22], [sflag:$0x6], $0x40, s9, s14, $0xb8;
	[tilespmem:$0x1F220] =	vst v63  }
0x123: {  	_ =	swait.ge [sflag:s11], $0x1400  }
0x124: {  	[sflag:s11] =	ssyncset.done $0x0  }
0x125: {  	s9 =	sadd.s32 $0x2D0, s17;
	[sflag:s11] =	ssyncadd.s32 $0xFFFFEC00  }
0x126: {  	[tilespmem:s22], [sflag:$0x5] =	stream.indirect.gather [hbm4b:s4+s14], $0x40, s9, s14, $0xb8;
	[tilespmem:$0x1F220] =	vst v63  }
0x127: {  	_ =	swait.ge [sflag:s23], $0x1400  }
0x128: {  	[sflag:s23] =	ssyncset.done $0x0  }
0x129: {  	[sflag:s23] =	ssyncadd.s32 $0xFFFFEC00  }
0x12a: {  	[spmem:s2] =	stream.indirect.scatter.add.f32 [tilespmem:s15], [sflag:$0x6], $0x40, s29, s14, $0xb8;
	[tilespmem:$0x1F220] =	vst v63  }
0x12b: {  	_ =	swait.ge [sflag:s11], $0x1400  }
0x12c: {  	[sflag:s11] =	ssyncset.done $0x0  }
0x12d: {  	[sflag:s11] =	ssyncadd.s32 $0xFFFFEC00  }
0x12e: {  	_ =	swait.ge [sflag:s24], $0x1400  }
0x12f: {  	[sflag:s24] =	ssyncset.done $0x0  }
0x130: {  	[sflag:s24] =	ssyncadd.s32 $0xFFFFEC00  }
0x131: {  	[spmem:s2] =	stream.indirect.scatter.add.f32 [tilespmem:s16], [sflag:$0x6], $0x40, s30, s14, $0xb8;
	[tilespmem:$0x1F220] =	vst v63  }
0x132: {  	_ =	swait.ge [sflag:s11], $0x1400  }
0x133: {  	[sflag:s11] =	ssyncset.done $0x0  }
0x134: {  	[sflag:s11] =	ssyncadd.s32 $0xFFFFEC00  }
0x135: {  	_ =	swait.ge [sflag:s25], $0x1400  }
0x136: {  	[sflag:s25] =	ssyncset.done $0x0  }
0x137: {  	[sflag:s25] =	ssyncadd.s32 $0xFFFFEC00  }
0x138: {  	[spmem:s2] =	stream.indirect.scatter.add.f32 [tilespmem:s18], [sflag:$0x6], $0x40, s31, s14, $0xb8;
	[tilespmem:$0x1F220] =	vst v63  }
0x139: {  	_ =	swait.ge [sflag:s11], $0x1400  }
0x13a: {  	[sflag:s11] =	ssyncset.done $0x0  }
0x13b: {  	[sflag:s11] =	ssyncadd.s32 $0xFFFFEC00  }
0x13c: {  	_ =	swait.ge [sflag:s26], $0x1400  }
0x13d: {  	[sflag:s26] =	ssyncset.done $0x0  }
0x13e: {  	[sflag:s26] =	ssyncadd.s32 $0xFFFFEC00  }
0x13f: {  	[spmem:s2] =	stream.indirect.scatter.add.f32 [tilespmem:s20], [sflag:$0x6], $0x40, s0, s14, $0xb8;
	[tilespmem:$0x1F220] =	vst v63  }
0x140: {  	_ =	swait.ge [sflag:s11], $0x1400  }
0x141: {  	[sflag:s11] =	ssyncset.done $0x0  }
0x142: {  	[sflag:s11] =	ssyncadd.s32 $0xFFFFEC00  }
0x143: {  	_ =	swait.ge [sflag:s28], $0x1400  }
0x144: {  	[sflag:s28] =	ssyncset.done $0x0  }
0x145: {  	[sflag:s28] =	ssyncadd.s32 $0xFFFFEC00  }
0x146: {  	[spmem:s2] =	stream.indirect.scatter.add.f32 [tilespmem:s22], [sflag:$0x6], $0x40, s12, s14, $0xb8;
	[tilespmem:$0x1F220] =	vst v63  }
0x147: {  	_ =	swait.ge [sflag:s11], $0x1400  }
0x148: {  	[sflag:s11] =	ssyncset.done $0x0  }
0x149: {  	s3 =	sadd.s32 $0x1, s3;
	[sflag:s11] =	ssyncadd.s32 $0xFFFFEC00  }
0x14a: {  	p0 =	sne.s32 s3, s10;
	[bflag:$0x0] =	sbarrier.arrive $0xFFFF  }
.Ltmp4:
0x14b: {  	s8 =	rddreg [dreg:$0x7];
	(pc) =	sbr.rel @p0 .LBB2_1-.Ltmp4, $4  }
0x14c: {  	[hbm:s8@s1], [sflag:s5] =	dma.strided [spmem:s6@s13], $0x1400, s23, $0x8   }
0x14d: {  	_ =	swait.ge [sflag:s11], $0x1400  }
0x14e: {  	[sflag:s11] =	ssyncset.done $0x0  }
0x14f: {  	[sflag:s11] =	ssyncadd.s32 $0xFFFFEC00  }
0x150: {  	_ =	sfence.sel $0x180000  }
0x151: {  	[bflag:$0x0] =	sbarrier.arrive $0xFFFF  }
0x152: {  	_ =	strace $0x9000004D  }
0x153: {  	s0 =	stileid.u32;
	[bflag:$0x2] =	sbarrier.arrive $0xFFFF  }
0x154: {  	p0 =	sne.s32 s0, $0x0;
	s0 =	rddreg [dreg:$0x3]  }
0x155: {  	s0 =	sadd.s32 @!p0 $0x100000, s0  }
0x156: {  	[sflag:s0] =	ssyncadd.tile.s32 @!p0 $0x1;
	_ =	shalt  }
.Lfunc_end2:
_tile_overlayer_lowered:
.L_overlay_start_2:
0x157: {  	(tag) =	ssettag $0x2  }
0x158: {  	s0 =	rddreg [dreg:$0x0];
	s2 =	stileid.u32  }
0x159: {  	s1 =	rddreg [dreg:$0x1];
	p0 =	sne.s32 s2, $0x0  }
0x15a: {  	s3 =	rddreg [dreg:$0x2];
	[bflag:$0x3] =	sbarrier.arrive $0xFFFF;
	s2 =	simm.s32 @!p0 $0x1C06  }
0x15b: {  	[timem:s3], [sflag:s2] =	dma.local @!p0 [hbm:s0], s1  }
0x15c: {  	s0 =	simm.s32 @!p0 $0x6  }
0x15d: {  	_ =	swait.ge @!p0 [sflag:s0], s1  }
0x15e: {  	s1 =	ssub.s32 @!p0 $0x0, s1;
	[sflag:s0] =	ssyncset.done @!p0 $0x0  }
0x15f: {  	[sflag:s0] =	ssyncadd.s32 @!p0 s1  }
0x160: {  	[bflag:$0x3] =	sbarrier.arrive $0xFFFF  }
0x161: {  	_ =	shalt  }

// kernel: kernel.9.cloned.1.call-start
scs
__scs_entry_jumppad:
0x0: {  	(pc) =	sbr.rel $0x88, $3  }
0x1: {  	(tag) =	ssettag $0x0;
	lr =	simm.s32 $0x1  }
0x2: {  	[smem:$0x3F99] =	sst lr;
	_ =	strace $0xD0000000  }
0x3: {  	_ = 	snop  }
0x4: {  	_ = 	snop  }
0x5: {  	_ = 	snop  }
0x6: {  	_ = 	snop  }
0x7: {  	_ = 	snop  }
__scs_overlays_trampoline_lowered:
0x8: {  	[smem:$0x3FA8] =	sst s0  }
0x9: {  	[smem:$0x3FA9] =	sst s1  }
0xa: {  	[smem:$0x3FAA] =	sst s2  }
0xb: {  	[smem:$0x3FAB] =	sst s3  }
0xc: {  	[smem:$0x3FAC] =	sst s4  }
0xd: {  	[smem:$0x3FAD] =	sst s5  }
0xe: {  	[smem:$0x3FAE] =	sst s6  }
0xf: {  	[smem:$0x3FAF] =	sst s7  }
0x10: {  	[smem:$0x3FB0] =	sst s8  }
0x11: {  	[smem:$0x3FB1] =	sst s9;
	s0 =	simm.s32 @!p0 $0x0  }
0x12: {  	s1 =	sld [smem:$0x3F97];
	s0 =	simm.s32 @p0 $0x1  }
0x13: {  	[smem:$0x3FB2] =	sst s0;
	s0 =	simm.s32 @!p1 $0x0  }
0x14: {  	s2 =	sld [smem:$0x3F96];
	s0 =	simm.s32 @p1 $0x1  }
0x15: {  	[smem:$0x3FB3] =	sst s0;
	s0 =	simm.s32 @!p2 $0x0  }
0x16: {  	s3 =	sld [smem:$0x3FDB];
	s0 =	simm.s32 @p2 $0x1  }
0x17: {  	s4 =	simm.s32 $0x1BF5;
	[smem:$0x3FB5] =	sst s0  }
0x18: {  	s0 =	sld [smem:$0x3F98];
	_ =	swait.ge [sflag:s4], $0x0  }
0x19: {  	s7 =	sld [smem:$0x3F99]  }
0x1a: {  	s8 =	sadd.s32 $0xFFFFE003, lr  }
0x1b: {  	s9 =	sadd.s32 $0xFFFFFEF7, lr;
	s5 =	simm.s32 $0xFFFFFFFF;
	p2 =	slt.u32 s8, $0xFFFFF086  }
0x1c: {  	p1 =	slt.u32 s9, $0xF7A;
	s5 =	simm.s32 @!p2 $0x0  }
0x1d: {  	s5 =	simm.s32 @p1 $0x1;
	p0 =	seq.s32 s7, s2  }
0x1e: {  	s7 =	smul.u32 @!p0 $0xF7A, s2;
	p2 =	seq.s32 @!p0 s5, $0x0  }
0x1f: {  	s9 =	smul.u32 $0xF7A, s1;
	s8 =	simm.s32 @!p0 $0x1BF5;
	p2 =	por !p2, p0  }
0x20: {  	[sflag:s8] =	ssyncset.s32 @!p0 $0xFFFFF086;
	s6 =	sadd.s32 @!p0 s3, s7;
	s7 =	simm.s32 @!p0 $0x108  }
0x21: {  	s3 =	sadd.s32 s3, s9;
	s6 =	sadd.s32 @!p0 $0x88, s6;
	s7 =	simm.s32 @p2 $0x1082  }
0x22: {  	[simem:s7], [sflag:s8] =	dma.local @!p0 [hbm:s6], $0xF7A  }
0x23: {  	s9 =	sor.u32 $0xD0000000, s2;
	s6 =	simm.s32 $0x108;
	_ =	swait.ge @!p0 [sflag:s8], $0x0  }
0x24: {  	s3 =	sadd.s32 $0x88, s3;
	s6 =	simm.s32 @!p1 $0x1082;
	[sflag:s4] =	ssyncset.s32 $0xFFFFF086  }
0x25: {  	[simem:s6], [sflag:s4] =	dma.local [hbm:s3], $0xF7A  }
0x26: {  	[smem:$0x3F99] =	sst s1;
	(tag) =	ssettag s2;
	_ =	strace s9  }
0x27: {  	s1 =	sld [smem:$0x3FA9]  }
0x28: {  	s2 =	sld [smem:$0x3FAA]  }
0x29: {  	s4 =	sld [smem:$0x3FAC]  }
0x2a: {  	p0 =	seq.s32 s5, $0x0;
	s5 =	sld [smem:$0x3FAD]  }
0x2b: {  	s6 =	sld [smem:$0x3FAE]  }
0x2c: {  	s7 =	sld [smem:$0x3FAF]  }
0x2d: {  	s3 =	simm.s32 $0x108;
	s8 =	sld [smem:$0x3FB0]  }
0x2e: {  	s3 =	simm.s32 @!p0 $0x1082;
	s9 =	sld [smem:$0x3FB1]  }
0x2f: {  	lr =	sadd.s32 s0, s3;
	s0 =	sld [smem:$0x3FA8]  }
0x30: {  	s3 =	sld [smem:$0x3FAB]  }
0x31: {  	[smem:$0x3FB4] =	sst s10  }
0x32: {  	s10 =	sld [smem:$0x3FB2];
	_ =	sdelay $0x3  }
0x33: {  	p0 =	seq.s32 s10, $0x1;
	s10 =	sld [smem:$0x3FB4];
	_ =	sdelay $0x3  }
0x34: {  	[smem:$0x3FB4] =	sst s10  }
0x35: {  	s10 =	sld [smem:$0x3FB3];
	_ =	sdelay $0x3  }
0x36: {  	p1 =	seq.s32 s10, $0x1;
	s10 =	sld [smem:$0x3FB4];
	_ =	sdelay $0x3  }
0x37: {  	[smem:$0x3FB4] =	sst s10  }
0x38: {  	s10 =	sld [smem:$0x3FB5]  }
0x39: {  	_ = 	snop;
	(pc) =	sbr.ind lr, $3  }
0x3a: {  	_ = 	snop  }
0x3b: {  	_ = 	snop  }
0x3c: {  	p2 =	seq.s32 s10, $0x1;
	s10 =	sld [smem:$0x3FB4]  }
0x3d: {  	_ =	shalt  }
0x3e: {  	_ =	shalt  }
0x3f: {  	_ =	shalt  }
0x40: {  	_ =	shalt  }
0x41: {  	_ =	shalt  }
0x42: {  	_ =	shalt  }
0x43: {  	_ =	shalt  }
0x44: {  	_ =	shalt  }
0x45: {  	_ =	shalt  }
0x46: {  	_ =	shalt  }
0x47: {  	_ =	shalt  }
0x48: {  	_ =	shalt  }
0x49: {  	_ =	shalt  }
0x4a: {  	_ =	shalt  }
0x4b: {  	_ =	shalt  }
0x4c: {  	_ =	shalt  }
0x4d: {  	_ =	shalt  }
0x4e: {  	_ =	shalt  }
0x4f: {  	_ =	shalt  }
0x50: {  	_ =	shalt  }
0x51: {  	_ =	shalt  }
0x52: {  	_ =	shalt  }
0x53: {  	_ =	shalt  }
0x54: {  	_ =	shalt  }
0x55: {  	_ =	shalt  }
0x56: {  	_ =	shalt  }
0x57: {  	_ =	shalt  }
0x58: {  	_ =	shalt  }
0x59: {  	_ =	shalt  }
0x5a: {  	_ =	shalt  }
0x5b: {  	_ =	shalt  }
0x5c: {  	_ =	shalt  }
0x5d: {  	_ =	shalt  }
0x5e: {  	_ =	shalt  }
0x5f: {  	_ =	shalt  }
0x60: {  	_ =	shalt  }
0x61: {  	_ =	shalt  }
0x62: {  	_ =	shalt  }
0x63: {  	_ =	shalt  }
0x64: {  	_ =	shalt  }
0x65: {  	_ =	shalt  }
0x66: {  	_ =	shalt  }
0x67: {  	_ =	shalt  }
0x68: {  	_ =	shalt  }
0x69: {  	_ =	shalt  }
0x6a: {  	_ =	shalt  }
0x6b: {  	_ =	shalt  }
0x6c: {  	_ =	shalt  }
0x6d: {  	_ =	shalt  }
0x6e: {  	_ =	shalt  }
0x6f: {  	_ =	shalt  }
0x70: {  	_ =	shalt  }
0x71: {  	_ =	shalt  }
0x72: {  	_ =	shalt  }
0x73: {  	_ =	shalt  }
0x74: {  	_ =	shalt  }
0x75: {  	_ =	shalt  }
0x76: {  	_ =	shalt  }
0x77: {  	_ =	shalt  }
0x78: {  	_ =	shalt  }
0x79: {  	_ =	shalt  }
0x7a: {  	_ =	shalt  }
0x7b: {  	_ =	shalt  }
0x7c: {  	_ =	shalt  }
0x7d: {  	_ =	shalt  }
0x7e: {  	_ =	shalt  }
0x7f: {  	_ =	shalt  }
0x80: {  	_ =	shalt  }
0x81: {  	_ =	shalt  }
0x82: {  	_ =	shalt  }
0x83: {  	_ =	shalt  }
0x84: {  	_ =	shalt  }
0x85: {  	_ =	shalt  }
0x86: {  	_ =	shalt  }
0x87: {  	_ =	shalt  }
.Lfunc_end0:
.L_simem_size_0:
called_computation_lowered:
.L_overlay_start_0:
0x88: {  	s2 =	sld [smem:$0x3FD9]  }
0x89: {  	s3 =	sld [smem:$0x3FFE];
	_ =	sdelay $0x1  }
0x8a: {  	s1 =	srdreg.scid  }
0x8b: {  	s0 =	sand.u32 $0x1, s1  }
0x8c: {  	s14 =	sshll.u32 s0, $0xA;
	s2 =	sadd.s32 s3, s2  }
0x8d: {  	s2 =	sadd.s32 s2, s14  }
0x8e: {  	[smem:$0x3FC0] =	sst s2  }
0x8f: {  	_ = 	snop  }
0x90: {  	s2 =	sld [smem:$0x3FD0];
	_ =	sdelay $0x2  }
0x91: {  	s15 =	simm.s32 $0xA;
	s4 =	simm.s32 $0x10  }
0x92: {  	[smem:s4], [sflag:s15] =	dma.local [hbm:s2], $0x1  }
0x93: {  	_ =	swait.eq [sflag:s15], $0x1  }
0x94: {  	[sflag:s15] =	ssyncset.done $0x0  }
0x95: {  	[sflag:s15] =	ssyncadd.s32 $0xFFFFFFFF  }
0x96: {  	s16 =	sld [smem:$0x11];
	(tm) =	ssettm $0x1  }
0x97: {  	s17 =	sld [smem:$0x3FFB];
	_ =	sdelay $0x3  }
0x98: {  	_ =	strace s17  }
0x99: {  	s3 =	sld [smem:$0x3FFC];
	_ =	sdelay $0x3  }
0x9a: {  	_ =	strace s3  }
0x9b: {  	s3 =	sld [smem:$0x3FFD];
	_ =	sdelay $0x3  }
0x9c: {  	_ =	strace s3  }
0x9d: {  	_ =	strace $0x8FFFFFFF  }
0x9e: {  	s18 =	sld [smem:$0x3FDB];
	_ =	sdelay $0x1  }
0x9f: {  	s19 =	simm.s32 $_scs_section_size  }
0xa0: {  	s5 =	simm.s32 $_size__tile_overlayer_lowered;
	s6 =	simm.s32 $_tile_overlayer_lowered  }
0xa1: {  	s22 =	simm.s32 $0x1BFF;
	s21 =	sshll.u32 s6, $0x1;
	s3 =	sadd.s32 s19, s18  }
0xa2: {  	s7 =	simm.s32 $0x0;
	s20 =	sshll.u32 s5, $0x1;
	s5 =	sadd.s32 s21, s3  }
0xa3: {  	[timem:s7], [sflag:s22] =	dma.local [hbm:s5], s20  }
0xa4: {  	_ =	swait.ge [sflag:s22], s20  }
0xa5: {  	s4 =	ssub.s32 $0x0, s20;
	[sflag:s22] =	ssyncset.done $0x0  }
0xa6: {  	[sflag:s22] =	ssyncadd.s32 s4;
	_ =	sdelay $0x1  }
0xa7: {  	s23 =	simm.s32 $0x1B8B  }
0xa8: {  	_ =	swait.ge [sflag:s23], $0x1  }
0xa9: {  	[sflag:s23] =	ssyncset.done $0x0  }
0xaa: {  	s25 =	simm.s32 $0x1B8E;
	s24 =	sld [smem:$0x3FFE];
	[sflag:s23] =	ssyncadd.s32 $0xFFFFFFFF  }
0xab: {  	s26 =	simm.s32 $execute0_lowered;
	[smem:$0x3FD2] =	sst s25  }
0xac: {  	s5 =	sshll.u32 s26, $0x1;
	_ =	strace $0x80000046;
	[dreg:$0x1] =	wrdreg $0xFFFFFFFF  }
0xad: {  	s28 =	simm.s32 $_size_execute0_lowered;
	s3 =	sadd.s32 s3, s5;
	[dreg:$0x0] =	wrdreg $0x0  }
0xae: {  	s5 =	sshll.u32 s28, $0x1;
	[dreg:$0x2] =	wrdreg s3  }
0xaf: {  	[dreg:$0x3] =	wrdreg s5  }
0xb0: {  	[dreg:$0x4] =	wrdreg $0xC0  }
0xb1: {  	_ =	task [dreg:s7], $0x5FFFF  }
0xb2: {  	[dreg:$0x1] =	wrdreg $0xFFFFFFFF  }
0xb3: {  	[dreg:$0x0] =	wrdreg $0x60  }
0xb4: {  	[dreg:$0x2] =	wrdreg s24  }
0xb5: {  	[dreg:$0x3] =	wrdreg s16  }
0xb6: {  	[dreg:$0x4] =	wrdreg $0x54100  }
0xb7: {  	[dreg:$0x5] =	wrdreg $0x9  }
0xb8: {  	_ =	task.clear_ibuf [dreg:s7], $0x6FFFF;
	_ =	strace $0x90000046  }
0xb9: {  	s29 =	simm.s32 $0x9;
	_ =	strace $0x80000048  }
0xba: {  	_ =	swait.ge [sflag:s29], $0x1  }
0xbb: {  	[sflag:s29] =	ssyncadd.s32 $0xFFFFFFFF  }
0xbc: {  	_ =	strace $0x90000048  }
0xbd: {  	_ =	sfence  }
0xbe: {  	s30 =	sld [smem:$0x0];
	_ =	sdelay $0x2  }
0xbf: {  	s31 =	sshll.u32 s1, $0xD;
	s1 =	sshrl.u32 s1, $0x2  }
0xc0: {  	s3 =	sand.u32 $0x4000, s31;
	s1 =	sadd.s32 s1, s30  }
0xc1: {  	s0 =	sor.u32 s3, s0;
	s1 =	sshll.u32 s1, $0x11  }
0xc2: {  	s0 =	sor.u32 s1, s0  }
0xc3: {  	s0 =	sadd.s32 $0x8F2B, s0  }
0xc4: {  	[sflag:s0] =	ssyncadd.remote.s32 $0x1  }
0xc5: {  	_ =	sfence.sel $0xFFFF  }
0xc6: {  	[dreg:$0x0] =	wrdreg $0xFFFFFFFF;
	(pc) =	sbr.abs _section_cstart, $3  }
0xc7: {  	[dreg:$0x1] =	wrdreg $0xFFFFFFFF  }
0xc8: {  	_ =	task.clear_ibuf [dreg:s7], $0x2FFFF;
	_ =	strace $0x9FFFFFFF  }
0xc9: {  	(tm) =	ssettm $0x7FFFFFFF  }
tec
execute0_lowered:
.L_overlay_start_1:
0x0: {  	(tag) =	ssettag $0x1  }
0x1: {  	s4 =	rddreg [dreg:$0x0]  }
0x2: {  	s1 =	srdreg.scid;
	s6 =	rddreg [dreg:$0x1]  }
0x3: {  	s0 =	stileid.u32;
	s2 =	rddreg [dreg:$0x2]  }
0x4: {  	s3 =	simm.s32 $0x0;
	s11 =	simm.s32 $0x2710;
	s5 =	sand.u32 $0x1, s1  }
0x5: {  	s28 =	sshll.u32 s0, $0x1;
	s8 =	smul.u32 $0x2800, s0;
	s12 =	sshll.u32 s0, $0x6  }
0x6: {  	s1 =	sor.u32 s5, s28;
	s9 =	ssub.s32 $0x2, s5;
	s5 =	smul.u32 $0x28000, s5  }
0x7: {  	[smem:$0x7FF] =	sst s3;
	s12 =	sor.u32 $0x1C01, s12;
	s7 =	smul.u32 $0x4E2, s1  }
0x8: {  	s1 =	rddreg [dreg:$0x3];
	_ =	strace $0x80000047;
	s10 =	sshrl.u32 s9, $0x1  }
0x9: {  	s29 =	ssub.s32 s9, s10;
	s30 =	sadd.s32 s8, s5;
	s5 =	sadd.s32 s8, s2  }
0xa: {  	s8 =	simm.s32 $0x1;
	s9 =	simm.s32 $0x2C10;
	s10 =	simm.s32 $0x50  }
0xb: {  	s4 =	sadd.s32 s7, s4;
	s31 =	sshrl.u32 s30, $0x3;
	s7 =	smax.u32 s29, $0x1  }
0xc: {  	v0 =	vimm.f32 $1.000000000e+00;
	v1 =	vimm.f32 $0.0e+00;
	s13 =	sshrl.u32 s5, $0x3;
	s4 =	sadd.s32 $0x2200, s4;
	s6 =	sadd.s32 s6, s31  }
.LBB2_1:
0xd: {  	s14 =	simm.s32 $0x0  }
.LBB2_2:
0xe: {  	p0 =	sne.s32 s14, $0x13C0  }
.Ltmp0:
0xf: {  	_ = 	snop;
	(pc) =	sbr.rel @p0 .LBB2_2-.Ltmp0, $3  }
0x10: {  	_ =	sdelay $0x1  }
0x11: {  	s15 =	sshra.s32 s14, $0x2  }
0x12: {  	s14 =	sadd.s32 $0x40, s14;
	[tilespmem:s15+$0x2710] =	vst v0  }
0x13: {  	s14 =	simm.s32 $0x40;
	s15 =	simm.s32 $0x0  }
.LBB2_4:
0x14: {  	p0 =	sne.s32 s14, $0x9FC0;
	[tilespmem:s15+$0x2C10] =	vst v1;
	s15 =	smov.u32 s14;
	s14 =	sadd.s32 $0x40, s14  }
.Ltmp1:
0x15: {  	(pc) =	sbr.rel @p0 .LBB2_4-.Ltmp1, $2  }
0x16: {  	_ =	sdelay $0x2  }
0x17: {  	s15 =	sshra.s32 s15, $0x2  }
0x18: {  	[tilespmem:s15+$0x2C10] =	vst v1;
	s14 =	simm.s32 $0x0  }
0x19: {  	[tilespmem:s14], [sflag:$0x1] =	stream.linear.gather [hbm4b:s4+s14], $0x2710, $0x38;
	[tilespmem:$0x7C10] =	vst v63  }
0x1a: {  	_ =	swait.ge [sflag:s8], $0x2710  }
0x1b: {  	[sflag:s8] =	ssyncset.done $0x0  }
0x1c: {  	[sflag:s8] =	ssyncadd.s32 $0xFFFFD8F0  }
0x1d: {  	[spmem:s5] =	stream.linear.scatter [tilespmem:s9], [sflag:$0x1], $0x2800, $0x38;
	[tilespmem:$0x7C10] =	vst v63  }
0x1e: {  	_ =	swait.ge [sflag:s8], $0x2800  }
0x1f: {  	[sflag:s8] =	ssyncset.done $0x0  }
0x20: {  	[sflag:s8] =	ssyncadd.s32 $0xFFFFD800  }
0x21: {  	s31 =	simm.s32 $0x0;
	[bflag:$0x0] =	sbarrier.arrive $0xFFFF  }
0x22: {  	[spmem:s2] =	stream.indirect.scatter.add.f32 [tilespmem:s11], [sflag:$0x1], $0x10, s31, s10, $0xb8;
	[tilespmem:$0x7C10] =	vst v63  }
0x23: {  	_ =	swait.ge [sflag:s8], $0x500  }
0x24: {  	s14 =	simm.s32 $0x140;
	[sflag:s8] =	ssyncset.done $0x0  }
.LBB2_6:
0x25: {  	s15 =	sshra.s32 s14, $0x2;
	[sflag:s8] =	ssyncadd.s32 $0xFFFFFB00;
	p0 =	sne.s32 s14, $0x9B00  }
0x26: {  	[spmem:s2] =	stream.indirect.scatter.add.f32 [tilespmem:s11], [sflag:$0x1], $0x10, s15, s10, $0xb8;
	[tilespmem:$0x7C10] =	vst v63  }
.Ltmp2:
0x27: {  	_ = 	snop;
	(pc) =	sbr.rel @p0 .LBB2_6-.Ltmp2, $4  }
0x28: {  	_ = 	snop  }
0x29: {  	s14 =	sadd.s32 $0x140, s14  }
0x2a: {  	_ =	swait.ge [sflag:s8], $0x500  }
0x2b: {  	[sflag:s8] =	ssyncset.done $0x0  }
0x2c: {  	s3 =	sadd.s32 $0x1, s3  }
0x2d: {  	[sflag:s8] =	ssyncadd.s32 $0xFFFFFB00;
	p0 =	sne.s32 s3, s7  }
.Ltmp3:
0x2e: {  	[bflag:$0x0] =	sbarrier.arrive $0xFFFF;
	(pc) =	sbr.rel @p0 .LBB2_1-.Ltmp3, $4  }
0x2f: {  	[hbm:s6], [sflag:s12] =	dma.local [spmem:s13], $0x500  }
0x30: {  	_ =	swait.ge [sflag:s8], $0x500  }
0x31: {  	[sflag:s8] =	ssyncset.done $0x0  }
0x32: {  	[sflag:s8] =	ssyncadd.s32 $0xFFFFFB00  }
0x33: {  	_ =	sfence.sel $0x180000  }
0x34: {  	[bflag:$0x0] =	sbarrier.arrive $0xFFFF  }
0x35: {  	p0 =	sne.s32 s0, $0x0;
	_ =	strace $0x90000047  }
0x36: {  	s0 =	sadd.s32 @!p0 $0x100000, s1;
	[bflag:$0x2] =	sbarrier.arrive $0xFFFF  }
0x37: {  	[sflag:s0] =	ssyncadd.tile.s32 @!p0 $0x1;
	_ =	shalt  }
.Lfunc_end2:
_tile_overlayer_lowered:
.L_overlay_start_2:
0x38: {  	(tag) =	ssettag $0x2  }
0x39: {  	s0 =	rddreg [dreg:$0x0];
	s2 =	stileid.u32  }
0x3a: {  	s1 =	rddreg [dreg:$0x1];
	p0 =	sne.s32 s2, $0x0  }
0x3b: {  	s3 =	rddreg [dreg:$0x2];
	[bflag:$0x3] =	sbarrier.arrive $0xFFFF;
	s2 =	simm.s32 @!p0 $0x1C01  }
0x3c: {  	[timem:s3], [sflag:s2] =	dma.local @!p0 [hbm:s0], s1  }
0x3d: {  	s0 =	simm.s32 @!p0 $0x1  }
0x3e: {  	_ =	swait.ge @!p0 [sflag:s0], s1  }
0x3f: {  	s1 =	ssub.s32 @!p0 $0x0, s1;
	[sflag:s0] =	ssyncset.done @!p0 $0x0  }
0x40: {  	[sflag:s0] =	ssyncadd.s32 @!p0 s1  }
0x41: {  	[bflag:$0x3] =	sbarrier.arrive $0xFFFF  }
0x42: {  	_ =	shalt  }

</sc_bundles>
